<compile_context>
chip_gen: v7x
topology: tpu7x:2x2x1
jax: 0.10.2.dev20260603
libtpu: 0.0.44.dev20260713+nightly
codegen_flags: <defaults>
</compile_context>

<pallas_src>
import functools

import jax
import jax.numpy as jnp
from jax import lax
from jax.experimental import pallas as pl
from jax.experimental.pallas import tpu as pltpu
from jax.experimental.pallas import tpu_sc as plsc

N = 50000
E = 800000
G = 256
T = 512
ED = 64
HD = 32

NC = 2
NS = 16
NW = NC * NS

EC = 125
ECB = E // EC
ECW = ECB // NW
IB = 20
NIB = ECW // IB

XC = 128
XCW = 14
XP = NW * XCW * XC
CNT = 512
NZT = 3200

_mesh = plsc.VectorSubcoreMesh(core_axis_name="c", subcore_axis_name="s")


def _fill(ref, n16, value):
    @pl.loop(0, n16)
    def _(i):
        ref[pl.ds(i * 16, 16)] = jnp.full((16,), value, jnp.float32)


@functools.partial(
    pl.kernel,
    out_type=(
        jax.ShapeDtypeStruct((XP, HD), jnp.float32),
        jax.ShapeDtypeStruct((NC, NS * 3200), jnp.float32),
        jax.ShapeDtypeStruct((NC, CNT), jnp.float32),
    ),
    mesh=_mesh,
    compiler_params=pltpu.CompilerParams(use_tc_tiling_on_sc=False),
    scratch_types=[
        pltpu.VMEM_SHARED((T, HD), jnp.float32),
        pltpu.VMEM_SHARED((NS * 3200,), jnp.float32),
        pltpu.VMEM_SHARED((CNT,), jnp.float32),
        pltpu.VMEM((NIB, IB, EC), jnp.int32),
        pltpu.VMEM((XCW, XC), jnp.int32),
        pltpu.VMEM((XCW, XC), jnp.int32),
        pltpu.VMEM((2, XC, HD), jnp.float32),
        pltpu.VMEM((3200,), jnp.float32),
        pltpu.VMEM((128,), jnp.float32),
        pltpu.SemaphoreType.DMA,
        pltpu.SemaphoreType.DMA,
        pltpu.SemaphoreType.DMA,
        pltpu.SemaphoreType.DMA,
    ],
)
def _sc_prep(x2, bat2, dst2, embw, g1, degp, cntp,
             table_sh, deg_sh, cnt_sh, didx, xidx, bidx, rows, zbuf, ones,
             sem0, sem1, sem2, sem3):
    c = lax.axis_index("c")
    s = lax.axis_index("s")
    wid = c * NS + s

    _fill(zbuf, 200, 0.0)
    _fill(ones, 8, 1.0)

    pltpu.sync_copy(zbuf, deg_sh.at[pl.ds(s * 3200, 3200)])

    @pl.when(s == 0)
    def _():
        pltpu.sync_copy(zbuf.at[pl.ds(0, CNT)], cnt_sh)
        pltpu.sync_copy(embw, table_sh)

    pltpu.sync_copy(dst2.at[wid], didx)
    pltpu.sync_copy(x2.at[wid], xidx)
    pltpu.sync_copy(bat2.at[wid], bidx)
    plsc.subcore_barrier()

    dsem = (sem0, sem1, sem2, sem3)

    def deg_start(blk, j, sem):
        pltpu.async_copy(ones.at[pl.ds(0, EC)], deg_sh.at[didx.at[blk, j]],
                         sem, add=True)

    def deg_wait(sem):
        pltpu.make_async_copy(ones.at[pl.ds(0, EC)], deg_sh.at[didx.at[0, 0]],
                              sem).wait()

    @pl.loop(0, NIB)
    def _(blk):
        for b in range(4):
            deg_start(blk, b, dsem[b])

        @pl.loop(0, IB - 4, step=4)
        def _(jb):
            for t in range(4):
                deg_wait(dsem[t])
                deg_start(blk, jb + 4 + t, dsem[t])

        for b in range(4):
            deg_wait(dsem[b])

    def g_start(j, b, sem):
        pltpu.async_copy(table_sh.at[xidx.at[j]], rows.at[b], sem)

    def g_wait(b, sem):
        pltpu.make_async_copy(table_sh.at[xidx.at[0]], rows.at[b], sem).wait()

    def g_store(j, b):
        pltpu.sync_copy(rows.at[b], g1.at[pl.ds((wid * XCW + j) * XC, XC)])

    g_start(0, 0, sem0)
    g_start(1, 1, sem1)

    @pl.loop(0, XCW - 2, step=2)
    def _(j):
        g_wait(0, sem0)
        g_store(j, 0)
        g_start(j + 2, 0, sem0)
        g_wait(1, sem1)
        g_store(j + 1, 1)
        g_start(j + 3, 1, sem1)

    g_wait(0, sem0)
    g_store(XCW - 2, 0)
    g_wait(1, sem1)
    g_store(XCW - 1, 1)

    @pl.loop(0, XCW)
    def _(j):
        pltpu.sync_copy(ones.at[pl.ds(0, XC)], cnt_sh.at[bidx.at[j]], add=True)

    plsc.subcore_barrier()
    pltpu.sync_copy(deg_sh.at[pl.ds(s * 3200, 3200)],
                    degp.at[c, pl.ds(s * 3200, 3200)])

    @pl.when(s == 0)
    def _():
        pltpu.sync_copy(cnt_sh, cntp.at[c])


@functools.partial(
    pl.kernel,
    out_type=jax.ShapeDtypeStruct((NC, N, HD), jnp.float32),
    mesh=_mesh,
    compiler_params=pltpu.CompilerParams(use_tc_tiling_on_sc=False),
    scratch_types=[
        pltpu.VMEM_SHARED((N, HD), jnp.float32),
        pltpu.VMEM((IB, EC), jnp.int32),
        pltpu.VMEM((IB, EC), jnp.int32),
        pltpu.VMEM((4, EC, HD), jnp.float32),
        pltpu.VMEM((200, HD), jnp.float32),
        pltpu.SemaphoreType.DMA,
        pltpu.SemaphoreType.DMA,
        pltpu.SemaphoreType.DMA,
        pltpu.SemaphoreType.DMA,
        pltpu.SemaphoreType.DMA,
        pltpu.SemaphoreType.DMA,
        pltpu.SemaphoreType.DMA,
        pltpu.SemaphoreType.DMA,
    ],
)
def _sc_edge_scatter(p, src2, dst2, accp, acc_sh, sidx, didx, rows, zbuf,
                     g0, g1, g2, g3, s0, s1, s2, s3):
    c = lax.axis_index("c")
    s = lax.axis_index("s")
    wid = c * NS + s
    gsem = (g0, g1, g2, g3)
    ssem = (s0, s1, s2, s3)

    @pl.loop(0, 200)
    def _(r):
        zbuf[r, pl.ds(0, 16)] = jnp.zeros((16,), jnp.float32)
        zbuf[r, pl.ds(16, 16)] = jnp.zeros((16,), jnp.float32)

    @pl.when(s < NS - 1)
    def _():
        @pl.loop(0, NZT // 200)
        def _(k):
            pltpu.sync_copy(zbuf, acc_sh.at[pl.ds(s * NZT + k * 200, 200)])

    @pl.when(s == NS - 1)
    def _():
        @pl.loop(0, 10)
        def _(k):
            pltpu.sync_copy(zbuf, acc_sh.at[pl.ds(48000 + k * 200, 200)])

    plsc.subcore_barrier()

    def g_start(j, b):
        pltpu.async_copy(p.at[sidx.at[j]], rows.at[b], gsem[b])

    def g_wait(b):
        pltpu.make_async_copy(p.at[sidx.at[0]], rows.at[b], gsem[b]).wait()

    def s_start(j, b):
        pltpu.async_copy(rows.at[b], acc_sh.at[didx.at[j]], ssem[b], add=True)

    def s_wait(b):
        pltpu.make_async_copy(rows.at[b], acc_sh.at[didx.at[0]],
                              ssem[b]).wait()

    @pl.loop(0, NIB)
    def _(blk):
        pltpu.sync_copy(src2.at[wid, blk], sidx)
        pltpu.sync_copy(dst2.at[wid, blk], didx)
        g_start(0, 0)
        g_start(1, 1)
        g_wait(0)
        s_start(0, 0)
        g_start(2, 2)
        g_wait(1)
        s_start(1, 1)
        g_start(3, 3)

        @pl.loop(2, IB - 2, step=4)
        def _(jb):
            for t in range(4):
                b = (2 + t) % 4
                g_wait(b)
                s_start(jb + t, b)
                s_wait(t)
                g_start(jb + t + 2, t)

        g_wait(2)
        s_start(IB - 2, 2)
        g_wait(3)
        s_start(IB - 1, 3)
        for b in range(4):
            s_wait(b)

    plsc.subcore_barrier()

    @pl.when(s < NS - 1)
    def _():
        pltpu.sync_copy(acc_sh.at[pl.ds(s * NZT, NZT)],
                        accp.at[c, pl.ds(s * NZT, NZT)])

    @pl.when(s == NS - 1)
    def _():
        pltpu.sync_copy(acc_sh.at[pl.ds(48000, 2000)],
                        accp.at[c, pl.ds(48000, 2000)])


@functools.partial(
    pl.kernel,
    out_type=jax.ShapeDtypeStruct((NC, G, HD), jnp.float32),
    mesh=_mesh,
    compiler_params=pltpu.CompilerParams(use_tc_tiling_on_sc=False),
    scratch_types=[
        pltpu.VMEM_SHARED((CNT, HD), jnp.float32),
        pltpu.VMEM((XCW, XC), jnp.int32),
        pltpu.VMEM((2, XC, HD), jnp.float32),
        pltpu.VMEM((CNT // NS, HD), jnp.float32),
        pltpu.SemaphoreType.DMA,
        pltpu.SemaphoreType.DMA,
    ],
)
def _sc_pool(h2p, bat2, sump, sum_sh, bidx, rows, zbuf, sem0, sem1):
    c = lax.axis_index("c")
    s = lax.axis_index("s")
    wid = c * NS + s

    @pl.loop(0, CNT // NS)
    def _(r):
        zbuf[r, pl.ds(0, 16)] = jnp.zeros((16,), jnp.float32)
        zbuf[r, pl.ds(16, 16)] = jnp.zeros((16,), jnp.float32)

    pltpu.sync_copy(zbuf, sum_sh.at[pl.ds(s * (CNT // NS), CNT // NS)])
    pltpu.sync_copy(bat2.at[wid], bidx)
    plsc.subcore_barrier()

    def l_start(j, b, sem):
        pltpu.async_copy(h2p.at[pl.ds((wid * XCW + j) * XC, XC)], rows.at[b],
                         sem)

    def l_wait(b, sem):
        pltpu.make_async_copy(h2p.at[pl.ds(0, XC)], rows.at[b], sem).wait()

    def scat(j, b):
        pltpu.sync_copy(rows.at[b], sum_sh.at[bidx.at[j]], add=True)

    l_start(0, 0, sem0)
    l_start(1, 1, sem1)

    @pl.loop(0, XCW - 2, step=2)
    def _(j):
        l_wait(0, sem0)
        scat(j, 0)
        l_start(j + 2, 0, sem0)
        l_wait(1, sem1)
        scat(j + 1, 1)
        l_start(j + 3, 1, sem1)

    l_wait(0, sem0)
    scat(XCW - 2, 0)
    l_wait(1, sem1)
    scat(XCW - 1, 1)

    plsc.subcore_barrier()
    pltpu.sync_copy(sum_sh.at[pl.ds(s * (G // NS), G // NS)],
                    sump.at[c, pl.ds(s * (G // NS), G // NS)])


_RB = 5000


def _tc_embw_body(emb_ref, w1_ref, out_ref):
    out_ref[...] = jnp.dot(emb_ref[...], w1_ref[...],
                           preferred_element_type=jnp.float32)


def _tc_embw(emb, w1):
    return pl.pallas_call(
        _tc_embw_body,
        out_shape=jax.ShapeDtypeStruct((T, HD), jnp.float32),
    )(emb, w1)


def _tc_p1_body(g1_ref, degt_ref, p1_ref, dinvb_ref):
    deg = degt_ref[:, 0:1] + degt_ref[:, 1:2] + 1.0
    dinv = lax.rsqrt(deg)
    dinvb_ref[...] = jnp.broadcast_to(dinv, (_RB, HD))
    p1_ref[...] = g1_ref[...] * dinv


def _tc_p1(g1, degt):
    return pl.pallas_call(
        _tc_p1_body,
        grid=(N // _RB,),
        in_specs=[
            pl.BlockSpec((_RB, HD), lambda i: (i, 0)),
            pl.BlockSpec((_RB, NC), lambda i: (i, 0)),
        ],
        out_specs=[
            pl.BlockSpec((_RB, HD), lambda i: (i, 0)),
            pl.BlockSpec((_RB, HD), lambda i: (i, 0)),
        ],
        out_shape=[
            jax.ShapeDtypeStruct((N, HD), jnp.float32),
            jax.ShapeDtypeStruct((N, HD), jnp.float32),
        ],
    )(g1, degt)


def _tc_layer_body(accp_ref, p_ref, dinvb_ref, b_ref, w_ref, out_ref):
    dinv = dinvb_ref[...]
    acc = accp_ref[0] + accp_ref[1] + p_ref[...]
    h = jnp.maximum(dinv * acc + b_ref[...], 0.0)
    out_ref[...] = jnp.dot(h, w_ref[...],
                           preferred_element_type=jnp.float32) * dinv


def _tc_layer(accp, p, dinvb, b, w):
    return pl.pallas_call(
        _tc_layer_body,
        grid=(N // _RB,),
        in_specs=[
            pl.BlockSpec((NC, _RB, HD), lambda i: (0, i, 0)),
            pl.BlockSpec((_RB, HD), lambda i: (i, 0)),
            pl.BlockSpec((_RB, HD), lambda i: (i, 0)),
            pl.BlockSpec((HD,), lambda i: (0,)),
            pl.BlockSpec((HD, HD), lambda i: (0, 0)),
        ],
        out_specs=pl.BlockSpec((_RB, HD), lambda i: (i, 0)),
        out_shape=jax.ShapeDtypeStruct((N, HD), jnp.float32),
    )(accp, p, dinvb, b, w)


def _tc_h2_body(accp_ref, p_ref, dinvb_ref, b_ref, out_ref):
    acc = accp_ref[0] + accp_ref[1] + p_ref[...]
    out_ref[...] = jnp.maximum(dinvb_ref[...] * acc + b_ref[...], 0.0)


def _tc_h2(accp, p, dinvb, b):
    return pl.pallas_call(
        _tc_h2_body,
        grid=(N // _RB,),
        in_specs=[
            pl.BlockSpec((NC, _RB, HD), lambda i: (0, i, 0)),
            pl.BlockSpec((_RB, HD), lambda i: (i, 0)),
            pl.BlockSpec((_RB, HD), lambda i: (i, 0)),
            pl.BlockSpec((HD,), lambda i: (0,)),
        ],
        out_specs=pl.BlockSpec((_RB, HD), lambda i: (i, 0)),
        out_shape=jax.ShapeDtypeStruct((N, HD), jnp.float32),
    )(accp, p, dinvb, b)


def _tc_head_body(sump_ref, cntp_ref, wc1_ref, bc1_ref, wc2_ref, bc2_ref,
                  out_ref):
    cnt = cntp_ref[0] + cntp_ref[1]
    cnt = jnp.maximum(cnt[:G], 1.0)[:, None]
    pooled = (sump_ref[0] + sump_ref[1]) / cnt
    z = jnp.maximum(jnp.dot(pooled, wc1_ref[...],
                            preferred_element_type=jnp.float32)
                    + bc1_ref[...], 0.0)
    o = jnp.sum(z * wc2_ref[...][:, 0][None, :], axis=1, keepdims=True)
    out_ref[...] = jax.nn.sigmoid(o + bc2_ref[...])


def _tc_head(sump, cntp, wc1, bc1, wc2, bc2):
    return pl.pallas_call(
        _tc_head_body,
        out_shape=jax.ShapeDtypeStruct((G, 1), jnp.float32),
    )(sump, cntp, wc1, bc1, wc2, bc2)


def kernel(x, edge_index, batch, emb, W1, b1, W2, b2, Wc1, bc1, Wc2, bc2):
    x2 = jnp.concatenate([x, jnp.zeros((XP - N,), x.dtype)])
    x2 = x2.reshape(NW, XCW, XC).astype(jnp.int32)
    bat2 = jnp.concatenate([batch, jnp.full((XP - N,), G, batch.dtype)])
    bat2 = bat2.reshape(NW, XCW, XC).astype(jnp.int32)
    src2 = edge_index[0].reshape(NW, NIB, IB, EC).astype(jnp.int32)
    dst2 = edge_index[1].reshape(NW, NIB, IB, EC).astype(jnp.int32)

    embw = _tc_embw(emb, W1)
    g1, degp, cntp = _sc_prep(x2, bat2, dst2, embw)
    p1, dinvb = _tc_p1(g1, degp[:, :N].T)
    acc1 = _sc_edge_scatter(p1, src2, dst2)
    p2 = _tc_layer(acc1, p1, dinvb, b1, W2)
    acc2 = _sc_edge_scatter(p2, src2, dst2)
    h2 = _tc_h2(acc2, p2, dinvb, b2)
    h2p = jnp.concatenate([h2, jnp.zeros((XP - N, HD), jnp.float32)])
    sump = _sc_pool(h2p, bat2)
    return _tc_head(sump, cntp, Wc1, bc1, Wc2, bc2)

# --- scband reference (transcript-rebuilt; emitter-appended) ---
"""Pipeline reference for scband-code-gcn-90202903150609 (READ-ONLY COPY).

The authoritative reference and input builder live on the scoring server;
editing this copy changes nothing except your own understanding.
"""

import jax, jax.numpy as jnp
import numpy as np

N = 50000
E = 800000
G = 256
T = 512
ED = 64
HD = 32


def setup_inputs(seed: int = 0) -> dict:
    key = jax.random.key(seed)
    ks = jax.random.split(key, 12)
    x = jax.random.randint(ks[0], (N,), 0, T)
    edge_index = jax.random.randint(ks[1], (2, E), 0, N)
    batch = jnp.sort(jax.random.randint(ks[2], (N,), 0, G))
    emb = jax.random.normal(ks[3], (T, ED), dtype=jnp.float32) * 0.02
    W1 = jax.random.normal(ks[4], (ED, HD), dtype=jnp.float32) * (1.0 / np.sqrt(ED))
    b1 = jnp.zeros((HD,), dtype=jnp.float32)
    W2 = jax.random.normal(ks[5], (HD, HD), dtype=jnp.float32) * (1.0 / np.sqrt(HD))
    b2 = jnp.zeros((HD,), dtype=jnp.float32)
    Wc1 = jax.random.normal(ks[6], (HD, 16), dtype=jnp.float32) * (1.0 / np.sqrt(HD))
    bc1 = jnp.zeros((16,), dtype=jnp.float32)
    Wc2 = jax.random.normal(ks[7], (16, 1), dtype=jnp.float32) * (1.0 / np.sqrt(16))
    bc2 = jnp.zeros((1,), dtype=jnp.float32)
    return {"x": x, "edge_index": edge_index, "batch": batch, "emb": emb,
            "W1": W1, "b1": b1, "W2": W2, "b2": b2,
            "Wc1": Wc1, "bc1": bc1, "Wc2": Wc2, "bc2": bc2}


def _gcn_conv(h, edge_index, W, b, num_nodes):
    # PyG GCNConv: linear transform, add self-loops, symmetric normalization, scatter-add
    loop = jnp.arange(num_nodes)
    src = jnp.concatenate([edge_index[0], loop])
    dst = jnp.concatenate([edge_index[1], loop])
    deg = jnp.zeros((num_nodes,), dtype=jnp.float32).at[dst].add(1.0)
    dinv = jnp.where(deg > 0, 1.0 / jnp.sqrt(deg), 0.0)
    norm = dinv[src] * dinv[dst]
    hw = h @ W
    msg = hw[src] * norm[:, None]
    out = jnp.zeros((num_nodes, W.shape[1]), dtype=jnp.float32).at[dst].add(msg)
    return out + b


def reference(x, edge_index, batch, emb, W1, b1, W2, b2, Wc1, bc1, Wc2, bc2):
    h = emb[x]
    h = jax.nn.relu(_gcn_conv(h, edge_index, W1, b1, N))
    h = jax.nn.relu(_gcn_conv(h, edge_index, W2, b2, N))
    sums = jnp.zeros((G, HD), dtype=jnp.float32).at[batch].add(h)
    cnts = jnp.zeros((G,), dtype=jnp.float32).at[batch].add(1.0)
    pooled = sums / jnp.maximum(cnts, 1.0)[:, None]
    z = jax.nn.relu(pooled @ Wc1 + bc1)
    out = jax.nn.sigmoid(z @ Wc2 + bc2)
    return out

if __name__ == "__main__":
    import jax
    _d = setup_inputs()
    print(jax.jit(kernel)(*tuple(_d.values())))

</pallas_src>

<mosaic_0001>
#map = affine_map<(d0, d1) -> (0, 0, 0)>
#map1 = affine_map<(d0, d1) -> (0, 0, 0, 0)>
#map2 = affine_map<(d0, d1) -> (0, 0)>
module attributes {stable_mosaic.version = 14 : i64} {
  func.func @_sc_prep(%arg0: i32, %arg1: i32, %arg2: memref<32x14x128xi32, #tpu.memory_space<hbm>>, %arg3: memref<32x14x128xi32, #tpu.memory_space<hbm>>, %arg4: memref<32x10x20x125xi32, #tpu.memory_space<hbm>>, %arg5: memref<512x32xf32, #tpu.memory_space<hbm>>, %arg6: memref<57344x32xf32, #tpu.memory_space<hbm>>, %arg7: memref<2x51200xf32, #tpu.memory_space<hbm>>, %arg8: memref<2x512xf32, #tpu.memory_space<hbm>>, %arg9: memref<512x32xf32, #tpu.memory_space<vmem_shared>>, %arg10: memref<51200xf32, #tpu.memory_space<vmem_shared>>, %arg11: memref<512xf32, #tpu.memory_space<vmem_shared>>, %arg12: memref<10x20x125xi32, #tpu.memory_space<vmem>>, %arg13: memref<14x128xi32, #tpu.memory_space<vmem>>, %arg14: memref<14x128xi32, #tpu.memory_space<vmem>>, %arg15: memref<2x128x32xf32, #tpu.memory_space<vmem>>, %arg16: memref<3200xf32, #tpu.memory_space<vmem>>, %arg17: memref<128xf32, #tpu.memory_space<vmem>>, %arg18: memref<!tpu.dma_semaphore, #tpu.memory_space<semaphore_mem>>, %arg19: memref<!tpu.dma_semaphore, #tpu.memory_space<semaphore_mem>>, %arg20: memref<!tpu.dma_semaphore, #tpu.memory_space<semaphore_mem>>, %arg21: memref<!tpu.dma_semaphore, #tpu.memory_space<semaphore_mem>>) attributes {dimension_semantics = [#tpu.dimension_semantics<core_parallel>, #tpu.dimension_semantics<subcore_parallel>], iteration_bounds = array<i64: 2, 16>, scalar_prefetch = 0 : i64, scratch_operands = 13 : i64, tpu.core_type = #tpu.core_type<sc_vector_subcore>, window_params = [{transform_indices = #map}, {transform_indices = #map}, {transform_indices = #map1}, {transform_indices = #map2}, {transform_indices = #map2}, {transform_indices = #map2}, {transform_indices = #map2}]} {
    %mul3A = arith.constant 16 : i32
    %mul3A_0 = arith.muli %arg0, %mul3A : i32
    %add3A = arith.addi %mul3A_0, %arg1 : i32
    %scan3A = arith.constant 0 : i32
    %scan3A_1 = arith.constant 200 : i32
    %scan3A_2 = arith.addi %scan3A, %scan3A_1 : i32
    %scan3A_3 = arith.constant 1 : i32
    scf.for %scan3A_98 = %scan3A to %scan3A_2 step %scan3A_3  : i32 {
      %mul3A_99 = arith.constant 1 : i32
      %mul3A_100 = arith.muli %scan3A_98, %mul3A_99 : i32
      %add3A_101 = arith.constant 0 : i32
      %add3A_102 = arith.addi %add3A_101, %mul3A_100 : i32
      %broadcast_in_dim3A = arith.constant 0.000000e+00 : f32
      %broadcast_in_dim3A_103 = vector.broadcast %broadcast_in_dim3A : f32 to vector<16xf32>
      %mul3A_104 = arith.constant 16 : i32
      %mul3A_105 = arith.muli %add3A_102, %mul3A_104 : i32
      %swap3A = arith.index_cast %mul3A_105 : i32 to index
      %swap3A_106 = tpu.vector_load %arg16[%swap3A] {strides = array<i32>} : memref<3200xf32, #tpu.memory_space<vmem>>, vector<16xf32>,
      %swap3A_107 = vector.shape_cast %swap3A_106 : vector<16xf32> to vector<16xf32>
      %swap3A_108 = vector.shape_cast %broadcast_in_dim3A_103 : vector<16xf32> to vector<16xf32>
      tpu.vector_store %arg16[%swap3A], %swap3A_108 {strides = array<i32>} : memref<3200xf32, #tpu.memory_space<vmem>>, vector<16xf32>,
    }
    %scan3A_4 = arith.constant 200 : i32
    %scan3A_5 = arith.constant 0 : i32
    %scan3A_6 = arith.constant 8 : i32
    %scan3A_7 = arith.addi %scan3A_5, %scan3A_6 : i32
    %scan3A_8 = arith.constant 1 : i32
    scf.for %scan3A_98 = %scan3A_5 to %scan3A_7 step %scan3A_8  : i32 {
      %mul3A_99 = arith.constant 1 : i32
      %mul3A_100 = arith.muli %scan3A_98, %mul3A_99 : i32
      %add3A_101 = arith.constant 0 : i32
      %add3A_102 = arith.addi %add3A_101, %mul3A_100 : i32
      %broadcast_in_dim3A = arith.constant 1.000000e+00 : f32
      %broadcast_in_dim3A_103 = vector.broadcast %broadcast_in_dim3A : f32 to vector<16xf32>
      %mul3A_104 = arith.constant 16 : i32
      %mul3A_105 = arith.muli %add3A_102, %mul3A_104 : i32
      %swap3A = arith.index_cast %mul3A_105 : i32 to index
      %swap3A_106 = tpu.vector_load %arg17[%swap3A] {strides = array<i32>} : memref<128xf32, #tpu.memory_space<vmem>>, vector<16xf32>,
      %swap3A_107 = vector.shape_cast %swap3A_106 : vector<16xf32> to vector<16xf32>
      %swap3A_108 = vector.shape_cast %broadcast_in_dim3A_103 : vector<16xf32> to vector<16xf32>
      tpu.vector_store %arg17[%swap3A], %swap3A_108 {strides = array<i32>} : memref<128xf32, #tpu.memory_space<vmem>>, vector<16xf32>,
    }
    %scan3A_9 = arith.constant 8 : i32
    %mul3A_10 = arith.constant 3200 : i32
    %mul3A_11 = arith.muli %arg1, %mul3A_10 : i32
    "tpu.region"() ({
      %run_scoped3A_98 = tpu.sem_alloc : memref<!tpu.dma_semaphore, #tpu.memory_space<semaphore_mem>>
      %dma_start3A_99 = tpu.memref_slice %arg10[%mul3A_11] : memref<51200xf32, #tpu.memory_space<vmem_shared>> -> memref<3200xf32, #tpu.memory_space<vmem_shared>>
      %dma_start3A_100 = tpu.memref_slice %arg10[%mul3A_11] : memref<51200xf32, #tpu.memory_space<vmem_shared>> -> memref<3200xf32, #tpu.memory_space<vmem_shared>>
      tpu.enqueue_dma source(%arg16 : memref<3200xf32, #tpu.memory_space<vmem>>) target(%dma_start3A_100 : memref<3200xf32, #tpu.memory_space<vmem_shared>>) target_semaphore(%run_scoped3A_98 : memref<!tpu.dma_semaphore, #tpu.memory_space<semaphore_mem>>)
      %dma_wait3A_101 = tpu.memref_slice %arg10[%mul3A_11] : memref<51200xf32, #tpu.memory_space<vmem_shared>> -> memref<3200xf32, #tpu.memory_space<vmem_shared>>
      %dma_wait3A_102 = tpu.memref_slice %arg10[%mul3A_11] : memref<51200xf32, #tpu.memory_space<vmem_shared>> -> memref<3200xf32, #tpu.memory_space<vmem_shared>>
      tpu.wait_dma2 semaphore(%run_scoped3A_98 : memref<!tpu.dma_semaphore, #tpu.memory_space<semaphore_mem>>) src(%arg16 : memref<3200xf32, #tpu.memory_space<vmem>>) dst(%dma_wait3A_102 : memref<3200xf32, #tpu.memory_space<vmem_shared>>)
      tpu.yield
    }) : () -> ()
    %eq3A = arith.constant 0 : i32
    %eq3A_12 = arith.cmpi eq, %arg1, %eq3A : i32
    %convert_element_type3A = arith.extui %eq3A_12 : i1 to i32
    %cond3A = arith.constant 0 : i32
    %cond3A_13 = arith.cmpi ne, %convert_element_type3A, %cond3A : i32
    scf.if %cond3A_13 {
      "tpu.region"() ({
        %run_scoped3A_98 = tpu.sem_alloc : memref<!tpu.dma_semaphore, #tpu.memory_space<semaphore_mem>>
        %dma_start3A_99 = arith.constant 0 : i32
        %dma_start3A_100 = tpu.memref_slice %arg16[%dma_start3A_99] : memref<3200xf32, #tpu.memory_space<vmem>> -> memref<512xf32, #tpu.memory_space<vmem>>
        %dma_start3A_101 = arith.constant 0 : i32
        %dma_start3A_102 = tpu.memref_slice %arg16[%dma_start3A_101] : memref<3200xf32, #tpu.memory_space<vmem>> -> memref<512xf32, #tpu.memory_space<vmem>>
        tpu.enqueue_dma source(%dma_start3A_102 : memref<512xf32, #tpu.memory_space<vmem>>) target(%arg11 : memref<512xf32, #tpu.memory_space<vmem_shared>>) target_semaphore(%run_scoped3A_98 : memref<!tpu.dma_semaphore, #tpu.memory_space<semaphore_mem>>)
        %dma_wait3A_103 = arith.constant 0 : i32
        %dma_wait3A_104 = tpu.memref_slice %arg16[%dma_wait3A_103] : memref<3200xf32, #tpu.memory_space<vmem>> -> memref<512xf32, #tpu.memory_space<vmem>>
        %dma_wait3A_105 = arith.constant 0 : i32
        %dma_wait3A_106 = tpu.memref_slice %arg16[%dma_wait3A_105] : memref<3200xf32, #tpu.memory_space<vmem>> -> memref<512xf32, #tpu.memory_space<vmem>>
        tpu.wait_dma2 semaphore(%run_scoped3A_98 : memref<!tpu.dma_semaphore, #tpu.memory_space<semaphore_mem>>) src(%dma_wait3A_106 : memref<512xf32, #tpu.memory_space<vmem>>) dst(%arg11 : memref<512xf32, #tpu.memory_space<vmem_shared>>)
        tpu.yield
      }) : () -> ()
      "tpu.region"() ({
        %run_scoped3A_98 = tpu.sem_alloc : memref<!tpu.dma_semaphore, #tpu.memory_space<semaphore_mem>>
        tpu.enqueue_dma source(%arg5 : memref<512x32xf32, #tpu.memory_space<hbm>>) target(%arg9 : memref<512x32xf32, #tpu.memory_space<vmem_shared>>) target_semaphore(%run_scoped3A_98 : memref<!tpu.dma_semaphore, #tpu.memory_space<semaphore_mem>>)
        tpu.wait_dma2 semaphore(%run_scoped3A_98 : memref<!tpu.dma_semaphore, #tpu.memory_space<semaphore_mem>>) src(%arg5 : memref<512x32xf32, #tpu.memory_space<hbm>>) dst(%arg9 : memref<512x32xf32, #tpu.memory_space<vmem_shared>>)
        tpu.yield
      }) : () -> ()
    } else {
    }
    "tpu.region"() ({
      %run_scoped3A_98 = tpu.sem_alloc : memref<!tpu.dma_semaphore, #tpu.memory_space<semaphore_mem>>
      %dma_start3A_99 = arith.constant 0 : i32
      %dma_start3A_100 = arith.constant 0 : i32
      %dma_start3A_101 = arith.constant 0 : i32
      %dma_start3A_102 = tpu.memref_slice %arg4[%add3A, %dma_start3A_99, %dma_start3A_100, %dma_start3A_101] : memref<32x10x20x125xi32, #tpu.memory_space<hbm>> -> memref<1x10x20x125xi32, #tpu.memory_space<hbm>>
      %dma_start3A_103 = tpu.memref_squeeze %dma_start3A_102 : memref<1x10x20x125xi32, #tpu.memory_space<hbm>> -> memref<10x20x125xi32, #tpu.memory_space<hbm>>
      %dma_start3A_104 = arith.constant 0 : i32
      %dma_start3A_105 = arith.constant 0 : i32
      %dma_start3A_106 = arith.constant 0 : i32
      %dma_start3A_107 = tpu.memref_slice %arg4[%add3A, %dma_start3A_104, %dma_start3A_105, %dma_start3A_106] : memref<32x10x20x125xi32, #tpu.memory_space<hbm>> -> memref<1x10x20x125xi32, #tpu.memory_space<hbm>>
      %dma_start3A_108 = tpu.memref_squeeze %dma_start3A_107 : memref<1x10x20x125xi32, #tpu.memory_space<hbm>> -> memref<10x20x125xi32, #tpu.memory_space<hbm>>
      tpu.enqueue_dma source(%dma_start3A_108 : memref<10x20x125xi32, #tpu.memory_space<hbm>>) target(%arg12 : memref<10x20x125xi32, #tpu.memory_space<vmem>>) target_semaphore(%run_scoped3A_98 : memref<!tpu.dma_semaphore, #tpu.memory_space<semaphore_mem>>)
      %dma_wait3A_109 = arith.constant 0 : i32
      %dma_wait3A_110 = arith.constant 0 : i32
      %dma_wait3A_111 = arith.constant 0 : i32
      %dma_wait3A_112 = tpu.memref_slice %arg4[%add3A, %dma_wait3A_109, %dma_wait3A_110, %dma_wait3A_111] : memref<32x10x20x125xi32, #tpu.memory_space<hbm>> -> memref<1x10x20x125xi32, #tpu.memory_space<hbm>>
      %dma_wait3A_113 = tpu.memref_squeeze %dma_wait3A_112 : memref<1x10x20x125xi32, #tpu.memory_space<hbm>> -> memref<10x20x125xi32, #tpu.memory_space<hbm>>
      %dma_wait3A_114 = arith.constant 0 : i32
      %dma_wait3A_115 = arith.constant 0 : i32
      %dma_wait3A_116 = arith.constant 0 : i32
      %dma_wait3A_117 = tpu.memref_slice %arg4[%add3A, %dma_wait3A_114, %dma_wait3A_115, %dma_wait3A_116] : memref<32x10x20x125xi32, #tpu.memory_space<hbm>> -> memref<1x10x20x125xi32, #tpu.memory_space<hbm>>
      %dma_wait3A_118 = tpu.memref_squeeze %dma_wait3A_117 : memref<1x10x20x125xi32, #tpu.memory_space<hbm>> -> memref<10x20x125xi32, #tpu.memory_space<hbm>>
      tpu.wait_dma2 semaphore(%run_scoped3A_98 : memref<!tpu.dma_semaphore, #tpu.memory_space<semaphore_mem>>) src(%dma_wait3A_118 : memref<10x20x125xi32, #tpu.memory_space<hbm>>) dst(%arg12 : memref<10x20x125xi32, #tpu.memory_space<vmem>>)
      tpu.yield
    }) : () -> ()
    "tpu.region"() ({
      %run_scoped3A_98 = tpu.sem_alloc : memref<!tpu.dma_semaphore, #tpu.memory_space<semaphore_mem>>
      %dma_start3A_99 = arith.constant 0 : i32
      %dma_start3A_100 = arith.constant 0 : i32
      %dma_start3A_101 = tpu.memref_slice %arg2[%add3A, %dma_start3A_99, %dma_start3A_100] : memref<32x14x128xi32, #tpu.memory_space<hbm>> -> memref<1x14x128xi32, #tpu.memory_space<hbm>>
      %dma_start3A_102 = tpu.memref_squeeze %dma_start3A_101 : memref<1x14x128xi32, #tpu.memory_space<hbm>> -> memref<14x128xi32, #tpu.memory_space<hbm>>
      %dma_start3A_103 = arith.constant 0 : i32
      %dma_start3A_104 = arith.constant 0 : i32
      %dma_start3A_105 = tpu.memref_slice %arg2[%add3A, %dma_start3A_103, %dma_start3A_104] : memref<32x14x128xi32, #tpu.memory_space<hbm>> -> memref<1x14x128xi32, #tpu.memory_space<hbm>>
      %dma_start3A_106 = tpu.memref_squeeze %dma_start3A_105 : memref<1x14x128xi32, #tpu.memory_space<hbm>> -> memref<14x128xi32, #tpu.memory_space<hbm>>
      tpu.enqueue_dma source(%dma_start3A_106 : memref<14x128xi32, #tpu.memory_space<hbm>>) target(%arg13 : memref<14x128xi32, #tpu.memory_space<vmem>>) target_semaphore(%run_scoped3A_98 : memref<!tpu.dma_semaphore, #tpu.memory_space<semaphore_mem>>)
      %dma_wait3A_107 = arith.constant 0 : i32
      %dma_wait3A_108 = arith.constant 0 : i32
      %dma_wait3A_109 = tpu.memref_slice %arg2[%add3A, %dma_wait3A_107, %dma_wait3A_108] : memref<32x14x128xi32, #tpu.memory_space<hbm>> -> memref<1x14x128xi32, #tpu.memory_space<hbm>>
      %dma_wait3A_110 = tpu.memref_squeeze %dma_wait3A_109 : memref<1x14x128xi32, #tpu.memory_space<hbm>> -> memref<14x128xi32, #tpu.memory_space<hbm>>
      %dma_wait3A_111 = arith.constant 0 : i32
      %dma_wait3A_112 = arith.constant 0 : i32
      %dma_wait3A_113 = tpu.memref_slice %arg2[%add3A, %dma_wait3A_111, %dma_wait3A_112] : memref<32x14x128xi32, #tpu.memory_space<hbm>> -> memref<1x14x128xi32, #tpu.memory_space<hbm>>
      %dma_wait3A_114 = tpu.memref_squeeze %dma_wait3A_113 : memref<1x14x128xi32, #tpu.memory_space<hbm>> -> memref<14x128xi32, #tpu.memory_space<hbm>>
      tpu.wait_dma2 semaphore(%run_scoped3A_98 : memref<!tpu.dma_semaphore, #tpu.memory_space<semaphore_mem>>) src(%dma_wait3A_114 : memref<14x128xi32, #tpu.memory_space<hbm>>) dst(%arg13 : memref<14x128xi32, #tpu.memory_space<vmem>>)
      tpu.yield
    }) : () -> ()
    "tpu.region"() ({
      %run_scoped3A_98 = tpu.sem_alloc : memref<!tpu.dma_semaphore, #tpu.memory_space<semaphore_mem>>
      %dma_start3A_99 = arith.constant 0 : i32
      %dma_start3A_100 = arith.constant 0 : i32
      %dma_start3A_101 = tpu.memref_slice %arg3[%add3A, %dma_start3A_99, %dma_start3A_100] : memref<32x14x128xi32, #tpu.memory_space<hbm>> -> memref<1x14x128xi32, #tpu.memory_space<hbm>>
      %dma_start3A_102 = tpu.memref_squeeze %dma_start3A_101 : memref<1x14x128xi32, #tpu.memory_space<hbm>> -> memref<14x128xi32, #tpu.memory_space<hbm>>
      %dma_start3A_103 = arith.constant 0 : i32
      %dma_start3A_104 = arith.constant 0 : i32
      %dma_start3A_105 = tpu.memref_slice %arg3[%add3A, %dma_start3A_103, %dma_start3A_104] : memref<32x14x128xi32, #tpu.memory_space<hbm>> -> memref<1x14x128xi32, #tpu.memory_space<hbm>>
      %dma_start3A_106 = tpu.memref_squeeze %dma_start3A_105 : memref<1x14x128xi32, #tpu.memory_space<hbm>> -> memref<14x128xi32, #tpu.memory_space<hbm>>
      tpu.enqueue_dma source(%dma_start3A_106 : memref<14x128xi32, #tpu.memory_space<hbm>>) target(%arg14 : memref<14x128xi32, #tpu.memory_space<vmem>>) target_semaphore(%run_scoped3A_98 : memref<!tpu.dma_semaphore, #tpu.memory_space<semaphore_mem>>)
      %dma_wait3A_107 = arith.constant 0 : i32
      %dma_wait3A_108 = arith.constant 0 : i32
      %dma_wait3A_109 = tpu.memref_slice %arg3[%add3A, %dma_wait3A_107, %dma_wait3A_108] : memref<32x14x128xi32, #tpu.memory_space<hbm>> -> memref<1x14x128xi32, #tpu.memory_space<hbm>>
      %dma_wait3A_110 = tpu.memref_squeeze %dma_wait3A_109 : memref<1x14x128xi32, #tpu.memory_space<hbm>> -> memref<14x128xi32, #tpu.memory_space<hbm>>
      %dma_wait3A_111 = arith.constant 0 : i32
      %dma_wait3A_112 = arith.constant 0 : i32
      %dma_wait3A_113 = tpu.memref_slice %arg3[%add3A, %dma_wait3A_111, %dma_wait3A_112] : memref<32x14x128xi32, #tpu.memory_space<hbm>> -> memref<1x14x128xi32, #tpu.memory_space<hbm>>
      %dma_wait3A_114 = tpu.memref_squeeze %dma_wait3A_113 : memref<1x14x128xi32, #tpu.memory_space<hbm>> -> memref<14x128xi32, #tpu.memory_space<hbm>>
      tpu.wait_dma2 semaphore(%run_scoped3A_98 : memref<!tpu.dma_semaphore, #tpu.memory_space<semaphore_mem>>) src(%dma_wait3A_114 : memref<14x128xi32, #tpu.memory_space<hbm>>) dst(%arg14 : memref<14x128xi32, #tpu.memory_space<vmem>>)
      tpu.yield
    }) : () -> ()
    %barrier3A = arith.constant 0 : index
    tpu.barrier barrier_id(%barrier3A)
    %scan3A_14 = arith.constant 0 : i32
    %scan3A_15 = arith.constant 10 : i32
    %scan3A_16 = arith.addi %scan3A_14, %scan3A_15 : i32
    %scan3A_17 = arith.constant 1 : i32
    scf.for %scan3A_98 = %scan3A_14 to %scan3A_16 step %scan3A_17  : i32 {
      %mul3A_99 = arith.constant 1 : i32
      %mul3A_100 = arith.muli %scan3A_98, %mul3A_99 : i32
      %add3A_101 = arith.constant 0 : i32
      %add3A_102 = arith.addi %add3A_101, %mul3A_100 : i32
      %dma_start3A_103 = arith.constant 0 : i32
      %dma_start3A_104 = arith.constant 0 : i32
      %dma_start3A_105 = tpu.memref_slice %arg17[%dma_start3A_104] : memref<128xf32, #tpu.memory_space<vmem>> -> memref<125xf32, #tpu.memory_space<vmem>>
      %dma_start3A_106 = arith.constant 0 : i32
      %dma_start3A_107 = tpu.memref_slice %arg12[%add3A_102, %dma_start3A_103, %dma_start3A_106] : memref<10x20x125xi32, #tpu.memory_space<vmem>> -> memref<1x1x125xi32, #tpu.memory_space<vmem>>
      %dma_start3A_108 = tpu.memref_squeeze %dma_start3A_107 : memref<1x1x125xi32, #tpu.memory_space<vmem>> -> memref<125xi32, #tpu.memory_space<vmem>>
      %dma_start3A_109 = arith.constant 0 : i32
      %dma_start3A_110 = tpu.memref_slice %arg10[%dma_start3A_109] : memref<51200xf32, #tpu.memory_space<vmem_shared>> -> memref<51200xf32, #tpu.memory_space<vmem_shared>>
      tpu.enqueue_indirect_dma source(%dma_start3A_105 : memref<125xf32, #tpu.memory_space<vmem>>) target(%dma_start3A_110 : memref<51200xf32, #tpu.memory_space<vmem_shared>>) offsets(%dma_start3A_108 : memref<125xi32, #tpu.memory_space<vmem>>) semaphore(%arg18 : memref<!tpu.dma_semaphore, #tpu.memory_space<semaphore_mem>>) {add = true}
      %dma_start3A_111 = arith.constant 1 : i32
      %dma_start3A_112 = arith.constant 0 : i32
      %dma_start3A_113 = tpu.memref_slice %arg17[%dma_start3A_112] : memref<128xf32, #tpu.memory_space<vmem>> -> memref<125xf32, #tpu.memory_space<vmem>>
      %dma_start3A_114 = arith.constant 0 : i32
      %dma_start3A_115 = tpu.memref_slice %arg12[%add3A_102, %dma_start3A_111, %dma_start3A_114] : memref<10x20x125xi32, #tpu.memory_space<vmem>> -> memref<1x1x125xi32, #tpu.memory_space<vmem>>
      %dma_start3A_116 = tpu.memref_squeeze %dma_start3A_115 : memref<1x1x125xi32, #tpu.memory_space<vmem>> -> memref<125xi32, #tpu.memory_space<vmem>>
      %dma_start3A_117 = arith.constant 0 : i32
      %dma_start3A_118 = tpu.memref_slice %arg10[%dma_start3A_117] : memref<51200xf32, #tpu.memory_space<vmem_shared>> -> memref<51200xf32, #tpu.memory_space<vmem_shared>>
      tpu.enqueue_indirect_dma source(%dma_start3A_113 : memref<125xf32, #tpu.memory_space<vmem>>) target(%dma_start3A_118 : memref<51200xf32, #tpu.memory_space<vmem_shared>>) offsets(%dma_start3A_116 : memref<125xi32, #tpu.memory_space<vmem>>) semaphore(%arg19 : memref<!tpu.dma_semaphore, #tpu.memory_space<semaphore_mem>>) {add = true}
      %dma_start3A_119 = arith.constant 2 : i32
      %dma_start3A_120 = arith.constant 0 : i32
      %dma_start3A_121 = tpu.memref_slice %arg17[%dma_start3A_120] : memref<128xf32, #tpu.memory_space<vmem>> -> memref<125xf32, #tpu.memory_space<vmem>>
      %dma_start3A_122 = arith.constant 0 : i32
      %dma_start3A_123 = tpu.memref_slice %arg12[%add3A_102, %dma_start3A_119, %dma_start3A_122] : memref<10x20x125xi32, #tpu.memory_space<vmem>> -> memref<1x1x125xi32, #tpu.memory_space<vmem>>
      %dma_start3A_124 = tpu.memref_squeeze %dma_start3A_123 : memref<1x1x125xi32, #tpu.memory_space<vmem>> -> memref<125xi32, #tpu.memory_space<vmem>>
      %dma_start3A_125 = arith.constant 0 : i32
      %dma_start3A_126 = tpu.memref_slice %arg10[%dma_start3A_125] : memref<51200xf32, #tpu.memory_space<vmem_shared>> -> memref<51200xf32, #tpu.memory_space<vmem_shared>>
      tpu.enqueue_indirect_dma source(%dma_start3A_121 : memref<125xf32, #tpu.memory_space<vmem>>) target(%dma_start3A_126 : memref<51200xf32, #tpu.memory_space<vmem_shared>>) offsets(%dma_start3A_124 : memref<125xi32, #tpu.memory_space<vmem>>) semaphore(%arg20 : memref<!tpu.dma_semaphore, #tpu.memory_space<semaphore_mem>>) {add = true}
      %dma_start3A_127 = arith.constant 3 : i32
      %dma_start3A_128 = arith.constant 0 : i32
      %dma_start3A_129 = tpu.memref_slice %arg17[%dma_start3A_128] : memref<128xf32, #tpu.memory_space<vmem>> -> memref<125xf32, #tpu.memory_space<vmem>>
      %dma_start3A_130 = arith.constant 0 : i32
      %dma_start3A_131 = tpu.memref_slice %arg12[%add3A_102, %dma_start3A_127, %dma_start3A_130] : memref<10x20x125xi32, #tpu.memory_space<vmem>> -> memref<1x1x125xi32, #tpu.memory_space<vmem>>
      %dma_start3A_132 = tpu.memref_squeeze %dma_start3A_131 : memref<1x1x125xi32, #tpu.memory_space<vmem>> -> memref<125xi32, #tpu.memory_space<vmem>>
      %dma_start3A_133 = arith.constant 0 : i32
      %dma_start3A_134 = tpu.memref_slice %arg10[%dma_start3A_133] : memref<51200xf32, #tpu.memory_space<vmem_shared>> -> memref<51200xf32, #tpu.memory_space<vmem_shared>>
      tpu.enqueue_indirect_dma source(%dma_start3A_129 : memref<125xf32, #tpu.memory_space<vmem>>) target(%dma_start3A_134 : memref<51200xf32, #tpu.memory_space<vmem_shared>>) offsets(%dma_start3A_132 : memref<125xi32, #tpu.memory_space<vmem>>) semaphore(%arg21 : memref<!tpu.dma_semaphore, #tpu.memory_space<semaphore_mem>>) {add = true}
      %scan3A_135 = arith.constant 0 : i32
      %scan3A_136 = arith.constant 4 : i32
      %scan3A_137 = arith.addi %scan3A_135, %scan3A_136 : i32
      %scan3A_138 = arith.constant 1 : i32
      scf.for %scan3A_176 = %scan3A_135 to %scan3A_137 step %scan3A_138  : i32 {
        %mul3A_177 = arith.constant 4 : i32
        %mul3A_178 = arith.muli %scan3A_176, %mul3A_177 : i32
        %add3A_179 = arith.constant 0 : i32
        %add3A_180 = arith.addi %add3A_179, %mul3A_178 : i32
        %dma_wait3A_181 = arith.constant 0 : i32
        %dma_wait3A_182 = arith.constant 0 : i32
        %dma_wait3A_183 = arith.constant 0 : i32
        %dma_wait3A_184 = tpu.memref_slice %arg17[%dma_wait3A_183] : memref<128xf32, #tpu.memory_space<vmem>> -> memref<125xf32, #tpu.memory_space<vmem>>
        %dma_wait3A_185 = arith.constant 0 : i32
        %dma_wait3A_186 = tpu.memref_slice %arg12[%dma_wait3A_181, %dma_wait3A_182, %dma_wait3A_185] : memref<10x20x125xi32, #tpu.memory_space<vmem>> -> memref<1x1x125xi32, #tpu.memory_space<vmem>>
        %dma_wait3A_187 = tpu.memref_squeeze %dma_wait3A_186 : memref<1x1x125xi32, #tpu.memory_space<vmem>> -> memref<125xi32, #tpu.memory_space<vmem>>
        %dma_wait3A_188 = arith.constant 0 : i32
        %dma_wait3A_189 = tpu.memref_slice %arg10[%dma_wait3A_188] : memref<51200xf32, #tpu.memory_space<vmem_shared>> -> memref<51200xf32, #tpu.memory_space<vmem_shared>>
        tpu.wait_indirect_dma semaphore(%arg18 : memref<!tpu.dma_semaphore, #tpu.memory_space<semaphore_mem>>) src(%dma_wait3A_184 : memref<125xf32, #tpu.memory_space<vmem>>) dst(%dma_wait3A_189 : memref<51200xf32, #tpu.memory_space<vmem_shared>>)
        %add3A_190 = arith.constant 4 : i32
        %add3A_191 = arith.addi %add3A_180, %add3A_190 : i32
        %add3A_192 = arith.constant 0 : i32
        %add3A_193 = arith.addi %add3A_191, %add3A_192 : i32
        %dma_start3A_194 = arith.constant 0 : i32
        %dma_start3A_195 = tpu.memref_slice %arg17[%dma_start3A_194] : memref<128xf32, #tpu.memory_space<vmem>> -> memref<125xf32, #tpu.memory_space<vmem>>
        %dma_start3A_196 = arith.constant 0 : i32
        %dma_start3A_197 = tpu.memref_slice %arg12[%add3A_102, %add3A_193, %dma_start3A_196] : memref<10x20x125xi32, #tpu.memory_space<vmem>> -> memref<1x1x125xi32, #tpu.memory_space<vmem>>
        %dma_start3A_198 = tpu.memref_squeeze %dma_start3A_197 : memref<1x1x125xi32, #tpu.memory_space<vmem>> -> memref<125xi32, #tpu.memory_space<vmem>>
        %dma_start3A_199 = arith.constant 0 : i32
        %dma_start3A_200 = tpu.memref_slice %arg10[%dma_start3A_199] : memref<51200xf32, #tpu.memory_space<vmem_shared>> -> memref<51200xf32, #tpu.memory_space<vmem_shared>>
        tpu.enqueue_indirect_dma source(%dma_start3A_195 : memref<125xf32, #tpu.memory_space<vmem>>) target(%dma_start3A_200 : memref<51200xf32, #tpu.memory_space<vmem_shared>>) offsets(%dma_start3A_198 : memref<125xi32, #tpu.memory_space<vmem>>) semaphore(%arg18 : memref<!tpu.dma_semaphore, #tpu.memory_space<semaphore_mem>>) {add = true}
        %dma_wait3A_201 = arith.constant 0 : i32
        %dma_wait3A_202 = arith.constant 0 : i32
        %dma_wait3A_203 = arith.constant 0 : i32
        %dma_wait3A_204 = tpu.memref_slice %arg17[%dma_wait3A_203] : memref<128xf32, #tpu.memory_space<vmem>> -> memref<125xf32, #tpu.memory_space<vmem>>
        %dma_wait3A_205 = arith.constant 0 : i32
        %dma_wait3A_206 = tpu.memref_slice %arg12[%dma_wait3A_201, %dma_wait3A_202, %dma_wait3A_205] : memref<10x20x125xi32, #tpu.memory_space<vmem>> -> memref<1x1x125xi32, #tpu.memory_space<vmem>>
        %dma_wait3A_207 = tpu.memref_squeeze %dma_wait3A_206 : memref<1x1x125xi32, #tpu.memory_space<vmem>> -> memref<125xi32, #tpu.memory_space<vmem>>
        %dma_wait3A_208 = arith.constant 0 : i32
        %dma_wait3A_209 = tpu.memref_slice %arg10[%dma_wait3A_208] : memref<51200xf32, #tpu.memory_space<vmem_shared>> -> memref<51200xf32, #tpu.memory_space<vmem_shared>>
        tpu.wait_indirect_dma semaphore(%arg19 : memref<!tpu.dma_semaphore, #tpu.memory_space<semaphore_mem>>) src(%dma_wait3A_204 : memref<125xf32, #tpu.memory_space<vmem>>) dst(%dma_wait3A_209 : memref<51200xf32, #tpu.memory_space<vmem_shared>>)
        %add3A_210 = arith.constant 4 : i32
        %add3A_211 = arith.addi %add3A_180, %add3A_210 : i32
        %add3A_212 = arith.constant 1 : i32
        %add3A_213 = arith.addi %add3A_211, %add3A_212 : i32
        %dma_start3A_214 = arith.constant 0 : i32
        %dma_start3A_215 = tpu.memref_slice %arg17[%dma_start3A_214] : memref<128xf32, #tpu.memory_space<vmem>> -> memref<125xf32, #tpu.memory_space<vmem>>
        %dma_start3A_216 = arith.constant 0 : i32
        %dma_start3A_217 = tpu.memref_slice %arg12[%add3A_102, %add3A_213, %dma_start3A_216] : memref<10x20x125xi32, #tpu.memory_space<vmem>> -> memref<1x1x125xi32, #tpu.memory_space<vmem>>
        %dma_start3A_218 = tpu.memref_squeeze %dma_start3A_217 : memref<1x1x125xi32, #tpu.memory_space<vmem>> -> memref<125xi32, #tpu.memory_space<vmem>>
        %dma_start3A_219 = arith.constant 0 : i32
        %dma_start3A_220 = tpu.memref_slice %arg10[%dma_start3A_219] : memref<51200xf32, #tpu.memory_space<vmem_shared>> -> memref<51200xf32, #tpu.memory_space<vmem_shared>>
        tpu.enqueue_indirect_dma source(%dma_start3A_215 : memref<125xf32, #tpu.memory_space<vmem>>) target(%dma_start3A_220 : memref<51200xf32, #tpu.memory_space<vmem_shared>>) offsets(%dma_start3A_218 : memref<125xi32, #tpu.memory_space<vmem>>) semaphore(%arg19 : memref<!tpu.dma_semaphore, #tpu.memory_space<semaphore_mem>>) {add = true}
        %dma_wait3A_221 = arith.constant 0 : i32
        %dma_wait3A_222 = arith.constant 0 : i32
        %dma_wait3A_223 = arith.constant 0 : i32
        %dma_wait3A_224 = tpu.memref_slice %arg17[%dma_wait3A_223] : memref<128xf32, #tpu.memory_space<vmem>> -> memref<125xf32, #tpu.memory_space<vmem>>
        %dma_wait3A_225 = arith.constant 0 : i32
        %dma_wait3A_226 = tpu.memref_slice %arg12[%dma_wait3A_221, %dma_wait3A_222, %dma_wait3A_225] : memref<10x20x125xi32, #tpu.memory_space<vmem>> -> memref<1x1x125xi32, #tpu.memory_space<vmem>>
        %dma_wait3A_227 = tpu.memref_squeeze %dma_wait3A_226 : memref<1x1x125xi32, #tpu.memory_space<vmem>> -> memref<125xi32, #tpu.memory_space<vmem>>
        %dma_wait3A_228 = arith.constant 0 : i32
        %dma_wait3A_229 = tpu.memref_slice %arg10[%dma_wait3A_228] : memref<51200xf32, #tpu.memory_space<vmem_shared>> -> memref<51200xf32, #tpu.memory_space<vmem_shared>>
        tpu.wait_indirect_dma semaphore(%arg20 : memref<!tpu.dma_semaphore, #tpu.memory_space<semaphore_mem>>) src(%dma_wait3A_224 : memref<125xf32, #tpu.memory_space<vmem>>) dst(%dma_wait3A_229 : memref<51200xf32, #tpu.memory_space<vmem_shared>>)
        %add3A_230 = arith.constant 4 : i32
        %add3A_231 = arith.addi %add3A_180, %add3A_230 : i32
        %add3A_232 = arith.constant 2 : i32
        %add3A_233 = arith.addi %add3A_231, %add3A_232 : i32
        %dma_start3A_234 = arith.constant 0 : i32
        %dma_start3A_235 = tpu.memref_slice %arg17[%dma_start3A_234] : memref<128xf32, #tpu.memory_space<vmem>> -> memref<125xf32, #tpu.memory_space<vmem>>
        %dma_start3A_236 = arith.constant 0 : i32
        %dma_start3A_237 = tpu.memref_slice %arg12[%add3A_102, %add3A_233, %dma_start3A_236] : memref<10x20x125xi32, #tpu.memory_space<vmem>> -> memref<1x1x125xi32, #tpu.memory_space<vmem>>
        %dma_start3A_238 = tpu.memref_squeeze %dma_start3A_237 : memref<1x1x125xi32, #tpu.memory_space<vmem>> -> memref<125xi32, #tpu.memory_space<vmem>>
        %dma_start3A_239 = arith.constant 0 : i32
        %dma_start3A_240 = tpu.memref_slice %arg10[%dma_start3A_239] : memref<51200xf32, #tpu.memory_space<vmem_shared>> -> memref<51200xf32, #tpu.memory_space<vmem_shared>>
        tpu.enqueue_indirect_dma source(%dma_start3A_235 : memref<125xf32, #tpu.memory_space<vmem>>) target(%dma_start3A_240 : memref<51200xf32, #tpu.memory_space<vmem_shared>>) offsets(%dma_start3A_238 : memref<125xi32, #tpu.memory_space<vmem>>) semaphore(%arg20 : memref<!tpu.dma_semaphore, #tpu.memory_space<semaphore_mem>>) {add = true}
        %dma_wait3A_241 = arith.constant 0 : i32
        %dma_wait3A_242 = arith.constant 0 : i32
        %dma_wait3A_243 = arith.constant 0 : i32
        %dma_wait3A_244 = tpu.memref_slice %arg17[%dma_wait3A_243] : memref<128xf32, #tpu.memory_space<vmem>> -> memref<125xf32, #tpu.memory_space<vmem>>
        %dma_wait3A_245 = arith.constant 0 : i32
        %dma_wait3A_246 = tpu.memref_slice %arg12[%dma_wait3A_241, %dma_wait3A_242, %dma_wait3A_245] : memref<10x20x125xi32, #tpu.memory_space<vmem>> -> memref<1x1x125xi32, #tpu.memory_space<vmem>>
        %dma_wait3A_247 = tpu.memref_squeeze %dma_wait3A_246 : memref<1x1x125xi32, #tpu.memory_space<vmem>> -> memref<125xi32, #tpu.memory_space<vmem>>
        %dma_wait3A_248 = arith.constant 0 : i32
        %dma_wait3A_249 = tpu.memref_slice %arg10[%dma_wait3A_248] : memref<51200xf32, #tpu.memory_space<vmem_shared>> -> memref<51200xf32, #tpu.memory_space<vmem_shared>>
        tpu.wait_indirect_dma semaphore(%arg21 : memref<!tpu.dma_semaphore, #tpu.memory_space<semaphore_mem>>) src(%dma_wait3A_244 : memref<125xf32, #tpu.memory_space<vmem>>) dst(%dma_wait3A_249 : memref<51200xf32, #tpu.memory_space<vmem_shared>>)
        %add3A_250 = arith.constant 4 : i32
        %add3A_251 = arith.addi %add3A_180, %add3A_250 : i32
        %add3A_252 = arith.constant 3 : i32
        %add3A_253 = arith.addi %add3A_251, %add3A_252 : i32
        %dma_start3A_254 = arith.constant 0 : i32
        %dma_start3A_255 = tpu.memref_slice %arg17[%dma_start3A_254] : memref<128xf32, #tpu.memory_space<vmem>> -> memref<125xf32, #tpu.memory_space<vmem>>
        %dma_start3A_256 = arith.constant 0 : i32
        %dma_start3A_257 = tpu.memref_slice %arg12[%add3A_102, %add3A_253, %dma_start3A_256] : memref<10x20x125xi32, #tpu.memory_space<vmem>> -> memref<1x1x125xi32, #tpu.memory_space<vmem>>
        %dma_start3A_258 = tpu.memref_squeeze %dma_start3A_257 : memref<1x1x125xi32, #tpu.memory_space<vmem>> -> memref<125xi32, #tpu.memory_space<vmem>>
        %dma_start3A_259 = arith.constant 0 : i32
        %dma_start3A_260 = tpu.memref_slice %arg10[%dma_start3A_259] : memref<51200xf32, #tpu.memory_space<vmem_shared>> -> memref<51200xf32, #tpu.memory_space<vmem_shared>>
        tpu.enqueue_indirect_dma source(%dma_start3A_255 : memref<125xf32, #tpu.memory_space<vmem>>) target(%dma_start3A_260 : memref<51200xf32, #tpu.memory_space<vmem_shared>>) offsets(%dma_start3A_258 : memref<125xi32, #tpu.memory_space<vmem>>) semaphore(%arg21 : memref<!tpu.dma_semaphore, #tpu.memory_space<semaphore_mem>>) {add = true}
      }
      %scan3A_139 = arith.constant 4 : i32
      %dma_wait3A_140 = arith.constant 0 : i32
      %dma_wait3A_141 = arith.constant 0 : i32
      %dma_wait3A_142 = arith.constant 0 : i32
      %dma_wait3A_143 = tpu.memref_slice %arg17[%dma_wait3A_142] : memref<128xf32, #tpu.memory_space<vmem>> -> memref<125xf32, #tpu.memory_space<vmem>>
      %dma_wait3A_144 = arith.constant 0 : i32
      %dma_wait3A_145 = tpu.memref_slice %arg12[%dma_wait3A_140, %dma_wait3A_141, %dma_wait3A_144] : memref<10x20x125xi32, #tpu.memory_space<vmem>> -> memref<1x1x125xi32, #tpu.memory_space<vmem>>
      %dma_wait3A_146 = tpu.memref_squeeze %dma_wait3A_145 : memref<1x1x125xi32, #tpu.memory_space<vmem>> -> memref<125xi32, #tpu.memory_space<vmem>>
      %dma_wait3A_147 = arith.constant 0 : i32
      %dma_wait3A_148 = tpu.memref_slice %arg10[%dma_wait3A_147] : memref<51200xf32, #tpu.memory_space<vmem_shared>> -> memref<51200xf32, #tpu.memory_space<vmem_shared>>
      tpu.wait_indirect_dma semaphore(%arg18 : memref<!tpu.dma_semaphore, #tpu.memory_space<semaphore_mem>>) src(%dma_wait3A_143 : memref<125xf32, #tpu.memory_space<vmem>>) dst(%dma_wait3A_148 : memref<51200xf32, #tpu.memory_space<vmem_shared>>)
      %dma_wait3A_149 = arith.constant 0 : i32
      %dma_wait3A_150 = arith.constant 0 : i32
      %dma_wait3A_151 = arith.constant 0 : i32
      %dma_wait3A_152 = tpu.memref_slice %arg17[%dma_wait3A_151] : memref<128xf32, #tpu.memory_space<vmem>> -> memref<125xf32, #tpu.memory_space<vmem>>
      %dma_wait3A_153 = arith.constant 0 : i32
      %dma_wait3A_154 = tpu.memref_slice %arg12[%dma_wait3A_149, %dma_wait3A_150, %dma_wait3A_153] : memref<10x20x125xi32, #tpu.memory_space<vmem>> -> memref<1x1x125xi32, #tpu.memory_space<vmem>>
      %dma_wait3A_155 = tpu.memref_squeeze %dma_wait3A_154 : memref<1x1x125xi32, #tpu.memory_space<vmem>> -> memref<125xi32, #tpu.memory_space<vmem>>
      %dma_wait3A_156 = arith.constant 0 : i32
      %dma_wait3A_157 = tpu.memref_slice %arg10[%dma_wait3A_156] : memref<51200xf32, #tpu.memory_space<vmem_shared>> -> memref<51200xf32, #tpu.memory_space<vmem_shared>>
      tpu.wait_indirect_dma semaphore(%arg19 : memref<!tpu.dma_semaphore, #tpu.memory_space<semaphore_mem>>) src(%dma_wait3A_152 : memref<125xf32, #tpu.memory_space<vmem>>) dst(%dma_wait3A_157 : memref<51200xf32, #tpu.memory_space<vmem_shared>>)
      %dma_wait3A_158 = arith.constant 0 : i32
      %dma_wait3A_159 = arith.constant 0 : i32
      %dma_wait3A_160 = arith.constant 0 : i32
      %dma_wait3A_161 = tpu.memref_slice %arg17[%dma_wait3A_160] : memref<128xf32, #tpu.memory_space<vmem>> -> memref<125xf32, #tpu.memory_space<vmem>>
      %dma_wait3A_162 = arith.constant 0 : i32
      %dma_wait3A_163 = tpu.memref_slice %arg12[%dma_wait3A_158, %dma_wait3A_159, %dma_wait3A_162] : memref<10x20x125xi32, #tpu.memory_space<vmem>> -> memref<1x1x125xi32, #tpu.memory_space<vmem>>
      %dma_wait3A_164 = tpu.memref_squeeze %dma_wait3A_163 : memref<1x1x125xi32, #tpu.memory_space<vmem>> -> memref<125xi32, #tpu.memory_space<vmem>>
      %dma_wait3A_165 = arith.constant 0 : i32
      %dma_wait3A_166 = tpu.memref_slice %arg10[%dma_wait3A_165] : memref<51200xf32, #tpu.memory_space<vmem_shared>> -> memref<51200xf32, #tpu.memory_space<vmem_shared>>
      tpu.wait_indirect_dma semaphore(%arg20 : memref<!tpu.dma_semaphore, #tpu.memory_space<semaphore_mem>>) src(%dma_wait3A_161 : memref<125xf32, #tpu.memory_space<vmem>>) dst(%dma_wait3A_166 : memref<51200xf32, #tpu.memory_space<vmem_shared>>)
      %dma_wait3A_167 = arith.constant 0 : i32
      %dma_wait3A_168 = arith.constant 0 : i32
      %dma_wait3A_169 = arith.constant 0 : i32
      %dma_wait3A_170 = tpu.memref_slice %arg17[%dma_wait3A_169] : memref<128xf32, #tpu.memory_space<vmem>> -> memref<125xf32, #tpu.memory_space<vmem>>
      %dma_wait3A_171 = arith.constant 0 : i32
      %dma_wait3A_172 = tpu.memref_slice %arg12[%dma_wait3A_167, %dma_wait3A_168, %dma_wait3A_171] : memref<10x20x125xi32, #tpu.memory_space<vmem>> -> memref<1x1x125xi32, #tpu.memory_space<vmem>>
      %dma_wait3A_173 = tpu.memref_squeeze %dma_wait3A_172 : memref<1x1x125xi32, #tpu.memory_space<vmem>> -> memref<125xi32, #tpu.memory_space<vmem>>
      %dma_wait3A_174 = arith.constant 0 : i32
      %dma_wait3A_175 = tpu.memref_slice %arg10[%dma_wait3A_174] : memref<51200xf32, #tpu.memory_space<vmem_shared>> -> memref<51200xf32, #tpu.memory_space<vmem_shared>>
      tpu.wait_indirect_dma semaphore(%arg21 : memref<!tpu.dma_semaphore, #tpu.memory_space<semaphore_mem>>) src(%dma_wait3A_170 : memref<125xf32, #tpu.memory_space<vmem>>) dst(%dma_wait3A_175 : memref<51200xf32, #tpu.memory_space<vmem_shared>>)
    }
    %scan3A_18 = arith.constant 10 : i32
    %dma_start3A = arith.constant 0 : i32
    %dma_start3A_19 = arith.constant 0 : i32
    %dma_start3A_20 = arith.constant 0 : i32
    %dma_start3A_21 = arith.constant 0 : i32
    %dma_start3A_22 = tpu.memref_slice %arg15[%dma_start3A_19, %dma_start3A_20, %dma_start3A_21] : memref<2x128x32xf32, #tpu.memory_space<vmem>> -> memref<1x128x32xf32, #tpu.memory_space<vmem>>
    %dma_start3A_23 = tpu.memref_squeeze %dma_start3A_22 : memref<1x128x32xf32, #tpu.memory_space<vmem>> -> memref<128x32xf32, #tpu.memory_space<vmem>>
    %dma_start3A_24 = arith.constant 0 : i32
    %dma_start3A_25 = tpu.memref_slice %arg13[%dma_start3A, %dma_start3A_24] : memref<14x128xi32, #tpu.memory_space<vmem>> -> memref<1x128xi32, #tpu.memory_space<vmem>>
    %dma_start3A_26 = tpu.memref_squeeze %dma_start3A_25 : memref<1x128xi32, #tpu.memory_space<vmem>> -> memref<128xi32, #tpu.memory_space<vmem>>
    %dma_start3A_27 = arith.constant 0 : i32
    %dma_start3A_28 = arith.constant 0 : i32
    %dma_start3A_29 = tpu.memref_slice %arg9[%dma_start3A_27, %dma_start3A_28] : memref<512x32xf32, #tpu.memory_space<vmem_shared>> -> memref<512x32xf32, #tpu.memory_space<vmem_shared>>
    tpu.enqueue_indirect_dma source(%dma_start3A_29 : memref<512x32xf32, #tpu.memory_space<vmem_shared>>) target(%dma_start3A_23 : memref<128x32xf32, #tpu.memory_space<vmem>>) offsets(%dma_start3A_26 : memref<128xi32, #tpu.memory_space<vmem>>) semaphore(%arg18 : memref<!tpu.dma_semaphore, #tpu.memory_space<semaphore_mem>>)
    %dma_start3A_30 = arith.constant 1 : i32
    %dma_start3A_31 = arith.constant 1 : i32
    %dma_start3A_32 = arith.constant 0 : i32
    %dma_start3A_33 = arith.constant 0 : i32
    %dma_start3A_34 = tpu.memref_slice %arg15[%dma_start3A_31, %dma_start3A_32, %dma_start3A_33] : memref<2x128x32xf32, #tpu.memory_space<vmem>> -> memref<1x128x32xf32, #tpu.memory_space<vmem>>
    %dma_start3A_35 = tpu.memref_squeeze %dma_start3A_34 : memref<1x128x32xf32, #tpu.memory_space<vmem>> -> memref<128x32xf32, #tpu.memory_space<vmem>>
    %dma_start3A_36 = arith.constant 0 : i32
    %dma_start3A_37 = tpu.memref_slice %arg13[%dma_start3A_30, %dma_start3A_36] : memref<14x128xi32, #tpu.memory_space<vmem>> -> memref<1x128xi32, #tpu.memory_space<vmem>>
    %dma_start3A_38 = tpu.memref_squeeze %dma_start3A_37 : memref<1x128xi32, #tpu.memory_space<vmem>> -> memref<128xi32, #tpu.memory_space<vmem>>
    %dma_start3A_39 = arith.constant 0 : i32
    %dma_start3A_40 = arith.constant 0 : i32
    %dma_start3A_41 = tpu.memref_slice %arg9[%dma_start3A_39, %dma_start3A_40] : memref<512x32xf32, #tpu.memory_space<vmem_shared>> -> memref<512x32xf32, #tpu.memory_space<vmem_shared>>
    tpu.enqueue_indirect_dma source(%dma_start3A_41 : memref<512x32xf32, #tpu.memory_space<vmem_shared>>) target(%dma_start3A_35 : memref<128x32xf32, #tpu.memory_space<vmem>>) offsets(%dma_start3A_38 : memref<128xi32, #tpu.memory_space<vmem>>) semaphore(%arg19 : memref<!tpu.dma_semaphore, #tpu.memory_space<semaphore_mem>>)
    %scan3A_42 = arith.constant 0 : i32
    %scan3A_43 = arith.constant 6 : i32
    %scan3A_44 = arith.addi %scan3A_42, %scan3A_43 : i32
    %scan3A_45 = arith.constant 1 : i32
    scf.for %scan3A_98 = %scan3A_42 to %scan3A_44 step %scan3A_45  : i32 {
      %mul3A_99 = arith.constant 2 : i32
      %mul3A_100 = arith.muli %scan3A_98, %mul3A_99 : i32
      %add3A_101 = arith.constant 0 : i32
      %add3A_102 = arith.addi %add3A_101, %mul3A_100 : i32
      %dma_wait3A_103 = arith.constant 0 : i32
      %dma_wait3A_104 = arith.constant 0 : i32
      %dma_wait3A_105 = arith.constant 0 : i32
      %dma_wait3A_106 = arith.constant 0 : i32
      %dma_wait3A_107 = tpu.memref_slice %arg15[%dma_wait3A_104, %dma_wait3A_105, %dma_wait3A_106] : memref<2x128x32xf32, #tpu.memory_space<vmem>> -> memref<1x128x32xf32, #tpu.memory_space<vmem>>
      %dma_wait3A_108 = tpu.memref_squeeze %dma_wait3A_107 : memref<1x128x32xf32, #tpu.memory_space<vmem>> -> memref<128x32xf32, #tpu.memory_space<vmem>>
      %dma_wait3A_109 = arith.constant 0 : i32
      %dma_wait3A_110 = tpu.memref_slice %arg13[%dma_wait3A_103, %dma_wait3A_109] : memref<14x128xi32, #tpu.memory_space<vmem>> -> memref<1x128xi32, #tpu.memory_space<vmem>>
      %dma_wait3A_111 = tpu.memref_squeeze %dma_wait3A_110 : memref<1x128xi32, #tpu.memory_space<vmem>> -> memref<128xi32, #tpu.memory_space<vmem>>
      %dma_wait3A_112 = arith.constant 0 : i32
      %dma_wait3A_113 = arith.constant 0 : i32
      %dma_wait3A_114 = tpu.memref_slice %arg9[%dma_wait3A_112, %dma_wait3A_113] : memref<512x32xf32, #tpu.memory_space<vmem_shared>> -> memref<512x32xf32, #tpu.memory_space<vmem_shared>>
      tpu.wait_indirect_dma semaphore(%arg18 : memref<!tpu.dma_semaphore, #tpu.memory_space<semaphore_mem>>) src(%dma_wait3A_114 : memref<512x32xf32, #tpu.memory_space<vmem_shared>>) dst(%dma_wait3A_108 : memref<128x32xf32, #tpu.memory_space<vmem>>)
      %mul3A_115 = arith.constant 14 : i32
      %mul3A_116 = arith.muli %add3A, %mul3A_115 : i32
      %add3A_117 = arith.addi %mul3A_116, %add3A_102 : i32
      %mul3A_118 = arith.constant 128 : i32
      %mul3A_119 = arith.muli %add3A_117, %mul3A_118 : i32
      %run_scoped3A_120 = arith.constant 0 : i32
      "tpu.region"() ({
        %run_scoped3A_167 = tpu.sem_alloc : memref<!tpu.dma_semaphore, #tpu.memory_space<semaphore_mem>>
        %dma_start3A_168 = arith.constant 0 : i32
        %dma_start3A_169 = arith.constant 0 : i32
        %dma_start3A_170 = tpu.memref_slice %arg15[%run_scoped3A_120, %dma_start3A_168, %dma_start3A_169] : memref<2x128x32xf32, #tpu.memory_space<vmem>> -> memref<1x128x32xf32, #tpu.memory_space<vmem>>
        %dma_start3A_171 = tpu.memref_squeeze %dma_start3A_170 : memref<1x128x32xf32, #tpu.memory_space<vmem>> -> memref<128x32xf32, #tpu.memory_space<vmem>>
        %dma_start3A_172 = arith.constant 0 : i32
        %dma_start3A_173 = tpu.memref_slice %arg6[%mul3A_119, %dma_start3A_172] : memref<57344x32xf32, #tpu.memory_space<hbm>> -> memref<128x32xf32, #tpu.memory_space<hbm>>
        %dma_start3A_174 = arith.constant 0 : i32
        %dma_start3A_175 = tpu.memref_slice %arg6[%mul3A_119, %dma_start3A_174] : memref<57344x32xf32, #tpu.memory_space<hbm>> -> memref<128x32xf32, #tpu.memory_space<hbm>>
        %dma_start3A_176 = arith.constant 0 : i32
        %dma_start3A_177 = arith.constant 0 : i32
        %dma_start3A_178 = tpu.memref_slice %arg15[%run_scoped3A_120, %dma_start3A_176, %dma_start3A_177] : memref<2x128x32xf32, #tpu.memory_space<vmem>> -> memref<1x128x32xf32, #tpu.memory_space<vmem>>
        %dma_start3A_179 = tpu.memref_squeeze %dma_start3A_178 : memref<1x128x32xf32, #tpu.memory_space<vmem>> -> memref<128x32xf32, #tpu.memory_space<vmem>>
        tpu.enqueue_dma source(%dma_start3A_179 : memref<128x32xf32, #tpu.memory_space<vmem>>) target(%dma_start3A_175 : memref<128x32xf32, #tpu.memory_space<hbm>>) target_semaphore(%run_scoped3A_167 : memref<!tpu.dma_semaphore, #tpu.memory_space<semaphore_mem>>)
        %dma_wait3A_180 = arith.constant 0 : i32
        %dma_wait3A_181 = arith.constant 0 : i32
        %dma_wait3A_182 = tpu.memref_slice %arg15[%run_scoped3A_120, %dma_wait3A_180, %dma_wait3A_181] : memref<2x128x32xf32, #tpu.memory_space<vmem>> -> memref<1x128x32xf32, #tpu.memory_space<vmem>>
        %dma_wait3A_183 = tpu.memref_squeeze %dma_wait3A_182 : memref<1x128x32xf32, #tpu.memory_space<vmem>> -> memref<128x32xf32, #tpu.memory_space<vmem>>
        %dma_wait3A_184 = arith.constant 0 : i32
        %dma_wait3A_185 = tpu.memref_slice %arg6[%mul3A_119, %dma_wait3A_184] : memref<57344x32xf32, #tpu.memory_space<hbm>> -> memref<128x32xf32, #tpu.memory_space<hbm>>
        %dma_wait3A_186 = arith.constant 0 : i32
        %dma_wait3A_187 = tpu.memref_slice %arg6[%mul3A_119, %dma_wait3A_186] : memref<57344x32xf32, #tpu.memory_space<hbm>> -> memref<128x32xf32, #tpu.memory_space<hbm>>
        %dma_wait3A_188 = arith.constant 0 : i32
        %dma_wait3A_189 = arith.constant 0 : i32
        %dma_wait3A_190 = tpu.memref_slice %arg15[%run_scoped3A_120, %dma_wait3A_188, %dma_wait3A_189] : memref<2x128x32xf32, #tpu.memory_space<vmem>> -> memref<1x128x32xf32, #tpu.memory_space<vmem>>
        %dma_wait3A_191 = tpu.memref_squeeze %dma_wait3A_190 : memref<1x128x32xf32, #tpu.memory_space<vmem>> -> memref<128x32xf32, #tpu.memory_space<vmem>>
        tpu.wait_dma2 semaphore(%run_scoped3A_167 : memref<!tpu.dma_semaphore, #tpu.memory_space<semaphore_mem>>) src(%dma_wait3A_191 : memref<128x32xf32, #tpu.memory_space<vmem>>) dst(%dma_wait3A_187 : memref<128x32xf32, #tpu.memory_space<hbm>>)
        tpu.yield
      }) : () -> ()
      %add3A_121 = arith.constant 2 : i32
      %add3A_122 = arith.addi %add3A_102, %add3A_121 : i32
      %dma_start3A_123 = arith.constant 0 : i32
      %dma_start3A_124 = arith.constant 0 : i32
      %dma_start3A_125 = arith.constant 0 : i32
      %dma_start3A_126 = tpu.memref_slice %arg15[%dma_start3A_123, %dma_start3A_124, %dma_start3A_125] : memref<2x128x32xf32, #tpu.memory_space<vmem>> -> memref<1x128x32xf32, #tpu.memory_space<vmem>>
      %dma_start3A_127 = tpu.memref_squeeze %dma_start3A_126 : memref<1x128x32xf32, #tpu.memory_space<vmem>> -> memref<128x32xf32, #tpu.memory_space<vmem>>
      %dma_start3A_128 = arith.constant 0 : i32
      %dma_start3A_129 = tpu.memref_slice %arg13[%add3A_122, %dma_start3A_128] : memref<14x128xi32, #tpu.memory_space<vmem>> -> memref<1x128xi32, #tpu.memory_space<vmem>>
      %dma_start3A_130 = tpu.memref_squeeze %dma_start3A_129 : memref<1x128xi32, #tpu.memory_space<vmem>> -> memref<128xi32, #tpu.memory_space<vmem>>
      %dma_start3A_131 = arith.constant 0 : i32
      %dma_start3A_132 = arith.constant 0 : i32
      %dma_start3A_133 = tpu.memref_slice %arg9[%dma_start3A_131, %dma_start3A_132] : memref<512x32xf32, #tpu.memory_space<vmem_shared>> -> memref<512x32xf32, #tpu.memory_space<vmem_shared>>
      tpu.enqueue_indirect_dma source(%dma_start3A_133 : memref<512x32xf32, #tpu.memory_space<vmem_shared>>) target(%dma_start3A_127 : memref<128x32xf32, #tpu.memory_space<vmem>>) offsets(%dma_start3A_130 : memref<128xi32, #tpu.memory_space<vmem>>) semaphore(%arg18 : memref<!tpu.dma_semaphore, #tpu.memory_space<semaphore_mem>>)
      %dma_wait3A_134 = arith.constant 0 : i32
      %dma_wait3A_135 = arith.constant 1 : i32
      %dma_wait3A_136 = arith.constant 0 : i32
      %dma_wait3A_137 = arith.constant 0 : i32
      %dma_wait3A_138 = tpu.memref_slice %arg15[%dma_wait3A_135, %dma_wait3A_136, %dma_wait3A_137] : memref<2x128x32xf32, #tpu.memory_space<vmem>> -> memref<1x128x32xf32, #tpu.memory_space<vmem>>
      %dma_wait3A_139 = tpu.memref_squeeze %dma_wait3A_138 : memref<1x128x32xf32, #tpu.memory_space<vmem>> -> memref<128x32xf32, #tpu.memory_space<vmem>>
      %dma_wait3A_140 = arith.constant 0 : i32
      %dma_wait3A_141 = tpu.memref_slice %arg13[%dma_wait3A_134, %dma_wait3A_140] : memref<14x128xi32, #tpu.memory_space<vmem>> -> memref<1x128xi32, #tpu.memory_space<vmem>>
      %dma_wait3A_142 = tpu.memref_squeeze %dma_wait3A_141 : memref<1x128xi32, #tpu.memory_space<vmem>> -> memref<128xi32, #tpu.memory_space<vmem>>
      %dma_wait3A_143 = arith.constant 0 : i32
      %dma_wait3A_144 = arith.constant 0 : i32
      %dma_wait3A_145 = tpu.memref_slice %arg9[%dma_wait3A_143, %dma_wait3A_144] : memref<512x32xf32, #tpu.memory_space<vmem_shared>> -> memref<512x32xf32, #tpu.memory_space<vmem_shared>>
      tpu.wait_indirect_dma semaphore(%arg19 : memref<!tpu.dma_semaphore, #tpu.memory_space<semaphore_mem>>) src(%dma_wait3A_145 : memref<512x32xf32, #tpu.memory_space<vmem_shared>>) dst(%dma_wait3A_139 : memref<128x32xf32, #tpu.memory_space<vmem>>)
      %add3A_146 = arith.constant 1 : i32
      %add3A_147 = arith.addi %add3A_102, %add3A_146 : i32
      %mul3A_148 = arith.constant 14 : i32
      %mul3A_149 = arith.muli %add3A, %mul3A_148 : i32
      %add3A_150 = arith.addi %mul3A_149, %add3A_147 : i32
      %mul3A_151 = arith.constant 128 : i32
      %mul3A_152 = arith.muli %add3A_150, %mul3A_151 : i32
      %run_scoped3A_153 = arith.constant 1 : i32
      "tpu.region"() ({
        %run_scoped3A_167 = tpu.sem_alloc : memref<!tpu.dma_semaphore, #tpu.memory_space<semaphore_mem>>
        %dma_start3A_168 = arith.constant 0 : i32
        %dma_start3A_169 = arith.constant 0 : i32
        %dma_start3A_170 = tpu.memref_slice %arg15[%run_scoped3A_153, %dma_start3A_168, %dma_start3A_169] : memref<2x128x32xf32, #tpu.memory_space<vmem>> -> memref<1x128x32xf32, #tpu.memory_space<vmem>>
        %dma_start3A_171 = tpu.memref_squeeze %dma_start3A_170 : memref<1x128x32xf32, #tpu.memory_space<vmem>> -> memref<128x32xf32, #tpu.memory_space<vmem>>
        %dma_start3A_172 = arith.constant 0 : i32
        %dma_start3A_173 = tpu.memref_slice %arg6[%mul3A_152, %dma_start3A_172] : memref<57344x32xf32, #tpu.memory_space<hbm>> -> memref<128x32xf32, #tpu.memory_space<hbm>>
        %dma_start3A_174 = arith.constant 0 : i32
        %dma_start3A_175 = tpu.memref_slice %arg6[%mul3A_152, %dma_start3A_174] : memref<57344x32xf32, #tpu.memory_space<hbm>> -> memref<128x32xf32, #tpu.memory_space<hbm>>
        %dma_start3A_176 = arith.constant 0 : i32
        %dma_start3A_177 = arith.constant 0 : i32
        %dma_start3A_178 = tpu.memref_slice %arg15[%run_scoped3A_153, %dma_start3A_176, %dma_start3A_177] : memref<2x128x32xf32, #tpu.memory_space<vmem>> -> memref<1x128x32xf32, #tpu.memory_space<vmem>>
        %dma_start3A_179 = tpu.memref_squeeze %dma_start3A_178 : memref<1x128x32xf32, #tpu.memory_space<vmem>> -> memref<128x32xf32, #tpu.memory_space<vmem>>
        tpu.enqueue_dma source(%dma_start3A_179 : memref<128x32xf32, #tpu.memory_space<vmem>>) target(%dma_start3A_175 : memref<128x32xf32, #tpu.memory_space<hbm>>) target_semaphore(%run_scoped3A_167 : memref<!tpu.dma_semaphore, #tpu.memory_space<semaphore_mem>>)
        %dma_wait3A_180 = arith.constant 0 : i32
        %dma_wait3A_181 = arith.constant 0 : i32
        %dma_wait3A_182 = tpu.memref_slice %arg15[%run_scoped3A_153, %dma_wait3A_180, %dma_wait3A_181] : memref<2x128x32xf32, #tpu.memory_space<vmem>> -> memref<1x128x32xf32, #tpu.memory_space<vmem>>
        %dma_wait3A_183 = tpu.memref_squeeze %dma_wait3A_182 : memref<1x128x32xf32, #tpu.memory_space<vmem>> -> memref<128x32xf32, #tpu.memory_space<vmem>>
        %dma_wait3A_184 = arith.constant 0 : i32
        %dma_wait3A_185 = tpu.memref_slice %arg6[%mul3A_152, %dma_wait3A_184] : memref<57344x32xf32, #tpu.memory_space<hbm>> -> memref<128x32xf32, #tpu.memory_space<hbm>>
        %dma_wait3A_186 = arith.constant 0 : i32
        %dma_wait3A_187 = tpu.memref_slice %arg6[%mul3A_152, %dma_wait3A_186] : memref<57344x32xf32, #tpu.memory_space<hbm>> -> memref<128x32xf32, #tpu.memory_space<hbm>>
        %dma_wait3A_188 = arith.constant 0 : i32
        %dma_wait3A_189 = arith.constant 0 : i32
        %dma_wait3A_190 = tpu.memref_slice %arg15[%run_scoped3A_153, %dma_wait3A_188, %dma_wait3A_189] : memref<2x128x32xf32, #tpu.memory_space<vmem>> -> memref<1x128x32xf32, #tpu.memory_space<vmem>>
        %dma_wait3A_191 = tpu.memref_squeeze %dma_wait3A_190 : memref<1x128x32xf32, #tpu.memory_space<vmem>> -> memref<128x32xf32, #tpu.memory_space<vmem>>
        tpu.wait_dma2 semaphore(%run_scoped3A_167 : memref<!tpu.dma_semaphore, #tpu.memory_space<semaphore_mem>>) src(%dma_wait3A_191 : memref<128x32xf32, #tpu.memory_space<vmem>>) dst(%dma_wait3A_187 : memref<128x32xf32, #tpu.memory_space<hbm>>)
        tpu.yield
      }) : () -> ()
      %add3A_154 = arith.constant 3 : i32
      %add3A_155 = arith.addi %add3A_102, %add3A_154 : i32
      %dma_start3A_156 = arith.constant 1 : i32
      %dma_start3A_157 = arith.constant 0 : i32
      %dma_start3A_158 = arith.constant 0 : i32
      %dma_start3A_159 = tpu.memref_slice %arg15[%dma_start3A_156, %dma_start3A_157, %dma_start3A_158] : memref<2x128x32xf32, #tpu.memory_space<vmem>> -> memref<1x128x32xf32, #tpu.memory_space<vmem>>
      %dma_start3A_160 = tpu.memref_squeeze %dma_start3A_159 : memref<1x128x32xf32, #tpu.memory_space<vmem>> -> memref<128x32xf32, #tpu.memory_space<vmem>>
      %dma_start3A_161 = arith.constant 0 : i32
      %dma_start3A_162 = tpu.memref_slice %arg13[%add3A_155, %dma_start3A_161] : memref<14x128xi32, #tpu.memory_space<vmem>> -> memref<1x128xi32, #tpu.memory_space<vmem>>
      %dma_start3A_163 = tpu.memref_squeeze %dma_start3A_162 : memref<1x128xi32, #tpu.memory_space<vmem>> -> memref<128xi32, #tpu.memory_space<vmem>>
      %dma_start3A_164 = arith.constant 0 : i32
      %dma_start3A_165 = arith.constant 0 : i32
      %dma_start3A_166 = tpu.memref_slice %arg9[%dma_start3A_164, %dma_start3A_165] : memref<512x32xf32, #tpu.memory_space<vmem_shared>> -> memref<512x32xf32, #tpu.memory_space<vmem_shared>>
      tpu.enqueue_indirect_dma source(%dma_start3A_166 : memref<512x32xf32, #tpu.memory_space<vmem_shared>>) target(%dma_start3A_160 : memref<128x32xf32, #tpu.memory_space<vmem>>) offsets(%dma_start3A_163 : memref<128xi32, #tpu.memory_space<vmem>>) semaphore(%arg19 : memref<!tpu.dma_semaphore, #tpu.memory_space<semaphore_mem>>)
    }
    %scan3A_46 = arith.constant 6 : i32
    %dma_wait3A = arith.constant 0 : i32
    %dma_wait3A_47 = arith.constant 0 : i32
    %dma_wait3A_48 = arith.constant 0 : i32
    %dma_wait3A_49 = arith.constant 0 : i32
    %dma_wait3A_50 = tpu.memref_slice %arg15[%dma_wait3A_47, %dma_wait3A_48, %dma_wait3A_49] : memref<2x128x32xf32, #tpu.memory_space<vmem>> -> memref<1x128x32xf32, #tpu.memory_space<vmem>>
    %dma_wait3A_51 = tpu.memref_squeeze %dma_wait3A_50 : memref<1x128x32xf32, #tpu.memory_space<vmem>> -> memref<128x32xf32, #tpu.memory_space<vmem>>
    %dma_wait3A_52 = arith.constant 0 : i32
    %dma_wait3A_53 = tpu.memref_slice %arg13[%dma_wait3A, %dma_wait3A_52] : memref<14x128xi32, #tpu.memory_space<vmem>> -> memref<1x128xi32, #tpu.memory_space<vmem>>
    %dma_wait3A_54 = tpu.memref_squeeze %dma_wait3A_53 : memref<1x128xi32, #tpu.memory_space<vmem>> -> memref<128xi32, #tpu.memory_space<vmem>>
    %dma_wait3A_55 = arith.constant 0 : i32
    %dma_wait3A_56 = arith.constant 0 : i32
    %dma_wait3A_57 = tpu.memref_slice %arg9[%dma_wait3A_55, %dma_wait3A_56] : memref<512x32xf32, #tpu.memory_space<vmem_shared>> -> memref<512x32xf32, #tpu.memory_space<vmem_shared>>
    tpu.wait_indirect_dma semaphore(%arg18 : memref<!tpu.dma_semaphore, #tpu.memory_space<semaphore_mem>>) src(%dma_wait3A_57 : memref<512x32xf32, #tpu.memory_space<vmem_shared>>) dst(%dma_wait3A_51 : memref<128x32xf32, #tpu.memory_space<vmem>>)
    %mul3A_58 = arith.constant 14 : i32
    %mul3A_59 = arith.muli %add3A, %mul3A_58 : i32
    %add3A_60 = arith.constant 12 : i32
    %add3A_61 = arith.addi %mul3A_59, %add3A_60 : i32
    %mul3A_62 = arith.constant 128 : i32
    %mul3A_63 = arith.muli %add3A_61, %mul3A_62 : i32
    %run_scoped3A = arith.constant 0 : i32
    "tpu.region"() ({
      %run_scoped3A_98 = tpu.sem_alloc : memref<!tpu.dma_semaphore, #tpu.memory_space<semaphore_mem>>
      %dma_start3A_99 = arith.constant 0 : i32
      %dma_start3A_100 = arith.constant 0 : i32
      %dma_start3A_101 = tpu.memref_slice %arg15[%run_scoped3A, %dma_start3A_99, %dma_start3A_100] : memref<2x128x32xf32, #tpu.memory_space<vmem>> -> memref<1x128x32xf32, #tpu.memory_space<vmem>>
      %dma_start3A_102 = tpu.memref_squeeze %dma_start3A_101 : memref<1x128x32xf32, #tpu.memory_space<vmem>> -> memref<128x32xf32, #tpu.memory_space<vmem>>
      %dma_start3A_103 = arith.constant 0 : i32
      %dma_start3A_104 = tpu.memref_slice %arg6[%mul3A_63, %dma_start3A_103] : memref<57344x32xf32, #tpu.memory_space<hbm>> -> memref<128x32xf32, #tpu.memory_space<hbm>>
      %dma_start3A_105 = arith.constant 0 : i32
      %dma_start3A_106 = tpu.memref_slice %arg6[%mul3A_63, %dma_start3A_105] : memref<57344x32xf32, #tpu.memory_space<hbm>> -> memref<128x32xf32, #tpu.memory_space<hbm>>
      %dma_start3A_107 = arith.constant 0 : i32
      %dma_start3A_108 = arith.constant 0 : i32
      %dma_start3A_109 = tpu.memref_slice %arg15[%run_scoped3A, %dma_start3A_107, %dma_start3A_108] : memref<2x128x32xf32, #tpu.memory_space<vmem>> -> memref<1x128x32xf32, #tpu.memory_space<vmem>>
      %dma_start3A_110 = tpu.memref_squeeze %dma_start3A_109 : memref<1x128x32xf32, #tpu.memory_space<vmem>> -> memref<128x32xf32, #tpu.memory_space<vmem>>
      tpu.enqueue_dma source(%dma_start3A_110 : memref<128x32xf32, #tpu.memory_space<vmem>>) target(%dma_start3A_106 : memref<128x32xf32, #tpu.memory_space<hbm>>) target_semaphore(%run_scoped3A_98 : memref<!tpu.dma_semaphore, #tpu.memory_space<semaphore_mem>>)
      %dma_wait3A_111 = arith.constant 0 : i32
      %dma_wait3A_112 = arith.constant 0 : i32
      %dma_wait3A_113 = tpu.memref_slice %arg15[%run_scoped3A, %dma_wait3A_111, %dma_wait3A_112] : memref<2x128x32xf32, #tpu.memory_space<vmem>> -> memref<1x128x32xf32, #tpu.memory_space<vmem>>
      %dma_wait3A_114 = tpu.memref_squeeze %dma_wait3A_113 : memref<1x128x32xf32, #tpu.memory_space<vmem>> -> memref<128x32xf32, #tpu.memory_space<vmem>>
      %dma_wait3A_115 = arith.constant 0 : i32
      %dma_wait3A_116 = tpu.memref_slice %arg6[%mul3A_63, %dma_wait3A_115] : memref<57344x32xf32, #tpu.memory_space<hbm>> -> memref<128x32xf32, #tpu.memory_space<hbm>>
      %dma_wait3A_117 = arith.constant 0 : i32
      %dma_wait3A_118 = tpu.memref_slice %arg6[%mul3A_63, %dma_wait3A_117] : memref<57344x32xf32, #tpu.memory_space<hbm>> -> memref<128x32xf32, #tpu.memory_space<hbm>>
      %dma_wait3A_119 = arith.constant 0 : i32
      %dma_wait3A_120 = arith.constant 0 : i32
      %dma_wait3A_121 = tpu.memref_slice %arg15[%run_scoped3A, %dma_wait3A_119, %dma_wait3A_120] : memref<2x128x32xf32, #tpu.memory_space<vmem>> -> memref<1x128x32xf32, #tpu.memory_space<vmem>>
      %dma_wait3A_122 = tpu.memref_squeeze %dma_wait3A_121 : memref<1x128x32xf32, #tpu.memory_space<vmem>> -> memref<128x32xf32, #tpu.memory_space<vmem>>
      tpu.wait_dma2 semaphore(%run_scoped3A_98 : memref<!tpu.dma_semaphore, #tpu.memory_space<semaphore_mem>>) src(%dma_wait3A_122 : memref<128x32xf32, #tpu.memory_space<vmem>>) dst(%dma_wait3A_118 : memref<128x32xf32, #tpu.memory_space<hbm>>)
      tpu.yield
    }) : () -> ()
    %dma_wait3A_64 = arith.constant 0 : i32
    %dma_wait3A_65 = arith.constant 1 : i32
    %dma_wait3A_66 = arith.constant 0 : i32
    %dma_wait3A_67 = arith.constant 0 : i32
    %dma_wait3A_68 = tpu.memref_slice %arg15[%dma_wait3A_65, %dma_wait3A_66, %dma_wait3A_67] : memref<2x128x32xf32, #tpu.memory_space<vmem>> -> memref<1x128x32xf32, #tpu.memory_space<vmem>>
    %dma_wait3A_69 = tpu.memref_squeeze %dma_wait3A_68 : memref<1x128x32xf32, #tpu.memory_space<vmem>> -> memref<128x32xf32, #tpu.memory_space<vmem>>
    %dma_wait3A_70 = arith.constant 0 : i32
    %dma_wait3A_71 = tpu.memref_slice %arg13[%dma_wait3A_64, %dma_wait3A_70] : memref<14x128xi32, #tpu.memory_space<vmem>> -> memref<1x128xi32, #tpu.memory_space<vmem>>
    %dma_wait3A_72 = tpu.memref_squeeze %dma_wait3A_71 : memref<1x128xi32, #tpu.memory_space<vmem>> -> memref<128xi32, #tpu.memory_space<vmem>>
    %dma_wait3A_73 = arith.constant 0 : i32
    %dma_wait3A_74 = arith.constant 0 : i32
    %dma_wait3A_75 = tpu.memref_slice %arg9[%dma_wait3A_73, %dma_wait3A_74] : memref<512x32xf32, #tpu.memory_space<vmem_shared>> -> memref<512x32xf32, #tpu.memory_space<vmem_shared>>
    tpu.wait_indirect_dma semaphore(%arg19 : memref<!tpu.dma_semaphore, #tpu.memory_space<semaphore_mem>>) src(%dma_wait3A_75 : memref<512x32xf32, #tpu.memory_space<vmem_shared>>) dst(%dma_wait3A_69 : memref<128x32xf32, #tpu.memory_space<vmem>>)
    %mul3A_76 = arith.constant 14 : i32
    %mul3A_77 = arith.muli %add3A, %mul3A_76 : i32
    %add3A_78 = arith.constant 13 : i32
    %add3A_79 = arith.addi %mul3A_77, %add3A_78 : i32
    %mul3A_80 = arith.constant 128 : i32
    %mul3A_81 = arith.muli %add3A_79, %mul3A_80 : i32
    %run_scoped3A_82 = arith.constant 1 : i32
    "tpu.region"() ({
      %run_scoped3A_98 = tpu.sem_alloc : memref<!tpu.dma_semaphore, #tpu.memory_space<semaphore_mem>>
      %dma_start3A_99 = arith.constant 0 : i32
      %dma_start3A_100 = arith.constant 0 : i32
      %dma_start3A_101 = tpu.memref_slice %arg15[%run_scoped3A_82, %dma_start3A_99, %dma_start3A_100] : memref<2x128x32xf32, #tpu.memory_space<vmem>> -> memref<1x128x32xf32, #tpu.memory_space<vmem>>
      %dma_start3A_102 = tpu.memref_squeeze %dma_start3A_101 : memref<1x128x32xf32, #tpu.memory_space<vmem>> -> memref<128x32xf32, #tpu.memory_space<vmem>>
      %dma_start3A_103 = arith.constant 0 : i32
      %dma_start3A_104 = tpu.memref_slice %arg6[%mul3A_81, %dma_start3A_103] : memref<57344x32xf32, #tpu.memory_space<hbm>> -> memref<128x32xf32, #tpu.memory_space<hbm>>
      %dma_start3A_105 = arith.constant 0 : i32
      %dma_start3A_106 = tpu.memref_slice %arg6[%mul3A_81, %dma_start3A_105] : memref<57344x32xf32, #tpu.memory_space<hbm>> -> memref<128x32xf32, #tpu.memory_space<hbm>>
      %dma_start3A_107 = arith.constant 0 : i32
      %dma_start3A_108 = arith.constant 0 : i32
      %dma_start3A_109 = tpu.memref_slice %arg15[%run_scoped3A_82, %dma_start3A_107, %dma_start3A_108] : memref<2x128x32xf32, #tpu.memory_space<vmem>> -> memref<1x128x32xf32, #tpu.memory_space<vmem>>
      %dma_start3A_110 = tpu.memref_squeeze %dma_start3A_109 : memref<1x128x32xf32, #tpu.memory_space<vmem>> -> memref<128x32xf32, #tpu.memory_space<vmem>>
      tpu.enqueue_dma source(%dma_start3A_110 : memref<128x32xf32, #tpu.memory_space<vmem>>) target(%dma_start3A_106 : memref<128x32xf32, #tpu.memory_space<hbm>>) target_semaphore(%run_scoped3A_98 : memref<!tpu.dma_semaphore, #tpu.memory_space<semaphore_mem>>)
      %dma_wait3A_111 = arith.constant 0 : i32
      %dma_wait3A_112 = arith.constant 0 : i32
      %dma_wait3A_113 = tpu.memref_slice %arg15[%run_scoped3A_82, %dma_wait3A_111, %dma_wait3A_112] : memref<2x128x32xf32, #tpu.memory_space<vmem>> -> memref<1x128x32xf32, #tpu.memory_space<vmem>>
      %dma_wait3A_114 = tpu.memref_squeeze %dma_wait3A_113 : memref<1x128x32xf32, #tpu.memory_space<vmem>> -> memref<128x32xf32, #tpu.memory_space<vmem>>
      %dma_wait3A_115 = arith.constant 0 : i32
      %dma_wait3A_116 = tpu.memref_slice %arg6[%mul3A_81, %dma_wait3A_115] : memref<57344x32xf32, #tpu.memory_space<hbm>> -> memref<128x32xf32, #tpu.memory_space<hbm>>
      %dma_wait3A_117 = arith.constant 0 : i32
      %dma_wait3A_118 = tpu.memref_slice %arg6[%mul3A_81, %dma_wait3A_117] : memref<57344x32xf32, #tpu.memory_space<hbm>> -> memref<128x32xf32, #tpu.memory_space<hbm>>
      %dma_wait3A_119 = arith.constant 0 : i32
      %dma_wait3A_120 = arith.constant 0 : i32
      %dma_wait3A_121 = tpu.memref_slice %arg15[%run_scoped3A_82, %dma_wait3A_119, %dma_wait3A_120] : memref<2x128x32xf32, #tpu.memory_space<vmem>> -> memref<1x128x32xf32, #tpu.memory_space<vmem>>
      %dma_wait3A_122 = tpu.memref_squeeze %dma_wait3A_121 : memref<1x128x32xf32, #tpu.memory_space<vmem>> -> memref<128x32xf32, #tpu.memory_space<vmem>>
      tpu.wait_dma2 semaphore(%run_scoped3A_98 : memref<!tpu.dma_semaphore, #tpu.memory_space<semaphore_mem>>) src(%dma_wait3A_122 : memref<128x32xf32, #tpu.memory_space<vmem>>) dst(%dma_wait3A_118 : memref<128x32xf32, #tpu.memory_space<hbm>>)
      tpu.yield
    }) : () -> ()
    %scan3A_83 = arith.constant 0 : i32
    %scan3A_84 = arith.constant 14 : i32
    %scan3A_85 = arith.addi %scan3A_83, %scan3A_84 : i32
    %scan3A_86 = arith.constant 1 : i32
    scf.for %scan3A_98 = %scan3A_83 to %scan3A_85 step %scan3A_86  : i32 {
      %mul3A_99 = arith.constant 1 : i32
      %mul3A_100 = arith.muli %scan3A_98, %mul3A_99 : i32
      %add3A_101 = arith.constant 0 : i32
      %add3A_102 = arith.addi %add3A_101, %mul3A_100 : i32
      "tpu.region"() ({
        %run_scoped3A_103 = tpu.sem_alloc : memref<!tpu.dma_semaphore, #tpu.memory_space<semaphore_mem>>
        %dma_start3A_104 = arith.constant 0 : i32
        %dma_start3A_105 = tpu.memref_slice %arg17[%dma_start3A_104] : memref<128xf32, #tpu.memory_space<vmem>> -> memref<128xf32, #tpu.memory_space<vmem>>
        %dma_start3A_106 = arith.constant 0 : i32
        %dma_start3A_107 = tpu.memref_slice %arg14[%add3A_102, %dma_start3A_106] : memref<14x128xi32, #tpu.memory_space<vmem>> -> memref<1x128xi32, #tpu.memory_space<vmem>>
        %dma_start3A_108 = tpu.memref_squeeze %dma_start3A_107 : memref<1x128xi32, #tpu.memory_space<vmem>> -> memref<128xi32, #tpu.memory_space<vmem>>
        %dma_start3A_109 = arith.constant 0 : i32
        %dma_start3A_110 = tpu.memref_slice %arg11[%dma_start3A_109] : memref<512xf32, #tpu.memory_space<vmem_shared>> -> memref<512xf32, #tpu.memory_space<vmem_shared>>
        tpu.enqueue_indirect_dma source(%dma_start3A_105 : memref<128xf32, #tpu.memory_space<vmem>>) target(%dma_start3A_110 : memref<512xf32, #tpu.memory_space<vmem_shared>>) offsets(%dma_start3A_108 : memref<128xi32, #tpu.memory_space<vmem>>) semaphore(%run_scoped3A_103 : memref<!tpu.dma_semaphore, #tpu.memory_space<semaphore_mem>>) {add = true}
        %dma_wait3A_111 = arith.constant 0 : i32
        %dma_wait3A_112 = tpu.memref_slice %arg17[%dma_wait3A_111] : memref<128xf32, #tpu.memory_space<vmem>> -> memref<128xf32, #tpu.memory_space<vmem>>
        %dma_wait3A_113 = arith.constant 0 : i32
        %dma_wait3A_114 = tpu.memref_slice %arg14[%add3A_102, %dma_wait3A_113] : memref<14x128xi32, #tpu.memory_space<vmem>> -> memref<1x128xi32, #tpu.memory_space<vmem>>
        %dma_wait3A_115 = tpu.memref_squeeze %dma_wait3A_114 : memref<1x128xi32, #tpu.memory_space<vmem>> -> memref<128xi32, #tpu.memory_space<vmem>>
        %dma_wait3A_116 = arith.constant 0 : i32
        %dma_wait3A_117 = tpu.memref_slice %arg11[%dma_wait3A_116] : memref<512xf32, #tpu.memory_space<vmem_shared>> -> memref<512xf32, #tpu.memory_space<vmem_shared>>
        tpu.wait_indirect_dma semaphore(%run_scoped3A_103 : memref<!tpu.dma_semaphore, #tpu.memory_space<semaphore_mem>>) src(%dma_wait3A_112 : memref<128xf32, #tpu.memory_space<vmem>>) dst(%dma_wait3A_117 : memref<512xf32, #tpu.memory_space<vmem_shared>>)
        tpu.yield
      }) : () -> ()
    }
    %scan3A_87 = arith.constant 14 : i32
    %barrier3A_88 = arith.constant 0 : index
    tpu.barrier barrier_id(%barrier3A_88)
    %mul3A_89 = arith.constant 3200 : i32
    %mul3A_90 = arith.muli %arg1, %mul3A_89 : i32
    %mul3A_91 = arith.constant 3200 : i32
    %mul3A_92 = arith.muli %arg1, %mul3A_91 : i32
    "tpu.region"() ({
      %run_scoped3A_98 = tpu.sem_alloc : memref<!tpu.dma_semaphore, #tpu.memory_space<semaphore_mem>>
      %dma_start3A_99 = tpu.memref_slice %arg7[%arg0, %mul3A_92] : memref<2x51200xf32, #tpu.memory_space<hbm>> -> memref<1x3200xf32, #tpu.memory_space<hbm>>
      %dma_start3A_100 = tpu.memref_squeeze %dma_start3A_99 : memref<1x3200xf32, #tpu.memory_space<hbm>> -> memref<3200xf32, #tpu.memory_space<hbm>>
      %dma_start3A_101 = tpu.memref_slice %arg10[%mul3A_90] : memref<51200xf32, #tpu.memory_space<vmem_shared>> -> memref<3200xf32, #tpu.memory_space<vmem_shared>>
      tpu.enqueue_dma source(%dma_start3A_101 : memref<3200xf32, #tpu.memory_space<vmem_shared>>) target(%dma_start3A_100 : memref<3200xf32, #tpu.memory_space<hbm>>) target_semaphore(%run_scoped3A_98 : memref<!tpu.dma_semaphore, #tpu.memory_space<semaphore_mem>>)
      %dma_wait3A_102 = tpu.memref_slice %arg7[%arg0, %mul3A_92] : memref<2x51200xf32, #tpu.memory_space<hbm>> -> memref<1x3200xf32, #tpu.memory_space<hbm>>
      %dma_wait3A_103 = tpu.memref_squeeze %dma_wait3A_102 : memref<1x3200xf32, #tpu.memory_space<hbm>> -> memref<3200xf32, #tpu.memory_space<hbm>>
      %dma_wait3A_104 = tpu.memref_slice %arg10[%mul3A_90] : memref<51200xf32, #tpu.memory_space<vmem_shared>> -> memref<3200xf32, #tpu.memory_space<vmem_shared>>
      tpu.wait_dma2 semaphore(%run_scoped3A_98 : memref<!tpu.dma_semaphore, #tpu.memory_space<semaphore_mem>>) src(%dma_wait3A_104 : memref<3200xf32, #tpu.memory_space<vmem_shared>>) dst(%dma_wait3A_103 : memref<3200xf32, #tpu.memory_space<hbm>>)
      tpu.yield
    }) : () -> ()
    %eq3A_93 = arith.constant 0 : i32
    %eq3A_94 = arith.cmpi eq, %arg1, %eq3A_93 : i32
    %convert_element_type3A_95 = arith.extui %eq3A_94 : i1 to i32
    %cond3A_96 = arith.constant 0 : i32
    %cond3A_97 = arith.cmpi ne, %convert_element_type3A_95, %cond3A_96 : i32
    scf.if %cond3A_97 {
      "tpu.region"() ({
        %run_scoped3A_98 = tpu.sem_alloc : memref<!tpu.dma_semaphore, #tpu.memory_space<semaphore_mem>>
        %dma_start3A_99 = arith.constant 0 : i32
        %dma_start3A_100 = tpu.memref_slice %arg8[%arg0, %dma_start3A_99] : memref<2x512xf32, #tpu.memory_space<hbm>> -> memref<1x512xf32, #tpu.memory_space<hbm>>
        %dma_start3A_101 = tpu.memref_squeeze %dma_start3A_100 : memref<1x512xf32, #tpu.memory_space<hbm>> -> memref<512xf32, #tpu.memory_space<hbm>>
        tpu.enqueue_dma source(%arg11 : memref<512xf32, #tpu.memory_space<vmem_shared>>) target(%dma_start3A_101 : memref<512xf32, #tpu.memory_space<hbm>>) target_semaphore(%run_scoped3A_98 : memref<!tpu.dma_semaphore, #tpu.memory_space<semaphore_mem>>)
        %dma_wait3A_102 = arith.constant 0 : i32
        %dma_wait3A_103 = tpu.memref_slice %arg8[%arg0, %dma_wait3A_102] : memref<2x512xf32, #tpu.memory_space<hbm>> -> memref<1x512xf32, #tpu.memory_space<hbm>>
        %dma_wait3A_104 = tpu.memref_squeeze %dma_wait3A_103 : memref<1x512xf32, #tpu.memory_space<hbm>> -> memref<512xf32, #tpu.memory_space<hbm>>
        tpu.wait_dma2 semaphore(%run_scoped3A_98 : memref<!tpu.dma_semaphore, #tpu.memory_space<semaphore_mem>>) src(%arg11 : memref<512xf32, #tpu.memory_space<vmem_shared>>) dst(%dma_wait3A_104 : memref<512xf32, #tpu.memory_space<hbm>>)
        tpu.yield
      }) : () -> ()
    } else {
    }
    return
  }
}

#map = affine_map<(d0, d1) -> (0, 0)>
#map1 = affine_map<(d0, d1) -> (0, 0, 0)>
module attributes {stable_mosaic.version = 14 : i64} {
  func.func @_sc_pool(%arg0: i32, %arg1: i32, %arg2: memref<57344x32xf32, #tpu.memory_space<hbm>>, %arg3: memref<32x14x128xi32, #tpu.memory_space<hbm>>, %arg4: memref<2x256x32xf32, #tpu.memory_space<hbm>>, %arg5: memref<512x32xf32, #tpu.memory_space<vmem_shared>>, %arg6: memref<14x128xi32, #tpu.memory_space<vmem>>, %arg7: memref<2x128x32xf32, #tpu.memory_space<vmem>>, %arg8: memref<32x32xf32, #tpu.memory_space<vmem>>, %arg9: memref<!tpu.dma_semaphore, #tpu.memory_space<semaphore_mem>>, %arg10: memref<!tpu.dma_semaphore, #tpu.memory_space<semaphore_mem>>) attributes {dimension_semantics = [#tpu.dimension_semantics<core_parallel>, #tpu.dimension_semantics<subcore_parallel>], iteration_bounds = array<i64: 2, 16>, scalar_prefetch = 0 : i64, scratch_operands = 6 : i64, tpu.core_type = #tpu.core_type<sc_vector_subcore>, window_params = [{transform_indices = #map}, {transform_indices = #map1}, {transform_indices = #map1}]} {
    %mul3A = arith.constant 16 : i32
    %mul3A_0 = arith.muli %arg0, %mul3A : i32
    %add3A = arith.addi %mul3A_0, %arg1 : i32
    %scan3A = arith.constant 0 : i32
    %scan3A_1 = arith.constant 32 : i32
    %scan3A_2 = arith.addi %scan3A, %scan3A_1 : i32
    %scan3A_3 = arith.constant 1 : i32
    scf.for %scan3A_86 = %scan3A to %scan3A_2 step %scan3A_3  : i32 {
      %mul3A_87 = arith.constant 1 : i32
      %mul3A_88 = arith.muli %scan3A_86, %mul3A_87 : i32
      %add3A_89 = arith.constant 0 : i32
      %add3A_90 = arith.addi %add3A_89, %mul3A_88 : i32
      %broadcast_in_dim3A = arith.constant 0.000000e+00 : f32
      %broadcast_in_dim3A_91 = vector.broadcast %broadcast_in_dim3A : f32 to vector<16xf32>
      %swap3A = arith.index_cast %add3A_90 : i32 to index
      %swap3A_92 = arith.constant 0 : index
      %swap3A_93 = tpu.vector_load %arg8[%swap3A, %swap3A_92] {strides = array<i32>} : memref<32x32xf32, #tpu.memory_space<vmem>>, vector<1x16xf32>,
      %swap3A_94 = vector.shape_cast %swap3A_93 : vector<1x16xf32> to vector<16xf32>
      %swap3A_95 = vector.shape_cast %broadcast_in_dim3A_91 : vector<16xf32> to vector<1x16xf32>
      tpu.vector_store %arg8[%swap3A, %swap3A_92], %swap3A_95 {strides = array<i32>} : memref<32x32xf32, #tpu.memory_space<vmem>>, vector<1x16xf32>,
      %broadcast_in_dim3A_96 = arith.constant 0.000000e+00 : f32
      %broadcast_in_dim3A_97 = vector.broadcast %broadcast_in_dim3A_96 : f32 to vector<16xf32>
      %swap3A_98 = arith.index_cast %add3A_90 : i32 to index
      %swap3A_99 = arith.constant 16 : index
      %swap3A_100 = tpu.vector_load %arg8[%swap3A_98, %swap3A_99] {strides = array<i32>} : memref<32x32xf32, #tpu.memory_space<vmem>>, vector<1x16xf32>,
      %swap3A_101 = vector.shape_cast %swap3A_100 : vector<1x16xf32> to vector<16xf32>
      %swap3A_102 = vector.shape_cast %broadcast_in_dim3A_97 : vector<16xf32> to vector<1x16xf32>
      tpu.vector_store %arg8[%swap3A_98, %swap3A_99], %swap3A_102 {strides = array<i32>} : memref<32x32xf32, #tpu.memory_space<vmem>>, vector<1x16xf32>,
    }
    %scan3A_4 = arith.constant 32 : i32
    %mul3A_5 = arith.constant 32 : i32
    %mul3A_6 = arith.muli %arg1, %mul3A_5 : i32
    "tpu.region"() ({
      %run_scoped3A_86 = tpu.sem_alloc : memref<!tpu.dma_semaphore, #tpu.memory_space<semaphore_mem>>
      %dma_start3A_87 = arith.constant 0 : i32
      %dma_start3A_88 = tpu.memref_slice %arg5[%mul3A_6, %dma_start3A_87] : memref<512x32xf32, #tpu.memory_space<vmem_shared>> -> memref<32x32xf32, #tpu.memory_space<vmem_shared>>
      %dma_start3A_89 = arith.constant 0 : i32
      %dma_start3A_90 = tpu.memref_slice %arg5[%mul3A_6, %dma_start3A_89] : memref<512x32xf32, #tpu.memory_space<vmem_shared>> -> memref<32x32xf32, #tpu.memory_space<vmem_shared>>
      tpu.enqueue_dma source(%arg8 : memref<32x32xf32, #tpu.memory_space<vmem>>) target(%dma_start3A_90 : memref<32x32xf32, #tpu.memory_space<vmem_shared>>) target_semaphore(%run_scoped3A_86 : memref<!tpu.dma_semaphore, #tpu.memory_space<semaphore_mem>>)
      %dma_wait3A_91 = arith.constant 0 : i32
      %dma_wait3A_92 = tpu.memref_slice %arg5[%mul3A_6, %dma_wait3A_91] : memref<512x32xf32, #tpu.memory_space<vmem_shared>> -> memref<32x32xf32, #tpu.memory_space<vmem_shared>>
      %dma_wait3A_93 = arith.constant 0 : i32
      %dma_wait3A_94 = tpu.memref_slice %arg5[%mul3A_6, %dma_wait3A_93] : memref<512x32xf32, #tpu.memory_space<vmem_shared>> -> memref<32x32xf32, #tpu.memory_space<vmem_shared>>
      tpu.wait_dma2 semaphore(%run_scoped3A_86 : memref<!tpu.dma_semaphore, #tpu.memory_space<semaphore_mem>>) src(%arg8 : memref<32x32xf32, #tpu.memory_space<vmem>>) dst(%dma_wait3A_94 : memref<32x32xf32, #tpu.memory_space<vmem_shared>>)
      tpu.yield
    }) : () -> ()
    "tpu.region"() ({
      %run_scoped3A_86 = tpu.sem_alloc : memref<!tpu.dma_semaphore, #tpu.memory_space<semaphore_mem>>
      %dma_start3A_87 = arith.constant 0 : i32
      %dma_start3A_88 = arith.constant 0 : i32
      %dma_start3A_89 = tpu.memref_slice %arg3[%add3A, %dma_start3A_87, %dma_start3A_88] : memref<32x14x128xi32, #tpu.memory_space<hbm>> -> memref<1x14x128xi32, #tpu.memory_space<hbm>>
      %dma_start3A_90 = tpu.memref_squeeze %dma_start3A_89 : memref<1x14x128xi32, #tpu.memory_space<hbm>> -> memref<14x128xi32, #tpu.memory_space<hbm>>
      %dma_start3A_91 = arith.constant 0 : i32
      %dma_start3A_92 = arith.constant 0 : i32
      %dma_start3A_93 = tpu.memref_slice %arg3[%add3A, %dma_start3A_91, %dma_start3A_92] : memref<32x14x128xi32, #tpu.memory_space<hbm>> -> memref<1x14x128xi32, #tpu.memory_space<hbm>>
      %dma_start3A_94 = tpu.memref_squeeze %dma_start3A_93 : memref<1x14x128xi32, #tpu.memory_space<hbm>> -> memref<14x128xi32, #tpu.memory_space<hbm>>
      tpu.enqueue_dma source(%dma_start3A_94 : memref<14x128xi32, #tpu.memory_space<hbm>>) target(%arg6 : memref<14x128xi32, #tpu.memory_space<vmem>>) target_semaphore(%run_scoped3A_86 : memref<!tpu.dma_semaphore, #tpu.memory_space<semaphore_mem>>)
      %dma_wait3A_95 = arith.constant 0 : i32
      %dma_wait3A_96 = arith.constant 0 : i32
      %dma_wait3A_97 = tpu.memref_slice %arg3[%add3A, %dma_wait3A_95, %dma_wait3A_96] : memref<32x14x128xi32, #tpu.memory_space<hbm>> -> memref<1x14x128xi32, #tpu.memory_space<hbm>>
      %dma_wait3A_98 = tpu.memref_squeeze %dma_wait3A_97 : memref<1x14x128xi32, #tpu.memory_space<hbm>> -> memref<14x128xi32, #tpu.memory_space<hbm>>
      %dma_wait3A_99 = arith.constant 0 : i32
      %dma_wait3A_100 = arith.constant 0 : i32
      %dma_wait3A_101 = tpu.memref_slice %arg3[%add3A, %dma_wait3A_99, %dma_wait3A_100] : memref<32x14x128xi32, #tpu.memory_space<hbm>> -> memref<1x14x128xi32, #tpu.memory_space<hbm>>
      %dma_wait3A_102 = tpu.memref_squeeze %dma_wait3A_101 : memref<1x14x128xi32, #tpu.memory_space<hbm>> -> memref<14x128xi32, #tpu.memory_space<hbm>>
      tpu.wait_dma2 semaphore(%run_scoped3A_86 : memref<!tpu.dma_semaphore, #tpu.memory_space<semaphore_mem>>) src(%dma_wait3A_102 : memref<14x128xi32, #tpu.memory_space<hbm>>) dst(%arg6 : memref<14x128xi32, #tpu.memory_space<vmem>>)
      tpu.yield
    }) : () -> ()
    %barrier3A = arith.constant 0 : index
    tpu.barrier barrier_id(%barrier3A)
    %mul3A_7 = arith.constant 14 : i32
    %mul3A_8 = arith.muli %add3A, %mul3A_7 : i32
    %add3A_9 = arith.constant 0 : i32
    %add3A_10 = arith.addi %mul3A_8, %add3A_9 : i32
    %mul3A_11 = arith.constant 128 : i32
    %mul3A_12 = arith.muli %add3A_10, %mul3A_11 : i32
    %dma_start3A = arith.constant 0 : i32
    %dma_start3A_13 = arith.constant 0 : i32
    %dma_start3A_14 = arith.constant 0 : i32
    %dma_start3A_15 = tpu.memref_slice %arg7[%dma_start3A, %dma_start3A_13, %dma_start3A_14] : memref<2x128x32xf32, #tpu.memory_space<vmem>> -> memref<1x128x32xf32, #tpu.memory_space<vmem>>
    %dma_start3A_16 = tpu.memref_squeeze %dma_start3A_15 : memref<1x128x32xf32, #tpu.memory_space<vmem>> -> memref<128x32xf32, #tpu.memory_space<vmem>>
    %dma_start3A_17 = arith.constant 0 : i32
    %dma_start3A_18 = tpu.memref_slice %arg2[%mul3A_12, %dma_start3A_17] : memref<57344x32xf32, #tpu.memory_space<hbm>> -> memref<128x32xf32, #tpu.memory_space<hbm>>
    %dma_start3A_19 = arith.constant 0 : i32
    %dma_start3A_20 = arith.constant 0 : i32
    %dma_start3A_21 = tpu.memref_slice %arg7[%dma_start3A, %dma_start3A_19, %dma_start3A_20] : memref<2x128x32xf32, #tpu.memory_space<vmem>> -> memref<1x128x32xf32, #tpu.memory_space<vmem>>
    %dma_start3A_22 = tpu.memref_squeeze %dma_start3A_21 : memref<1x128x32xf32, #tpu.memory_space<vmem>> -> memref<128x32xf32, #tpu.memory_space<vmem>>
    %dma_start3A_23 = arith.constant 0 : i32
    %dma_start3A_24 = tpu.memref_slice %arg2[%mul3A_12, %dma_start3A_23] : memref<57344x32xf32, #tpu.memory_space<hbm>> -> memref<128x32xf32, #tpu.memory_space<hbm>>
    tpu.enqueue_dma source(%dma_start3A_24 : memref<128x32xf32, #tpu.memory_space<hbm>>) target(%dma_start3A_22 : memref<128x32xf32, #tpu.memory_space<vmem>>) target_semaphore(%arg9 : memref<!tpu.dma_semaphore, #tpu.memory_space<semaphore_mem>>)
    %mul3A_25 = arith.constant 14 : i32
    %mul3A_26 = arith.muli %add3A, %mul3A_25 : i32
    %add3A_27 = arith.constant 1 : i32
    %add3A_28 = arith.addi %mul3A_26, %add3A_27 : i32
    %mul3A_29 = arith.constant 128 : i32
    %mul3A_30 = arith.muli %add3A_28, %mul3A_29 : i32
    %dma_start3A_31 = arith.constant 1 : i32
    %dma_start3A_32 = arith.constant 0 : i32
    %dma_start3A_33 = arith.constant 0 : i32
    %dma_start3A_34 = tpu.memref_slice %arg7[%dma_start3A_31, %dma_start3A_32, %dma_start3A_33] : memref<2x128x32xf32, #tpu.memory_space<vmem>> -> memref<1x128x32xf32, #tpu.memory_space<vmem>>
    %dma_start3A_35 = tpu.memref_squeeze %dma_start3A_34 : memref<1x128x32xf32, #tpu.memory_space<vmem>> -> memref<128x32xf32, #tpu.memory_space<vmem>>
    %dma_start3A_36 = arith.constant 0 : i32
    %dma_start3A_37 = tpu.memref_slice %arg2[%mul3A_30, %dma_start3A_36] : memref<57344x32xf32, #tpu.memory_space<hbm>> -> memref<128x32xf32, #tpu.memory_space<hbm>>
    %dma_start3A_38 = arith.constant 0 : i32
    %dma_start3A_39 = arith.constant 0 : i32
    %dma_start3A_40 = tpu.memref_slice %arg7[%dma_start3A_31, %dma_start3A_38, %dma_start3A_39] : memref<2x128x32xf32, #tpu.memory_space<vmem>> -> memref<1x128x32xf32, #tpu.memory_space<vmem>>
    %dma_start3A_41 = tpu.memref_squeeze %dma_start3A_40 : memref<1x128x32xf32, #tpu.memory_space<vmem>> -> memref<128x32xf32, #tpu.memory_space<vmem>>
    %dma_start3A_42 = arith.constant 0 : i32
    %dma_start3A_43 = tpu.memref_slice %arg2[%mul3A_30, %dma_start3A_42] : memref<57344x32xf32, #tpu.memory_space<hbm>> -> memref<128x32xf32, #tpu.memory_space<hbm>>
    tpu.enqueue_dma source(%dma_start3A_43 : memref<128x32xf32, #tpu.memory_space<hbm>>) target(%dma_start3A_41 : memref<128x32xf32, #tpu.memory_space<vmem>>) target_semaphore(%arg10 : memref<!tpu.dma_semaphore, #tpu.memory_space<semaphore_mem>>)
    %scan3A_44 = arith.constant 0 : i32
    %scan3A_45 = arith.constant 6 : i32
    %scan3A_46 = arith.addi %scan3A_44, %scan3A_45 : i32
    %scan3A_47 = arith.constant 1 : i32
    scf.for %scan3A_86 = %scan3A_44 to %scan3A_46 step %scan3A_47  : i32 {
      %mul3A_87 = arith.constant 2 : i32
      %mul3A_88 = arith.muli %scan3A_86, %mul3A_87 : i32
      %add3A_89 = arith.constant 0 : i32
      %add3A_90 = arith.addi %add3A_89, %mul3A_88 : i32
      %dma_wait3A_91 = arith.constant 0 : i32
      %dma_wait3A_92 = arith.constant 0 : i32
      %dma_wait3A_93 = arith.constant 0 : i32
      %dma_wait3A_94 = tpu.memref_slice %arg7[%dma_wait3A_91, %dma_wait3A_92, %dma_wait3A_93] : memref<2x128x32xf32, #tpu.memory_space<vmem>> -> memref<1x128x32xf32, #tpu.memory_space<vmem>>
      %dma_wait3A_95 = tpu.memref_squeeze %dma_wait3A_94 : memref<1x128x32xf32, #tpu.memory_space<vmem>> -> memref<128x32xf32, #tpu.memory_space<vmem>>
      %dma_wait3A_96 = arith.constant 0 : i32
      %dma_wait3A_97 = arith.constant 0 : i32
      %dma_wait3A_98 = tpu.memref_slice %arg2[%dma_wait3A_96, %dma_wait3A_97] : memref<57344x32xf32, #tpu.memory_space<hbm>> -> memref<128x32xf32, #tpu.memory_space<hbm>>
      %dma_wait3A_99 = arith.constant 0 : i32
      %dma_wait3A_100 = arith.constant 0 : i32
      %dma_wait3A_101 = tpu.memref_slice %arg7[%dma_wait3A_91, %dma_wait3A_99, %dma_wait3A_100] : memref<2x128x32xf32, #tpu.memory_space<vmem>> -> memref<1x128x32xf32, #tpu.memory_space<vmem>>
      %dma_wait3A_102 = tpu.memref_squeeze %dma_wait3A_101 : memref<1x128x32xf32, #tpu.memory_space<vmem>> -> memref<128x32xf32, #tpu.memory_space<vmem>>
      %dma_wait3A_103 = arith.constant 0 : i32
      %dma_wait3A_104 = arith.constant 0 : i32
      %dma_wait3A_105 = tpu.memref_slice %arg2[%dma_wait3A_103, %dma_wait3A_104] : memref<57344x32xf32, #tpu.memory_space<hbm>> -> memref<128x32xf32, #tpu.memory_space<hbm>>
      tpu.wait_dma2 semaphore(%arg9 : memref<!tpu.dma_semaphore, #tpu.memory_space<semaphore_mem>>) src(%dma_wait3A_105 : memref<128x32xf32, #tpu.memory_space<hbm>>) dst(%dma_wait3A_102 : memref<128x32xf32, #tpu.memory_space<vmem>>)
      %run_scoped3A_106 = arith.constant 0 : i32
      "tpu.region"() ({
        %run_scoped3A_165 = tpu.sem_alloc : memref<!tpu.dma_semaphore, #tpu.memory_space<semaphore_mem>>
        %dma_start3A_166 = arith.constant 0 : i32
        %dma_start3A_167 = arith.constant 0 : i32
        %dma_start3A_168 = tpu.memref_slice %arg7[%run_scoped3A_106, %dma_start3A_166, %dma_start3A_167] : memref<2x128x32xf32, #tpu.memory_space<vmem>> -> memref<1x128x32xf32, #tpu.memory_space<vmem>>
        %dma_start3A_169 = tpu.memref_squeeze %dma_start3A_168 : memref<1x128x32xf32, #tpu.memory_space<vmem>> -> memref<128x32xf32, #tpu.memory_space<vmem>>
        %dma_start3A_170 = arith.constant 0 : i32
        %dma_start3A_171 = tpu.memref_slice %arg6[%add3A_90, %dma_start3A_170] : memref<14x128xi32, #tpu.memory_space<vmem>> -> memref<1x128xi32, #tpu.memory_space<vmem>>
        %dma_start3A_172 = tpu.memref_squeeze %dma_start3A_171 : memref<1x128xi32, #tpu.memory_space<vmem>> -> memref<128xi32, #tpu.memory_space<vmem>>
        %dma_start3A_173 = arith.constant 0 : i32
        %dma_start3A_174 = arith.constant 0 : i32
        %dma_start3A_175 = tpu.memref_slice %arg5[%dma_start3A_173, %dma_start3A_174] : memref<512x32xf32, #tpu.memory_space<vmem_shared>> -> memref<512x32xf32, #tpu.memory_space<vmem_shared>>
        tpu.enqueue_indirect_dma source(%dma_start3A_169 : memref<128x32xf32, #tpu.memory_space<vmem>>) target(%dma_start3A_175 : memref<512x32xf32, #tpu.memory_space<vmem_shared>>) offsets(%dma_start3A_172 : memref<128xi32, #tpu.memory_space<vmem>>) semaphore(%run_scoped3A_165 : memref<!tpu.dma_semaphore, #tpu.memory_space<semaphore_mem>>) {add = true}
        %dma_wait3A_176 = arith.constant 0 : i32
        %dma_wait3A_177 = arith.constant 0 : i32
        %dma_wait3A_178 = tpu.memref_slice %arg7[%run_scoped3A_106, %dma_wait3A_176, %dma_wait3A_177] : memref<2x128x32xf32, #tpu.memory_space<vmem>> -> memref<1x128x32xf32, #tpu.memory_space<vmem>>
        %dma_wait3A_179 = tpu.memref_squeeze %dma_wait3A_178 : memref<1x128x32xf32, #tpu.memory_space<vmem>> -> memref<128x32xf32, #tpu.memory_space<vmem>>
        %dma_wait3A_180 = arith.constant 0 : i32
        %dma_wait3A_181 = tpu.memref_slice %arg6[%add3A_90, %dma_wait3A_180] : memref<14x128xi32, #tpu.memory_space<vmem>> -> memref<1x128xi32, #tpu.memory_space<vmem>>
        %dma_wait3A_182 = tpu.memref_squeeze %dma_wait3A_181 : memref<1x128xi32, #tpu.memory_space<vmem>> -> memref<128xi32, #tpu.memory_space<vmem>>
        %dma_wait3A_183 = arith.constant 0 : i32
        %dma_wait3A_184 = arith.constant 0 : i32
        %dma_wait3A_185 = tpu.memref_slice %arg5[%dma_wait3A_183, %dma_wait3A_184] : memref<512x32xf32, #tpu.memory_space<vmem_shared>> -> memref<512x32xf32, #tpu.memory_space<vmem_shared>>
        tpu.wait_indirect_dma semaphore(%run_scoped3A_165 : memref<!tpu.dma_semaphore, #tpu.memory_space<semaphore_mem>>) src(%dma_wait3A_179 : memref<128x32xf32, #tpu.memory_space<vmem>>) dst(%dma_wait3A_185 : memref<512x32xf32, #tpu.memory_space<vmem_shared>>)
        tpu.yield
      }) : () -> ()
      %add3A_107 = arith.constant 2 : i32
      %add3A_108 = arith.addi %add3A_90, %add3A_107 : i32
      %mul3A_109 = arith.constant 14 : i32
      %mul3A_110 = arith.muli %add3A, %mul3A_109 : i32
      %add3A_111 = arith.addi %mul3A_110, %add3A_108 : i32
      %mul3A_112 = arith.constant 128 : i32
      %mul3A_113 = arith.muli %add3A_111, %mul3A_112 : i32
      %dma_start3A_114 = arith.constant 0 : i32
      %dma_start3A_115 = arith.constant 0 : i32
      %dma_start3A_116 = arith.constant 0 : i32
      %dma_start3A_117 = tpu.memref_slice %arg7[%dma_start3A_114, %dma_start3A_115, %dma_start3A_116] : memref<2x128x32xf32, #tpu.memory_space<vmem>> -> memref<1x128x32xf32, #tpu.memory_space<vmem>>
      %dma_start3A_118 = tpu.memref_squeeze %dma_start3A_117 : memref<1x128x32xf32, #tpu.memory_space<vmem>> -> memref<128x32xf32, #tpu.memory_space<vmem>>
      %dma_start3A_119 = arith.constant 0 : i32
      %dma_start3A_120 = tpu.memref_slice %arg2[%mul3A_113, %dma_start3A_119] : memref<57344x32xf32, #tpu.memory_space<hbm>> -> memref<128x32xf32, #tpu.memory_space<hbm>>
      %dma_start3A_121 = arith.constant 0 : i32
      %dma_start3A_122 = arith.constant 0 : i32
      %dma_start3A_123 = tpu.memref_slice %arg7[%dma_start3A_114, %dma_start3A_121, %dma_start3A_122] : memref<2x128x32xf32, #tpu.memory_space<vmem>> -> memref<1x128x32xf32, #tpu.memory_space<vmem>>
      %dma_start3A_124 = tpu.memref_squeeze %dma_start3A_123 : memref<1x128x32xf32, #tpu.memory_space<vmem>> -> memref<128x32xf32, #tpu.memory_space<vmem>>
      %dma_start3A_125 = arith.constant 0 : i32
      %dma_start3A_126 = tpu.memref_slice %arg2[%mul3A_113, %dma_start3A_125] : memref<57344x32xf32, #tpu.memory_space<hbm>> -> memref<128x32xf32, #tpu.memory_space<hbm>>
      tpu.enqueue_dma source(%dma_start3A_126 : memref<128x32xf32, #tpu.memory_space<hbm>>) target(%dma_start3A_124 : memref<128x32xf32, #tpu.memory_space<vmem>>) target_semaphore(%arg9 : memref<!tpu.dma_semaphore, #tpu.memory_space<semaphore_mem>>)
      %dma_wait3A_127 = arith.constant 1 : i32
      %dma_wait3A_128 = arith.constant 0 : i32
      %dma_wait3A_129 = arith.constant 0 : i32
      %dma_wait3A_130 = tpu.memref_slice %arg7[%dma_wait3A_127, %dma_wait3A_128, %dma_wait3A_129] : memref<2x128x32xf32, #tpu.memory_space<vmem>> -> memref<1x128x32xf32, #tpu.memory_space<vmem>>
      %dma_wait3A_131 = tpu.memref_squeeze %dma_wait3A_130 : memref<1x128x32xf32, #tpu.memory_space<vmem>> -> memref<128x32xf32, #tpu.memory_space<vmem>>
      %dma_wait3A_132 = arith.constant 0 : i32
      %dma_wait3A_133 = arith.constant 0 : i32
      %dma_wait3A_134 = tpu.memref_slice %arg2[%dma_wait3A_132, %dma_wait3A_133] : memref<57344x32xf32, #tpu.memory_space<hbm>> -> memref<128x32xf32, #tpu.memory_space<hbm>>
      %dma_wait3A_135 = arith.constant 0 : i32
      %dma_wait3A_136 = arith.constant 0 : i32
      %dma_wait3A_137 = tpu.memref_slice %arg7[%dma_wait3A_127, %dma_wait3A_135, %dma_wait3A_136] : memref<2x128x32xf32, #tpu.memory_space<vmem>> -> memref<1x128x32xf32, #tpu.memory_space<vmem>>
      %dma_wait3A_138 = tpu.memref_squeeze %dma_wait3A_137 : memref<1x128x32xf32, #tpu.memory_space<vmem>> -> memref<128x32xf32, #tpu.memory_space<vmem>>
      %dma_wait3A_139 = arith.constant 0 : i32
      %dma_wait3A_140 = arith.constant 0 : i32
      %dma_wait3A_141 = tpu.memref_slice %arg2[%dma_wait3A_139, %dma_wait3A_140] : memref<57344x32xf32, #tpu.memory_space<hbm>> -> memref<128x32xf32, #tpu.memory_space<hbm>>
      tpu.wait_dma2 semaphore(%arg10 : memref<!tpu.dma_semaphore, #tpu.memory_space<semaphore_mem>>) src(%dma_wait3A_141 : memref<128x32xf32, #tpu.memory_space<hbm>>) dst(%dma_wait3A_138 : memref<128x32xf32, #tpu.memory_space<vmem>>)
      %add3A_142 = arith.constant 1 : i32
      %add3A_143 = arith.addi %add3A_90, %add3A_142 : i32
      %run_scoped3A_144 = arith.constant 1 : i32
      "tpu.region"() ({
        %run_scoped3A_165 = tpu.sem_alloc : memref<!tpu.dma_semaphore, #tpu.memory_space<semaphore_mem>>
        %dma_start3A_166 = arith.constant 0 : i32
        %dma_start3A_167 = arith.constant 0 : i32
        %dma_start3A_168 = tpu.memref_slice %arg7[%run_scoped3A_144, %dma_start3A_166, %dma_start3A_167] : memref<2x128x32xf32, #tpu.memory_space<vmem>> -> memref<1x128x32xf32, #tpu.memory_space<vmem>>
        %dma_start3A_169 = tpu.memref_squeeze %dma_start3A_168 : memref<1x128x32xf32, #tpu.memory_space<vmem>> -> memref<128x32xf32, #tpu.memory_space<vmem>>
        %dma_start3A_170 = arith.constant 0 : i32
        %dma_start3A_171 = tpu.memref_slice %arg6[%add3A_143, %dma_start3A_170] : memref<14x128xi32, #tpu.memory_space<vmem>> -> memref<1x128xi32, #tpu.memory_space<vmem>>
        %dma_start3A_172 = tpu.memref_squeeze %dma_start3A_171 : memref<1x128xi32, #tpu.memory_space<vmem>> -> memref<128xi32, #tpu.memory_space<vmem>>
        %dma_start3A_173 = arith.constant 0 : i32
        %dma_start3A_174 = arith.constant 0 : i32
        %dma_start3A_175 = tpu.memref_slice %arg5[%dma_start3A_173, %dma_start3A_174] : memref<512x32xf32, #tpu.memory_space<vmem_shared>> -> memref<512x32xf32, #tpu.memory_space<vmem_shared>>
        tpu.enqueue_indirect_dma source(%dma_start3A_169 : memref<128x32xf32, #tpu.memory_space<vmem>>) target(%dma_start3A_175 : memref<512x32xf32, #tpu.memory_space<vmem_shared>>) offsets(%dma_start3A_172 : memref<128xi32, #tpu.memory_space<vmem>>) semaphore(%run_scoped3A_165 : memref<!tpu.dma_semaphore, #tpu.memory_space<semaphore_mem>>) {add = true}
        %dma_wait3A_176 = arith.constant 0 : i32
        %dma_wait3A_177 = arith.constant 0 : i32
        %dma_wait3A_178 = tpu.memref_slice %arg7[%run_scoped3A_144, %dma_wait3A_176, %dma_wait3A_177] : memref<2x128x32xf32, #tpu.memory_space<vmem>> -> memref<1x128x32xf32, #tpu.memory_space<vmem>>
        %dma_wait3A_179 = tpu.memref_squeeze %dma_wait3A_178 : memref<1x128x32xf32, #tpu.memory_space<vmem>> -> memref<128x32xf32, #tpu.memory_space<vmem>>
        %dma_wait3A_180 = arith.constant 0 : i32
        %dma_wait3A_181 = tpu.memref_slice %arg6[%add3A_143, %dma_wait3A_180] : memref<14x128xi32, #tpu.memory_space<vmem>> -> memref<1x128xi32, #tpu.memory_space<vmem>>
        %dma_wait3A_182 = tpu.memref_squeeze %dma_wait3A_181 : memref<1x128xi32, #tpu.memory_space<vmem>> -> memref<128xi32, #tpu.memory_space<vmem>>
        %dma_wait3A_183 = arith.constant 0 : i32
        %dma_wait3A_184 = arith.constant 0 : i32
        %dma_wait3A_185 = tpu.memref_slice %arg5[%dma_wait3A_183, %dma_wait3A_184] : memref<512x32xf32, #tpu.memory_space<vmem_shared>> -> memref<512x32xf32, #tpu.memory_space<vmem_shared>>
        tpu.wait_indirect_dma semaphore(%run_scoped3A_165 : memref<!tpu.dma_semaphore, #tpu.memory_space<semaphore_mem>>) src(%dma_wait3A_179 : memref<128x32xf32, #tpu.memory_space<vmem>>) dst(%dma_wait3A_185 : memref<512x32xf32, #tpu.memory_space<vmem_shared>>)
        tpu.yield
      }) : () -> ()
      %add3A_145 = arith.constant 3 : i32
      %add3A_146 = arith.addi %add3A_90, %add3A_145 : i32
      %mul3A_147 = arith.constant 14 : i32
      %mul3A_148 = arith.muli %add3A, %mul3A_147 : i32
      %add3A_149 = arith.addi %mul3A_148, %add3A_146 : i32
      %mul3A_150 = arith.constant 128 : i32
      %mul3A_151 = arith.muli %add3A_149, %mul3A_150 : i32
      %dma_start3A_152 = arith.constant 1 : i32
      %dma_start3A_153 = arith.constant 0 : i32
      %dma_start3A_154 = arith.constant 0 : i32
      %dma_start3A_155 = tpu.memref_slice %arg7[%dma_start3A_152, %dma_start3A_153, %dma_start3A_154] : memref<2x128x32xf32, #tpu.memory_space<vmem>> -> memref<1x128x32xf32, #tpu.memory_space<vmem>>
      %dma_start3A_156 = tpu.memref_squeeze %dma_start3A_155 : memref<1x128x32xf32, #tpu.memory_space<vmem>> -> memref<128x32xf32, #tpu.memory_space<vmem>>
      %dma_start3A_157 = arith.constant 0 : i32
      %dma_start3A_158 = tpu.memref_slice %arg2[%mul3A_151, %dma_start3A_157] : memref<57344x32xf32, #tpu.memory_space<hbm>> -> memref<128x32xf32, #tpu.memory_space<hbm>>
      %dma_start3A_159 = arith.constant 0 : i32
      %dma_start3A_160 = arith.constant 0 : i32
      %dma_start3A_161 = tpu.memref_slice %arg7[%dma_start3A_152, %dma_start3A_159, %dma_start3A_160] : memref<2x128x32xf32, #tpu.memory_space<vmem>> -> memref<1x128x32xf32, #tpu.memory_space<vmem>>
      %dma_start3A_162 = tpu.memref_squeeze %dma_start3A_161 : memref<1x128x32xf32, #tpu.memory_space<vmem>> -> memref<128x32xf32, #tpu.memory_space<vmem>>
      %dma_start3A_163 = arith.constant 0 : i32
      %dma_start3A_164 = tpu.memref_slice %arg2[%mul3A_151, %dma_start3A_163] : memref<57344x32xf32, #tpu.memory_space<hbm>> -> memref<128x32xf32, #tpu.memory_space<hbm>>
      tpu.enqueue_dma source(%dma_start3A_164 : memref<128x32xf32, #tpu.memory_space<hbm>>) target(%dma_start3A_162 : memref<128x32xf32, #tpu.memory_space<vmem>>) target_semaphore(%arg10 : memref<!tpu.dma_semaphore, #tpu.memory_space<semaphore_mem>>)
    }
    %scan3A_48 = arith.constant 6 : i32
    %dma_wait3A = arith.constant 0 : i32
    %dma_wait3A_49 = arith.constant 0 : i32
    %dma_wait3A_50 = arith.constant 0 : i32
    %dma_wait3A_51 = tpu.memref_slice %arg7[%dma_wait3A, %dma_wait3A_49, %dma_wait3A_50] : memref<2x128x32xf32, #tpu.memory_space<vmem>> -> memref<1x128x32xf32, #tpu.memory_space<vmem>>
    %dma_wait3A_52 = tpu.memref_squeeze %dma_wait3A_51 : memref<1x128x32xf32, #tpu.memory_space<vmem>> -> memref<128x32xf32, #tpu.memory_space<vmem>>
    %dma_wait3A_53 = arith.constant 0 : i32
    %dma_wait3A_54 = arith.constant 0 : i32
    %dma_wait3A_55 = tpu.memref_slice %arg2[%dma_wait3A_53, %dma_wait3A_54] : memref<57344x32xf32, #tpu.memory_space<hbm>> -> memref<128x32xf32, #tpu.memory_space<hbm>>
    %dma_wait3A_56 = arith.constant 0 : i32
    %dma_wait3A_57 = arith.constant 0 : i32
    %dma_wait3A_58 = tpu.memref_slice %arg7[%dma_wait3A, %dma_wait3A_56, %dma_wait3A_57] : memref<2x128x32xf32, #tpu.memory_space<vmem>> -> memref<1x128x32xf32, #tpu.memory_space<vmem>>
    %dma_wait3A_59 = tpu.memref_squeeze %dma_wait3A_58 : memref<1x128x32xf32, #tpu.memory_space<vmem>> -> memref<128x32xf32, #tpu.memory_space<vmem>>
    %dma_wait3A_60 = arith.constant 0 : i32
    %dma_wait3A_61 = arith.constant 0 : i32
    %dma_wait3A_62 = tpu.memref_slice %arg2[%dma_wait3A_60, %dma_wait3A_61] : memref<57344x32xf32, #tpu.memory_space<hbm>> -> memref<128x32xf32, #tpu.memory_space<hbm>>
    tpu.wait_dma2 semaphore(%arg9 : memref<!tpu.dma_semaphore, #tpu.memory_space<semaphore_mem>>) src(%dma_wait3A_62 : memref<128x32xf32, #tpu.memory_space<hbm>>) dst(%dma_wait3A_59 : memref<128x32xf32, #tpu.memory_space<vmem>>)
    %run_scoped3A = arith.constant 0 : i32
    %run_scoped3A_63 = arith.constant 12 : i32
    "tpu.region"() ({
      %run_scoped3A_86 = tpu.sem_alloc : memref<!tpu.dma_semaphore, #tpu.memory_space<semaphore_mem>>
      %dma_start3A_87 = arith.constant 0 : i32
      %dma_start3A_88 = arith.constant 0 : i32
      %dma_start3A_89 = tpu.memref_slice %arg7[%run_scoped3A, %dma_start3A_87, %dma_start3A_88] : memref<2x128x32xf32, #tpu.memory_space<vmem>> -> memref<1x128x32xf32, #tpu.memory_space<vmem>>
      %dma_start3A_90 = tpu.memref_squeeze %dma_start3A_89 : memref<1x128x32xf32, #tpu.memory_space<vmem>> -> memref<128x32xf32, #tpu.memory_space<vmem>>
      %dma_start3A_91 = arith.constant 0 : i32
      %dma_start3A_92 = tpu.memref_slice %arg6[%run_scoped3A_63, %dma_start3A_91] : memref<14x128xi32, #tpu.memory_space<vmem>> -> memref<1x128xi32, #tpu.memory_space<vmem>>
      %dma_start3A_93 = tpu.memref_squeeze %dma_start3A_92 : memref<1x128xi32, #tpu.memory_space<vmem>> -> memref<128xi32, #tpu.memory_space<vmem>>
      %dma_start3A_94 = arith.constant 0 : i32
      %dma_start3A_95 = arith.constant 0 : i32
      %dma_start3A_96 = tpu.memref_slice %arg5[%dma_start3A_94, %dma_start3A_95] : memref<512x32xf32, #tpu.memory_space<vmem_shared>> -> memref<512x32xf32, #tpu.memory_space<vmem_shared>>
      tpu.enqueue_indirect_dma source(%dma_start3A_90 : memref<128x32xf32, #tpu.memory_space<vmem>>) target(%dma_start3A_96 : memref<512x32xf32, #tpu.memory_space<vmem_shared>>) offsets(%dma_start3A_93 : memref<128xi32, #tpu.memory_space<vmem>>) semaphore(%run_scoped3A_86 : memref<!tpu.dma_semaphore, #tpu.memory_space<semaphore_mem>>) {add = true}
      %dma_wait3A_97 = arith.constant 0 : i32
      %dma_wait3A_98 = arith.constant 0 : i32
      %dma_wait3A_99 = tpu.memref_slice %arg7[%run_scoped3A, %dma_wait3A_97, %dma_wait3A_98] : memref<2x128x32xf32, #tpu.memory_space<vmem>> -> memref<1x128x32xf32, #tpu.memory_space<vmem>>
      %dma_wait3A_100 = tpu.memref_squeeze %dma_wait3A_99 : memref<1x128x32xf32, #tpu.memory_space<vmem>> -> memref<128x32xf32, #tpu.memory_space<vmem>>
      %dma_wait3A_101 = arith.constant 0 : i32
      %dma_wait3A_102 = tpu.memref_slice %arg6[%run_scoped3A_63, %dma_wait3A_101] : memref<14x128xi32, #tpu.memory_space<vmem>> -> memref<1x128xi32, #tpu.memory_space<vmem>>
      %dma_wait3A_103 = tpu.memref_squeeze %dma_wait3A_102 : memref<1x128xi32, #tpu.memory_space<vmem>> -> memref<128xi32, #tpu.memory_space<vmem>>
      %dma_wait3A_104 = arith.constant 0 : i32
      %dma_wait3A_105 = arith.constant 0 : i32
      %dma_wait3A_106 = tpu.memref_slice %arg5[%dma_wait3A_104, %dma_wait3A_105] : memref<512x32xf32, #tpu.memory_space<vmem_shared>> -> memref<512x32xf32, #tpu.memory_space<vmem_shared>>
      tpu.wait_indirect_dma semaphore(%run_scoped3A_86 : memref<!tpu.dma_semaphore, #tpu.memory_space<semaphore_mem>>) src(%dma_wait3A_100 : memref<128x32xf32, #tpu.memory_space<vmem>>) dst(%dma_wait3A_106 : memref<512x32xf32, #tpu.memory_space<vmem_shared>>)
      tpu.yield
    }) : () -> ()
    %dma_wait3A_64 = arith.constant 1 : i32
    %dma_wait3A_65 = arith.constant 0 : i32
    %dma_wait3A_66 = arith.constant 0 : i32
    %dma_wait3A_67 = tpu.memref_slice %arg7[%dma_wait3A_64, %dma_wait3A_65, %dma_wait3A_66] : memref<2x128x32xf32, #tpu.memory_space<vmem>> -> memref<1x128x32xf32, #tpu.memory_space<vmem>>
    %dma_wait3A_68 = tpu.memref_squeeze %dma_wait3A_67 : memref<1x128x32xf32, #tpu.memory_space<vmem>> -> memref<128x32xf32, #tpu.memory_space<vmem>>
    %dma_wait3A_69 = arith.constant 0 : i32
    %dma_wait3A_70 = arith.constant 0 : i32
    %dma_wait3A_71 = tpu.memref_slice %arg2[%dma_wait3A_69, %dma_wait3A_70] : memref<57344x32xf32, #tpu.memory_space<hbm>> -> memref<128x32xf32, #tpu.memory_space<hbm>>
    %dma_wait3A_72 = arith.constant 0 : i32
    %dma_wait3A_73 = arith.constant 0 : i32
    %dma_wait3A_74 = tpu.memref_slice %arg7[%dma_wait3A_64, %dma_wait3A_72, %dma_wait3A_73] : memref<2x128x32xf32, #tpu.memory_space<vmem>> -> memref<1x128x32xf32, #tpu.memory_space<vmem>>
    %dma_wait3A_75 = tpu.memref_squeeze %dma_wait3A_74 : memref<1x128x32xf32, #tpu.memory_space<vmem>> -> memref<128x32xf32, #tpu.memory_space<vmem>>
    %dma_wait3A_76 = arith.constant 0 : i32
    %dma_wait3A_77 = arith.constant 0 : i32
    %dma_wait3A_78 = tpu.memref_slice %arg2[%dma_wait3A_76, %dma_wait3A_77] : memref<57344x32xf32, #tpu.memory_space<hbm>> -> memref<128x32xf32, #tpu.memory_space<hbm>>
    tpu.wait_dma2 semaphore(%arg10 : memref<!tpu.dma_semaphore, #tpu.memory_space<semaphore_mem>>) src(%dma_wait3A_78 : memref<128x32xf32, #tpu.memory_space<hbm>>) dst(%dma_wait3A_75 : memref<128x32xf32, #tpu.memory_space<vmem>>)
    %run_scoped3A_79 = arith.constant 1 : i32
    %run_scoped3A_80 = arith.constant 13 : i32
    "tpu.region"() ({
      %run_scoped3A_86 = tpu.sem_alloc : memref<!tpu.dma_semaphore, #tpu.memory_space<semaphore_mem>>
      %dma_start3A_87 = arith.constant 0 : i32
      %dma_start3A_88 = arith.constant 0 : i32
      %dma_start3A_89 = tpu.memref_slice %arg7[%run_scoped3A_79, %dma_start3A_87, %dma_start3A_88] : memref<2x128x32xf32, #tpu.memory_space<vmem>> -> memref<1x128x32xf32, #tpu.memory_space<vmem>>
      %dma_start3A_90 = tpu.memref_squeeze %dma_start3A_89 : memref<1x128x32xf32, #tpu.memory_space<vmem>> -> memref<128x32xf32, #tpu.memory_space<vmem>>
      %dma_start3A_91 = arith.constant 0 : i32
      %dma_start3A_92 = tpu.memref_slice %arg6[%run_scoped3A_80, %dma_start3A_91] : memref<14x128xi32, #tpu.memory_space<vmem>> -> memref<1x128xi32, #tpu.memory_space<vmem>>
      %dma_start3A_93 = tpu.memref_squeeze %dma_start3A_92 : memref<1x128xi32, #tpu.memory_space<vmem>> -> memref<128xi32, #tpu.memory_space<vmem>>
      %dma_start3A_94 = arith.constant 0 : i32
      %dma_start3A_95 = arith.constant 0 : i32
      %dma_start3A_96 = tpu.memref_slice %arg5[%dma_start3A_94, %dma_start3A_95] : memref<512x32xf32, #tpu.memory_space<vmem_shared>> -> memref<512x32xf32, #tpu.memory_space<vmem_shared>>
      tpu.enqueue_indirect_dma source(%dma_start3A_90 : memref<128x32xf32, #tpu.memory_space<vmem>>) target(%dma_start3A_96 : memref<512x32xf32, #tpu.memory_space<vmem_shared>>) offsets(%dma_start3A_93 : memref<128xi32, #tpu.memory_space<vmem>>) semaphore(%run_scoped3A_86 : memref<!tpu.dma_semaphore, #tpu.memory_space<semaphore_mem>>) {add = true}
      %dma_wait3A_97 = arith.constant 0 : i32
      %dma_wait3A_98 = arith.constant 0 : i32
      %dma_wait3A_99 = tpu.memref_slice %arg7[%run_scoped3A_79, %dma_wait3A_97, %dma_wait3A_98] : memref<2x128x32xf32, #tpu.memory_space<vmem>> -> memref<1x128x32xf32, #tpu.memory_space<vmem>>
      %dma_wait3A_100 = tpu.memref_squeeze %dma_wait3A_99 : memref<1x128x32xf32, #tpu.memory_space<vmem>> -> memref<128x32xf32, #tpu.memory_space<vmem>>
      %dma_wait3A_101 = arith.constant 0 : i32
      %dma_wait3A_102 = tpu.memref_slice %arg6[%run_scoped3A_80, %dma_wait3A_101] : memref<14x128xi32, #tpu.memory_space<vmem>> -> memref<1x128xi32, #tpu.memory_space<vmem>>
      %dma_wait3A_103 = tpu.memref_squeeze %dma_wait3A_102 : memref<1x128xi32, #tpu.memory_space<vmem>> -> memref<128xi32, #tpu.memory_space<vmem>>
      %dma_wait3A_104 = arith.constant 0 : i32
      %dma_wait3A_105 = arith.constant 0 : i32
      %dma_wait3A_106 = tpu.memref_slice %arg5[%dma_wait3A_104, %dma_wait3A_105] : memref<512x32xf32, #tpu.memory_space<vmem_shared>> -> memref<512x32xf32, #tpu.memory_space<vmem_shared>>
      tpu.wait_indirect_dma semaphore(%run_scoped3A_86 : memref<!tpu.dma_semaphore, #tpu.memory_space<semaphore_mem>>) src(%dma_wait3A_100 : memref<128x32xf32, #tpu.memory_space<vmem>>) dst(%dma_wait3A_106 : memref<512x32xf32, #tpu.memory_space<vmem_shared>>)
      tpu.yield
    }) : () -> ()
    %barrier3A_81 = arith.constant 0 : index
    tpu.barrier barrier_id(%barrier3A_81)
    %mul3A_82 = arith.constant 16 : i32
    %mul3A_83 = arith.muli %arg1, %mul3A_82 : i32
    %mul3A_84 = arith.constant 16 : i32
    %mul3A_85 = arith.muli %arg1, %mul3A_84 : i32
    "tpu.region"() ({
      %run_scoped3A_86 = tpu.sem_alloc : memref<!tpu.dma_semaphore, #tpu.memory_space<semaphore_mem>>
      %dma_start3A_87 = arith.constant 0 : i32
      %dma_start3A_88 = tpu.memref_slice %arg4[%arg0, %mul3A_85, %dma_start3A_87] : memref<2x256x32xf32, #tpu.memory_space<hbm>> -> memref<1x16x32xf32, #tpu.memory_space<hbm>>
      %dma_start3A_89 = tpu.memref_squeeze %dma_start3A_88 : memref<1x16x32xf32, #tpu.memory_space<hbm>> -> memref<16x32xf32, #tpu.memory_space<hbm>>
      %dma_start3A_90 = arith.constant 0 : i32
      %dma_start3A_91 = tpu.memref_slice %arg5[%mul3A_83, %dma_start3A_90] : memref<512x32xf32, #tpu.memory_space<vmem_shared>> -> memref<16x32xf32, #tpu.memory_space<vmem_shared>>
      tpu.enqueue_dma source(%dma_start3A_91 : memref<16x32xf32, #tpu.memory_space<vmem_shared>>) target(%dma_start3A_89 : memref<16x32xf32, #tpu.memory_space<hbm>>) target_semaphore(%run_scoped3A_86 : memref<!tpu.dma_semaphore, #tpu.memory_space<semaphore_mem>>)
      %dma_wait3A_92 = arith.constant 0 : i32
      %dma_wait3A_93 = tpu.memref_slice %arg4[%arg0, %mul3A_85, %dma_wait3A_92] : memref<2x256x32xf32, #tpu.memory_space<hbm>> -> memref<1x16x32xf32, #tpu.memory_space<hbm>>
      %dma_wait3A_94 = tpu.memref_squeeze %dma_wait3A_93 : memref<1x16x32xf32, #tpu.memory_space<hbm>> -> memref<16x32xf32, #tpu.memory_space<hbm>>
      %dma_wait3A_95 = arith.constant 0 : i32
      %dma_wait3A_96 = tpu.memref_slice %arg5[%mul3A_83, %dma_wait3A_95] : memref<512x32xf32, #tpu.memory_space<vmem_shared>> -> memref<16x32xf32, #tpu.memory_space<vmem_shared>>
      tpu.wait_dma2 semaphore(%run_scoped3A_86 : memref<!tpu.dma_semaphore, #tpu.memory_space<semaphore_mem>>) src(%dma_wait3A_96 : memref<16x32xf32, #tpu.memory_space<vmem_shared>>) dst(%dma_wait3A_94 : memref<16x32xf32, #tpu.memory_space<hbm>>)
      tpu.yield
    }) : () -> ()
    return
  }
}

#map = affine_map<(d0, d1) -> (0, 0)>
#map1 = affine_map<(d0, d1) -> (0, 0, 0, 0)>
#map2 = affine_map<(d0, d1) -> (0, 0, 0)>
module attributes {stable_mosaic.version = 14 : i64} {
  func.func @_sc_edge_scatter(%arg0: i32, %arg1: i32, %arg2: memref<50000x32xf32, #tpu.memory_space<hbm>>, %arg3: memref<32x10x20x125xi32, #tpu.memory_space<hbm>>, %arg4: memref<32x10x20x125xi32, #tpu.memory_space<hbm>>, %arg5: memref<2x50000x32xf32, #tpu.memory_space<hbm>>, %arg6: memref<50000x32xf32, #tpu.memory_space<vmem_shared>>, %arg7: memref<20x125xi32, #tpu.memory_space<vmem>>, %arg8: memref<20x125xi32, #tpu.memory_space<vmem>>, %arg9: memref<4x125x32xf32, #tpu.memory_space<vmem>>, %arg10: memref<200x32xf32, #tpu.memory_space<vmem>>, %arg11: memref<!tpu.dma_semaphore, #tpu.memory_space<semaphore_mem>>, %arg12: memref<!tpu.dma_semaphore, #tpu.memory_space<semaphore_mem>>, %arg13: memref<!tpu.dma_semaphore, #tpu.memory_space<semaphore_mem>>, %arg14: memref<!tpu.dma_semaphore, #tpu.memory_space<semaphore_mem>>, %arg15: memref<!tpu.dma_semaphore, #tpu.memory_space<semaphore_mem>>, %arg16: memref<!tpu.dma_semaphore, #tpu.memory_space<semaphore_mem>>, %arg17: memref<!tpu.dma_semaphore, #tpu.memory_space<semaphore_mem>>, %arg18: memref<!tpu.dma_semaphore, #tpu.memory_space<semaphore_mem>>) attributes {dimension_semantics = [#tpu.dimension_semantics<core_parallel>, #tpu.dimension_semantics<subcore_parallel>], iteration_bounds = array<i64: 2, 16>, scalar_prefetch = 0 : i64, scratch_operands = 13 : i64, tpu.core_type = #tpu.core_type<sc_vector_subcore>, window_params = [{transform_indices = #map}, {transform_indices = #map1}, {transform_indices = #map1}, {transform_indices = #map2}]} {
    %mul3A = arith.constant 16 : i32
    %mul3A_0 = arith.muli %arg0, %mul3A : i32
    %add3A = arith.addi %mul3A_0, %arg1 : i32
    %scan3A = arith.constant 0 : i32
    %scan3A_1 = arith.constant 200 : i32
    %scan3A_2 = arith.addi %scan3A, %scan3A_1 : i32
    %scan3A_3 = arith.constant 1 : i32
    scf.for %scan3A_27 = %scan3A to %scan3A_2 step %scan3A_3  : i32 {
      %mul3A_28 = arith.constant 1 : i32
      %mul3A_29 = arith.muli %scan3A_27, %mul3A_28 : i32
      %add3A_30 = arith.constant 0 : i32
      %add3A_31 = arith.addi %add3A_30, %mul3A_29 : i32
      %broadcast_in_dim3A = arith.constant 0.000000e+00 : f32
      %broadcast_in_dim3A_32 = vector.broadcast %broadcast_in_dim3A : f32 to vector<16xf32>
      %swap3A = arith.index_cast %add3A_31 : i32 to index
      %swap3A_33 = arith.constant 0 : index
      %swap3A_34 = tpu.vector_load %arg10[%swap3A, %swap3A_33] {strides = array<i32>} : memref<200x32xf32, #tpu.memory_space<vmem>>, vector<1x16xf32>,
      %swap3A_35 = vector.shape_cast %swap3A_34 : vector<1x16xf32> to vector<16xf32>
      %swap3A_36 = vector.shape_cast %broadcast_in_dim3A_32 : vector<16xf32> to vector<1x16xf32>
      tpu.vector_store %arg10[%swap3A, %swap3A_33], %swap3A_36 {strides = array<i32>} : memref<200x32xf32, #tpu.memory_space<vmem>>, vector<1x16xf32>,
      %broadcast_in_dim3A_37 = arith.constant 0.000000e+00 : f32
      %broadcast_in_dim3A_38 = vector.broadcast %broadcast_in_dim3A_37 : f32 to vector<16xf32>
      %swap3A_39 = arith.index_cast %add3A_31 : i32 to index
      %swap3A_40 = arith.constant 16 : index
      %swap3A_41 = tpu.vector_load %arg10[%swap3A_39, %swap3A_40] {strides = array<i32>} : memref<200x32xf32, #tpu.memory_space<vmem>>, vector<1x16xf32>,
      %swap3A_42 = vector.shape_cast %swap3A_41 : vector<1x16xf32> to vector<16xf32>
      %swap3A_43 = vector.shape_cast %broadcast_in_dim3A_38 : vector<16xf32> to vector<1x16xf32>
      tpu.vector_store %arg10[%swap3A_39, %swap3A_40], %swap3A_43 {strides = array<i32>} : memref<200x32xf32, #tpu.memory_space<vmem>>, vector<1x16xf32>,
    }
    %scan3A_4 = arith.constant 200 : i32
    %lt3A = arith.constant 15 : i32
    %lt3A_5 = arith.cmpi slt, %arg1, %lt3A : i32
    %convert_element_type3A = arith.extui %lt3A_5 : i1 to i32
    %cond3A = arith.constant 0 : i32
    %cond3A_6 = arith.cmpi ne, %convert_element_type3A, %cond3A : i32
    scf.if %cond3A_6 {
      %scan3A_27 = arith.constant 0 : i32
      %scan3A_28 = arith.constant 16 : i32
      %scan3A_29 = arith.addi %scan3A_27, %scan3A_28 : i32
      %scan3A_30 = arith.constant 1 : i32
      scf.for %scan3A_32 = %scan3A_27 to %scan3A_29 step %scan3A_30  : i32 {
        %mul3A_33 = arith.constant 1 : i32
        %mul3A_34 = arith.muli %scan3A_32, %mul3A_33 : i32
        %add3A_35 = arith.constant 0 : i32
        %add3A_36 = arith.addi %add3A_35, %mul3A_34 : i32
        %mul3A_37 = arith.constant 3200 : i32
        %mul3A_38 = arith.muli %arg1, %mul3A_37 : i32
        %mul3A_39 = arith.constant 200 : i32
        %mul3A_40 = arith.muli %add3A_36, %mul3A_39 : i32
        %add3A_41 = arith.addi %mul3A_38, %mul3A_40 : i32
        "tpu.region"() ({
          %run_scoped3A = tpu.sem_alloc : memref<!tpu.dma_semaphore, #tpu.memory_space<semaphore_mem>>
          %dma_start3A = arith.constant 0 : i32
          %dma_start3A_42 = tpu.memref_slice %arg6[%add3A_41, %dma_start3A] : memref<50000x32xf32, #tpu.memory_space<vmem_shared>> -> memref<200x32xf32, #tpu.memory_space<vmem_shared>>
          %dma_start3A_43 = arith.constant 0 : i32
          %dma_start3A_44 = tpu.memref_slice %arg6[%add3A_41, %dma_start3A_43] : memref<50000x32xf32, #tpu.memory_space<vmem_shared>> -> memref<200x32xf32, #tpu.memory_space<vmem_shared>>
          tpu.enqueue_dma source(%arg10 : memref<200x32xf32, #tpu.memory_space<vmem>>) target(%dma_start3A_44 : memref<200x32xf32, #tpu.memory_space<vmem_shared>>) target_semaphore(%run_scoped3A : memref<!tpu.dma_semaphore, #tpu.memory_space<semaphore_mem>>)
          %dma_wait3A = arith.constant 0 : i32
          %dma_wait3A_45 = tpu.memref_slice %arg6[%add3A_41, %dma_wait3A] : memref<50000x32xf32, #tpu.memory_space<vmem_shared>> -> memref<200x32xf32, #tpu.memory_space<vmem_shared>>
          %dma_wait3A_46 = arith.constant 0 : i32
          %dma_wait3A_47 = tpu.memref_slice %arg6[%add3A_41, %dma_wait3A_46] : memref<50000x32xf32, #tpu.memory_space<vmem_shared>> -> memref<200x32xf32, #tpu.memory_space<vmem_shared>>
          tpu.wait_dma2 semaphore(%run_scoped3A : memref<!tpu.dma_semaphore, #tpu.memory_space<semaphore_mem>>) src(%arg10 : memref<200x32xf32, #tpu.memory_space<vmem>>) dst(%dma_wait3A_47 : memref<200x32xf32, #tpu.memory_space<vmem_shared>>)
          tpu.yield
        }) : () -> ()
      }
      %scan3A_31 = arith.constant 16 : i32
    } else {
    }
    %eq3A = arith.constant 15 : i32
    %eq3A_7 = arith.cmpi eq, %arg1, %eq3A : i32
    %convert_element_type3A_8 = arith.extui %eq3A_7 : i1 to i32
    %cond3A_9 = arith.constant 0 : i32
    %cond3A_10 = arith.cmpi ne, %convert_element_type3A_8, %cond3A_9 : i32
    scf.if %cond3A_10 {
      %scan3A_27 = arith.constant 0 : i32
      %scan3A_28 = arith.constant 10 : i32
      %scan3A_29 = arith.addi %scan3A_27, %scan3A_28 : i32
      %scan3A_30 = arith.constant 1 : i32
      scf.for %scan3A_32 = %scan3A_27 to %scan3A_29 step %scan3A_30  : i32 {
        %mul3A_33 = arith.constant 1 : i32
        %mul3A_34 = arith.muli %scan3A_32, %mul3A_33 : i32
        %add3A_35 = arith.constant 0 : i32
        %add3A_36 = arith.addi %add3A_35, %mul3A_34 : i32
        %mul3A_37 = arith.constant 200 : i32
        %mul3A_38 = arith.muli %add3A_36, %mul3A_37 : i32
        %add3A_39 = arith.constant 48000 : i32
        %add3A_40 = arith.addi %add3A_39, %mul3A_38 : i32
        "tpu.region"() ({
          %run_scoped3A = tpu.sem_alloc : memref<!tpu.dma_semaphore, #tpu.memory_space<semaphore_mem>>
          %dma_start3A = arith.constant 0 : i32
          %dma_start3A_41 = tpu.memref_slice %arg6[%add3A_40, %dma_start3A] : memref<50000x32xf32, #tpu.memory_space<vmem_shared>> -> memref<200x32xf32, #tpu.memory_space<vmem_shared>>
          %dma_start3A_42 = arith.constant 0 : i32
          %dma_start3A_43 = tpu.memref_slice %arg6[%add3A_40, %dma_start3A_42] : memref<50000x32xf32, #tpu.memory_space<vmem_shared>> -> memref<200x32xf32, #tpu.memory_space<vmem_shared>>
          tpu.enqueue_dma source(%arg10 : memref<200x32xf32, #tpu.memory_space<vmem>>) target(%dma_start3A_43 : memref<200x32xf32, #tpu.memory_space<vmem_shared>>) target_semaphore(%run_scoped3A : memref<!tpu.dma_semaphore, #tpu.memory_space<semaphore_mem>>)
          %dma_wait3A = arith.constant 0 : i32
          %dma_wait3A_44 = tpu.memref_slice %arg6[%add3A_40, %dma_wait3A] : memref<50000x32xf32, #tpu.memory_space<vmem_shared>> -> memref<200x32xf32, #tpu.memory_space<vmem_shared>>
          %dma_wait3A_45 = arith.constant 0 : i32
          %dma_wait3A_46 = tpu.memref_slice %arg6[%add3A_40, %dma_wait3A_45] : memref<50000x32xf32, #tpu.memory_space<vmem_shared>> -> memref<200x32xf32, #tpu.memory_space<vmem_shared>>
          tpu.wait_dma2 semaphore(%run_scoped3A : memref<!tpu.dma_semaphore, #tpu.memory_space<semaphore_mem>>) src(%arg10 : memref<200x32xf32, #tpu.memory_space<vmem>>) dst(%dma_wait3A_46 : memref<200x32xf32, #tpu.memory_space<vmem_shared>>)
          tpu.yield
        }) : () -> ()
      }
      %scan3A_31 = arith.constant 10 : i32
    } else {
    }
    %barrier3A = arith.constant 0 : index
    tpu.barrier barrier_id(%barrier3A)
    %scan3A_11 = arith.constant 0 : i32
    %scan3A_12 = arith.constant 10 : i32
    %scan3A_13 = arith.addi %scan3A_11, %scan3A_12 : i32
    %scan3A_14 = arith.constant 1 : i32
    scf.for %scan3A_27 = %scan3A_11 to %scan3A_13 step %scan3A_14  : i32 {
      %mul3A_28 = arith.constant 1 : i32
      %mul3A_29 = arith.muli %scan3A_27, %mul3A_28 : i32
      %add3A_30 = arith.constant 0 : i32
      %add3A_31 = arith.addi %add3A_30, %mul3A_29 : i32
      "tpu.region"() ({
        %run_scoped3A = tpu.sem_alloc : memref<!tpu.dma_semaphore, #tpu.memory_space<semaphore_mem>>
        %dma_start3A_227 = arith.constant 0 : i32
        %dma_start3A_228 = arith.constant 0 : i32
        %dma_start3A_229 = tpu.memref_slice %arg3[%add3A, %add3A_31, %dma_start3A_227, %dma_start3A_228] : memref<32x10x20x125xi32, #tpu.memory_space<hbm>> -> memref<1x1x20x125xi32, #tpu.memory_space<hbm>>
        %dma_start3A_230 = tpu.memref_squeeze %dma_start3A_229 : memref<1x1x20x125xi32, #tpu.memory_space<hbm>> -> memref<20x125xi32, #tpu.memory_space<hbm>>
        %dma_start3A_231 = arith.constant 0 : i32
        %dma_start3A_232 = arith.constant 0 : i32
        %dma_start3A_233 = tpu.memref_slice %arg3[%add3A, %add3A_31, %dma_start3A_231, %dma_start3A_232] : memref<32x10x20x125xi32, #tpu.memory_space<hbm>> -> memref<1x1x20x125xi32, #tpu.memory_space<hbm>>
        %dma_start3A_234 = tpu.memref_squeeze %dma_start3A_233 : memref<1x1x20x125xi32, #tpu.memory_space<hbm>> -> memref<20x125xi32, #tpu.memory_space<hbm>>
        tpu.enqueue_dma source(%dma_start3A_234 : memref<20x125xi32, #tpu.memory_space<hbm>>) target(%arg7 : memref<20x125xi32, #tpu.memory_space<vmem>>) target_semaphore(%run_scoped3A : memref<!tpu.dma_semaphore, #tpu.memory_space<semaphore_mem>>)
        %dma_wait3A_235 = arith.constant 0 : i32
        %dma_wait3A_236 = arith.constant 0 : i32
        %dma_wait3A_237 = tpu.memref_slice %arg3[%add3A, %add3A_31, %dma_wait3A_235, %dma_wait3A_236] : memref<32x10x20x125xi32, #tpu.memory_space<hbm>> -> memref<1x1x20x125xi32, #tpu.memory_space<hbm>>
        %dma_wait3A_238 = tpu.memref_squeeze %dma_wait3A_237 : memref<1x1x20x125xi32, #tpu.memory_space<hbm>> -> memref<20x125xi32, #tpu.memory_space<hbm>>
        %dma_wait3A_239 = arith.constant 0 : i32
        %dma_wait3A_240 = arith.constant 0 : i32
        %dma_wait3A_241 = tpu.memref_slice %arg3[%add3A, %add3A_31, %dma_wait3A_239, %dma_wait3A_240] : memref<32x10x20x125xi32, #tpu.memory_space<hbm>> -> memref<1x1x20x125xi32, #tpu.memory_space<hbm>>
        %dma_wait3A_242 = tpu.memref_squeeze %dma_wait3A_241 : memref<1x1x20x125xi32, #tpu.memory_space<hbm>> -> memref<20x125xi32, #tpu.memory_space<hbm>>
        tpu.wait_dma2 semaphore(%run_scoped3A : memref<!tpu.dma_semaphore, #tpu.memory_space<semaphore_mem>>) src(%dma_wait3A_242 : memref<20x125xi32, #tpu.memory_space<hbm>>) dst(%arg7 : memref<20x125xi32, #tpu.memory_space<vmem>>)
        tpu.yield
      }) : () -> ()
      "tpu.region"() ({
        %run_scoped3A = tpu.sem_alloc : memref<!tpu.dma_semaphore, #tpu.memory_space<semaphore_mem>>
        %dma_start3A_227 = arith.constant 0 : i32
        %dma_start3A_228 = arith.constant 0 : i32
        %dma_start3A_229 = tpu.memref_slice %arg4[%add3A, %add3A_31, %dma_start3A_227, %dma_start3A_228] : memref<32x10x20x125xi32, #tpu.memory_space<hbm>> -> memref<1x1x20x125xi32, #tpu.memory_space<hbm>>
        %dma_start3A_230 = tpu.memref_squeeze %dma_start3A_229 : memref<1x1x20x125xi32, #tpu.memory_space<hbm>> -> memref<20x125xi32, #tpu.memory_space<hbm>>
        %dma_start3A_231 = arith.constant 0 : i32
        %dma_start3A_232 = arith.constant 0 : i32
        %dma_start3A_233 = tpu.memref_slice %arg4[%add3A, %add3A_31, %dma_start3A_231, %dma_start3A_232] : memref<32x10x20x125xi32, #tpu.memory_space<hbm>> -> memref<1x1x20x125xi32, #tpu.memory_space<hbm>>
        %dma_start3A_234 = tpu.memref_squeeze %dma_start3A_233 : memref<1x1x20x125xi32, #tpu.memory_space<hbm>> -> memref<20x125xi32, #tpu.memory_space<hbm>>
        tpu.enqueue_dma source(%dma_start3A_234 : memref<20x125xi32, #tpu.memory_space<hbm>>) target(%arg8 : memref<20x125xi32, #tpu.memory_space<vmem>>) target_semaphore(%run_scoped3A : memref<!tpu.dma_semaphore, #tpu.memory_space<semaphore_mem>>)
        %dma_wait3A_235 = arith.constant 0 : i32
        %dma_wait3A_236 = arith.constant 0 : i32
        %dma_wait3A_237 = tpu.memref_slice %arg4[%add3A, %add3A_31, %dma_wait3A_235, %dma_wait3A_236] : memref<32x10x20x125xi32, #tpu.memory_space<hbm>> -> memref<1x1x20x125xi32, #tpu.memory_space<hbm>>
        %dma_wait3A_238 = tpu.memref_squeeze %dma_wait3A_237 : memref<1x1x20x125xi32, #tpu.memory_space<hbm>> -> memref<20x125xi32, #tpu.memory_space<hbm>>
        %dma_wait3A_239 = arith.constant 0 : i32
        %dma_wait3A_240 = arith.constant 0 : i32
        %dma_wait3A_241 = tpu.memref_slice %arg4[%add3A, %add3A_31, %dma_wait3A_239, %dma_wait3A_240] : memref<32x10x20x125xi32, #tpu.memory_space<hbm>> -> memref<1x1x20x125xi32, #tpu.memory_space<hbm>>
        %dma_wait3A_242 = tpu.memref_squeeze %dma_wait3A_241 : memref<1x1x20x125xi32, #tpu.memory_space<hbm>> -> memref<20x125xi32, #tpu.memory_space<hbm>>
        tpu.wait_dma2 semaphore(%run_scoped3A : memref<!tpu.dma_semaphore, #tpu.memory_space<semaphore_mem>>) src(%dma_wait3A_242 : memref<20x125xi32, #tpu.memory_space<hbm>>) dst(%arg8 : memref<20x125xi32, #tpu.memory_space<vmem>>)
        tpu.yield
      }) : () -> ()
      %dma_start3A = arith.constant 0 : i32
      %dma_start3A_32 = arith.constant 0 : i32
      %dma_start3A_33 = arith.constant 0 : i32
      %dma_start3A_34 = arith.constant 0 : i32
      %dma_start3A_35 = tpu.memref_slice %arg9[%dma_start3A_32, %dma_start3A_33, %dma_start3A_34] : memref<4x125x32xf32, #tpu.memory_space<vmem>> -> memref<1x125x32xf32, #tpu.memory_space<vmem>>
      %dma_start3A_36 = tpu.memref_squeeze %dma_start3A_35 : memref<1x125x32xf32, #tpu.memory_space<vmem>> -> memref<125x32xf32, #tpu.memory_space<vmem>>
      %dma_start3A_37 = arith.constant 0 : i32
      %dma_start3A_38 = tpu.memref_slice %arg7[%dma_start3A, %dma_start3A_37] : memref<20x125xi32, #tpu.memory_space<vmem>> -> memref<1x125xi32, #tpu.memory_space<vmem>>
      %dma_start3A_39 = tpu.memref_squeeze %dma_start3A_38 : memref<1x125xi32, #tpu.memory_space<vmem>> -> memref<125xi32, #tpu.memory_space<vmem>>
      %dma_start3A_40 = arith.constant 0 : i32
      %dma_start3A_41 = arith.constant 0 : i32
      %dma_start3A_42 = tpu.memref_slice %arg2[%dma_start3A_40, %dma_start3A_41] : memref<50000x32xf32, #tpu.memory_space<hbm>> -> memref<50000x32xf32, #tpu.memory_space<hbm>>
      tpu.enqueue_indirect_dma source(%dma_start3A_42 : memref<50000x32xf32, #tpu.memory_space<hbm>>) target(%dma_start3A_36 : memref<125x32xf32, #tpu.memory_space<vmem>>) offsets(%dma_start3A_39 : memref<125xi32, #tpu.memory_space<vmem>>) semaphore(%arg11 : memref<!tpu.dma_semaphore, #tpu.memory_space<semaphore_mem>>)
      %dma_start3A_43 = arith.constant 1 : i32
      %dma_start3A_44 = arith.constant 1 : i32
      %dma_start3A_45 = arith.constant 0 : i32
      %dma_start3A_46 = arith.constant 0 : i32
      %dma_start3A_47 = tpu.memref_slice %arg9[%dma_start3A_44, %dma_start3A_45, %dma_start3A_46] : memref<4x125x32xf32, #tpu.memory_space<vmem>> -> memref<1x125x32xf32, #tpu.memory_space<vmem>>
      %dma_start3A_48 = tpu.memref_squeeze %dma_start3A_47 : memref<1x125x32xf32, #tpu.memory_space<vmem>> -> memref<125x32xf32, #tpu.memory_space<vmem>>
      %dma_start3A_49 = arith.constant 0 : i32
      %dma_start3A_50 = tpu.memref_slice %arg7[%dma_start3A_43, %dma_start3A_49] : memref<20x125xi32, #tpu.memory_space<vmem>> -> memref<1x125xi32, #tpu.memory_space<vmem>>
      %dma_start3A_51 = tpu.memref_squeeze %dma_start3A_50 : memref<1x125xi32, #tpu.memory_space<vmem>> -> memref<125xi32, #tpu.memory_space<vmem>>
      %dma_start3A_52 = arith.constant 0 : i32
      %dma_start3A_53 = arith.constant 0 : i32
      %dma_start3A_54 = tpu.memref_slice %arg2[%dma_start3A_52, %dma_start3A_53] : memref<50000x32xf32, #tpu.memory_space<hbm>> -> memref<50000x32xf32, #tpu.memory_space<hbm>>
      tpu.enqueue_indirect_dma source(%dma_start3A_54 : memref<50000x32xf32, #tpu.memory_space<hbm>>) target(%dma_start3A_48 : memref<125x32xf32, #tpu.memory_space<vmem>>) offsets(%dma_start3A_51 : memref<125xi32, #tpu.memory_space<vmem>>) semaphore(%arg12 : memref<!tpu.dma_semaphore, #tpu.memory_space<semaphore_mem>>)
      %dma_wait3A = arith.constant 0 : i32
      %dma_wait3A_55 = arith.constant 0 : i32
      %dma_wait3A_56 = arith.constant 0 : i32
      %dma_wait3A_57 = arith.constant 0 : i32
      %dma_wait3A_58 = tpu.memref_slice %arg9[%dma_wait3A_55, %dma_wait3A_56, %dma_wait3A_57] : memref<4x125x32xf32, #tpu.memory_space<vmem>> -> memref<1x125x32xf32, #tpu.memory_space<vmem>>
      %dma_wait3A_59 = tpu.memref_squeeze %dma_wait3A_58 : memref<1x125x32xf32, #tpu.memory_space<vmem>> -> memref<125x32xf32, #tpu.memory_space<vmem>>
      %dma_wait3A_60 = arith.constant 0 : i32
      %dma_wait3A_61 = tpu.memref_slice %arg7[%dma_wait3A, %dma_wait3A_60] : memref<20x125xi32, #tpu.memory_space<vmem>> -> memref<1x125xi32, #tpu.memory_space<vmem>>
      %dma_wait3A_62 = tpu.memref_squeeze %dma_wait3A_61 : memref<1x125xi32, #tpu.memory_space<vmem>> -> memref<125xi32, #tpu.memory_space<vmem>>
      %dma_wait3A_63 = arith.constant 0 : i32
      %dma_wait3A_64 = arith.constant 0 : i32
      %dma_wait3A_65 = tpu.memref_slice %arg2[%dma_wait3A_63, %dma_wait3A_64] : memref<50000x32xf32, #tpu.memory_space<hbm>> -> memref<50000x32xf32, #tpu.memory_space<hbm>>
      tpu.wait_indirect_dma semaphore(%arg11 : memref<!tpu.dma_semaphore, #tpu.memory_space<semaphore_mem>>) src(%dma_wait3A_65 : memref<50000x32xf32, #tpu.memory_space<hbm>>) dst(%dma_wait3A_59 : memref<125x32xf32, #tpu.memory_space<vmem>>)
      %dma_start3A_66 = arith.constant 0 : i32
      %dma_start3A_67 = arith.constant 0 : i32
      %dma_start3A_68 = arith.constant 0 : i32
      %dma_start3A_69 = arith.constant 0 : i32
      %dma_start3A_70 = tpu.memref_slice %arg9[%dma_start3A_66, %dma_start3A_68, %dma_start3A_69] : memref<4x125x32xf32, #tpu.memory_space<vmem>> -> memref<1x125x32xf32, #tpu.memory_space<vmem>>
      %dma_start3A_71 = tpu.memref_squeeze %dma_start3A_70 : memref<1x125x32xf32, #tpu.memory_space<vmem>> -> memref<125x32xf32, #tpu.memory_space<vmem>>
      %dma_start3A_72 = arith.constant 0 : i32
      %dma_start3A_73 = tpu.memref_slice %arg8[%dma_start3A_67, %dma_start3A_72] : memref<20x125xi32, #tpu.memory_space<vmem>> -> memref<1x125xi32, #tpu.memory_space<vmem>>
      %dma_start3A_74 = tpu.memref_squeeze %dma_start3A_73 : memref<1x125xi32, #tpu.memory_space<vmem>> -> memref<125xi32, #tpu.memory_space<vmem>>
      %dma_start3A_75 = arith.constant 0 : i32
      %dma_start3A_76 = arith.constant 0 : i32
      %dma_start3A_77 = tpu.memref_slice %arg6[%dma_start3A_75, %dma_start3A_76] : memref<50000x32xf32, #tpu.memory_space<vmem_shared>> -> memref<50000x32xf32, #tpu.memory_space<vmem_shared>>
      tpu.enqueue_indirect_dma source(%dma_start3A_71 : memref<125x32xf32, #tpu.memory_space<vmem>>) target(%dma_start3A_77 : memref<50000x32xf32, #tpu.memory_space<vmem_shared>>) offsets(%dma_start3A_74 : memref<125xi32, #tpu.memory_space<vmem>>) semaphore(%arg15 : memref<!tpu.dma_semaphore, #tpu.memory_space<semaphore_mem>>) {add = true}
      %dma_start3A_78 = arith.constant 2 : i32
      %dma_start3A_79 = arith.constant 2 : i32
      %dma_start3A_80 = arith.constant 0 : i32
      %dma_start3A_81 = arith.constant 0 : i32
      %dma_start3A_82 = tpu.memref_slice %arg9[%dma_start3A_79, %dma_start3A_80, %dma_start3A_81] : memref<4x125x32xf32, #tpu.memory_space<vmem>> -> memref<1x125x32xf32, #tpu.memory_space<vmem>>
      %dma_start3A_83 = tpu.memref_squeeze %dma_start3A_82 : memref<1x125x32xf32, #tpu.memory_space<vmem>> -> memref<125x32xf32, #tpu.memory_space<vmem>>
      %dma_start3A_84 = arith.constant 0 : i32
      %dma_start3A_85 = tpu.memref_slice %arg7[%dma_start3A_78, %dma_start3A_84] : memref<20x125xi32, #tpu.memory_space<vmem>> -> memref<1x125xi32, #tpu.memory_space<vmem>>
      %dma_start3A_86 = tpu.memref_squeeze %dma_start3A_85 : memref<1x125xi32, #tpu.memory_space<vmem>> -> memref<125xi32, #tpu.memory_space<vmem>>
      %dma_start3A_87 = arith.constant 0 : i32
      %dma_start3A_88 = arith.constant 0 : i32
      %dma_start3A_89 = tpu.memref_slice %arg2[%dma_start3A_87, %dma_start3A_88] : memref<50000x32xf32, #tpu.memory_space<hbm>> -> memref<50000x32xf32, #tpu.memory_space<hbm>>
      tpu.enqueue_indirect_dma source(%dma_start3A_89 : memref<50000x32xf32, #tpu.memory_space<hbm>>) target(%dma_start3A_83 : memref<125x32xf32, #tpu.memory_space<vmem>>) offsets(%dma_start3A_86 : memref<125xi32, #tpu.memory_space<vmem>>) semaphore(%arg13 : memref<!tpu.dma_semaphore, #tpu.memory_space<semaphore_mem>>)
      %dma_wait3A_90 = arith.constant 0 : i32
      %dma_wait3A_91 = arith.constant 1 : i32
      %dma_wait3A_92 = arith.constant 0 : i32
      %dma_wait3A_93 = arith.constant 0 : i32
      %dma_wait3A_94 = tpu.memref_slice %arg9[%dma_wait3A_91, %dma_wait3A_92, %dma_wait3A_93] : memref<4x125x32xf32, #tpu.memory_space<vmem>> -> memref<1x125x32xf32, #tpu.memory_space<vmem>>
      %dma_wait3A_95 = tpu.memref_squeeze %dma_wait3A_94 : memref<1x125x32xf32, #tpu.memory_space<vmem>> -> memref<125x32xf32, #tpu.memory_space<vmem>>
      %dma_wait3A_96 = arith.constant 0 : i32
      %dma_wait3A_97 = tpu.memref_slice %arg7[%dma_wait3A_90, %dma_wait3A_96] : memref<20x125xi32, #tpu.memory_space<vmem>> -> memref<1x125xi32, #tpu.memory_space<vmem>>
      %dma_wait3A_98 = tpu.memref_squeeze %dma_wait3A_97 : memref<1x125xi32, #tpu.memory_space<vmem>> -> memref<125xi32, #tpu.memory_space<vmem>>
      %dma_wait3A_99 = arith.constant 0 : i32
      %dma_wait3A_100 = arith.constant 0 : i32
      %dma_wait3A_101 = tpu.memref_slice %arg2[%dma_wait3A_99, %dma_wait3A_100] : memref<50000x32xf32, #tpu.memory_space<hbm>> -> memref<50000x32xf32, #tpu.memory_space<hbm>>
      tpu.wait_indirect_dma semaphore(%arg12 : memref<!tpu.dma_semaphore, #tpu.memory_space<semaphore_mem>>) src(%dma_wait3A_101 : memref<50000x32xf32, #tpu.memory_space<hbm>>) dst(%dma_wait3A_95 : memref<125x32xf32, #tpu.memory_space<vmem>>)
      %dma_start3A_102 = arith.constant 1 : i32
      %dma_start3A_103 = arith.constant 1 : i32
      %dma_start3A_104 = arith.constant 0 : i32
      %dma_start3A_105 = arith.constant 0 : i32
      %dma_start3A_106 = tpu.memref_slice %arg9[%dma_start3A_102, %dma_start3A_104, %dma_start3A_105] : memref<4x125x32xf32, #tpu.memory_space<vmem>> -> memref<1x125x32xf32, #tpu.memory_space<vmem>>
      %dma_start3A_107 = tpu.memref_squeeze %dma_start3A_106 : memref<1x125x32xf32, #tpu.memory_space<vmem>> -> memref<125x32xf32, #tpu.memory_space<vmem>>
      %dma_start3A_108 = arith.constant 0 : i32
      %dma_start3A_109 = tpu.memref_slice %arg8[%dma_start3A_103, %dma_start3A_108] : memref<20x125xi32, #tpu.memory_space<vmem>> -> memref<1x125xi32, #tpu.memory_space<vmem>>
      %dma_start3A_110 = tpu.memref_squeeze %dma_start3A_109 : memref<1x125xi32, #tpu.memory_space<vmem>> -> memref<125xi32, #tpu.memory_space<vmem>>
      %dma_start3A_111 = arith.constant 0 : i32
      %dma_start3A_112 = arith.constant 0 : i32
      %dma_start3A_113 = tpu.memref_slice %arg6[%dma_start3A_111, %dma_start3A_112] : memref<50000x32xf32, #tpu.memory_space<vmem_shared>> -> memref<50000x32xf32, #tpu.memory_space<vmem_shared>>
      tpu.enqueue_indirect_dma source(%dma_start3A_107 : memref<125x32xf32, #tpu.memory_space<vmem>>) target(%dma_start3A_113 : memref<50000x32xf32, #tpu.memory_space<vmem_shared>>) offsets(%dma_start3A_110 : memref<125xi32, #tpu.memory_space<vmem>>) semaphore(%arg16 : memref<!tpu.dma_semaphore, #tpu.memory_space<semaphore_mem>>) {add = true}
      %dma_start3A_114 = arith.constant 3 : i32
      %dma_start3A_115 = arith.constant 3 : i32
      %dma_start3A_116 = arith.constant 0 : i32
      %dma_start3A_117 = arith.constant 0 : i32
      %dma_start3A_118 = tpu.memref_slice %arg9[%dma_start3A_115, %dma_start3A_116, %dma_start3A_117] : memref<4x125x32xf32, #tpu.memory_space<vmem>> -> memref<1x125x32xf32, #tpu.memory_space<vmem>>
      %dma_start3A_119 = tpu.memref_squeeze %dma_start3A_118 : memref<1x125x32xf32, #tpu.memory_space<vmem>> -> memref<125x32xf32, #tpu.memory_space<vmem>>
      %dma_start3A_120 = arith.constant 0 : i32
      %dma_start3A_121 = tpu.memref_slice %arg7[%dma_start3A_114, %dma_start3A_120] : memref<20x125xi32, #tpu.memory_space<vmem>> -> memref<1x125xi32, #tpu.memory_space<vmem>>
      %dma_start3A_122 = tpu.memref_squeeze %dma_start3A_121 : memref<1x125xi32, #tpu.memory_space<vmem>> -> memref<125xi32, #tpu.memory_space<vmem>>
      %dma_start3A_123 = arith.constant 0 : i32
      %dma_start3A_124 = arith.constant 0 : i32
      %dma_start3A_125 = tpu.memref_slice %arg2[%dma_start3A_123, %dma_start3A_124] : memref<50000x32xf32, #tpu.memory_space<hbm>> -> memref<50000x32xf32, #tpu.memory_space<hbm>>
      tpu.enqueue_indirect_dma source(%dma_start3A_125 : memref<50000x32xf32, #tpu.memory_space<hbm>>) target(%dma_start3A_119 : memref<125x32xf32, #tpu.memory_space<vmem>>) offsets(%dma_start3A_122 : memref<125xi32, #tpu.memory_space<vmem>>) semaphore(%arg14 : memref<!tpu.dma_semaphore, #tpu.memory_space<semaphore_mem>>)
      %scan3A_126 = arith.constant 0 : i32
      %scan3A_127 = arith.constant 4 : i32
      %scan3A_128 = arith.addi %scan3A_126, %scan3A_127 : i32
      %scan3A_129 = arith.constant 1 : i32
      scf.for %scan3A_227 = %scan3A_126 to %scan3A_128 step %scan3A_129  : i32 {
        %mul3A_228 = arith.constant 4 : i32
        %mul3A_229 = arith.muli %scan3A_227, %mul3A_228 : i32
        %add3A_230 = arith.constant 2 : i32
        %add3A_231 = arith.addi %add3A_230, %mul3A_229 : i32
        %dma_wait3A_232 = arith.constant 0 : i32
        %dma_wait3A_233 = arith.constant 2 : i32
        %dma_wait3A_234 = arith.constant 0 : i32
        %dma_wait3A_235 = arith.constant 0 : i32
        %dma_wait3A_236 = tpu.memref_slice %arg9[%dma_wait3A_233, %dma_wait3A_234, %dma_wait3A_235] : memref<4x125x32xf32, #tpu.memory_space<vmem>> -> memref<1x125x32xf32, #tpu.memory_space<vmem>>
        %dma_wait3A_237 = tpu.memref_squeeze %dma_wait3A_236 : memref<1x125x32xf32, #tpu.memory_space<vmem>> -> memref<125x32xf32, #tpu.memory_space<vmem>>
        %dma_wait3A_238 = arith.constant 0 : i32
        %dma_wait3A_239 = tpu.memref_slice %arg7[%dma_wait3A_232, %dma_wait3A_238] : memref<20x125xi32, #tpu.memory_space<vmem>> -> memref<1x125xi32, #tpu.memory_space<vmem>>
        %dma_wait3A_240 = tpu.memref_squeeze %dma_wait3A_239 : memref<1x125xi32, #tpu.memory_space<vmem>> -> memref<125xi32, #tpu.memory_space<vmem>>
        %dma_wait3A_241 = arith.constant 0 : i32
        %dma_wait3A_242 = arith.constant 0 : i32
        %dma_wait3A_243 = tpu.memref_slice %arg2[%dma_wait3A_241, %dma_wait3A_242] : memref<50000x32xf32, #tpu.memory_space<hbm>> -> memref<50000x32xf32, #tpu.memory_space<hbm>>
        tpu.wait_indirect_dma semaphore(%arg13 : memref<!tpu.dma_semaphore, #tpu.memory_space<semaphore_mem>>) src(%dma_wait3A_243 : memref<50000x32xf32, #tpu.memory_space<hbm>>) dst(%dma_wait3A_237 : memref<125x32xf32, #tpu.memory_space<vmem>>)
        %add3A_244 = arith.constant 0 : i32
        %add3A_245 = arith.addi %add3A_231, %add3A_244 : i32
        %dma_start3A_246 = arith.constant 2 : i32
        %dma_start3A_247 = arith.constant 0 : i32
        %dma_start3A_248 = arith.constant 0 : i32
        %dma_start3A_249 = tpu.memref_slice %arg9[%dma_start3A_246, %dma_start3A_247, %dma_start3A_248] : memref<4x125x32xf32, #tpu.memory_space<vmem>> -> memref<1x125x32xf32, #tpu.memory_space<vmem>>
        %dma_start3A_250 = tpu.memref_squeeze %dma_start3A_249 : memref<1x125x32xf32, #tpu.memory_space<vmem>> -> memref<125x32xf32, #tpu.memory_space<vmem>>
        %dma_start3A_251 = arith.constant 0 : i32
        %dma_start3A_252 = tpu.memref_slice %arg8[%add3A_245, %dma_start3A_251] : memref<20x125xi32, #tpu.memory_space<vmem>> -> memref<1x125xi32, #tpu.memory_space<vmem>>
        %dma_start3A_253 = tpu.memref_squeeze %dma_start3A_252 : memref<1x125xi32, #tpu.memory_space<vmem>> -> memref<125xi32, #tpu.memory_space<vmem>>
        %dma_start3A_254 = arith.constant 0 : i32
        %dma_start3A_255 = arith.constant 0 : i32
        %dma_start3A_256 = tpu.memref_slice %arg6[%dma_start3A_254, %dma_start3A_255] : memref<50000x32xf32, #tpu.memory_space<vmem_shared>> -> memref<50000x32xf32, #tpu.memory_space<vmem_shared>>
        tpu.enqueue_indirect_dma source(%dma_start3A_250 : memref<125x32xf32, #tpu.memory_space<vmem>>) target(%dma_start3A_256 : memref<50000x32xf32, #tpu.memory_space<vmem_shared>>) offsets(%dma_start3A_253 : memref<125xi32, #tpu.memory_space<vmem>>) semaphore(%arg17 : memref<!tpu.dma_semaphore, #tpu.memory_space<semaphore_mem>>) {add = true}
        %dma_wait3A_257 = arith.constant 0 : i32
        %dma_wait3A_258 = arith.constant 0 : i32
        %dma_wait3A_259 = arith.constant 0 : i32
        %dma_wait3A_260 = arith.constant 0 : i32
        %dma_wait3A_261 = tpu.memref_slice %arg9[%dma_wait3A_257, %dma_wait3A_259, %dma_wait3A_260] : memref<4x125x32xf32, #tpu.memory_space<vmem>> -> memref<1x125x32xf32, #tpu.memory_space<vmem>>
        %dma_wait3A_262 = tpu.memref_squeeze %dma_wait3A_261 : memref<1x125x32xf32, #tpu.memory_space<vmem>> -> memref<125x32xf32, #tpu.memory_space<vmem>>
        %dma_wait3A_263 = arith.constant 0 : i32
        %dma_wait3A_264 = tpu.memref_slice %arg8[%dma_wait3A_258, %dma_wait3A_263] : memref<20x125xi32, #tpu.memory_space<vmem>> -> memref<1x125xi32, #tpu.memory_space<vmem>>
        %dma_wait3A_265 = tpu.memref_squeeze %dma_wait3A_264 : memref<1x125xi32, #tpu.memory_space<vmem>> -> memref<125xi32, #tpu.memory_space<vmem>>
        %dma_wait3A_266 = arith.constant 0 : i32
        %dma_wait3A_267 = arith.constant 0 : i32
        %dma_wait3A_268 = tpu.memref_slice %arg6[%dma_wait3A_266, %dma_wait3A_267] : memref<50000x32xf32, #tpu.memory_space<vmem_shared>> -> memref<50000x32xf32, #tpu.memory_space<vmem_shared>>
        tpu.wait_indirect_dma semaphore(%arg15 : memref<!tpu.dma_semaphore, #tpu.memory_space<semaphore_mem>>) src(%dma_wait3A_262 : memref<125x32xf32, #tpu.memory_space<vmem>>) dst(%dma_wait3A_268 : memref<50000x32xf32, #tpu.memory_space<vmem_shared>>)
        %add3A_269 = arith.constant 0 : i32
        %add3A_270 = arith.addi %add3A_231, %add3A_269 : i32
        %add3A_271 = arith.constant 2 : i32
        %add3A_272 = arith.addi %add3A_270, %add3A_271 : i32
        %dma_start3A_273 = arith.constant 0 : i32
        %dma_start3A_274 = arith.constant 0 : i32
        %dma_start3A_275 = arith.constant 0 : i32
        %dma_start3A_276 = tpu.memref_slice %arg9[%dma_start3A_273, %dma_start3A_274, %dma_start3A_275] : memref<4x125x32xf32, #tpu.memory_space<vmem>> -> memref<1x125x32xf32, #tpu.memory_space<vmem>>
        %dma_start3A_277 = tpu.memref_squeeze %dma_start3A_276 : memref<1x125x32xf32, #tpu.memory_space<vmem>> -> memref<125x32xf32, #tpu.memory_space<vmem>>
        %dma_start3A_278 = arith.constant 0 : i32
        %dma_start3A_279 = tpu.memref_slice %arg7[%add3A_272, %dma_start3A_278] : memref<20x125xi32, #tpu.memory_space<vmem>> -> memref<1x125xi32, #tpu.memory_space<vmem>>
        %dma_start3A_280 = tpu.memref_squeeze %dma_start3A_279 : memref<1x125xi32, #tpu.memory_space<vmem>> -> memref<125xi32, #tpu.memory_space<vmem>>
        %dma_start3A_281 = arith.constant 0 : i32
        %dma_start3A_282 = arith.constant 0 : i32
        %dma_start3A_283 = tpu.memref_slice %arg2[%dma_start3A_281, %dma_start3A_282] : memref<50000x32xf32, #tpu.memory_space<hbm>> -> memref<50000x32xf32, #tpu.memory_space<hbm>>
        tpu.enqueue_indirect_dma source(%dma_start3A_283 : memref<50000x32xf32, #tpu.memory_space<hbm>>) target(%dma_start3A_277 : memref<125x32xf32, #tpu.memory_space<vmem>>) offsets(%dma_start3A_280 : memref<125xi32, #tpu.memory_space<vmem>>) semaphore(%arg11 : memref<!tpu.dma_semaphore, #tpu.memory_space<semaphore_mem>>)
        %dma_wait3A_284 = arith.constant 0 : i32
        %dma_wait3A_285 = arith.constant 3 : i32
        %dma_wait3A_286 = arith.constant 0 : i32
        %dma_wait3A_287 = arith.constant 0 : i32
        %dma_wait3A_288 = tpu.memref_slice %arg9[%dma_wait3A_285, %dma_wait3A_286, %dma_wait3A_287] : memref<4x125x32xf32, #tpu.memory_space<vmem>> -> memref<1x125x32xf32, #tpu.memory_space<vmem>>
        %dma_wait3A_289 = tpu.memref_squeeze %dma_wait3A_288 : memref<1x125x32xf32, #tpu.memory_space<vmem>> -> memref<125x32xf32, #tpu.memory_space<vmem>>
        %dma_wait3A_290 = arith.constant 0 : i32
        %dma_wait3A_291 = tpu.memref_slice %arg7[%dma_wait3A_284, %dma_wait3A_290] : memref<20x125xi32, #tpu.memory_space<vmem>> -> memref<1x125xi32, #tpu.memory_space<vmem>>
        %dma_wait3A_292 = tpu.memref_squeeze %dma_wait3A_291 : memref<1x125xi32, #tpu.memory_space<vmem>> -> memref<125xi32, #tpu.memory_space<vmem>>
        %dma_wait3A_293 = arith.constant 0 : i32
        %dma_wait3A_294 = arith.constant 0 : i32
        %dma_wait3A_295 = tpu.memref_slice %arg2[%dma_wait3A_293, %dma_wait3A_294] : memref<50000x32xf32, #tpu.memory_space<hbm>> -> memref<50000x32xf32, #tpu.memory_space<hbm>>
        tpu.wait_indirect_dma semaphore(%arg14 : memref<!tpu.dma_semaphore, #tpu.memory_space<semaphore_mem>>) src(%dma_wait3A_295 : memref<50000x32xf32, #tpu.memory_space<hbm>>) dst(%dma_wait3A_289 : memref<125x32xf32, #tpu.memory_space<vmem>>)
        %add3A_296 = arith.constant 1 : i32
        %add3A_297 = arith.addi %add3A_231, %add3A_296 : i32
        %dma_start3A_298 = arith.constant 3 : i32
        %dma_start3A_299 = arith.constant 0 : i32
        %dma_start3A_300 = arith.constant 0 : i32
        %dma_start3A_301 = tpu.memref_slice %arg9[%dma_start3A_298, %dma_start3A_299, %dma_start3A_300] : memref<4x125x32xf32, #tpu.memory_space<vmem>> -> memref<1x125x32xf32, #tpu.memory_space<vmem>>
        %dma_start3A_302 = tpu.memref_squeeze %dma_start3A_301 : memref<1x125x32xf32, #tpu.memory_space<vmem>> -> memref<125x32xf32, #tpu.memory_space<vmem>>
        %dma_start3A_303 = arith.constant 0 : i32
        %dma_start3A_304 = tpu.memref_slice %arg8[%add3A_297, %dma_start3A_303] : memref<20x125xi32, #tpu.memory_space<vmem>> -> memref<1x125xi32, #tpu.memory_space<vmem>>
        %dma_start3A_305 = tpu.memref_squeeze %dma_start3A_304 : memref<1x125xi32, #tpu.memory_space<vmem>> -> memref<125xi32, #tpu.memory_space<vmem>>
        %dma_start3A_306 = arith.constant 0 : i32
        %dma_start3A_307 = arith.constant 0 : i32
        %dma_start3A_308 = tpu.memref_slice %arg6[%dma_start3A_306, %dma_start3A_307] : memref<50000x32xf32, #tpu.memory_space<vmem_shared>> -> memref<50000x32xf32, #tpu.memory_space<vmem_shared>>
        tpu.enqueue_indirect_dma source(%dma_start3A_302 : memref<125x32xf32, #tpu.memory_space<vmem>>) target(%dma_start3A_308 : memref<50000x32xf32, #tpu.memory_space<vmem_shared>>) offsets(%dma_start3A_305 : memref<125xi32, #tpu.memory_space<vmem>>) semaphore(%arg18 : memref<!tpu.dma_semaphore, #tpu.memory_space<semaphore_mem>>) {add = true}
        %dma_wait3A_309 = arith.constant 1 : i32
        %dma_wait3A_310 = arith.constant 0 : i32
        %dma_wait3A_311 = arith.constant 0 : i32
        %dma_wait3A_312 = arith.constant 0 : i32
        %dma_wait3A_313 = tpu.memref_slice %arg9[%dma_wait3A_309, %dma_wait3A_311, %dma_wait3A_312] : memref<4x125x32xf32, #tpu.memory_space<vmem>> -> memref<1x125x32xf32, #tpu.memory_space<vmem>>
        %dma_wait3A_314 = tpu.memref_squeeze %dma_wait3A_313 : memref<1x125x32xf32, #tpu.memory_space<vmem>> -> memref<125x32xf32, #tpu.memory_space<vmem>>
        %dma_wait3A_315 = arith.constant 0 : i32
        %dma_wait3A_316 = tpu.memref_slice %arg8[%dma_wait3A_310, %dma_wait3A_315] : memref<20x125xi32, #tpu.memory_space<vmem>> -> memref<1x125xi32, #tpu.memory_space<vmem>>
        %dma_wait3A_317 = tpu.memref_squeeze %dma_wait3A_316 : memref<1x125xi32, #tpu.memory_space<vmem>> -> memref<125xi32, #tpu.memory_space<vmem>>
        %dma_wait3A_318 = arith.constant 0 : i32
        %dma_wait3A_319 = arith.constant 0 : i32
        %dma_wait3A_320 = tpu.memref_slice %arg6[%dma_wait3A_318, %dma_wait3A_319] : memref<50000x32xf32, #tpu.memory_space<vmem_shared>> -> memref<50000x32xf32, #tpu.memory_space<vmem_shared>>
        tpu.wait_indirect_dma semaphore(%arg16 : memref<!tpu.dma_semaphore, #tpu.memory_space<semaphore_mem>>) src(%dma_wait3A_314 : memref<125x32xf32, #tpu.memory_space<vmem>>) dst(%dma_wait3A_320 : memref<50000x32xf32, #tpu.memory_space<vmem_shared>>)
        %add3A_321 = arith.constant 1 : i32
        %add3A_322 = arith.addi %add3A_231, %add3A_321 : i32
        %add3A_323 = arith.constant 2 : i32
        %add3A_324 = arith.addi %add3A_322, %add3A_323 : i32
        %dma_start3A_325 = arith.constant 1 : i32
        %dma_start3A_326 = arith.constant 0 : i32
        %dma_start3A_327 = arith.constant 0 : i32
        %dma_start3A_328 = tpu.memref_slice %arg9[%dma_start3A_325, %dma_start3A_326, %dma_start3A_327] : memref<4x125x32xf32, #tpu.memory_space<vmem>> -> memref<1x125x32xf32, #tpu.memory_space<vmem>>
        %dma_start3A_329 = tpu.memref_squeeze %dma_start3A_328 : memref<1x125x32xf32, #tpu.memory_space<vmem>> -> memref<125x32xf32, #tpu.memory_space<vmem>>
        %dma_start3A_330 = arith.constant 0 : i32
        %dma_start3A_331 = tpu.memref_slice %arg7[%add3A_324, %dma_start3A_330] : memref<20x125xi32, #tpu.memory_space<vmem>> -> memref<1x125xi32, #tpu.memory_space<vmem>>
        %dma_start3A_332 = tpu.memref_squeeze %dma_start3A_331 : memref<1x125xi32, #tpu.memory_space<vmem>> -> memref<125xi32, #tpu.memory_space<vmem>>
        %dma_start3A_333 = arith.constant 0 : i32
        %dma_start3A_334 = arith.constant 0 : i32
        %dma_start3A_335 = tpu.memref_slice %arg2[%dma_start3A_333, %dma_start3A_334] : memref<50000x32xf32, #tpu.memory_space<hbm>> -> memref<50000x32xf32, #tpu.memory_space<hbm>>
        tpu.enqueue_indirect_dma source(%dma_start3A_335 : memref<50000x32xf32, #tpu.memory_space<hbm>>) target(%dma_start3A_329 : memref<125x32xf32, #tpu.memory_space<vmem>>) offsets(%dma_start3A_332 : memref<125xi32, #tpu.memory_space<vmem>>) semaphore(%arg12 : memref<!tpu.dma_semaphore, #tpu.memory_space<semaphore_mem>>)
        %dma_wait3A_336 = arith.constant 0 : i32
        %dma_wait3A_337 = arith.constant 0 : i32
        %dma_wait3A_338 = arith.constant 0 : i32
        %dma_wait3A_339 = arith.constant 0 : i32
        %dma_wait3A_340 = tpu.memref_slice %arg9[%dma_wait3A_337, %dma_wait3A_338, %dma_wait3A_339] : memref<4x125x32xf32, #tpu.memory_space<vmem>> -> memref<1x125x32xf32, #tpu.memory_space<vmem>>
        %dma_wait3A_341 = tpu.memref_squeeze %dma_wait3A_340 : memref<1x125x32xf32, #tpu.memory_space<vmem>> -> memref<125x32xf32, #tpu.memory_space<vmem>>
        %dma_wait3A_342 = arith.constant 0 : i32
        %dma_wait3A_343 = tpu.memref_slice %arg7[%dma_wait3A_336, %dma_wait3A_342] : memref<20x125xi32, #tpu.memory_space<vmem>> -> memref<1x125xi32, #tpu.memory_space<vmem>>
        %dma_wait3A_344 = tpu.memref_squeeze %dma_wait3A_343 : memref<1x125xi32, #tpu.memory_space<vmem>> -> memref<125xi32, #tpu.memory_space<vmem>>
        %dma_wait3A_345 = arith.constant 0 : i32
        %dma_wait3A_346 = arith.constant 0 : i32
        %dma_wait3A_347 = tpu.memref_slice %arg2[%dma_wait3A_345, %dma_wait3A_346] : memref<50000x32xf32, #tpu.memory_space<hbm>> -> memref<50000x32xf32, #tpu.memory_space<hbm>>
        tpu.wait_indirect_dma semaphore(%arg11 : memref<!tpu.dma_semaphore, #tpu.memory_space<semaphore_mem>>) src(%dma_wait3A_347 : memref<50000x32xf32, #tpu.memory_space<hbm>>) dst(%dma_wait3A_341 : memref<125x32xf32, #tpu.memory_space<vmem>>)
        %add3A_348 = arith.constant 2 : i32
        %add3A_349 = arith.addi %add3A_231, %add3A_348 : i32
        %dma_start3A_350 = arith.constant 0 : i32
        %dma_start3A_351 = arith.constant 0 : i32
        %dma_start3A_352 = arith.constant 0 : i32
        %dma_start3A_353 = tpu.memref_slice %arg9[%dma_start3A_350, %dma_start3A_351, %dma_start3A_352] : memref<4x125x32xf32, #tpu.memory_space<vmem>> -> memref<1x125x32xf32, #tpu.memory_space<vmem>>
        %dma_start3A_354 = tpu.memref_squeeze %dma_start3A_353 : memref<1x125x32xf32, #tpu.memory_space<vmem>> -> memref<125x32xf32, #tpu.memory_space<vmem>>
        %dma_start3A_355 = arith.constant 0 : i32
        %dma_start3A_356 = tpu.memref_slice %arg8[%add3A_349, %dma_start3A_355] : memref<20x125xi32, #tpu.memory_space<vmem>> -> memref<1x125xi32, #tpu.memory_space<vmem>>
        %dma_start3A_357 = tpu.memref_squeeze %dma_start3A_356 : memref<1x125xi32, #tpu.memory_space<vmem>> -> memref<125xi32, #tpu.memory_space<vmem>>
        %dma_start3A_358 = arith.constant 0 : i32
        %dma_start3A_359 = arith.constant 0 : i32
        %dma_start3A_360 = tpu.memref_slice %arg6[%dma_start3A_358, %dma_start3A_359] : memref<50000x32xf32, #tpu.memory_space<vmem_shared>> -> memref<50000x32xf32, #tpu.memory_space<vmem_shared>>
        tpu.enqueue_indirect_dma source(%dma_start3A_354 : memref<125x32xf32, #tpu.memory_space<vmem>>) target(%dma_start3A_360 : memref<50000x32xf32, #tpu.memory_space<vmem_shared>>) offsets(%dma_start3A_357 : memref<125xi32, #tpu.memory_space<vmem>>) semaphore(%arg15 : memref<!tpu.dma_semaphore, #tpu.memory_space<semaphore_mem>>) {add = true}
        %dma_wait3A_361 = arith.constant 2 : i32
        %dma_wait3A_362 = arith.constant 0 : i32
        %dma_wait3A_363 = arith.constant 0 : i32
        %dma_wait3A_364 = arith.constant 0 : i32
        %dma_wait3A_365 = tpu.memref_slice %arg9[%dma_wait3A_361, %dma_wait3A_363, %dma_wait3A_364] : memref<4x125x32xf32, #tpu.memory_space<vmem>> -> memref<1x125x32xf32, #tpu.memory_space<vmem>>
        %dma_wait3A_366 = tpu.memref_squeeze %dma_wait3A_365 : memref<1x125x32xf32, #tpu.memory_space<vmem>> -> memref<125x32xf32, #tpu.memory_space<vmem>>
        %dma_wait3A_367 = arith.constant 0 : i32
        %dma_wait3A_368 = tpu.memref_slice %arg8[%dma_wait3A_362, %dma_wait3A_367] : memref<20x125xi32, #tpu.memory_space<vmem>> -> memref<1x125xi32, #tpu.memory_space<vmem>>
        %dma_wait3A_369 = tpu.memref_squeeze %dma_wait3A_368 : memref<1x125xi32, #tpu.memory_space<vmem>> -> memref<125xi32, #tpu.memory_space<vmem>>
        %dma_wait3A_370 = arith.constant 0 : i32
        %dma_wait3A_371 = arith.constant 0 : i32
        %dma_wait3A_372 = tpu.memref_slice %arg6[%dma_wait3A_370, %dma_wait3A_371] : memref<50000x32xf32, #tpu.memory_space<vmem_shared>> -> memref<50000x32xf32, #tpu.memory_space<vmem_shared>>
        tpu.wait_indirect_dma semaphore(%arg17 : memref<!tpu.dma_semaphore, #tpu.memory_space<semaphore_mem>>) src(%dma_wait3A_366 : memref<125x32xf32, #tpu.memory_space<vmem>>) dst(%dma_wait3A_372 : memref<50000x32xf32, #tpu.memory_space<vmem_shared>>)
        %add3A_373 = arith.constant 2 : i32
        %add3A_374 = arith.addi %add3A_231, %add3A_373 : i32
        %add3A_375 = arith.constant 2 : i32
        %add3A_376 = arith.addi %add3A_374, %add3A_375 : i32
        %dma_start3A_377 = arith.constant 2 : i32
        %dma_start3A_378 = arith.constant 0 : i32
        %dma_start3A_379 = arith.constant 0 : i32
        %dma_start3A_380 = tpu.memref_slice %arg9[%dma_start3A_377, %dma_start3A_378, %dma_start3A_379] : memref<4x125x32xf32, #tpu.memory_space<vmem>> -> memref<1x125x32xf32, #tpu.memory_space<vmem>>
        %dma_start3A_381 = tpu.memref_squeeze %dma_start3A_380 : memref<1x125x32xf32, #tpu.memory_space<vmem>> -> memref<125x32xf32, #tpu.memory_space<vmem>>
        %dma_start3A_382 = arith.constant 0 : i32
        %dma_start3A_383 = tpu.memref_slice %arg7[%add3A_376, %dma_start3A_382] : memref<20x125xi32, #tpu.memory_space<vmem>> -> memref<1x125xi32, #tpu.memory_space<vmem>>
        %dma_start3A_384 = tpu.memref_squeeze %dma_start3A_383 : memref<1x125xi32, #tpu.memory_space<vmem>> -> memref<125xi32, #tpu.memory_space<vmem>>
        %dma_start3A_385 = arith.constant 0 : i32
        %dma_start3A_386 = arith.constant 0 : i32
        %dma_start3A_387 = tpu.memref_slice %arg2[%dma_start3A_385, %dma_start3A_386] : memref<50000x32xf32, #tpu.memory_space<hbm>> -> memref<50000x32xf32, #tpu.memory_space<hbm>>
        tpu.enqueue_indirect_dma source(%dma_start3A_387 : memref<50000x32xf32, #tpu.memory_space<hbm>>) target(%dma_start3A_381 : memref<125x32xf32, #tpu.memory_space<vmem>>) offsets(%dma_start3A_384 : memref<125xi32, #tpu.memory_space<vmem>>) semaphore(%arg13 : memref<!tpu.dma_semaphore, #tpu.memory_space<semaphore_mem>>)
        %dma_wait3A_388 = arith.constant 0 : i32
        %dma_wait3A_389 = arith.constant 1 : i32
        %dma_wait3A_390 = arith.constant 0 : i32
        %dma_wait3A_391 = arith.constant 0 : i32
        %dma_wait3A_392 = tpu.memref_slice %arg9[%dma_wait3A_389, %dma_wait3A_390, %dma_wait3A_391] : memref<4x125x32xf32, #tpu.memory_space<vmem>> -> memref<1x125x32xf32, #tpu.memory_space<vmem>>
        %dma_wait3A_393 = tpu.memref_squeeze %dma_wait3A_392 : memref<1x125x32xf32, #tpu.memory_space<vmem>> -> memref<125x32xf32, #tpu.memory_space<vmem>>
        %dma_wait3A_394 = arith.constant 0 : i32
        %dma_wait3A_395 = tpu.memref_slice %arg7[%dma_wait3A_388, %dma_wait3A_394] : memref<20x125xi32, #tpu.memory_space<vmem>> -> memref<1x125xi32, #tpu.memory_space<vmem>>
        %dma_wait3A_396 = tpu.memref_squeeze %dma_wait3A_395 : memref<1x125xi32, #tpu.memory_space<vmem>> -> memref<125xi32, #tpu.memory_space<vmem>>
        %dma_wait3A_397 = arith.constant 0 : i32
        %dma_wait3A_398 = arith.constant 0 : i32
        %dma_wait3A_399 = tpu.memref_slice %arg2[%dma_wait3A_397, %dma_wait3A_398] : memref<50000x32xf32, #tpu.memory_space<hbm>> -> memref<50000x32xf32, #tpu.memory_space<hbm>>
        tpu.wait_indirect_dma semaphore(%arg12 : memref<!tpu.dma_semaphore, #tpu.memory_space<semaphore_mem>>) src(%dma_wait3A_399 : memref<50000x32xf32, #tpu.memory_space<hbm>>) dst(%dma_wait3A_393 : memref<125x32xf32, #tpu.memory_space<vmem>>)
        %add3A_400 = arith.constant 3 : i32
        %add3A_401 = arith.addi %add3A_231, %add3A_400 : i32
        %dma_start3A_402 = arith.constant 1 : i32
        %dma_start3A_403 = arith.constant 0 : i32
        %dma_start3A_404 = arith.constant 0 : i32
        %dma_start3A_405 = tpu.memref_slice %arg9[%dma_start3A_402, %dma_start3A_403, %dma_start3A_404] : memref<4x125x32xf32, #tpu.memory_space<vmem>> -> memref<1x125x32xf32, #tpu.memory_space<vmem>>
        %dma_start3A_406 = tpu.memref_squeeze %dma_start3A_405 : memref<1x125x32xf32, #tpu.memory_space<vmem>> -> memref<125x32xf32, #tpu.memory_space<vmem>>
        %dma_start3A_407 = arith.constant 0 : i32
        %dma_start3A_408 = tpu.memref_slice %arg8[%add3A_401, %dma_start3A_407] : memref<20x125xi32, #tpu.memory_space<vmem>> -> memref<1x125xi32, #tpu.memory_space<vmem>>
        %dma_start3A_409 = tpu.memref_squeeze %dma_start3A_408 : memref<1x125xi32, #tpu.memory_space<vmem>> -> memref<125xi32, #tpu.memory_space<vmem>>
        %dma_start3A_410 = arith.constant 0 : i32
        %dma_start3A_411 = arith.constant 0 : i32
        %dma_start3A_412 = tpu.memref_slice %arg6[%dma_start3A_410, %dma_start3A_411] : memref<50000x32xf32, #tpu.memory_space<vmem_shared>> -> memref<50000x32xf32, #tpu.memory_space<vmem_shared>>
        tpu.enqueue_indirect_dma source(%dma_start3A_406 : memref<125x32xf32, #tpu.memory_space<vmem>>) target(%dma_start3A_412 : memref<50000x32xf32, #tpu.memory_space<vmem_shared>>) offsets(%dma_start3A_409 : memref<125xi32, #tpu.memory_space<vmem>>) semaphore(%arg16 : memref<!tpu.dma_semaphore, #tpu.memory_space<semaphore_mem>>) {add = true}
        %dma_wait3A_413 = arith.constant 3 : i32
        %dma_wait3A_414 = arith.constant 0 : i32
        %dma_wait3A_415 = arith.constant 0 : i32
        %dma_wait3A_416 = arith.constant 0 : i32
        %dma_wait3A_417 = tpu.memref_slice %arg9[%dma_wait3A_413, %dma_wait3A_415, %dma_wait3A_416] : memref<4x125x32xf32, #tpu.memory_space<vmem>> -> memref<1x125x32xf32, #tpu.memory_space<vmem>>
        %dma_wait3A_418 = tpu.memref_squeeze %dma_wait3A_417 : memref<1x125x32xf32, #tpu.memory_space<vmem>> -> memref<125x32xf32, #tpu.memory_space<vmem>>
        %dma_wait3A_419 = arith.constant 0 : i32
        %dma_wait3A_420 = tpu.memref_slice %arg8[%dma_wait3A_414, %dma_wait3A_419] : memref<20x125xi32, #tpu.memory_space<vmem>> -> memref<1x125xi32, #tpu.memory_space<vmem>>
        %dma_wait3A_421 = tpu.memref_squeeze %dma_wait3A_420 : memref<1x125xi32, #tpu.memory_space<vmem>> -> memref<125xi32, #tpu.memory_space<vmem>>
        %dma_wait3A_422 = arith.constant 0 : i32
        %dma_wait3A_423 = arith.constant 0 : i32
        %dma_wait3A_424 = tpu.memref_slice %arg6[%dma_wait3A_422, %dma_wait3A_423] : memref<50000x32xf32, #tpu.memory_space<vmem_shared>> -> memref<50000x32xf32, #tpu.memory_space<vmem_shared>>
        tpu.wait_indirect_dma semaphore(%arg18 : memref<!tpu.dma_semaphore, #tpu.memory_space<semaphore_mem>>) src(%dma_wait3A_418 : memref<125x32xf32, #tpu.memory_space<vmem>>) dst(%dma_wait3A_424 : memref<50000x32xf32, #tpu.memory_space<vmem_shared>>)
        %add3A_425 = arith.constant 3 : i32
        %add3A_426 = arith.addi %add3A_231, %add3A_425 : i32
        %add3A_427 = arith.constant 2 : i32
        %add3A_428 = arith.addi %add3A_426, %add3A_427 : i32
        %dma_start3A_429 = arith.constant 3 : i32
        %dma_start3A_430 = arith.constant 0 : i32
        %dma_start3A_431 = arith.constant 0 : i32
        %dma_start3A_432 = tpu.memref_slice %arg9[%dma_start3A_429, %dma_start3A_430, %dma_start3A_431] : memref<4x125x32xf32, #tpu.memory_space<vmem>> -> memref<1x125x32xf32, #tpu.memory_space<vmem>>
        %dma_start3A_433 = tpu.memref_squeeze %dma_start3A_432 : memref<1x125x32xf32, #tpu.memory_space<vmem>> -> memref<125x32xf32, #tpu.memory_space<vmem>>
        %dma_start3A_434 = arith.constant 0 : i32
        %dma_start3A_435 = tpu.memref_slice %arg7[%add3A_428, %dma_start3A_434] : memref<20x125xi32, #tpu.memory_space<vmem>> -> memref<1x125xi32, #tpu.memory_space<vmem>>
        %dma_start3A_436 = tpu.memref_squeeze %dma_start3A_435 : memref<1x125xi32, #tpu.memory_space<vmem>> -> memref<125xi32, #tpu.memory_space<vmem>>
        %dma_start3A_437 = arith.constant 0 : i32
        %dma_start3A_438 = arith.constant 0 : i32
        %dma_start3A_439 = tpu.memref_slice %arg2[%dma_start3A_437, %dma_start3A_438] : memref<50000x32xf32, #tpu.memory_space<hbm>> -> memref<50000x32xf32, #tpu.memory_space<hbm>>
        tpu.enqueue_indirect_dma source(%dma_start3A_439 : memref<50000x32xf32, #tpu.memory_space<hbm>>) target(%dma_start3A_433 : memref<125x32xf32, #tpu.memory_space<vmem>>) offsets(%dma_start3A_436 : memref<125xi32, #tpu.memory_space<vmem>>) semaphore(%arg14 : memref<!tpu.dma_semaphore, #tpu.memory_space<semaphore_mem>>)
      }
      %scan3A_130 = arith.constant 4 : i32
      %dma_wait3A_131 = arith.constant 0 : i32
      %dma_wait3A_132 = arith.constant 2 : i32
      %dma_wait3A_133 = arith.constant 0 : i32
      %dma_wait3A_134 = arith.constant 0 : i32
      %dma_wait3A_135 = tpu.memref_slice %arg9[%dma_wait3A_132, %dma_wait3A_133, %dma_wait3A_134] : memref<4x125x32xf32, #tpu.memory_space<vmem>> -> memref<1x125x32xf32, #tpu.memory_space<vmem>>
      %dma_wait3A_136 = tpu.memref_squeeze %dma_wait3A_135 : memref<1x125x32xf32, #tpu.memory_space<vmem>> -> memref<125x32xf32, #tpu.memory_space<vmem>>
      %dma_wait3A_137 = arith.constant 0 : i32
      %dma_wait3A_138 = tpu.memref_slice %arg7[%dma_wait3A_131, %dma_wait3A_137] : memref<20x125xi32, #tpu.memory_space<vmem>> -> memref<1x125xi32, #tpu.memory_space<vmem>>
      %dma_wait3A_139 = tpu.memref_squeeze %dma_wait3A_138 : memref<1x125xi32, #tpu.memory_space<vmem>> -> memref<125xi32, #tpu.memory_space<vmem>>
      %dma_wait3A_140 = arith.constant 0 : i32
      %dma_wait3A_141 = arith.constant 0 : i32
      %dma_wait3A_142 = tpu.memref_slice %arg2[%dma_wait3A_140, %dma_wait3A_141] : memref<50000x32xf32, #tpu.memory_space<hbm>> -> memref<50000x32xf32, #tpu.memory_space<hbm>>
      tpu.wait_indirect_dma semaphore(%arg13 : memref<!tpu.dma_semaphore, #tpu.memory_space<semaphore_mem>>) src(%dma_wait3A_142 : memref<50000x32xf32, #tpu.memory_space<hbm>>) dst(%dma_wait3A_136 : memref<125x32xf32, #tpu.memory_space<vmem>>)
      %dma_start3A_143 = arith.constant 2 : i32
      %dma_start3A_144 = arith.constant 18 : i32
      %dma_start3A_145 = arith.constant 0 : i32
      %dma_start3A_146 = arith.constant 0 : i32
      %dma_start3A_147 = tpu.memref_slice %arg9[%dma_start3A_143, %dma_start3A_145, %dma_start3A_146] : memref<4x125x32xf32, #tpu.memory_space<vmem>> -> memref<1x125x32xf32, #tpu.memory_space<vmem>>
      %dma_start3A_148 = tpu.memref_squeeze %dma_start3A_147 : memref<1x125x32xf32, #tpu.memory_space<vmem>> -> memref<125x32xf32, #tpu.memory_space<vmem>>
      %dma_start3A_149 = arith.constant 0 : i32
      %dma_start3A_150 = tpu.memref_slice %arg8[%dma_start3A_144, %dma_start3A_149] : memref<20x125xi32, #tpu.memory_space<vmem>> -> memref<1x125xi32, #tpu.memory_space<vmem>>
      %dma_start3A_151 = tpu.memref_squeeze %dma_start3A_150 : memref<1x125xi32, #tpu.memory_space<vmem>> -> memref<125xi32, #tpu.memory_space<vmem>>
      %dma_start3A_152 = arith.constant 0 : i32
      %dma_start3A_153 = arith.constant 0 : i32
      %dma_start3A_154 = tpu.memref_slice %arg6[%dma_start3A_152, %dma_start3A_153] : memref<50000x32xf32, #tpu.memory_space<vmem_shared>> -> memref<50000x32xf32, #tpu.memory_space<vmem_shared>>
      tpu.enqueue_indirect_dma source(%dma_start3A_148 : memref<125x32xf32, #tpu.memory_space<vmem>>) target(%dma_start3A_154 : memref<50000x32xf32, #tpu.memory_space<vmem_shared>>) offsets(%dma_start3A_151 : memref<125xi32, #tpu.memory_space<vmem>>) semaphore(%arg17 : memref<!tpu.dma_semaphore, #tpu.memory_space<semaphore_mem>>) {add = true}
      %dma_wait3A_155 = arith.constant 0 : i32
      %dma_wait3A_156 = arith.constant 3 : i32
      %dma_wait3A_157 = arith.constant 0 : i32
      %dma_wait3A_158 = arith.constant 0 : i32
      %dma_wait3A_159 = tpu.memref_slice %arg9[%dma_wait3A_156, %dma_wait3A_157, %dma_wait3A_158] : memref<4x125x32xf32, #tpu.memory_space<vmem>> -> memref<1x125x32xf32, #tpu.memory_space<vmem>>
      %dma_wait3A_160 = tpu.memref_squeeze %dma_wait3A_159 : memref<1x125x32xf32, #tpu.memory_space<vmem>> -> memref<125x32xf32, #tpu.memory_space<vmem>>
      %dma_wait3A_161 = arith.constant 0 : i32
      %dma_wait3A_162 = tpu.memref_slice %arg7[%dma_wait3A_155, %dma_wait3A_161] : memref<20x125xi32, #tpu.memory_space<vmem>> -> memref<1x125xi32, #tpu.memory_space<vmem>>
      %dma_wait3A_163 = tpu.memref_squeeze %dma_wait3A_162 : memref<1x125xi32, #tpu.memory_space<vmem>> -> memref<125xi32, #tpu.memory_space<vmem>>
      %dma_wait3A_164 = arith.constant 0 : i32
      %dma_wait3A_165 = arith.constant 0 : i32
      %dma_wait3A_166 = tpu.memref_slice %arg2[%dma_wait3A_164, %dma_wait3A_165] : memref<50000x32xf32, #tpu.memory_space<hbm>> -> memref<50000x32xf32, #tpu.memory_space<hbm>>
      tpu.wait_indirect_dma semaphore(%arg14 : memref<!tpu.dma_semaphore, #tpu.memory_space<semaphore_mem>>) src(%dma_wait3A_166 : memref<50000x32xf32, #tpu.memory_space<hbm>>) dst(%dma_wait3A_160 : memref<125x32xf32, #tpu.memory_space<vmem>>)
      %dma_start3A_167 = arith.constant 3 : i32
      %dma_start3A_168 = arith.constant 19 : i32
      %dma_start3A_169 = arith.constant 0 : i32
      %dma_start3A_170 = arith.constant 0 : i32
      %dma_start3A_171 = tpu.memref_slice %arg9[%dma_start3A_167, %dma_start3A_169, %dma_start3A_170] : memref<4x125x32xf32, #tpu.memory_space<vmem>> -> memref<1x125x32xf32, #tpu.memory_space<vmem>>
      %dma_start3A_172 = tpu.memref_squeeze %dma_start3A_171 : memref<1x125x32xf32, #tpu.memory_space<vmem>> -> memref<125x32xf32, #tpu.memory_space<vmem>>
      %dma_start3A_173 = arith.constant 0 : i32
      %dma_start3A_174 = tpu.memref_slice %arg8[%dma_start3A_168, %dma_start3A_173] : memref<20x125xi32, #tpu.memory_space<vmem>> -> memref<1x125xi32, #tpu.memory_space<vmem>>
      %dma_start3A_175 = tpu.memref_squeeze %dma_start3A_174 : memref<1x125xi32, #tpu.memory_space<vmem>> -> memref<125xi32, #tpu.memory_space<vmem>>
      %dma_start3A_176 = arith.constant 0 : i32
      %dma_start3A_177 = arith.constant 0 : i32
      %dma_start3A_178 = tpu.memref_slice %arg6[%dma_start3A_176, %dma_start3A_177] : memref<50000x32xf32, #tpu.memory_space<vmem_shared>> -> memref<50000x32xf32, #tpu.memory_space<vmem_shared>>
      tpu.enqueue_indirect_dma source(%dma_start3A_172 : memref<125x32xf32, #tpu.memory_space<vmem>>) target(%dma_start3A_178 : memref<50000x32xf32, #tpu.memory_space<vmem_shared>>) offsets(%dma_start3A_175 : memref<125xi32, #tpu.memory_space<vmem>>) semaphore(%arg18 : memref<!tpu.dma_semaphore, #tpu.memory_space<semaphore_mem>>) {add = true}
      %dma_wait3A_179 = arith.constant 0 : i32
      %dma_wait3A_180 = arith.constant 0 : i32
      %dma_wait3A_181 = arith.constant 0 : i32
      %dma_wait3A_182 = arith.constant 0 : i32
      %dma_wait3A_183 = tpu.memref_slice %arg9[%dma_wait3A_179, %dma_wait3A_181, %dma_wait3A_182] : memref<4x125x32xf32, #tpu.memory_space<vmem>> -> memref<1x125x32xf32, #tpu.memory_space<vmem>>
      %dma_wait3A_184 = tpu.memref_squeeze %dma_wait3A_183 : memref<1x125x32xf32, #tpu.memory_space<vmem>> -> memref<125x32xf32, #tpu.memory_space<vmem>>
      %dma_wait3A_185 = arith.constant 0 : i32
      %dma_wait3A_186 = tpu.memref_slice %arg8[%dma_wait3A_180, %dma_wait3A_185] : memref<20x125xi32, #tpu.memory_space<vmem>> -> memref<1x125xi32, #tpu.memory_space<vmem>>
      %dma_wait3A_187 = tpu.memref_squeeze %dma_wait3A_186 : memref<1x125xi32, #tpu.memory_space<vmem>> -> memref<125xi32, #tpu.memory_space<vmem>>
      %dma_wait3A_188 = arith.constant 0 : i32
      %dma_wait3A_189 = arith.constant 0 : i32
      %dma_wait3A_190 = tpu.memref_slice %arg6[%dma_wait3A_188, %dma_wait3A_189] : memref<50000x32xf32, #tpu.memory_space<vmem_shared>> -> memref<50000x32xf32, #tpu.memory_space<vmem_shared>>
      tpu.wait_indirect_dma semaphore(%arg15 : memref<!tpu.dma_semaphore, #tpu.memory_space<semaphore_mem>>) src(%dma_wait3A_184 : memref<125x32xf32, #tpu.memory_space<vmem>>) dst(%dma_wait3A_190 : memref<50000x32xf32, #tpu.memory_space<vmem_shared>>)
      %dma_wait3A_191 = arith.constant 1 : i32
      %dma_wait3A_192 = arith.constant 0 : i32
      %dma_wait3A_193 = arith.constant 0 : i32
      %dma_wait3A_194 = arith.constant 0 : i32
      %dma_wait3A_195 = tpu.memref_slice %arg9[%dma_wait3A_191, %dma_wait3A_193, %dma_wait3A_194] : memref<4x125x32xf32, #tpu.memory_space<vmem>> -> memref<1x125x32xf32, #tpu.memory_space<vmem>>
      %dma_wait3A_196 = tpu.memref_squeeze %dma_wait3A_195 : memref<1x125x32xf32, #tpu.memory_space<vmem>> -> memref<125x32xf32, #tpu.memory_space<vmem>>
      %dma_wait3A_197 = arith.constant 0 : i32
      %dma_wait3A_198 = tpu.memref_slice %arg8[%dma_wait3A_192, %dma_wait3A_197] : memref<20x125xi32, #tpu.memory_space<vmem>> -> memref<1x125xi32, #tpu.memory_space<vmem>>
      %dma_wait3A_199 = tpu.memref_squeeze %dma_wait3A_198 : memref<1x125xi32, #tpu.memory_space<vmem>> -> memref<125xi32, #tpu.memory_space<vmem>>
      %dma_wait3A_200 = arith.constant 0 : i32
      %dma_wait3A_201 = arith.constant 0 : i32
      %dma_wait3A_202 = tpu.memref_slice %arg6[%dma_wait3A_200, %dma_wait3A_201] : memref<50000x32xf32, #tpu.memory_space<vmem_shared>> -> memref<50000x32xf32, #tpu.memory_space<vmem_shared>>
      tpu.wait_indirect_dma semaphore(%arg16 : memref<!tpu.dma_semaphore, #tpu.memory_space<semaphore_mem>>) src(%dma_wait3A_196 : memref<125x32xf32, #tpu.memory_space<vmem>>) dst(%dma_wait3A_202 : memref<50000x32xf32, #tpu.memory_space<vmem_shared>>)
      %dma_wait3A_203 = arith.constant 2 : i32
      %dma_wait3A_204 = arith.constant 0 : i32
      %dma_wait3A_205 = arith.constant 0 : i32
      %dma_wait3A_206 = arith.constant 0 : i32
      %dma_wait3A_207 = tpu.memref_slice %arg9[%dma_wait3A_203, %dma_wait3A_205, %dma_wait3A_206] : memref<4x125x32xf32, #tpu.memory_space<vmem>> -> memref<1x125x32xf32, #tpu.memory_space<vmem>>
      %dma_wait3A_208 = tpu.memref_squeeze %dma_wait3A_207 : memref<1x125x32xf32, #tpu.memory_space<vmem>> -> memref<125x32xf32, #tpu.memory_space<vmem>>
      %dma_wait3A_209 = arith.constant 0 : i32
      %dma_wait3A_210 = tpu.memref_slice %arg8[%dma_wait3A_204, %dma_wait3A_209] : memref<20x125xi32, #tpu.memory_space<vmem>> -> memref<1x125xi32, #tpu.memory_space<vmem>>
      %dma_wait3A_211 = tpu.memref_squeeze %dma_wait3A_210 : memref<1x125xi32, #tpu.memory_space<vmem>> -> memref<125xi32, #tpu.memory_space<vmem>>
      %dma_wait3A_212 = arith.constant 0 : i32
      %dma_wait3A_213 = arith.constant 0 : i32
      %dma_wait3A_214 = tpu.memref_slice %arg6[%dma_wait3A_212, %dma_wait3A_213] : memref<50000x32xf32, #tpu.memory_space<vmem_shared>> -> memref<50000x32xf32, #tpu.memory_space<vmem_shared>>
      tpu.wait_indirect_dma semaphore(%arg17 : memref<!tpu.dma_semaphore, #tpu.memory_space<semaphore_mem>>) src(%dma_wait3A_208 : memref<125x32xf32, #tpu.memory_space<vmem>>) dst(%dma_wait3A_214 : memref<50000x32xf32, #tpu.memory_space<vmem_shared>>)
      %dma_wait3A_215 = arith.constant 3 : i32
      %dma_wait3A_216 = arith.constant 0 : i32
      %dma_wait3A_217 = arith.constant 0 : i32
      %dma_wait3A_218 = arith.constant 0 : i32
      %dma_wait3A_219 = tpu.memref_slice %arg9[%dma_wait3A_215, %dma_wait3A_217, %dma_wait3A_218] : memref<4x125x32xf32, #tpu.memory_space<vmem>> -> memref<1x125x32xf32, #tpu.memory_space<vmem>>
      %dma_wait3A_220 = tpu.memref_squeeze %dma_wait3A_219 : memref<1x125x32xf32, #tpu.memory_space<vmem>> -> memref<125x32xf32, #tpu.memory_space<vmem>>
      %dma_wait3A_221 = arith.constant 0 : i32
      %dma_wait3A_222 = tpu.memref_slice %arg8[%dma_wait3A_216, %dma_wait3A_221] : memref<20x125xi32, #tpu.memory_space<vmem>> -> memref<1x125xi32, #tpu.memory_space<vmem>>
      %dma_wait3A_223 = tpu.memref_squeeze %dma_wait3A_222 : memref<1x125xi32, #tpu.memory_space<vmem>> -> memref<125xi32, #tpu.memory_space<vmem>>
      %dma_wait3A_224 = arith.constant 0 : i32
      %dma_wait3A_225 = arith.constant 0 : i32
      %dma_wait3A_226 = tpu.memref_slice %arg6[%dma_wait3A_224, %dma_wait3A_225] : memref<50000x32xf32, #tpu.memory_space<vmem_shared>> -> memref<50000x32xf32, #tpu.memory_space<vmem_shared>>
      tpu.wait_indirect_dma semaphore(%arg18 : memref<!tpu.dma_semaphore, #tpu.memory_space<semaphore_mem>>) src(%dma_wait3A_220 : memref<125x32xf32, #tpu.memory_space<vmem>>) dst(%dma_wait3A_226 : memref<50000x32xf32, #tpu.memory_space<vmem_shared>>)
    }
    %scan3A_15 = arith.constant 10 : i32
    %barrier3A_16 = arith.constant 0 : index
    tpu.barrier barrier_id(%barrier3A_16)
    %lt3A_17 = arith.constant 15 : i32
    %lt3A_18 = arith.cmpi slt, %arg1, %lt3A_17 : i32
    %convert_element_type3A_19 = arith.extui %lt3A_18 : i1 to i32
    %cond3A_20 = arith.constant 0 : i32
    %cond3A_21 = arith.cmpi ne, %convert_element_type3A_19, %cond3A_20 : i32
    scf.if %cond3A_21 {
      %mul3A_27 = arith.constant 3200 : i32
      %mul3A_28 = arith.muli %arg1, %mul3A_27 : i32
      %mul3A_29 = arith.constant 3200 : i32
      %mul3A_30 = arith.muli %arg1, %mul3A_29 : i32
      "tpu.region"() ({
        %run_scoped3A = tpu.sem_alloc : memref<!tpu.dma_semaphore, #tpu.memory_space<semaphore_mem>>
        %dma_start3A = arith.constant 0 : i32
        %dma_start3A_31 = tpu.memref_slice %arg5[%arg0, %mul3A_30, %dma_start3A] : memref<2x50000x32xf32, #tpu.memory_space<hbm>> -> memref<1x3200x32xf32, #tpu.memory_space<hbm>>
        %dma_start3A_32 = tpu.memref_squeeze %dma_start3A_31 : memref<1x3200x32xf32, #tpu.memory_space<hbm>> -> memref<3200x32xf32, #tpu.memory_space<hbm>>
        %dma_start3A_33 = arith.constant 0 : i32
        %dma_start3A_34 = tpu.memref_slice %arg6[%mul3A_28, %dma_start3A_33] : memref<50000x32xf32, #tpu.memory_space<vmem_shared>> -> memref<3200x32xf32, #tpu.memory_space<vmem_shared>>
        tpu.enqueue_dma source(%dma_start3A_34 : memref<3200x32xf32, #tpu.memory_space<vmem_shared>>) target(%dma_start3A_32 : memref<3200x32xf32, #tpu.memory_space<hbm>>) target_semaphore(%run_scoped3A : memref<!tpu.dma_semaphore, #tpu.memory_space<semaphore_mem>>)
        %dma_wait3A = arith.constant 0 : i32
        %dma_wait3A_35 = tpu.memref_slice %arg5[%arg0, %mul3A_30, %dma_wait3A] : memref<2x50000x32xf32, #tpu.memory_space<hbm>> -> memref<1x3200x32xf32, #tpu.memory_space<hbm>>
        %dma_wait3A_36 = tpu.memref_squeeze %dma_wait3A_35 : memref<1x3200x32xf32, #tpu.memory_space<hbm>> -> memref<3200x32xf32, #tpu.memory_space<hbm>>
        %dma_wait3A_37 = arith.constant 0 : i32
        %dma_wait3A_38 = tpu.memref_slice %arg6[%mul3A_28, %dma_wait3A_37] : memref<50000x32xf32, #tpu.memory_space<vmem_shared>> -> memref<3200x32xf32, #tpu.memory_space<vmem_shared>>
        tpu.wait_dma2 semaphore(%run_scoped3A : memref<!tpu.dma_semaphore, #tpu.memory_space<semaphore_mem>>) src(%dma_wait3A_38 : memref<3200x32xf32, #tpu.memory_space<vmem_shared>>) dst(%dma_wait3A_36 : memref<3200x32xf32, #tpu.memory_space<hbm>>)
        tpu.yield
      }) : () -> ()
    } else {
    }
    %eq3A_22 = arith.constant 15 : i32
    %eq3A_23 = arith.cmpi eq, %arg1, %eq3A_22 : i32
    %convert_element_type3A_24 = arith.extui %eq3A_23 : i1 to i32
    %cond3A_25 = arith.constant 0 : i32
    %cond3A_26 = arith.cmpi ne, %convert_element_type3A_24, %cond3A_25 : i32
    scf.if %cond3A_26 {
      "tpu.region"() ({
        %run_scoped3A = tpu.sem_alloc : memref<!tpu.dma_semaphore, #tpu.memory_space<semaphore_mem>>
        %dma_start3A = arith.constant 48000 : i32
        %dma_start3A_27 = arith.constant 0 : i32
        %dma_start3A_28 = tpu.memref_slice %arg5[%arg0, %dma_start3A, %dma_start3A_27] : memref<2x50000x32xf32, #tpu.memory_space<hbm>> -> memref<1x2000x32xf32, #tpu.memory_space<hbm>>
        %dma_start3A_29 = tpu.memref_squeeze %dma_start3A_28 : memref<1x2000x32xf32, #tpu.memory_space<hbm>> -> memref<2000x32xf32, #tpu.memory_space<hbm>>
        %dma_start3A_30 = arith.constant 48000 : i32
        %dma_start3A_31 = arith.constant 0 : i32
        %dma_start3A_32 = tpu.memref_slice %arg6[%dma_start3A_30, %dma_start3A_31] : memref<50000x32xf32, #tpu.memory_space<vmem_shared>> -> memref<2000x32xf32, #tpu.memory_space<vmem_shared>>
        tpu.enqueue_dma source(%dma_start3A_32 : memref<2000x32xf32, #tpu.memory_space<vmem_shared>>) target(%dma_start3A_29 : memref<2000x32xf32, #tpu.memory_space<hbm>>) target_semaphore(%run_scoped3A : memref<!tpu.dma_semaphore, #tpu.memory_space<semaphore_mem>>)
        %dma_wait3A = arith.constant 48000 : i32
        %dma_wait3A_33 = arith.constant 0 : i32
        %dma_wait3A_34 = tpu.memref_slice %arg5[%arg0, %dma_wait3A, %dma_wait3A_33] : memref<2x50000x32xf32, #tpu.memory_space<hbm>> -> memref<1x2000x32xf32, #tpu.memory_space<hbm>>
        %dma_wait3A_35 = tpu.memref_squeeze %dma_wait3A_34 : memref<1x2000x32xf32, #tpu.memory_space<hbm>> -> memref<2000x32xf32, #tpu.memory_space<hbm>>
        %dma_wait3A_36 = arith.constant 48000 : i32
        %dma_wait3A_37 = arith.constant 0 : i32
        %dma_wait3A_38 = tpu.memref_slice %arg6[%dma_wait3A_36, %dma_wait3A_37] : memref<50000x32xf32, #tpu.memory_space<vmem_shared>> -> memref<2000x32xf32, #tpu.memory_space<vmem_shared>>
        tpu.wait_dma2 semaphore(%run_scoped3A : memref<!tpu.dma_semaphore, #tpu.memory_space<semaphore_mem>>) src(%dma_wait3A_38 : memref<2000x32xf32, #tpu.memory_space<vmem_shared>>) dst(%dma_wait3A_35 : memref<2000x32xf32, #tpu.memory_space<hbm>>)
        tpu.yield
      }) : () -> ()
    } else {
    }
    return
  }
}

#map = affine_map<(d0, d1) -> (0, 0)>
#map1 = affine_map<(d0, d1) -> (0, 0, 0, 0)>
#map2 = affine_map<(d0, d1) -> (0, 0, 0)>
module attributes {stable_mosaic.version = 14 : i64} {
  func.func @_sc_edge_scatter(%arg0: i32, %arg1: i32, %arg2: memref<50000x32xf32, #tpu.memory_space<hbm>>, %arg3: memref<32x10x20x125xi32, #tpu.memory_space<hbm>>, %arg4: memref<32x10x20x125xi32, #tpu.memory_space<hbm>>, %arg5: memref<2x50000x32xf32, #tpu.memory_space<hbm>>, %arg6: memref<50000x32xf32, #tpu.memory_space<vmem_shared>>, %arg7: memref<20x125xi32, #tpu.memory_space<vmem>>, %arg8: memref<20x125xi32, #tpu.memory_space<vmem>>, %arg9: memref<4x125x32xf32, #tpu.memory_space<vmem>>, %arg10: memref<200x32xf32, #tpu.memory_space<vmem>>, %arg11: memref<!tpu.dma_semaphore, #tpu.memory_space<semaphore_mem>>, %arg12: memref<!tpu.dma_semaphore, #tpu.memory_space<semaphore_mem>>, %arg13: memref<!tpu.dma_semaphore, #tpu.memory_space<semaphore_mem>>, %arg14: memref<!tpu.dma_semaphore, #tpu.memory_space<semaphore_mem>>, %arg15: memref<!tpu.dma_semaphore, #tpu.memory_space<semaphore_mem>>, %arg16: memref<!tpu.dma_semaphore, #tpu.memory_space<semaphore_mem>>, %arg17: memref<!tpu.dma_semaphore, #tpu.memory_space<semaphore_mem>>, %arg18: memref<!tpu.dma_semaphore, #tpu.memory_space<semaphore_mem>>) attributes {dimension_semantics = [#tpu.dimension_semantics<core_parallel>, #tpu.dimension_semantics<subcore_parallel>], iteration_bounds = array<i64: 2, 16>, scalar_prefetch = 0 : i64, scratch_operands = 13 : i64, tpu.core_type = #tpu.core_type<sc_vector_subcore>, window_params = [{transform_indices = #map}, {transform_indices = #map1}, {transform_indices = #map1}, {transform_indices = #map2}]} {
    %mul3A = arith.constant 16 : i32
    %mul3A_0 = arith.muli %arg0, %mul3A : i32
    %add3A = arith.addi %mul3A_0, %arg1 : i32
    %scan3A = arith.constant 0 : i32
    %scan3A_1 = arith.constant 200 : i32
    %scan3A_2 = arith.addi %scan3A, %scan3A_1 : i32
    %scan3A_3 = arith.constant 1 : i32
    scf.for %scan3A_27 = %scan3A to %scan3A_2 step %scan3A_3  : i32 {
      %mul3A_28 = arith.constant 1 : i32
      %mul3A_29 = arith.muli %scan3A_27, %mul3A_28 : i32
      %add3A_30 = arith.constant 0 : i32
      %add3A_31 = arith.addi %add3A_30, %mul3A_29 : i32
      %broadcast_in_dim3A = arith.constant 0.000000e+00 : f32
      %broadcast_in_dim3A_32 = vector.broadcast %broadcast_in_dim3A : f32 to vector<16xf32>
      %swap3A = arith.index_cast %add3A_31 : i32 to index
      %swap3A_33 = arith.constant 0 : index
      %swap3A_34 = tpu.vector_load %arg10[%swap3A, %swap3A_33] {strides = array<i32>} : memref<200x32xf32, #tpu.memory_space<vmem>>, vector<1x16xf32>,
      %swap3A_35 = vector.shape_cast %swap3A_34 : vector<1x16xf32> to vector<16xf32>
      %swap3A_36 = vector.shape_cast %broadcast_in_dim3A_32 : vector<16xf32> to vector<1x16xf32>
      tpu.vector_store %arg10[%swap3A, %swap3A_33], %swap3A_36 {strides = array<i32>} : memref<200x32xf32, #tpu.memory_space<vmem>>, vector<1x16xf32>,
      %broadcast_in_dim3A_37 = arith.constant 0.000000e+00 : f32
      %broadcast_in_dim3A_38 = vector.broadcast %broadcast_in_dim3A_37 : f32 to vector<16xf32>
      %swap3A_39 = arith.index_cast %add3A_31 : i32 to index
      %swap3A_40 = arith.constant 16 : index
      %swap3A_41 = tpu.vector_load %arg10[%swap3A_39, %swap3A_40] {strides = array<i32>} : memref<200x32xf32, #tpu.memory_space<vmem>>, vector<1x16xf32>,
      %swap3A_42 = vector.shape_cast %swap3A_41 : vector<1x16xf32> to vector<16xf32>
      %swap3A_43 = vector.shape_cast %broadcast_in_dim3A_38 : vector<16xf32> to vector<1x16xf32>
      tpu.vector_store %arg10[%swap3A_39, %swap3A_40], %swap3A_43 {strides = array<i32>} : memref<200x32xf32, #tpu.memory_space<vmem>>, vector<1x16xf32>,
    }
    %scan3A_4 = arith.constant 200 : i32
    %lt3A = arith.constant 15 : i32
    %lt3A_5 = arith.cmpi slt, %arg1, %lt3A : i32
    %convert_element_type3A = arith.extui %lt3A_5 : i1 to i32
    %cond3A = arith.constant 0 : i32
    %cond3A_6 = arith.cmpi ne, %convert_element_type3A, %cond3A : i32
    scf.if %cond3A_6 {
      %scan3A_27 = arith.constant 0 : i32
      %scan3A_28 = arith.constant 16 : i32
      %scan3A_29 = arith.addi %scan3A_27, %scan3A_28 : i32
      %scan3A_30 = arith.constant 1 : i32
      scf.for %scan3A_32 = %scan3A_27 to %scan3A_29 step %scan3A_30  : i32 {
        %mul3A_33 = arith.constant 1 : i32
        %mul3A_34 = arith.muli %scan3A_32, %mul3A_33 : i32
        %add3A_35 = arith.constant 0 : i32
        %add3A_36 = arith.addi %add3A_35, %mul3A_34 : i32
        %mul3A_37 = arith.constant 3200 : i32
        %mul3A_38 = arith.muli %arg1, %mul3A_37 : i32
        %mul3A_39 = arith.constant 200 : i32
        %mul3A_40 = arith.muli %add3A_36, %mul3A_39 : i32
        %add3A_41 = arith.addi %mul3A_38, %mul3A_40 : i32
        "tpu.region"() ({
          %run_scoped3A = tpu.sem_alloc : memref<!tpu.dma_semaphore, #tpu.memory_space<semaphore_mem>>
          %dma_start3A = arith.constant 0 : i32
          %dma_start3A_42 = tpu.memref_slice %arg6[%add3A_41, %dma_start3A] : memref<50000x32xf32, #tpu.memory_space<vmem_shared>> -> memref<200x32xf32, #tpu.memory_space<vmem_shared>>
          %dma_start3A_43 = arith.constant 0 : i32
          %dma_start3A_44 = tpu.memref_slice %arg6[%add3A_41, %dma_start3A_43] : memref<50000x32xf32, #tpu.memory_space<vmem_shared>> -> memref<200x32xf32, #tpu.memory_space<vmem_shared>>
          tpu.enqueue_dma source(%arg10 : memref<200x32xf32, #tpu.memory_space<vmem>>) target(%dma_start3A_44 : memref<200x32xf32, #tpu.memory_space<vmem_shared>>) target_semaphore(%run_scoped3A : memref<!tpu.dma_semaphore, #tpu.memory_space<semaphore_mem>>)
          %dma_wait3A = arith.constant 0 : i32
          %dma_wait3A_45 = tpu.memref_slice %arg6[%add3A_41, %dma_wait3A] : memref<50000x32xf32, #tpu.memory_space<vmem_shared>> -> memref<200x32xf32, #tpu.memory_space<vmem_shared>>
          %dma_wait3A_46 = arith.constant 0 : i32
          %dma_wait3A_47 = tpu.memref_slice %arg6[%add3A_41, %dma_wait3A_46] : memref<50000x32xf32, #tpu.memory_space<vmem_shared>> -> memref<200x32xf32, #tpu.memory_space<vmem_shared>>
          tpu.wait_dma2 semaphore(%run_scoped3A : memref<!tpu.dma_semaphore, #tpu.memory_space<semaphore_mem>>) src(%arg10 : memref<200x32xf32, #tpu.memory_space<vmem>>) dst(%dma_wait3A_47 : memref<200x32xf32, #tpu.memory_space<vmem_shared>>)
          tpu.yield
        }) : () -> ()
      }
      %scan3A_31 = arith.constant 16 : i32
    } else {
    }
    %eq3A = arith.constant 15 : i32
    %eq3A_7 = arith.cmpi eq, %arg1, %eq3A : i32
    %convert_element_type3A_8 = arith.extui %eq3A_7 : i1 to i32
    %cond3A_9 = arith.constant 0 : i32
    %cond3A_10 = arith.cmpi ne, %convert_element_type3A_8, %cond3A_9 : i32
    scf.if %cond3A_10 {
      %scan3A_27 = arith.constant 0 : i32
      %scan3A_28 = arith.constant 10 : i32
      %scan3A_29 = arith.addi %scan3A_27, %scan3A_28 : i32
      %scan3A_30 = arith.constant 1 : i32
      scf.for %scan3A_32 = %scan3A_27 to %scan3A_29 step %scan3A_30  : i32 {
        %mul3A_33 = arith.constant 1 : i32
        %mul3A_34 = arith.muli %scan3A_32, %mul3A_33 : i32
        %add3A_35 = arith.constant 0 : i32
        %add3A_36 = arith.addi %add3A_35, %mul3A_34 : i32
        %mul3A_37 = arith.constant 200 : i32
        %mul3A_38 = arith.muli %add3A_36, %mul3A_37 : i32
        %add3A_39 = arith.constant 48000 : i32
        %add3A_40 = arith.addi %add3A_39, %mul3A_38 : i32
        "tpu.region"() ({
          %run_scoped3A = tpu.sem_alloc : memref<!tpu.dma_semaphore, #tpu.memory_space<semaphore_mem>>
          %dma_start3A = arith.constant 0 : i32
          %dma_start3A_41 = tpu.memref_slice %arg6[%add3A_40, %dma_start3A] : memref<50000x32xf32, #tpu.memory_space<vmem_shared>> -> memref<200x32xf32, #tpu.memory_space<vmem_shared>>
          %dma_start3A_42 = arith.constant 0 : i32
          %dma_start3A_43 = tpu.memref_slice %arg6[%add3A_40, %dma_start3A_42] : memref<50000x32xf32, #tpu.memory_space<vmem_shared>> -> memref<200x32xf32, #tpu.memory_space<vmem_shared>>
          tpu.enqueue_dma source(%arg10 : memref<200x32xf32, #tpu.memory_space<vmem>>) target(%dma_start3A_43 : memref<200x32xf32, #tpu.memory_space<vmem_shared>>) target_semaphore(%run_scoped3A : memref<!tpu.dma_semaphore, #tpu.memory_space<semaphore_mem>>)
          %dma_wait3A = arith.constant 0 : i32
          %dma_wait3A_44 = tpu.memref_slice %arg6[%add3A_40, %dma_wait3A] : memref<50000x32xf32, #tpu.memory_space<vmem_shared>> -> memref<200x32xf32, #tpu.memory_space<vmem_shared>>
          %dma_wait3A_45 = arith.constant 0 : i32
          %dma_wait3A_46 = tpu.memref_slice %arg6[%add3A_40, %dma_wait3A_45] : memref<50000x32xf32, #tpu.memory_space<vmem_shared>> -> memref<200x32xf32, #tpu.memory_space<vmem_shared>>
          tpu.wait_dma2 semaphore(%run_scoped3A : memref<!tpu.dma_semaphore, #tpu.memory_space<semaphore_mem>>) src(%arg10 : memref<200x32xf32, #tpu.memory_space<vmem>>) dst(%dma_wait3A_46 : memref<200x32xf32, #tpu.memory_space<vmem_shared>>)
          tpu.yield
        }) : () -> ()
      }
      %scan3A_31 = arith.constant 10 : i32
    } else {
    }
    %barrier3A = arith.constant 0 : index
    tpu.barrier barrier_id(%barrier3A)
    %scan3A_11 = arith.constant 0 : i32
    %scan3A_12 = arith.constant 10 : i32
    %scan3A_13 = arith.addi %scan3A_11, %scan3A_12 : i32
    %scan3A_14 = arith.constant 1 : i32
    scf.for %scan3A_27 = %scan3A_11 to %scan3A_13 step %scan3A_14  : i32 {
      %mul3A_28 = arith.constant 1 : i32
      %mul3A_29 = arith.muli %scan3A_27, %mul3A_28 : i32
      %add3A_30 = arith.constant 0 : i32
      %add3A_31 = arith.addi %add3A_30, %mul3A_29 : i32
      "tpu.region"() ({
        %run_scoped3A = tpu.sem_alloc : memref<!tpu.dma_semaphore, #tpu.memory_space<semaphore_mem>>
        %dma_start3A_227 = arith.constant 0 : i32
        %dma_start3A_228 = arith.constant 0 : i32
        %dma_start3A_229 = tpu.memref_slice %arg3[%add3A, %add3A_31, %dma_start3A_227, %dma_start3A_228] : memref<32x10x20x125xi32, #tpu.memory_space<hbm>> -> memref<1x1x20x125xi32, #tpu.memory_space<hbm>>
        %dma_start3A_230 = tpu.memref_squeeze %dma_start3A_229 : memref<1x1x20x125xi32, #tpu.memory_space<hbm>> -> memref<20x125xi32, #tpu.memory_space<hbm>>
        %dma_start3A_231 = arith.constant 0 : i32
        %dma_start3A_232 = arith.constant 0 : i32
        %dma_start3A_233 = tpu.memref_slice %arg3[%add3A, %add3A_31, %dma_start3A_231, %dma_start3A_232] : memref<32x10x20x125xi32, #tpu.memory_space<hbm>> -> memref<1x1x20x125xi32, #tpu.memory_space<hbm>>
        %dma_start3A_234 = tpu.memref_squeeze %dma_start3A_233 : memref<1x1x20x125xi32, #tpu.memory_space<hbm>> -> memref<20x125xi32, #tpu.memory_space<hbm>>
        tpu.enqueue_dma source(%dma_start3A_234 : memref<20x125xi32, #tpu.memory_space<hbm>>) target(%arg7 : memref<20x125xi32, #tpu.memory_space<vmem>>) target_semaphore(%run_scoped3A : memref<!tpu.dma_semaphore, #tpu.memory_space<semaphore_mem>>)
        %dma_wait3A_235 = arith.constant 0 : i32
        %dma_wait3A_236 = arith.constant 0 : i32
        %dma_wait3A_237 = tpu.memref_slice %arg3[%add3A, %add3A_31, %dma_wait3A_235, %dma_wait3A_236] : memref<32x10x20x125xi32, #tpu.memory_space<hbm>> -> memref<1x1x20x125xi32, #tpu.memory_space<hbm>>
        %dma_wait3A_238 = tpu.memref_squeeze %dma_wait3A_237 : memref<1x1x20x125xi32, #tpu.memory_space<hbm>> -> memref<20x125xi32, #tpu.memory_space<hbm>>
        %dma_wait3A_239 = arith.constant 0 : i32
        %dma_wait3A_240 = arith.constant 0 : i32
        %dma_wait3A_241 = tpu.memref_slice %arg3[%add3A, %add3A_31, %dma_wait3A_239, %dma_wait3A_240] : memref<32x10x20x125xi32, #tpu.memory_space<hbm>> -> memref<1x1x20x125xi32, #tpu.memory_space<hbm>>
        %dma_wait3A_242 = tpu.memref_squeeze %dma_wait3A_241 : memref<1x1x20x125xi32, #tpu.memory_space<hbm>> -> memref<20x125xi32, #tpu.memory_space<hbm>>
        tpu.wait_dma2 semaphore(%run_scoped3A : memref<!tpu.dma_semaphore, #tpu.memory_space<semaphore_mem>>) src(%dma_wait3A_242 : memref<20x125xi32, #tpu.memory_space<hbm>>) dst(%arg7 : memref<20x125xi32, #tpu.memory_space<vmem>>)
        tpu.yield
      }) : () -> ()
      "tpu.region"() ({
        %run_scoped3A = tpu.sem_alloc : memref<!tpu.dma_semaphore, #tpu.memory_space<semaphore_mem>>
        %dma_start3A_227 = arith.constant 0 : i32
        %dma_start3A_228 = arith.constant 0 : i32
        %dma_start3A_229 = tpu.memref_slice %arg4[%add3A, %add3A_31, %dma_start3A_227, %dma_start3A_228] : memref<32x10x20x125xi32, #tpu.memory_space<hbm>> -> memref<1x1x20x125xi32, #tpu.memory_space<hbm>>
        %dma_start3A_230 = tpu.memref_squeeze %dma_start3A_229 : memref<1x1x20x125xi32, #tpu.memory_space<hbm>> -> memref<20x125xi32, #tpu.memory_space<hbm>>
        %dma_start3A_231 = arith.constant 0 : i32
        %dma_start3A_232 = arith.constant 0 : i32
        %dma_start3A_233 = tpu.memref_slice %arg4[%add3A, %add3A_31, %dma_start3A_231, %dma_start3A_232] : memref<32x10x20x125xi32, #tpu.memory_space<hbm>> -> memref<1x1x20x125xi32, #tpu.memory_space<hbm>>
        %dma_start3A_234 = tpu.memref_squeeze %dma_start3A_233 : memref<1x1x20x125xi32, #tpu.memory_space<hbm>> -> memref<20x125xi32, #tpu.memory_space<hbm>>
        tpu.enqueue_dma source(%dma_start3A_234 : memref<20x125xi32, #tpu.memory_space<hbm>>) target(%arg8 : memref<20x125xi32, #tpu.memory_space<vmem>>) target_semaphore(%run_scoped3A : memref<!tpu.dma_semaphore, #tpu.memory_space<semaphore_mem>>)
        %dma_wait3A_235 = arith.constant 0 : i32
        %dma_wait3A_236 = arith.constant 0 : i32
        %dma_wait3A_237 = tpu.memref_slice %arg4[%add3A, %add3A_31, %dma_wait3A_235, %dma_wait3A_236] : memref<32x10x20x125xi32, #tpu.memory_space<hbm>> -> memref<1x1x20x125xi32, #tpu.memory_space<hbm>>
        %dma_wait3A_238 = tpu.memref_squeeze %dma_wait3A_237 : memref<1x1x20x125xi32, #tpu.memory_space<hbm>> -> memref<20x125xi32, #tpu.memory_space<hbm>>
        %dma_wait3A_239 = arith.constant 0 : i32
        %dma_wait3A_240 = arith.constant 0 : i32
        %dma_wait3A_241 = tpu.memref_slice %arg4[%add3A, %add3A_31, %dma_wait3A_239, %dma_wait3A_240] : memref<32x10x20x125xi32, #tpu.memory_space<hbm>> -> memref<1x1x20x125xi32, #tpu.memory_space<hbm>>
        %dma_wait3A_242 = tpu.memref_squeeze %dma_wait3A_241 : memref<1x1x20x125xi32, #tpu.memory_space<hbm>> -> memref<20x125xi32, #tpu.memory_space<hbm>>
        tpu.wait_dma2 semaphore(%run_scoped3A : memref<!tpu.dma_semaphore, #tpu.memory_space<semaphore_mem>>) src(%dma_wait3A_242 : memref<20x125xi32, #tpu.memory_space<hbm>>) dst(%arg8 : memref<20x125xi32, #tpu.memory_space<vmem>>)
        tpu.yield
      }) : () -> ()
      %dma_start3A = arith.constant 0 : i32
      %dma_start3A_32 = arith.constant 0 : i32
      %dma_start3A_33 = arith.constant 0 : i32
      %dma_start3A_34 = arith.constant 0 : i32
      %dma_start3A_35 = tpu.memref_slice %arg9[%dma_start3A_32, %dma_start3A_33, %dma_start3A_34] : memref<4x125x32xf32, #tpu.memory_space<vmem>> -> memref<1x125x32xf32, #tpu.memory_space<vmem>>
      %dma_start3A_36 = tpu.memref_squeeze %dma_start3A_35 : memref<1x125x32xf32, #tpu.memory_space<vmem>> -> memref<125x32xf32, #tpu.memory_space<vmem>>
      %dma_start3A_37 = arith.constant 0 : i32
      %dma_start3A_38 = tpu.memref_slice %arg7[%dma_start3A, %dma_start3A_37] : memref<20x125xi32, #tpu.memory_space<vmem>> -> memref<1x125xi32, #tpu.memory_space<vmem>>
      %dma_start3A_39 = tpu.memref_squeeze %dma_start3A_38 : memref<1x125xi32, #tpu.memory_space<vmem>> -> memref<125xi32, #tpu.memory_space<vmem>>
      %dma_start3A_40 = arith.constant 0 : i32
      %dma_start3A_41 = arith.constant 0 : i32
      %dma_start3A_42 = tpu.memref_slice %arg2[%dma_start3A_40, %dma_start3A_41] : memref<50000x32xf32, #tpu.memory_space<hbm>> -> memref<50000x32xf32, #tpu.memory_space<hbm>>
      tpu.enqueue_indirect_dma source(%dma_start3A_42 : memref<50000x32xf32, #tpu.memory_space<hbm>>) target(%dma_start3A_36 : memref<125x32xf32, #tpu.memory_space<vmem>>) offsets(%dma_start3A_39 : memref<125xi32, #tpu.memory_space<vmem>>) semaphore(%arg11 : memref<!tpu.dma_semaphore, #tpu.memory_space<semaphore_mem>>)
      %dma_start3A_43 = arith.constant 1 : i32
      %dma_start3A_44 = arith.constant 1 : i32
      %dma_start3A_45 = arith.constant 0 : i32
      %dma_start3A_46 = arith.constant 0 : i32
      %dma_start3A_47 = tpu.memref_slice %arg9[%dma_start3A_44, %dma_start3A_45, %dma_start3A_46] : memref<4x125x32xf32, #tpu.memory_space<vmem>> -> memref<1x125x32xf32, #tpu.memory_space<vmem>>
      %dma_start3A_48 = tpu.memref_squeeze %dma_start3A_47 : memref<1x125x32xf32, #tpu.memory_space<vmem>> -> memref<125x32xf32, #tpu.memory_space<vmem>>
      %dma_start3A_49 = arith.constant 0 : i32
      %dma_start3A_50 = tpu.memref_slice %arg7[%dma_start3A_43, %dma_start3A_49] : memref<20x125xi32, #tpu.memory_space<vmem>> -> memref<1x125xi32, #tpu.memory_space<vmem>>
      %dma_start3A_51 = tpu.memref_squeeze %dma_start3A_50 : memref<1x125xi32, #tpu.memory_space<vmem>> -> memref<125xi32, #tpu.memory_space<vmem>>
      %dma_start3A_52 = arith.constant 0 : i32
      %dma_start3A_53 = arith.constant 0 : i32
      %dma_start3A_54 = tpu.memref_slice %arg2[%dma_start3A_52, %dma_start3A_53] : memref<50000x32xf32, #tpu.memory_space<hbm>> -> memref<50000x32xf32, #tpu.memory_space<hbm>>
      tpu.enqueue_indirect_dma source(%dma_start3A_54 : memref<50000x32xf32, #tpu.memory_space<hbm>>) target(%dma_start3A_48 : memref<125x32xf32, #tpu.memory_space<vmem>>) offsets(%dma_start3A_51 : memref<125xi32, #tpu.memory_space<vmem>>) semaphore(%arg12 : memref<!tpu.dma_semaphore, #tpu.memory_space<semaphore_mem>>)
      %dma_wait3A = arith.constant 0 : i32
      %dma_wait3A_55 = arith.constant 0 : i32
      %dma_wait3A_56 = arith.constant 0 : i32
      %dma_wait3A_57 = arith.constant 0 : i32
      %dma_wait3A_58 = tpu.memref_slice %arg9[%dma_wait3A_55, %dma_wait3A_56, %dma_wait3A_57] : memref<4x125x32xf32, #tpu.memory_space<vmem>> -> memref<1x125x32xf32, #tpu.memory_space<vmem>>
      %dma_wait3A_59 = tpu.memref_squeeze %dma_wait3A_58 : memref<1x125x32xf32, #tpu.memory_space<vmem>> -> memref<125x32xf32, #tpu.memory_space<vmem>>
      %dma_wait3A_60 = arith.constant 0 : i32
      %dma_wait3A_61 = tpu.memref_slice %arg7[%dma_wait3A, %dma_wait3A_60] : memref<20x125xi32, #tpu.memory_space<vmem>> -> memref<1x125xi32, #tpu.memory_space<vmem>>
      %dma_wait3A_62 = tpu.memref_squeeze %dma_wait3A_61 : memref<1x125xi32, #tpu.memory_space<vmem>> -> memref<125xi32, #tpu.memory_space<vmem>>
      %dma_wait3A_63 = arith.constant 0 : i32
      %dma_wait3A_64 = arith.constant 0 : i32
      %dma_wait3A_65 = tpu.memref_slice %arg2[%dma_wait3A_63, %dma_wait3A_64] : memref<50000x32xf32, #tpu.memory_space<hbm>> -> memref<50000x32xf32, #tpu.memory_space<hbm>>
      tpu.wait_indirect_dma semaphore(%arg11 : memref<!tpu.dma_semaphore, #tpu.memory_space<semaphore_mem>>) src(%dma_wait3A_65 : memref<50000x32xf32, #tpu.memory_space<hbm>>) dst(%dma_wait3A_59 : memref<125x32xf32, #tpu.memory_space<vmem>>)
      %dma_start3A_66 = arith.constant 0 : i32
      %dma_start3A_67 = arith.constant 0 : i32
      %dma_start3A_68 = arith.constant 0 : i32
      %dma_start3A_69 = arith.constant 0 : i32
      %dma_start3A_70 = tpu.memref_slice %arg9[%dma_start3A_66, %dma_start3A_68, %dma_start3A_69] : memref<4x125x32xf32, #tpu.memory_space<vmem>> -> memref<1x125x32xf32, #tpu.memory_space<vmem>>
      %dma_start3A_71 = tpu.memref_squeeze %dma_start3A_70 : memref<1x125x32xf32, #tpu.memory_space<vmem>> -> memref<125x32xf32, #tpu.memory_space<vmem>>
      %dma_start3A_72 = arith.constant 0 : i32
      %dma_start3A_73 = tpu.memref_slice %arg8[%dma_start3A_67, %dma_start3A_72] : memref<20x125xi32, #tpu.memory_space<vmem>> -> memref<1x125xi32, #tpu.memory_space<vmem>>
      %dma_start3A_74 = tpu.memref_squeeze %dma_start3A_73 : memref<1x125xi32, #tpu.memory_space<vmem>> -> memref<125xi32, #tpu.memory_space<vmem>>
      %dma_start3A_75 = arith.constant 0 : i32
      %dma_start3A_76 = arith.constant 0 : i32
      %dma_start3A_77 = tpu.memref_slice %arg6[%dma_start3A_75, %dma_start3A_76] : memref<50000x32xf32, #tpu.memory_space<vmem_shared>> -> memref<50000x32xf32, #tpu.memory_space<vmem_shared>>
      tpu.enqueue_indirect_dma source(%dma_start3A_71 : memref<125x32xf32, #tpu.memory_space<vmem>>) target(%dma_start3A_77 : memref<50000x32xf32, #tpu.memory_space<vmem_shared>>) offsets(%dma_start3A_74 : memref<125xi32, #tpu.memory_space<vmem>>) semaphore(%arg15 : memref<!tpu.dma_semaphore, #tpu.memory_space<semaphore_mem>>) {add = true}
      %dma_start3A_78 = arith.constant 2 : i32
      %dma_start3A_79 = arith.constant 2 : i32
      %dma_start3A_80 = arith.constant 0 : i32
      %dma_start3A_81 = arith.constant 0 : i32
      %dma_start3A_82 = tpu.memref_slice %arg9[%dma_start3A_79, %dma_start3A_80, %dma_start3A_81] : memref<4x125x32xf32, #tpu.memory_space<vmem>> -> memref<1x125x32xf32, #tpu.memory_space<vmem>>
      %dma_start3A_83 = tpu.memref_squeeze %dma_start3A_82 : memref<1x125x32xf32, #tpu.memory_space<vmem>> -> memref<125x32xf32, #tpu.memory_space<vmem>>
      %dma_start3A_84 = arith.constant 0 : i32
      %dma_start3A_85 = tpu.memref_slice %arg7[%dma_start3A_78, %dma_start3A_84] : memref<20x125xi32, #tpu.memory_space<vmem>> -> memref<1x125xi32, #tpu.memory_space<vmem>>
      %dma_start3A_86 = tpu.memref_squeeze %dma_start3A_85 : memref<1x125xi32, #tpu.memory_space<vmem>> -> memref<125xi32, #tpu.memory_space<vmem>>
      %dma_start3A_87 = arith.constant 0 : i32
      %dma_start3A_88 = arith.constant 0 : i32
      %dma_start3A_89 = tpu.memref_slice %arg2[%dma_start3A_87, %dma_start3A_88] : memref<50000x32xf32, #tpu.memory_space<hbm>> -> memref<50000x32xf32, #tpu.memory_space<hbm>>
      tpu.enqueue_indirect_dma source(%dma_start3A_89 : memref<50000x32xf32, #tpu.memory_space<hbm>>) target(%dma_start3A_83 : memref<125x32xf32, #tpu.memory_space<vmem>>) offsets(%dma_start3A_86 : memref<125xi32, #tpu.memory_space<vmem>>) semaphore(%arg13 : memref<!tpu.dma_semaphore, #tpu.memory_space<semaphore_mem>>)
      %dma_wait3A_90 = arith.constant 0 : i32
      %dma_wait3A_91 = arith.constant 1 : i32
      %dma_wait3A_92 = arith.constant 0 : i32
      %dma_wait3A_93 = arith.constant 0 : i32
      %dma_wait3A_94 = tpu.memref_slice %arg9[%dma_wait3A_91, %dma_wait3A_92, %dma_wait3A_93] : memref<4x125x32xf32, #tpu.memory_space<vmem>> -> memref<1x125x32xf32, #tpu.memory_space<vmem>>
      %dma_wait3A_95 = tpu.memref_squeeze %dma_wait3A_94 : memref<1x125x32xf32, #tpu.memory_space<vmem>> -> memref<125x32xf32, #tpu.memory_space<vmem>>
      %dma_wait3A_96 = arith.constant 0 : i32
      %dma_wait3A_97 = tpu.memref_slice %arg7[%dma_wait3A_90, %dma_wait3A_96] : memref<20x125xi32, #tpu.memory_space<vmem>> -> memref<1x125xi32, #tpu.memory_space<vmem>>
      %dma_wait3A_98 = tpu.memref_squeeze %dma_wait3A_97 : memref<1x125xi32, #tpu.memory_space<vmem>> -> memref<125xi32, #tpu.memory_space<vmem>>
      %dma_wait3A_99 = arith.constant 0 : i32
      %dma_wait3A_100 = arith.constant 0 : i32
      %dma_wait3A_101 = tpu.memref_slice %arg2[%dma_wait3A_99, %dma_wait3A_100] : memref<50000x32xf32, #tpu.memory_space<hbm>> -> memref<50000x32xf32, #tpu.memory_space<hbm>>
      tpu.wait_indirect_dma semaphore(%arg12 : memref<!tpu.dma_semaphore, #tpu.memory_space<semaphore_mem>>) src(%dma_wait3A_101 : memref<50000x32xf32, #tpu.memory_space<hbm>>) dst(%dma_wait3A_95 : memref<125x32xf32, #tpu.memory_space<vmem>>)
      %dma_start3A_102 = arith.constant 1 : i32
      %dma_start3A_103 = arith.constant 1 : i32
      %dma_start3A_104 = arith.constant 0 : i32
      %dma_start3A_105 = arith.constant 0 : i32
      %dma_start3A_106 = tpu.memref_slice %arg9[%dma_start3A_102, %dma_start3A_104, %dma_start3A_105] : memref<4x125x32xf32, #tpu.memory_space<vmem>> -> memref<1x125x32xf32, #tpu.memory_space<vmem>>
      %dma_start3A_107 = tpu.memref_squeeze %dma_start3A_106 : memref<1x125x32xf32, #tpu.memory_space<vmem>> -> memref<125x32xf32, #tpu.memory_space<vmem>>
      %dma_start3A_108 = arith.constant 0 : i32
      %dma_start3A_109 = tpu.memref_slice %arg8[%dma_start3A_103, %dma_start3A_108] : memref<20x125xi32, #tpu.memory_space<vmem>> -> memref<1x125xi32, #tpu.memory_space<vmem>>
      %dma_start3A_110 = tpu.memref_squeeze %dma_start3A_109 : memref<1x125xi32, #tpu.memory_space<vmem>> -> memref<125xi32, #tpu.memory_space<vmem>>
      %dma_start3A_111 = arith.constant 0 : i32
      %dma_start3A_112 = arith.constant 0 : i32
      %dma_start3A_113 = tpu.memref_slice %arg6[%dma_start3A_111, %dma_start3A_112] : memref<50000x32xf32, #tpu.memory_space<vmem_shared>> -> memref<50000x32xf32, #tpu.memory_space<vmem_shared>>
      tpu.enqueue_indirect_dma source(%dma_start3A_107 : memref<125x32xf32, #tpu.memory_space<vmem>>) target(%dma_start3A_113 : memref<50000x32xf32, #tpu.memory_space<vmem_shared>>) offsets(%dma_start3A_110 : memref<125xi32, #tpu.memory_space<vmem>>) semaphore(%arg16 : memref<!tpu.dma_semaphore, #tpu.memory_space<semaphore_mem>>) {add = true}
      %dma_start3A_114 = arith.constant 3 : i32
      %dma_start3A_115 = arith.constant 3 : i32
      %dma_start3A_116 = arith.constant 0 : i32
      %dma_start3A_117 = arith.constant 0 : i32
      %dma_start3A_118 = tpu.memref_slice %arg9[%dma_start3A_115, %dma_start3A_116, %dma_start3A_117] : memref<4x125x32xf32, #tpu.memory_space<vmem>> -> memref<1x125x32xf32, #tpu.memory_space<vmem>>
      %dma_start3A_119 = tpu.memref_squeeze %dma_start3A_118 : memref<1x125x32xf32, #tpu.memory_space<vmem>> -> memref<125x32xf32, #tpu.memory_space<vmem>>
      %dma_start3A_120 = arith.constant 0 : i32
      %dma_start3A_121 = tpu.memref_slice %arg7[%dma_start3A_114, %dma_start3A_120] : memref<20x125xi32, #tpu.memory_space<vmem>> -> memref<1x125xi32, #tpu.memory_space<vmem>>
      %dma_start3A_122 = tpu.memref_squeeze %dma_start3A_121 : memref<1x125xi32, #tpu.memory_space<vmem>> -> memref<125xi32, #tpu.memory_space<vmem>>
      %dma_start3A_123 = arith.constant 0 : i32
      %dma_start3A_124 = arith.constant 0 : i32
      %dma_start3A_125 = tpu.memref_slice %arg2[%dma_start3A_123, %dma_start3A_124] : memref<50000x32xf32, #tpu.memory_space<hbm>> -> memref<50000x32xf32, #tpu.memory_space<hbm>>
      tpu.enqueue_indirect_dma source(%dma_start3A_125 : memref<50000x32xf32, #tpu.memory_space<hbm>>) target(%dma_start3A_119 : memref<125x32xf32, #tpu.memory_space<vmem>>) offsets(%dma_start3A_122 : memref<125xi32, #tpu.memory_space<vmem>>) semaphore(%arg14 : memref<!tpu.dma_semaphore, #tpu.memory_space<semaphore_mem>>)
      %scan3A_126 = arith.constant 0 : i32
      %scan3A_127 = arith.constant 4 : i32
      %scan3A_128 = arith.addi %scan3A_126, %scan3A_127 : i32
      %scan3A_129 = arith.constant 1 : i32
      scf.for %scan3A_227 = %scan3A_126 to %scan3A_128 step %scan3A_129  : i32 {
        %mul3A_228 = arith.constant 4 : i32
        %mul3A_229 = arith.muli %scan3A_227, %mul3A_228 : i32
        %add3A_230 = arith.constant 2 : i32
        %add3A_231 = arith.addi %add3A_230, %mul3A_229 : i32
        %dma_wait3A_232 = arith.constant 0 : i32
        %dma_wait3A_233 = arith.constant 2 : i32
        %dma_wait3A_234 = arith.constant 0 : i32
        %dma_wait3A_235 = arith.constant 0 : i32
        %dma_wait3A_236 = tpu.memref_slice %arg9[%dma_wait3A_233, %dma_wait3A_234, %dma_wait3A_235] : memref<4x125x32xf32, #tpu.memory_space<vmem>> -> memref<1x125x32xf32, #tpu.memory_space<vmem>>
        %dma_wait3A_237 = tpu.memref_squeeze %dma_wait3A_236 : memref<1x125x32xf32, #tpu.memory_space<vmem>> -> memref<125x32xf32, #tpu.memory_space<vmem>>
        %dma_wait3A_238 = arith.constant 0 : i32
        %dma_wait3A_239 = tpu.memref_slice %arg7[%dma_wait3A_232, %dma_wait3A_238] : memref<20x125xi32, #tpu.memory_space<vmem>> -> memref<1x125xi32, #tpu.memory_space<vmem>>
        %dma_wait3A_240 = tpu.memref_squeeze %dma_wait3A_239 : memref<1x125xi32, #tpu.memory_space<vmem>> -> memref<125xi32, #tpu.memory_space<vmem>>
        %dma_wait3A_241 = arith.constant 0 : i32
        %dma_wait3A_242 = arith.constant 0 : i32
        %dma_wait3A_243 = tpu.memref_slice %arg2[%dma_wait3A_241, %dma_wait3A_242] : memref<50000x32xf32, #tpu.memory_space<hbm>> -> memref<50000x32xf32, #tpu.memory_space<hbm>>
        tpu.wait_indirect_dma semaphore(%arg13 : memref<!tpu.dma_semaphore, #tpu.memory_space<semaphore_mem>>) src(%dma_wait3A_243 : memref<50000x32xf32, #tpu.memory_space<hbm>>) dst(%dma_wait3A_237 : memref<125x32xf32, #tpu.memory_space<vmem>>)
        %add3A_244 = arith.constant 0 : i32
        %add3A_245 = arith.addi %add3A_231, %add3A_244 : i32
        %dma_start3A_246 = arith.constant 2 : i32
        %dma_start3A_247 = arith.constant 0 : i32
        %dma_start3A_248 = arith.constant 0 : i32
        %dma_start3A_249 = tpu.memref_slice %arg9[%dma_start3A_246, %dma_start3A_247, %dma_start3A_248] : memref<4x125x32xf32, #tpu.memory_space<vmem>> -> memref<1x125x32xf32, #tpu.memory_space<vmem>>
        %dma_start3A_250 = tpu.memref_squeeze %dma_start3A_249 : memref<1x125x32xf32, #tpu.memory_space<vmem>> -> memref<125x32xf32, #tpu.memory_space<vmem>>
        %dma_start3A_251 = arith.constant 0 : i32
        %dma_start3A_252 = tpu.memref_slice %arg8[%add3A_245, %dma_start3A_251] : memref<20x125xi32, #tpu.memory_space<vmem>> -> memref<1x125xi32, #tpu.memory_space<vmem>>
        %dma_start3A_253 = tpu.memref_squeeze %dma_start3A_252 : memref<1x125xi32, #tpu.memory_space<vmem>> -> memref<125xi32, #tpu.memory_space<vmem>>
        %dma_start3A_254 = arith.constant 0 : i32
        %dma_start3A_255 = arith.constant 0 : i32
        %dma_start3A_256 = tpu.memref_slice %arg6[%dma_start3A_254, %dma_start3A_255] : memref<50000x32xf32, #tpu.memory_space<vmem_shared>> -> memref<50000x32xf32, #tpu.memory_space<vmem_shared>>
        tpu.enqueue_indirect_dma source(%dma_start3A_250 : memref<125x32xf32, #tpu.memory_space<vmem>>) target(%dma_start3A_256 : memref<50000x32xf32, #tpu.memory_space<vmem_shared>>) offsets(%dma_start3A_253 : memref<125xi32, #tpu.memory_space<vmem>>) semaphore(%arg17 : memref<!tpu.dma_semaphore, #tpu.memory_space<semaphore_mem>>) {add = true}
        %dma_wait3A_257 = arith.constant 0 : i32
        %dma_wait3A_258 = arith.constant 0 : i32
        %dma_wait3A_259 = arith.constant 0 : i32
        %dma_wait3A_260 = arith.constant 0 : i32
        %dma_wait3A_261 = tpu.memref_slice %arg9[%dma_wait3A_257, %dma_wait3A_259, %dma_wait3A_260] : memref<4x125x32xf32, #tpu.memory_space<vmem>> -> memref<1x125x32xf32, #tpu.memory_space<vmem>>
        %dma_wait3A_262 = tpu.memref_squeeze %dma_wait3A_261 : memref<1x125x32xf32, #tpu.memory_space<vmem>> -> memref<125x32xf32, #tpu.memory_space<vmem>>
        %dma_wait3A_263 = arith.constant 0 : i32
        %dma_wait3A_264 = tpu.memref_slice %arg8[%dma_wait3A_258, %dma_wait3A_263] : memref<20x125xi32, #tpu.memory_space<vmem>> -> memref<1x125xi32, #tpu.memory_space<vmem>>
        %dma_wait3A_265 = tpu.memref_squeeze %dma_wait3A_264 : memref<1x125xi32, #tpu.memory_space<vmem>> -> memref<125xi32, #tpu.memory_space<vmem>>
        %dma_wait3A_266 = arith.constant 0 : i32
        %dma_wait3A_267 = arith.constant 0 : i32
        %dma_wait3A_268 = tpu.memref_slice %arg6[%dma_wait3A_266, %dma_wait3A_267] : memref<50000x32xf32, #tpu.memory_space<vmem_shared>> -> memref<50000x32xf32, #tpu.memory_space<vmem_shared>>
        tpu.wait_indirect_dma semaphore(%arg15 : memref<!tpu.dma_semaphore, #tpu.memory_space<semaphore_mem>>) src(%dma_wait3A_262 : memref<125x32xf32, #tpu.memory_space<vmem>>) dst(%dma_wait3A_268 : memref<50000x32xf32, #tpu.memory_space<vmem_shared>>)
        %add3A_269 = arith.constant 0 : i32
        %add3A_270 = arith.addi %add3A_231, %add3A_269 : i32
        %add3A_271 = arith.constant 2 : i32
        %add3A_272 = arith.addi %add3A_270, %add3A_271 : i32
        %dma_start3A_273 = arith.constant 0 : i32
        %dma_start3A_274 = arith.constant 0 : i32
        %dma_start3A_275 = arith.constant 0 : i32
        %dma_start3A_276 = tpu.memref_slice %arg9[%dma_start3A_273, %dma_start3A_274, %dma_start3A_275] : memref<4x125x32xf32, #tpu.memory_space<vmem>> -> memref<1x125x32xf32, #tpu.memory_space<vmem>>
        %dma_start3A_277 = tpu.memref_squeeze %dma_start3A_276 : memref<1x125x32xf32, #tpu.memory_space<vmem>> -> memref<125x32xf32, #tpu.memory_space<vmem>>
        %dma_start3A_278 = arith.constant 0 : i32
        %dma_start3A_279 = tpu.memref_slice %arg7[%add3A_272, %dma_start3A_278] : memref<20x125xi32, #tpu.memory_space<vmem>> -> memref<1x125xi32, #tpu.memory_space<vmem>>
        %dma_start3A_280 = tpu.memref_squeeze %dma_start3A_279 : memref<1x125xi32, #tpu.memory_space<vmem>> -> memref<125xi32, #tpu.memory_space<vmem>>
        %dma_start3A_281 = arith.constant 0 : i32
        %dma_start3A_282 = arith.constant 0 : i32
        %dma_start3A_283 = tpu.memref_slice %arg2[%dma_start3A_281, %dma_start3A_282] : memref<50000x32xf32, #tpu.memory_space<hbm>> -> memref<50000x32xf32, #tpu.memory_space<hbm>>
        tpu.enqueue_indirect_dma source(%dma_start3A_283 : memref<50000x32xf32, #tpu.memory_space<hbm>>) target(%dma_start3A_277 : memref<125x32xf32, #tpu.memory_space<vmem>>) offsets(%dma_start3A_280 : memref<125xi32, #tpu.memory_space<vmem>>) semaphore(%arg11 : memref<!tpu.dma_semaphore, #tpu.memory_space<semaphore_mem>>)
        %dma_wait3A_284 = arith.constant 0 : i32
        %dma_wait3A_285 = arith.constant 3 : i32
        %dma_wait3A_286 = arith.constant 0 : i32
        %dma_wait3A_287 = arith.constant 0 : i32
        %dma_wait3A_288 = tpu.memref_slice %arg9[%dma_wait3A_285, %dma_wait3A_286, %dma_wait3A_287] : memref<4x125x32xf32, #tpu.memory_space<vmem>> -> memref<1x125x32xf32, #tpu.memory_space<vmem>>
        %dma_wait3A_289 = tpu.memref_squeeze %dma_wait3A_288 : memref<1x125x32xf32, #tpu.memory_space<vmem>> -> memref<125x32xf32, #tpu.memory_space<vmem>>
        %dma_wait3A_290 = arith.constant 0 : i32
        %dma_wait3A_291 = tpu.memref_slice %arg7[%dma_wait3A_284, %dma_wait3A_290] : memref<20x125xi32, #tpu.memory_space<vmem>> -> memref<1x125xi32, #tpu.memory_space<vmem>>
        %dma_wait3A_292 = tpu.memref_squeeze %dma_wait3A_291 : memref<1x125xi32, #tpu.memory_space<vmem>> -> memref<125xi32, #tpu.memory_space<vmem>>
        %dma_wait3A_293 = arith.constant 0 : i32
        %dma_wait3A_294 = arith.constant 0 : i32
        %dma_wait3A_295 = tpu.memref_slice %arg2[%dma_wait3A_293, %dma_wait3A_294] : memref<50000x32xf32, #tpu.memory_space<hbm>> -> memref<50000x32xf32, #tpu.memory_space<hbm>>
        tpu.wait_indirect_dma semaphore(%arg14 : memref<!tpu.dma_semaphore, #tpu.memory_space<semaphore_mem>>) src(%dma_wait3A_295 : memref<50000x32xf32, #tpu.memory_space<hbm>>) dst(%dma_wait3A_289 : memref<125x32xf32, #tpu.memory_space<vmem>>)
        %add3A_296 = arith.constant 1 : i32
        %add3A_297 = arith.addi %add3A_231, %add3A_296 : i32
        %dma_start3A_298 = arith.constant 3 : i32
        %dma_start3A_299 = arith.constant 0 : i32
        %dma_start3A_300 = arith.constant 0 : i32
        %dma_start3A_301 = tpu.memref_slice %arg9[%dma_start3A_298, %dma_start3A_299, %dma_start3A_300] : memref<4x125x32xf32, #tpu.memory_space<vmem>> -> memref<1x125x32xf32, #tpu.memory_space<vmem>>
        %dma_start3A_302 = tpu.memref_squeeze %dma_start3A_301 : memref<1x125x32xf32, #tpu.memory_space<vmem>> -> memref<125x32xf32, #tpu.memory_space<vmem>>
        %dma_start3A_303 = arith.constant 0 : i32
        %dma_start3A_304 = tpu.memref_slice %arg8[%add3A_297, %dma_start3A_303] : memref<20x125xi32, #tpu.memory_space<vmem>> -> memref<1x125xi32, #tpu.memory_space<vmem>>
        %dma_start3A_305 = tpu.memref_squeeze %dma_start3A_304 : memref<1x125xi32, #tpu.memory_space<vmem>> -> memref<125xi32, #tpu.memory_space<vmem>>
        %dma_start3A_306 = arith.constant 0 : i32
        %dma_start3A_307 = arith.constant 0 : i32
        %dma_start3A_308 = tpu.memref_slice %arg6[%dma_start3A_306, %dma_start3A_307] : memref<50000x32xf32, #tpu.memory_space<vmem_shared>> -> memref<50000x32xf32, #tpu.memory_space<vmem_shared>>
        tpu.enqueue_indirect_dma source(%dma_start3A_302 : memref<125x32xf32, #tpu.memory_space<vmem>>) target(%dma_start3A_308 : memref<50000x32xf32, #tpu.memory_space<vmem_shared>>) offsets(%dma_start3A_305 : memref<125xi32, #tpu.memory_space<vmem>>) semaphore(%arg18 : memref<!tpu.dma_semaphore, #tpu.memory_space<semaphore_mem>>) {add = true}
        %dma_wait3A_309 = arith.constant 1 : i32
        %dma_wait3A_310 = arith.constant 0 : i32
        %dma_wait3A_311 = arith.constant 0 : i32
        %dma_wait3A_312 = arith.constant 0 : i32
        %dma_wait3A_313 = tpu.memref_slice %arg9[%dma_wait3A_309, %dma_wait3A_311, %dma_wait3A_312] : memref<4x125x32xf32, #tpu.memory_space<vmem>> -> memref<1x125x32xf32, #tpu.memory_space<vmem>>
        %dma_wait3A_314 = tpu.memref_squeeze %dma_wait3A_313 : memref<1x125x32xf32, #tpu.memory_space<vmem>> -> memref<125x32xf32, #tpu.memory_space<vmem>>
        %dma_wait3A_315 = arith.constant 0 : i32
        %dma_wait3A_316 = tpu.memref_slice %arg8[%dma_wait3A_310, %dma_wait3A_315] : memref<20x125xi32, #tpu.memory_space<vmem>> -> memref<1x125xi32, #tpu.memory_space<vmem>>
        %dma_wait3A_317 = tpu.memref_squeeze %dma_wait3A_316 : memref<1x125xi32, #tpu.memory_space<vmem>> -> memref<125xi32, #tpu.memory_space<vmem>>
        %dma_wait3A_318 = arith.constant 0 : i32
        %dma_wait3A_319 = arith.constant 0 : i32
        %dma_wait3A_320 = tpu.memref_slice %arg6[%dma_wait3A_318, %dma_wait3A_319] : memref<50000x32xf32, #tpu.memory_space<vmem_shared>> -> memref<50000x32xf32, #tpu.memory_space<vmem_shared>>
        tpu.wait_indirect_dma semaphore(%arg16 : memref<!tpu.dma_semaphore, #tpu.memory_space<semaphore_mem>>) src(%dma_wait3A_314 : memref<125x32xf32, #tpu.memory_space<vmem>>) dst(%dma_wait3A_320 : memref<50000x32xf32, #tpu.memory_space<vmem_shared>>)
        %add3A_321 = arith.constant 1 : i32
        %add3A_322 = arith.addi %add3A_231, %add3A_321 : i32
        %add3A_323 = arith.constant 2 : i32
        %add3A_324 = arith.addi %add3A_322, %add3A_323 : i32
        %dma_start3A_325 = arith.constant 1 : i32
        %dma_start3A_326 = arith.constant 0 : i32
        %dma_start3A_327 = arith.constant 0 : i32
        %dma_start3A_328 = tpu.memref_slice %arg9[%dma_start3A_325, %dma_start3A_326, %dma_start3A_327] : memref<4x125x32xf32, #tpu.memory_space<vmem>> -> memref<1x125x32xf32, #tpu.memory_space<vmem>>
        %dma_start3A_329 = tpu.memref_squeeze %dma_start3A_328 : memref<1x125x32xf32, #tpu.memory_space<vmem>> -> memref<125x32xf32, #tpu.memory_space<vmem>>
        %dma_start3A_330 = arith.constant 0 : i32
        %dma_start3A_331 = tpu.memref_slice %arg7[%add3A_324, %dma_start3A_330] : memref<20x125xi32, #tpu.memory_space<vmem>> -> memref<1x125xi32, #tpu.memory_space<vmem>>
        %dma_start3A_332 = tpu.memref_squeeze %dma_start3A_331 : memref<1x125xi32, #tpu.memory_space<vmem>> -> memref<125xi32, #tpu.memory_space<vmem>>
        %dma_start3A_333 = arith.constant 0 : i32
        %dma_start3A_334 = arith.constant 0 : i32
        %dma_start3A_335 = tpu.memref_slice %arg2[%dma_start3A_333, %dma_start3A_334] : memref<50000x32xf32, #tpu.memory_space<hbm>> -> memref<50000x32xf32, #tpu.memory_space<hbm>>
        tpu.enqueue_indirect_dma source(%dma_start3A_335 : memref<50000x32xf32, #tpu.memory_space<hbm>>) target(%dma_start3A_329 : memref<125x32xf32, #tpu.memory_space<vmem>>) offsets(%dma_start3A_332 : memref<125xi32, #tpu.memory_space<vmem>>) semaphore(%arg12 : memref<!tpu.dma_semaphore, #tpu.memory_space<semaphore_mem>>)
        %dma_wait3A_336 = arith.constant 0 : i32
        %dma_wait3A_337 = arith.constant 0 : i32
        %dma_wait3A_338 = arith.constant 0 : i32
        %dma_wait3A_339 = arith.constant 0 : i32
        %dma_wait3A_340 = tpu.memref_slice %arg9[%dma_wait3A_337, %dma_wait3A_338, %dma_wait3A_339] : memref<4x125x32xf32, #tpu.memory_space<vmem>> -> memref<1x125x32xf32, #tpu.memory_space<vmem>>
        %dma_wait3A_341 = tpu.memref_squeeze %dma_wait3A_340 : memref<1x125x32xf32, #tpu.memory_space<vmem>> -> memref<125x32xf32, #tpu.memory_space<vmem>>
        %dma_wait3A_342 = arith.constant 0 : i32
        %dma_wait3A_343 = tpu.memref_slice %arg7[%dma_wait3A_336, %dma_wait3A_342] : memref<20x125xi32, #tpu.memory_space<vmem>> -> memref<1x125xi32, #tpu.memory_space<vmem>>
        %dma_wait3A_344 = tpu.memref_squeeze %dma_wait3A_343 : memref<1x125xi32, #tpu.memory_space<vmem>> -> memref<125xi32, #tpu.memory_space<vmem>>
        %dma_wait3A_345 = arith.constant 0 : i32
        %dma_wait3A_346 = arith.constant 0 : i32
        %dma_wait3A_347 = tpu.memref_slice %arg2[%dma_wait3A_345, %dma_wait3A_346] : memref<50000x32xf32, #tpu.memory_space<hbm>> -> memref<50000x32xf32, #tpu.memory_space<hbm>>
        tpu.wait_indirect_dma semaphore(%arg11 : memref<!tpu.dma_semaphore, #tpu.memory_space<semaphore_mem>>) src(%dma_wait3A_347 : memref<50000x32xf32, #tpu.memory_space<hbm>>) dst(%dma_wait3A_341 : memref<125x32xf32, #tpu.memory_space<vmem>>)
        %add3A_348 = arith.constant 2 : i32
        %add3A_349 = arith.addi %add3A_231, %add3A_348 : i32
        %dma_start3A_350 = arith.constant 0 : i32
        %dma_start3A_351 = arith.constant 0 : i32
        %dma_start3A_352 = arith.constant 0 : i32
        %dma_start3A_353 = tpu.memref_slice %arg9[%dma_start3A_350, %dma_start3A_351, %dma_start3A_352] : memref<4x125x32xf32, #tpu.memory_space<vmem>> -> memref<1x125x32xf32, #tpu.memory_space<vmem>>
        %dma_start3A_354 = tpu.memref_squeeze %dma_start3A_353 : memref<1x125x32xf32, #tpu.memory_space<vmem>> -> memref<125x32xf32, #tpu.memory_space<vmem>>
        %dma_start3A_355 = arith.constant 0 : i32
        %dma_start3A_356 = tpu.memref_slice %arg8[%add3A_349, %dma_start3A_355] : memref<20x125xi32, #tpu.memory_space<vmem>> -> memref<1x125xi32, #tpu.memory_space<vmem>>
        %dma_start3A_357 = tpu.memref_squeeze %dma_start3A_356 : memref<1x125xi32, #tpu.memory_space<vmem>> -> memref<125xi32, #tpu.memory_space<vmem>>
        %dma_start3A_358 = arith.constant 0 : i32
        %dma_start3A_359 = arith.constant 0 : i32
        %dma_start3A_360 = tpu.memref_slice %arg6[%dma_start3A_358, %dma_start3A_359] : memref<50000x32xf32, #tpu.memory_space<vmem_shared>> -> memref<50000x32xf32, #tpu.memory_space<vmem_shared>>
        tpu.enqueue_indirect_dma source(%dma_start3A_354 : memref<125x32xf32, #tpu.memory_space<vmem>>) target(%dma_start3A_360 : memref<50000x32xf32, #tpu.memory_space<vmem_shared>>) offsets(%dma_start3A_357 : memref<125xi32, #tpu.memory_space<vmem>>) semaphore(%arg15 : memref<!tpu.dma_semaphore, #tpu.memory_space<semaphore_mem>>) {add = true}
        %dma_wait3A_361 = arith.constant 2 : i32
        %dma_wait3A_362 = arith.constant 0 : i32
        %dma_wait3A_363 = arith.constant 0 : i32
        %dma_wait3A_364 = arith.constant 0 : i32
        %dma_wait3A_365 = tpu.memref_slice %arg9[%dma_wait3A_361, %dma_wait3A_363, %dma_wait3A_364] : memref<4x125x32xf32, #tpu.memory_space<vmem>> -> memref<1x125x32xf32, #tpu.memory_space<vmem>>
        %dma_wait3A_366 = tpu.memref_squeeze %dma_wait3A_365 : memref<1x125x32xf32, #tpu.memory_space<vmem>> -> memref<125x32xf32, #tpu.memory_space<vmem>>
        %dma_wait3A_367 = arith.constant 0 : i32
        %dma_wait3A_368 = tpu.memref_slice %arg8[%dma_wait3A_362, %dma_wait3A_367] : memref<20x125xi32, #tpu.memory_space<vmem>> -> memref<1x125xi32, #tpu.memory_space<vmem>>
        %dma_wait3A_369 = tpu.memref_squeeze %dma_wait3A_368 : memref<1x125xi32, #tpu.memory_space<vmem>> -> memref<125xi32, #tpu.memory_space<vmem>>
        %dma_wait3A_370 = arith.constant 0 : i32
        %dma_wait3A_371 = arith.constant 0 : i32
        %dma_wait3A_372 = tpu.memref_slice %arg6[%dma_wait3A_370, %dma_wait3A_371] : memref<50000x32xf32, #tpu.memory_space<vmem_shared>> -> memref<50000x32xf32, #tpu.memory_space<vmem_shared>>
        tpu.wait_indirect_dma semaphore(%arg17 : memref<!tpu.dma_semaphore, #tpu.memory_space<semaphore_mem>>) src(%dma_wait3A_366 : memref<125x32xf32, #tpu.memory_space<vmem>>) dst(%dma_wait3A_372 : memref<50000x32xf32, #tpu.memory_space<vmem_shared>>)
        %add3A_373 = arith.constant 2 : i32
        %add3A_374 = arith.addi %add3A_231, %add3A_373 : i32
        %add3A_375 = arith.constant 2 : i32
        %add3A_376 = arith.addi %add3A_374, %add3A_375 : i32
        %dma_start3A_377 = arith.constant 2 : i32
        %dma_start3A_378 = arith.constant 0 : i32
        %dma_start3A_379 = arith.constant 0 : i32
        %dma_start3A_380 = tpu.memref_slice %arg9[%dma_start3A_377, %dma_start3A_378, %dma_start3A_379] : memref<4x125x32xf32, #tpu.memory_space<vmem>> -> memref<1x125x32xf32, #tpu.memory_space<vmem>>
        %dma_start3A_381 = tpu.memref_squeeze %dma_start3A_380 : memref<1x125x32xf32, #tpu.memory_space<vmem>> -> memref<125x32xf32, #tpu.memory_space<vmem>>
        %dma_start3A_382 = arith.constant 0 : i32
        %dma_start3A_383 = tpu.memref_slice %arg7[%add3A_376, %dma_start3A_382] : memref<20x125xi32, #tpu.memory_space<vmem>> -> memref<1x125xi32, #tpu.memory_space<vmem>>
        %dma_start3A_384 = tpu.memref_squeeze %dma_start3A_383 : memref<1x125xi32, #tpu.memory_space<vmem>> -> memref<125xi32, #tpu.memory_space<vmem>>
        %dma_start3A_385 = arith.constant 0 : i32
        %dma_start3A_386 = arith.constant 0 : i32
        %dma_start3A_387 = tpu.memref_slice %arg2[%dma_start3A_385, %dma_start3A_386] : memref<50000x32xf32, #tpu.memory_space<hbm>> -> memref<50000x32xf32, #tpu.memory_space<hbm>>
        tpu.enqueue_indirect_dma source(%dma_start3A_387 : memref<50000x32xf32, #tpu.memory_space<hbm>>) target(%dma_start3A_381 : memref<125x32xf32, #tpu.memory_space<vmem>>) offsets(%dma_start3A_384 : memref<125xi32, #tpu.memory_space<vmem>>) semaphore(%arg13 : memref<!tpu.dma_semaphore, #tpu.memory_space<semaphore_mem>>)
        %dma_wait3A_388 = arith.constant 0 : i32
        %dma_wait3A_389 = arith.constant 1 : i32
        %dma_wait3A_390 = arith.constant 0 : i32
        %dma_wait3A_391 = arith.constant 0 : i32
        %dma_wait3A_392 = tpu.memref_slice %arg9[%dma_wait3A_389, %dma_wait3A_390, %dma_wait3A_391] : memref<4x125x32xf32, #tpu.memory_space<vmem>> -> memref<1x125x32xf32, #tpu.memory_space<vmem>>
        %dma_wait3A_393 = tpu.memref_squeeze %dma_wait3A_392 : memref<1x125x32xf32, #tpu.memory_space<vmem>> -> memref<125x32xf32, #tpu.memory_space<vmem>>
        %dma_wait3A_394 = arith.constant 0 : i32
        %dma_wait3A_395 = tpu.memref_slice %arg7[%dma_wait3A_388, %dma_wait3A_394] : memref<20x125xi32, #tpu.memory_space<vmem>> -> memref<1x125xi32, #tpu.memory_space<vmem>>
        %dma_wait3A_396 = tpu.memref_squeeze %dma_wait3A_395 : memref<1x125xi32, #tpu.memory_space<vmem>> -> memref<125xi32, #tpu.memory_space<vmem>>
        %dma_wait3A_397 = arith.constant 0 : i32
        %dma_wait3A_398 = arith.constant 0 : i32
        %dma_wait3A_399 = tpu.memref_slice %arg2[%dma_wait3A_397, %dma_wait3A_398] : memref<50000x32xf32, #tpu.memory_space<hbm>> -> memref<50000x32xf32, #tpu.memory_space<hbm>>
        tpu.wait_indirect_dma semaphore(%arg12 : memref<!tpu.dma_semaphore, #tpu.memory_space<semaphore_mem>>) src(%dma_wait3A_399 : memref<50000x32xf32, #tpu.memory_space<hbm>>) dst(%dma_wait3A_393 : memref<125x32xf32, #tpu.memory_space<vmem>>)
        %add3A_400 = arith.constant 3 : i32
        %add3A_401 = arith.addi %add3A_231, %add3A_400 : i32
        %dma_start3A_402 = arith.constant 1 : i32
        %dma_start3A_403 = arith.constant 0 : i32
        %dma_start3A_404 = arith.constant 0 : i32
        %dma_start3A_405 = tpu.memref_slice %arg9[%dma_start3A_402, %dma_start3A_403, %dma_start3A_404] : memref<4x125x32xf32, #tpu.memory_space<vmem>> -> memref<1x125x32xf32, #tpu.memory_space<vmem>>
        %dma_start3A_406 = tpu.memref_squeeze %dma_start3A_405 : memref<1x125x32xf32, #tpu.memory_space<vmem>> -> memref<125x32xf32, #tpu.memory_space<vmem>>
        %dma_start3A_407 = arith.constant 0 : i32
        %dma_start3A_408 = tpu.memref_slice %arg8[%add3A_401, %dma_start3A_407] : memref<20x125xi32, #tpu.memory_space<vmem>> -> memref<1x125xi32, #tpu.memory_space<vmem>>
        %dma_start3A_409 = tpu.memref_squeeze %dma_start3A_408 : memref<1x125xi32, #tpu.memory_space<vmem>> -> memref<125xi32, #tpu.memory_space<vmem>>
        %dma_start3A_410 = arith.constant 0 : i32
        %dma_start3A_411 = arith.constant 0 : i32
        %dma_start3A_412 = tpu.memref_slice %arg6[%dma_start3A_410, %dma_start3A_411] : memref<50000x32xf32, #tpu.memory_space<vmem_shared>> -> memref<50000x32xf32, #tpu.memory_space<vmem_shared>>
        tpu.enqueue_indirect_dma source(%dma_start3A_406 : memref<125x32xf32, #tpu.memory_space<vmem>>) target(%dma_start3A_412 : memref<50000x32xf32, #tpu.memory_space<vmem_shared>>) offsets(%dma_start3A_409 : memref<125xi32, #tpu.memory_space<vmem>>) semaphore(%arg16 : memref<!tpu.dma_semaphore, #tpu.memory_space<semaphore_mem>>) {add = true}
        %dma_wait3A_413 = arith.constant 3 : i32
        %dma_wait3A_414 = arith.constant 0 : i32
        %dma_wait3A_415 = arith.constant 0 : i32
        %dma_wait3A_416 = arith.constant 0 : i32
        %dma_wait3A_417 = tpu.memref_slice %arg9[%dma_wait3A_413, %dma_wait3A_415, %dma_wait3A_416] : memref<4x125x32xf32, #tpu.memory_space<vmem>> -> memref<1x125x32xf32, #tpu.memory_space<vmem>>
        %dma_wait3A_418 = tpu.memref_squeeze %dma_wait3A_417 : memref<1x125x32xf32, #tpu.memory_space<vmem>> -> memref<125x32xf32, #tpu.memory_space<vmem>>
        %dma_wait3A_419 = arith.constant 0 : i32
        %dma_wait3A_420 = tpu.memref_slice %arg8[%dma_wait3A_414, %dma_wait3A_419] : memref<20x125xi32, #tpu.memory_space<vmem>> -> memref<1x125xi32, #tpu.memory_space<vmem>>
        %dma_wait3A_421 = tpu.memref_squeeze %dma_wait3A_420 : memref<1x125xi32, #tpu.memory_space<vmem>> -> memref<125xi32, #tpu.memory_space<vmem>>
        %dma_wait3A_422 = arith.constant 0 : i32
        %dma_wait3A_423 = arith.constant 0 : i32
        %dma_wait3A_424 = tpu.memref_slice %arg6[%dma_wait3A_422, %dma_wait3A_423] : memref<50000x32xf32, #tpu.memory_space<vmem_shared>> -> memref<50000x32xf32, #tpu.memory_space<vmem_shared>>
        tpu.wait_indirect_dma semaphore(%arg18 : memref<!tpu.dma_semaphore, #tpu.memory_space<semaphore_mem>>) src(%dma_wait3A_418 : memref<125x32xf32, #tpu.memory_space<vmem>>) dst(%dma_wait3A_424 : memref<50000x32xf32, #tpu.memory_space<vmem_shared>>)
        %add3A_425 = arith.constant 3 : i32
        %add3A_426 = arith.addi %add3A_231, %add3A_425 : i32
        %add3A_427 = arith.constant 2 : i32
        %add3A_428 = arith.addi %add3A_426, %add3A_427 : i32
        %dma_start3A_429 = arith.constant 3 : i32
        %dma_start3A_430 = arith.constant 0 : i32
        %dma_start3A_431 = arith.constant 0 : i32
        %dma_start3A_432 = tpu.memref_slice %arg9[%dma_start3A_429, %dma_start3A_430, %dma_start3A_431] : memref<4x125x32xf32, #tpu.memory_space<vmem>> -> memref<1x125x32xf32, #tpu.memory_space<vmem>>
        %dma_start3A_433 = tpu.memref_squeeze %dma_start3A_432 : memref<1x125x32xf32, #tpu.memory_space<vmem>> -> memref<125x32xf32, #tpu.memory_space<vmem>>
        %dma_start3A_434 = arith.constant 0 : i32
        %dma_start3A_435 = tpu.memref_slice %arg7[%add3A_428, %dma_start3A_434] : memref<20x125xi32, #tpu.memory_space<vmem>> -> memref<1x125xi32, #tpu.memory_space<vmem>>
        %dma_start3A_436 = tpu.memref_squeeze %dma_start3A_435 : memref<1x125xi32, #tpu.memory_space<vmem>> -> memref<125xi32, #tpu.memory_space<vmem>>
        %dma_start3A_437 = arith.constant 0 : i32
        %dma_start3A_438 = arith.constant 0 : i32
        %dma_start3A_439 = tpu.memref_slice %arg2[%dma_start3A_437, %dma_start3A_438] : memref<50000x32xf32, #tpu.memory_space<hbm>> -> memref<50000x32xf32, #tpu.memory_space<hbm>>
        tpu.enqueue_indirect_dma source(%dma_start3A_439 : memref<50000x32xf32, #tpu.memory_space<hbm>>) target(%dma_start3A_433 : memref<125x32xf32, #tpu.memory_space<vmem>>) offsets(%dma_start3A_436 : memref<125xi32, #tpu.memory_space<vmem>>) semaphore(%arg14 : memref<!tpu.dma_semaphore, #tpu.memory_space<semaphore_mem>>)
      }
      %scan3A_130 = arith.constant 4 : i32
      %dma_wait3A_131 = arith.constant 0 : i32
      %dma_wait3A_132 = arith.constant 2 : i32
      %dma_wait3A_133 = arith.constant 0 : i32
      %dma_wait3A_134 = arith.constant 0 : i32
      %dma_wait3A_135 = tpu.memref_slice %arg9[%dma_wait3A_132, %dma_wait3A_133, %dma_wait3A_134] : memref<4x125x32xf32, #tpu.memory_space<vmem>> -> memref<1x125x32xf32, #tpu.memory_space<vmem>>
      %dma_wait3A_136 = tpu.memref_squeeze %dma_wait3A_135 : memref<1x125x32xf32, #tpu.memory_space<vmem>> -> memref<125x32xf32, #tpu.memory_space<vmem>>
      %dma_wait3A_137 = arith.constant 0 : i32
      %dma_wait3A_138 = tpu.memref_slice %arg7[%dma_wait3A_131, %dma_wait3A_137] : memref<20x125xi32, #tpu.memory_space<vmem>> -> memref<1x125xi32, #tpu.memory_space<vmem>>
      %dma_wait3A_139 = tpu.memref_squeeze %dma_wait3A_138 : memref<1x125xi32, #tpu.memory_space<vmem>> -> memref<125xi32, #tpu.memory_space<vmem>>
      %dma_wait3A_140 = arith.constant 0 : i32
      %dma_wait3A_141 = arith.constant 0 : i32
      %dma_wait3A_142 = tpu.memref_slice %arg2[%dma_wait3A_140, %dma_wait3A_141] : memref<50000x32xf32, #tpu.memory_space<hbm>> -> memref<50000x32xf32, #tpu.memory_space<hbm>>
      tpu.wait_indirect_dma semaphore(%arg13 : memref<!tpu.dma_semaphore, #tpu.memory_space<semaphore_mem>>) src(%dma_wait3A_142 : memref<50000x32xf32, #tpu.memory_space<hbm>>) dst(%dma_wait3A_136 : memref<125x32xf32, #tpu.memory_space<vmem>>)
      %dma_start3A_143 = arith.constant 2 : i32
      %dma_start3A_144 = arith.constant 18 : i32
      %dma_start3A_145 = arith.constant 0 : i32
      %dma_start3A_146 = arith.constant 0 : i32
      %dma_start3A_147 = tpu.memref_slice %arg9[%dma_start3A_143, %dma_start3A_145, %dma_start3A_146] : memref<4x125x32xf32, #tpu.memory_space<vmem>> -> memref<1x125x32xf32, #tpu.memory_space<vmem>>
      %dma_start3A_148 = tpu.memref_squeeze %dma_start3A_147 : memref<1x125x32xf32, #tpu.memory_space<vmem>> -> memref<125x32xf32, #tpu.memory_space<vmem>>
      %dma_start3A_149 = arith.constant 0 : i32
      %dma_start3A_150 = tpu.memref_slice %arg8[%dma_start3A_144, %dma_start3A_149] : memref<20x125xi32, #tpu.memory_space<vmem>> -> memref<1x125xi32, #tpu.memory_space<vmem>>
      %dma_start3A_151 = tpu.memref_squeeze %dma_start3A_150 : memref<1x125xi32, #tpu.memory_space<vmem>> -> memref<125xi32, #tpu.memory_space<vmem>>
      %dma_start3A_152 = arith.constant 0 : i32
      %dma_start3A_153 = arith.constant 0 : i32
      %dma_start3A_154 = tpu.memref_slice %arg6[%dma_start3A_152, %dma_start3A_153] : memref<50000x32xf32, #tpu.memory_space<vmem_shared>> -> memref<50000x32xf32, #tpu.memory_space<vmem_shared>>
      tpu.enqueue_indirect_dma source(%dma_start3A_148 : memref<125x32xf32, #tpu.memory_space<vmem>>) target(%dma_start3A_154 : memref<50000x32xf32, #tpu.memory_space<vmem_shared>>) offsets(%dma_start3A_151 : memref<125xi32, #tpu.memory_space<vmem>>) semaphore(%arg17 : memref<!tpu.dma_semaphore, #tpu.memory_space<semaphore_mem>>) {add = true}
      %dma_wait3A_155 = arith.constant 0 : i32
      %dma_wait3A_156 = arith.constant 3 : i32
      %dma_wait3A_157 = arith.constant 0 : i32
      %dma_wait3A_158 = arith.constant 0 : i32
      %dma_wait3A_159 = tpu.memref_slice %arg9[%dma_wait3A_156, %dma_wait3A_157, %dma_wait3A_158] : memref<4x125x32xf32, #tpu.memory_space<vmem>> -> memref<1x125x32xf32, #tpu.memory_space<vmem>>
      %dma_wait3A_160 = tpu.memref_squeeze %dma_wait3A_159 : memref<1x125x32xf32, #tpu.memory_space<vmem>> -> memref<125x32xf32, #tpu.memory_space<vmem>>
      %dma_wait3A_161 = arith.constant 0 : i32
      %dma_wait3A_162 = tpu.memref_slice %arg7[%dma_wait3A_155, %dma_wait3A_161] : memref<20x125xi32, #tpu.memory_space<vmem>> -> memref<1x125xi32, #tpu.memory_space<vmem>>
      %dma_wait3A_163 = tpu.memref_squeeze %dma_wait3A_162 : memref<1x125xi32, #tpu.memory_space<vmem>> -> memref<125xi32, #tpu.memory_space<vmem>>
      %dma_wait3A_164 = arith.constant 0 : i32
      %dma_wait3A_165 = arith.constant 0 : i32
      %dma_wait3A_166 = tpu.memref_slice %arg2[%dma_wait3A_164, %dma_wait3A_165] : memref<50000x32xf32, #tpu.memory_space<hbm>> -> memref<50000x32xf32, #tpu.memory_space<hbm>>
      tpu.wait_indirect_dma semaphore(%arg14 : memref<!tpu.dma_semaphore, #tpu.memory_space<semaphore_mem>>) src(%dma_wait3A_166 : memref<50000x32xf32, #tpu.memory_space<hbm>>) dst(%dma_wait3A_160 : memref<125x32xf32, #tpu.memory_space<vmem>>)
      %dma_start3A_167 = arith.constant 3 : i32
      %dma_start3A_168 = arith.constant 19 : i32
      %dma_start3A_169 = arith.constant 0 : i32
      %dma_start3A_170 = arith.constant 0 : i32
      %dma_start3A_171 = tpu.memref_slice %arg9[%dma_start3A_167, %dma_start3A_169, %dma_start3A_170] : memref<4x125x32xf32, #tpu.memory_space<vmem>> -> memref<1x125x32xf32, #tpu.memory_space<vmem>>
      %dma_start3A_172 = tpu.memref_squeeze %dma_start3A_171 : memref<1x125x32xf32, #tpu.memory_space<vmem>> -> memref<125x32xf32, #tpu.memory_space<vmem>>
      %dma_start3A_173 = arith.constant 0 : i32
      %dma_start3A_174 = tpu.memref_slice %arg8[%dma_start3A_168, %dma_start3A_173] : memref<20x125xi32, #tpu.memory_space<vmem>> -> memref<1x125xi32, #tpu.memory_space<vmem>>
      %dma_start3A_175 = tpu.memref_squeeze %dma_start3A_174 : memref<1x125xi32, #tpu.memory_space<vmem>> -> memref<125xi32, #tpu.memory_space<vmem>>
      %dma_start3A_176 = arith.constant 0 : i32
      %dma_start3A_177 = arith.constant 0 : i32
      %dma_start3A_178 = tpu.memref_slice %arg6[%dma_start3A_176, %dma_start3A_177] : memref<50000x32xf32, #tpu.memory_space<vmem_shared>> -> memref<50000x32xf32, #tpu.memory_space<vmem_shared>>
      tpu.enqueue_indirect_dma source(%dma_start3A_172 : memref<125x32xf32, #tpu.memory_space<vmem>>) target(%dma_start3A_178 : memref<50000x32xf32, #tpu.memory_space<vmem_shared>>) offsets(%dma_start3A_175 : memref<125xi32, #tpu.memory_space<vmem>>) semaphore(%arg18 : memref<!tpu.dma_semaphore, #tpu.memory_space<semaphore_mem>>) {add = true}
      %dma_wait3A_179 = arith.constant 0 : i32
      %dma_wait3A_180 = arith.constant 0 : i32
      %dma_wait3A_181 = arith.constant 0 : i32
      %dma_wait3A_182 = arith.constant 0 : i32
      %dma_wait3A_183 = tpu.memref_slice %arg9[%dma_wait3A_179, %dma_wait3A_181, %dma_wait3A_182] : memref<4x125x32xf32, #tpu.memory_space<vmem>> -> memref<1x125x32xf32, #tpu.memory_space<vmem>>
      %dma_wait3A_184 = tpu.memref_squeeze %dma_wait3A_183 : memref<1x125x32xf32, #tpu.memory_space<vmem>> -> memref<125x32xf32, #tpu.memory_space<vmem>>
      %dma_wait3A_185 = arith.constant 0 : i32
      %dma_wait3A_186 = tpu.memref_slice %arg8[%dma_wait3A_180, %dma_wait3A_185] : memref<20x125xi32, #tpu.memory_space<vmem>> -> memref<1x125xi32, #tpu.memory_space<vmem>>
      %dma_wait3A_187 = tpu.memref_squeeze %dma_wait3A_186 : memref<1x125xi32, #tpu.memory_space<vmem>> -> memref<125xi32, #tpu.memory_space<vmem>>
      %dma_wait3A_188 = arith.constant 0 : i32
      %dma_wait3A_189 = arith.constant 0 : i32
      %dma_wait3A_190 = tpu.memref_slice %arg6[%dma_wait3A_188, %dma_wait3A_189] : memref<50000x32xf32, #tpu.memory_space<vmem_shared>> -> memref<50000x32xf32, #tpu.memory_space<vmem_shared>>
      tpu.wait_indirect_dma semaphore(%arg15 : memref<!tpu.dma_semaphore, #tpu.memory_space<semaphore_mem>>) src(%dma_wait3A_184 : memref<125x32xf32, #tpu.memory_space<vmem>>) dst(%dma_wait3A_190 : memref<50000x32xf32, #tpu.memory_space<vmem_shared>>)
      %dma_wait3A_191 = arith.constant 1 : i32
      %dma_wait3A_192 = arith.constant 0 : i32
      %dma_wait3A_193 = arith.constant 0 : i32
      %dma_wait3A_194 = arith.constant 0 : i32
      %dma_wait3A_195 = tpu.memref_slice %arg9[%dma_wait3A_191, %dma_wait3A_193, %dma_wait3A_194] : memref<4x125x32xf32, #tpu.memory_space<vmem>> -> memref<1x125x32xf32, #tpu.memory_space<vmem>>
      %dma_wait3A_196 = tpu.memref_squeeze %dma_wait3A_195 : memref<1x125x32xf32, #tpu.memory_space<vmem>> -> memref<125x32xf32, #tpu.memory_space<vmem>>
      %dma_wait3A_197 = arith.constant 0 : i32
      %dma_wait3A_198 = tpu.memref_slice %arg8[%dma_wait3A_192, %dma_wait3A_197] : memref<20x125xi32, #tpu.memory_space<vmem>> -> memref<1x125xi32, #tpu.memory_space<vmem>>
      %dma_wait3A_199 = tpu.memref_squeeze %dma_wait3A_198 : memref<1x125xi32, #tpu.memory_space<vmem>> -> memref<125xi32, #tpu.memory_space<vmem>>
      %dma_wait3A_200 = arith.constant 0 : i32
      %dma_wait3A_201 = arith.constant 0 : i32
      %dma_wait3A_202 = tpu.memref_slice %arg6[%dma_wait3A_200, %dma_wait3A_201] : memref<50000x32xf32, #tpu.memory_space<vmem_shared>> -> memref<50000x32xf32, #tpu.memory_space<vmem_shared>>
      tpu.wait_indirect_dma semaphore(%arg16 : memref<!tpu.dma_semaphore, #tpu.memory_space<semaphore_mem>>) src(%dma_wait3A_196 : memref<125x32xf32, #tpu.memory_space<vmem>>) dst(%dma_wait3A_202 : memref<50000x32xf32, #tpu.memory_space<vmem_shared>>)
      %dma_wait3A_203 = arith.constant 2 : i32
      %dma_wait3A_204 = arith.constant 0 : i32
      %dma_wait3A_205 = arith.constant 0 : i32
      %dma_wait3A_206 = arith.constant 0 : i32
      %dma_wait3A_207 = tpu.memref_slice %arg9[%dma_wait3A_203, %dma_wait3A_205, %dma_wait3A_206] : memref<4x125x32xf32, #tpu.memory_space<vmem>> -> memref<1x125x32xf32, #tpu.memory_space<vmem>>
      %dma_wait3A_208 = tpu.memref_squeeze %dma_wait3A_207 : memref<1x125x32xf32, #tpu.memory_space<vmem>> -> memref<125x32xf32, #tpu.memory_space<vmem>>
      %dma_wait3A_209 = arith.constant 0 : i32
      %dma_wait3A_210 = tpu.memref_slice %arg8[%dma_wait3A_204, %dma_wait3A_209] : memref<20x125xi32, #tpu.memory_space<vmem>> -> memref<1x125xi32, #tpu.memory_space<vmem>>
      %dma_wait3A_211 = tpu.memref_squeeze %dma_wait3A_210 : memref<1x125xi32, #tpu.memory_space<vmem>> -> memref<125xi32, #tpu.memory_space<vmem>>
      %dma_wait3A_212 = arith.constant 0 : i32
      %dma_wait3A_213 = arith.constant 0 : i32
      %dma_wait3A_214 = tpu.memref_slice %arg6[%dma_wait3A_212, %dma_wait3A_213] : memref<50000x32xf32, #tpu.memory_space<vmem_shared>> -> memref<50000x32xf32, #tpu.memory_space<vmem_shared>>
      tpu.wait_indirect_dma semaphore(%arg17 : memref<!tpu.dma_semaphore, #tpu.memory_space<semaphore_mem>>) src(%dma_wait3A_208 : memref<125x32xf32, #tpu.memory_space<vmem>>) dst(%dma_wait3A_214 : memref<50000x32xf32, #tpu.memory_space<vmem_shared>>)
      %dma_wait3A_215 = arith.constant 3 : i32
      %dma_wait3A_216 = arith.constant 0 : i32
      %dma_wait3A_217 = arith.constant 0 : i32
      %dma_wait3A_218 = arith.constant 0 : i32
      %dma_wait3A_219 = tpu.memref_slice %arg9[%dma_wait3A_215, %dma_wait3A_217, %dma_wait3A_218] : memref<4x125x32xf32, #tpu.memory_space<vmem>> -> memref<1x125x32xf32, #tpu.memory_space<vmem>>
      %dma_wait3A_220 = tpu.memref_squeeze %dma_wait3A_219 : memref<1x125x32xf32, #tpu.memory_space<vmem>> -> memref<125x32xf32, #tpu.memory_space<vmem>>
      %dma_wait3A_221 = arith.constant 0 : i32
      %dma_wait3A_222 = tpu.memref_slice %arg8[%dma_wait3A_216, %dma_wait3A_221] : memref<20x125xi32, #tpu.memory_space<vmem>> -> memref<1x125xi32, #tpu.memory_space<vmem>>
      %dma_wait3A_223 = tpu.memref_squeeze %dma_wait3A_222 : memref<1x125xi32, #tpu.memory_space<vmem>> -> memref<125xi32, #tpu.memory_space<vmem>>
      %dma_wait3A_224 = arith.constant 0 : i32
      %dma_wait3A_225 = arith.constant 0 : i32
      %dma_wait3A_226 = tpu.memref_slice %arg6[%dma_wait3A_224, %dma_wait3A_225] : memref<50000x32xf32, #tpu.memory_space<vmem_shared>> -> memref<50000x32xf32, #tpu.memory_space<vmem_shared>>
      tpu.wait_indirect_dma semaphore(%arg18 : memref<!tpu.dma_semaphore, #tpu.memory_space<semaphore_mem>>) src(%dma_wait3A_220 : memref<125x32xf32, #tpu.memory_space<vmem>>) dst(%dma_wait3A_226 : memref<50000x32xf32, #tpu.memory_space<vmem_shared>>)
    }
    %scan3A_15 = arith.constant 10 : i32
    %barrier3A_16 = arith.constant 0 : index
    tpu.barrier barrier_id(%barrier3A_16)
    %lt3A_17 = arith.constant 15 : i32
    %lt3A_18 = arith.cmpi slt, %arg1, %lt3A_17 : i32
    %convert_element_type3A_19 = arith.extui %lt3A_18 : i1 to i32
    %cond3A_20 = arith.constant 0 : i32
    %cond3A_21 = arith.cmpi ne, %convert_element_type3A_19, %cond3A_20 : i32
    scf.if %cond3A_21 {
      %mul3A_27 = arith.constant 3200 : i32
      %mul3A_28 = arith.muli %arg1, %mul3A_27 : i32
      %mul3A_29 = arith.constant 3200 : i32
      %mul3A_30 = arith.muli %arg1, %mul3A_29 : i32
      "tpu.region"() ({
        %run_scoped3A = tpu.sem_alloc : memref<!tpu.dma_semaphore, #tpu.memory_space<semaphore_mem>>
        %dma_start3A = arith.constant 0 : i32
        %dma_start3A_31 = tpu.memref_slice %arg5[%arg0, %mul3A_30, %dma_start3A] : memref<2x50000x32xf32, #tpu.memory_space<hbm>> -> memref<1x3200x32xf32, #tpu.memory_space<hbm>>
        %dma_start3A_32 = tpu.memref_squeeze %dma_start3A_31 : memref<1x3200x32xf32, #tpu.memory_space<hbm>> -> memref<3200x32xf32, #tpu.memory_space<hbm>>
        %dma_start3A_33 = arith.constant 0 : i32
        %dma_start3A_34 = tpu.memref_slice %arg6[%mul3A_28, %dma_start3A_33] : memref<50000x32xf32, #tpu.memory_space<vmem_shared>> -> memref<3200x32xf32, #tpu.memory_space<vmem_shared>>
        tpu.enqueue_dma source(%dma_start3A_34 : memref<3200x32xf32, #tpu.memory_space<vmem_shared>>) target(%dma_start3A_32 : memref<3200x32xf32, #tpu.memory_space<hbm>>) target_semaphore(%run_scoped3A : memref<!tpu.dma_semaphore, #tpu.memory_space<semaphore_mem>>)
        %dma_wait3A = arith.constant 0 : i32
        %dma_wait3A_35 = tpu.memref_slice %arg5[%arg0, %mul3A_30, %dma_wait3A] : memref<2x50000x32xf32, #tpu.memory_space<hbm>> -> memref<1x3200x32xf32, #tpu.memory_space<hbm>>
        %dma_wait3A_36 = tpu.memref_squeeze %dma_wait3A_35 : memref<1x3200x32xf32, #tpu.memory_space<hbm>> -> memref<3200x32xf32, #tpu.memory_space<hbm>>
        %dma_wait3A_37 = arith.constant 0 : i32
        %dma_wait3A_38 = tpu.memref_slice %arg6[%mul3A_28, %dma_wait3A_37] : memref<50000x32xf32, #tpu.memory_space<vmem_shared>> -> memref<3200x32xf32, #tpu.memory_space<vmem_shared>>
        tpu.wait_dma2 semaphore(%run_scoped3A : memref<!tpu.dma_semaphore, #tpu.memory_space<semaphore_mem>>) src(%dma_wait3A_38 : memref<3200x32xf32, #tpu.memory_space<vmem_shared>>) dst(%dma_wait3A_36 : memref<3200x32xf32, #tpu.memory_space<hbm>>)
        tpu.yield
      }) : () -> ()
    } else {
    }
    %eq3A_22 = arith.constant 15 : i32
    %eq3A_23 = arith.cmpi eq, %arg1, %eq3A_22 : i32
    %convert_element_type3A_24 = arith.extui %eq3A_23 : i1 to i32
    %cond3A_25 = arith.constant 0 : i32
    %cond3A_26 = arith.cmpi ne, %convert_element_type3A_24, %cond3A_25 : i32
    scf.if %cond3A_26 {
      "tpu.region"() ({
        %run_scoped3A = tpu.sem_alloc : memref<!tpu.dma_semaphore, #tpu.memory_space<semaphore_mem>>
        %dma_start3A = arith.constant 48000 : i32
        %dma_start3A_27 = arith.constant 0 : i32
        %dma_start3A_28 = tpu.memref_slice %arg5[%arg0, %dma_start3A, %dma_start3A_27] : memref<2x50000x32xf32, #tpu.memory_space<hbm>> -> memref<1x2000x32xf32, #tpu.memory_space<hbm>>
        %dma_start3A_29 = tpu.memref_squeeze %dma_start3A_28 : memref<1x2000x32xf32, #tpu.memory_space<hbm>> -> memref<2000x32xf32, #tpu.memory_space<hbm>>
        %dma_start3A_30 = arith.constant 48000 : i32
        %dma_start3A_31 = arith.constant 0 : i32
        %dma_start3A_32 = tpu.memref_slice %arg6[%dma_start3A_30, %dma_start3A_31] : memref<50000x32xf32, #tpu.memory_space<vmem_shared>> -> memref<2000x32xf32, #tpu.memory_space<vmem_shared>>
        tpu.enqueue_dma source(%dma_start3A_32 : memref<2000x32xf32, #tpu.memory_space<vmem_shared>>) target(%dma_start3A_29 : memref<2000x32xf32, #tpu.memory_space<hbm>>) target_semaphore(%run_scoped3A : memref<!tpu.dma_semaphore, #tpu.memory_space<semaphore_mem>>)
        %dma_wait3A = arith.constant 48000 : i32
        %dma_wait3A_33 = arith.constant 0 : i32
        %dma_wait3A_34 = tpu.memref_slice %arg5[%arg0, %dma_wait3A, %dma_wait3A_33] : memref<2x50000x32xf32, #tpu.memory_space<hbm>> -> memref<1x2000x32xf32, #tpu.memory_space<hbm>>
        %dma_wait3A_35 = tpu.memref_squeeze %dma_wait3A_34 : memref<1x2000x32xf32, #tpu.memory_space<hbm>> -> memref<2000x32xf32, #tpu.memory_space<hbm>>
        %dma_wait3A_36 = arith.constant 48000 : i32
        %dma_wait3A_37 = arith.constant 0 : i32
        %dma_wait3A_38 = tpu.memref_slice %arg6[%dma_wait3A_36, %dma_wait3A_37] : memref<50000x32xf32, #tpu.memory_space<vmem_shared>> -> memref<2000x32xf32, #tpu.memory_space<vmem_shared>>
        tpu.wait_dma2 semaphore(%run_scoped3A : memref<!tpu.dma_semaphore, #tpu.memory_space<semaphore_mem>>) src(%dma_wait3A_38 : memref<2000x32xf32, #tpu.memory_space<vmem_shared>>) dst(%dma_wait3A_35 : memref<2000x32xf32, #tpu.memory_space<hbm>>)
        tpu.yield
      }) : () -> ()
    } else {
    }
    return
  }
}

module attributes {stable_mosaic.version = 14 : i64} {
  func.func @_tc_embw_body(%arg0: memref<512x64xf32, #tpu.memory_space<vmem>>, %arg1: memref<64x32xf32, #tpu.memory_space<vmem>>, %arg2: memref<512x32xf32, #tpu.memory_space<vmem>>) attributes {dimension_semantics = [], scalar_prefetch = 0 : i64, scratch_operands = 0 : i64, tpu.core_type = #tpu.core_type<tc>} {
    %get3A = arith.constant 0 : index
    %get3A_0 = arith.constant 0 : index
    %get3A_1 = vector.load %arg0[%get3A, %get3A_0] : memref<512x64xf32, #tpu.memory_space<vmem>>, vector<512x64xf32>
    %get3A_2 = arith.constant 0 : index
    %get3A_3 = arith.constant 0 : index
    %get3A_4 = vector.load %arg1[%get3A_2, %get3A_3] : memref<64x32xf32, #tpu.memory_space<vmem>>, vector<64x32xf32>
    %dot_general3A = arith.constant dense<0.000000e+00> : vector<512x32xf32>
    %dot_general3A_5 = tpu.matmul %get3A_1, %get3A_4, %dot_general3A {dimension_numbers = #tpu.dot_dimension_numbers<[1], [0], [0], [1], [0, 0, 1, 1], [], []>, transpose_lhs_hint = false} : vector<512x64xf32>, vector<64x32xf32>, vector<512x32xf32> -> vector<512x32xf32>
    %swap3A = arith.constant 0 : index
    %swap3A_6 = arith.constant 0 : index
    %swap3A_7 = vector.load %arg2[%swap3A, %swap3A_6] : memref<512x32xf32, #tpu.memory_space<vmem>>, vector<512x32xf32>
    tpu.vector_store %arg2[%swap3A, %swap3A_6], %dot_general3A_5 {strides = array<i32>} : memref<512x32xf32, #tpu.memory_space<vmem>>, vector<512x32xf32>,
    return
  }
}

module attributes {stable_mosaic.version = 14 : i64} {
  func.func @_tc_p1_body(%arg0: i32, %arg1: memref<5000x32xf32, #tpu.memory_space<vmem>>, %arg2: memref<5000x2xf32, #tpu.memory_space<vmem>>, %arg3: memref<5000x32xf32, #tpu.memory_space<vmem>>, %arg4: memref<5000x32xf32, #tpu.memory_space<vmem>>) attributes {dimension_semantics = [#tpu.dimension_semantics<arbitrary>], iteration_bounds = array<i64: 10>, scalar_prefetch = 0 : i64, scratch_operands = 0 : i64, tpu.core_type = #tpu.core_type<tc>, window_params = [{transform_indices = @transform_0, window_bounds = array<i64: 5000, 32>}, {transform_indices = @transform_1, window_bounds = array<i64: 5000, 2>}, {transform_indices = @transform_2, window_bounds = array<i64: 5000, 32>}, {transform_indices = @transform_3, window_bounds = array<i64: 5000, 32>}]} {
    %get3A = arith.constant 0 : index
    %get3A_0 = arith.constant 0 : index
    %get3A_1 = vector.load %arg2[%get3A, %get3A_0] : memref<5000x2xf32, #tpu.memory_space<vmem>>, vector<5000x1xf32>
    %get3A_2 = arith.constant 0 : index
    %get3A_3 = arith.constant 1 : index
    %get3A_4 = vector.load %arg2[%get3A_2, %get3A_3] : memref<5000x2xf32, #tpu.memory_space<vmem>>, vector<5000x1xf32>
    %add3A = arith.addf %get3A_1, %get3A_4 : vector<5000x1xf32>
    %add3A_5 = arith.constant 1.000000e+00 : f32
    %add3A_6 = vector.broadcast %add3A_5 : f32 to vector<5000x1xf32>
    %add3A_7 = arith.addf %add3A, %add3A_6 : vector<5000x1xf32>
    %rsqrt3A = math.rsqrt %add3A_7 : vector<5000x1xf32>
    %broadcast_in_dim3A = vector.shape_cast %rsqrt3A : vector<5000x1xf32> to vector<5000x1xf32>
    %broadcast_in_dim3A_8 = vector.broadcast %broadcast_in_dim3A : vector<5000x1xf32> to vector<5000x32xf32>
    %swap3A = arith.constant 0 : index
    %swap3A_9 = arith.constant 0 : index
    %swap3A_10 = vector.load %arg4[%swap3A, %swap3A_9] : memref<5000x32xf32, #tpu.memory_space<vmem>>, vector<5000x32xf32>
    tpu.vector_store %arg4[%swap3A, %swap3A_9], %broadcast_in_dim3A_8 {strides = array<i32>} : memref<5000x32xf32, #tpu.memory_space<vmem>>, vector<5000x32xf32>,
    %get3A_11 = arith.constant 0 : index
    %get3A_12 = arith.constant 0 : index
    %get3A_13 = vector.load %arg1[%get3A_11, %get3A_12] : memref<5000x32xf32, #tpu.memory_space<vmem>>, vector<5000x32xf32>
    %mul3A = vector.broadcast %rsqrt3A : vector<5000x1xf32> to vector<5000x32xf32>
    %mul3A_14 = arith.mulf %get3A_13, %mul3A : vector<5000x32xf32>
    %swap3A_15 = arith.constant 0 : index
    %swap3A_16 = arith.constant 0 : index
    %swap3A_17 = vector.load %arg3[%swap3A_15, %swap3A_16] : memref<5000x32xf32, #tpu.memory_space<vmem>>, vector<5000x32xf32>
    tpu.vector_store %arg3[%swap3A_15, %swap3A_16], %mul3A_14 {strides = array<i32>} : memref<5000x32xf32, #tpu.memory_space<vmem>>, vector<5000x32xf32>,
    return
  }
  func.func @transform_0(%arg0: i32) -> (i32, i32) {
    %c0_i32 = arith.constant 0 : i32
    %c0_i32_0 = arith.constant 0 : i32
    return %arg0, %c0_i32 : i32, i32
  }
  func.func @transform_1(%arg0: i32) -> (i32, i32) {
    %c0_i32 = arith.constant 0 : i32
    %c0_i32_0 = arith.constant 0 : i32
    return %arg0, %c0_i32 : i32, i32
  }
  func.func @transform_2(%arg0: i32) -> (i32, i32) {
    %c0_i32 = arith.constant 0 : i32
    %c0_i32_0 = arith.constant 0 : i32
    return %arg0, %c0_i32 : i32, i32
  }
  func.func @transform_3(%arg0: i32) -> (i32, i32) {
    %c0_i32 = arith.constant 0 : i32
    %c0_i32_0 = arith.constant 0 : i32
    return %arg0, %c0_i32 : i32, i32
  }
}

module attributes {stable_mosaic.version = 14 : i64} {
  func.func @_tc_layer_body(%arg0: i32, %arg1: memref<2x5000x32xf32, #tpu.memory_space<vmem>>, %arg2: memref<5000x32xf32, #tpu.memory_space<vmem>>, %arg3: memref<5000x32xf32, #tpu.memory_space<vmem>>, %arg4: memref<32xf32, #tpu.memory_space<vmem>>, %arg5: memref<32x32xf32, #tpu.memory_space<vmem>>, %arg6: memref<5000x32xf32, #tpu.memory_space<vmem>>) attributes {dimension_semantics = [#tpu.dimension_semantics<arbitrary>], iteration_bounds = array<i64: 10>, scalar_prefetch = 0 : i64, scratch_operands = 0 : i64, tpu.core_type = #tpu.core_type<tc>, window_params = [{transform_indices = @transform_0, window_bounds = array<i64: 2, 5000, 32>}, {transform_indices = @transform_1, window_bounds = array<i64: 5000, 32>}, {transform_indices = @transform_2, window_bounds = array<i64: 5000, 32>}, {pipeline_mode = #tpu.pipeline_mode<synchronous>, transform_indices = @transform_3, window_bounds = array<i64: 32>}, {pipeline_mode = #tpu.pipeline_mode<synchronous>, transform_indices = @transform_4, window_bounds = array<i64: 32, 32>}, {transform_indices = @transform_5, window_bounds = array<i64: 5000, 32>}]} {
    %get3A = arith.constant 0 : index
    %get3A_0 = arith.constant 0 : index
    %get3A_1 = vector.load %arg3[%get3A, %get3A_0] : memref<5000x32xf32, #tpu.memory_space<vmem>>, vector<5000x32xf32>
    %get3A_2 = arith.constant 0 : index
    %get3A_3 = arith.constant 0 : index
    %get3A_4 = arith.constant 0 : index
    %get3A_5 = vector.load %arg1[%get3A_2, %get3A_3, %get3A_4] : memref<2x5000x32xf32, #tpu.memory_space<vmem>>, vector<1x5000x32xf32>
    %get3A_6 = vector.shape_cast %get3A_5 : vector<1x5000x32xf32> to vector<5000x32xf32>
    %get3A_7 = arith.constant 1 : index
    %get3A_8 = arith.constant 0 : index
    %get3A_9 = arith.constant 0 : index
    %get3A_10 = vector.load %arg1[%get3A_7, %get3A_8, %get3A_9] : memref<2x5000x32xf32, #tpu.memory_space<vmem>>, vector<1x5000x32xf32>
    %get3A_11 = vector.shape_cast %get3A_10 : vector<1x5000x32xf32> to vector<5000x32xf32>
    %add3A = arith.addf %get3A_6, %get3A_11 : vector<5000x32xf32>
    %get3A_12 = arith.constant 0 : index
    %get3A_13 = arith.constant 0 : index
    %get3A_14 = vector.load %arg2[%get3A_12, %get3A_13] : memref<5000x32xf32, #tpu.memory_space<vmem>>, vector<5000x32xf32>
    %add3A_15 = arith.addf %add3A, %get3A_14 : vector<5000x32xf32>
    %mul3A = arith.mulf %get3A_1, %add3A_15 : vector<5000x32xf32>
    %get3A_16 = arith.constant 0 : index
    %get3A_17 = vector.load %arg4[%get3A_16] : memref<32xf32, #tpu.memory_space<vmem>>, vector<32xf32>
    %broadcast_in_dim3A = vector.shape_cast %get3A_17 : vector<32xf32> to vector<1x32xf32>
    %add3A_18 = vector.broadcast %broadcast_in_dim3A : vector<1x32xf32> to vector<5000x32xf32>
    %add3A_19 = arith.addf %mul3A, %add3A_18 : vector<5000x32xf32>
    %max3A = arith.constant 0.000000e+00 : f32
    %max3A_20 = vector.broadcast %max3A : f32 to vector<5000x32xf32>
    %max3A_21 = arith.maximumf %add3A_19, %max3A_20 : vector<5000x32xf32>
    %get3A_22 = arith.constant 0 : index
    %get3A_23 = arith.constant 0 : index
    %get3A_24 = vector.load %arg5[%get3A_22, %get3A_23] : memref<32x32xf32, #tpu.memory_space<vmem>>, vector<32x32xf32>
    %dot_general3A = arith.constant dense<0.000000e+00> : vector<5000x32xf32>
    %dot_general3A_25 = tpu.matmul %max3A_21, %get3A_24, %dot_general3A {dimension_numbers = #tpu.dot_dimension_numbers<[1], [0], [0], [1], [0, 0, 1, 1], [], []>, transpose_lhs_hint = false} : vector<5000x32xf32>, vector<32x32xf32>, vector<5000x32xf32> -> vector<5000x32xf32>
    %mul3A_26 = arith.mulf %dot_general3A_25, %get3A_1 : vector<5000x32xf32>
    %swap3A = arith.constant 0 : index
    %swap3A_27 = arith.constant 0 : index
    %swap3A_28 = vector.load %arg6[%swap3A, %swap3A_27] : memref<5000x32xf32, #tpu.memory_space<vmem>>, vector<5000x32xf32>
    tpu.vector_store %arg6[%swap3A, %swap3A_27], %mul3A_26 {strides = array<i32>} : memref<5000x32xf32, #tpu.memory_space<vmem>>, vector<5000x32xf32>,
    return
  }
  func.func @transform_0(%arg0: i32) -> (i32, i32, i32) {
    %c0_i32 = arith.constant 0 : i32
    %c0_i32_0 = arith.constant 0 : i32
    %c0_i32_1 = arith.constant 0 : i32
    return %c0_i32, %arg0, %c0_i32_0 : i32, i32, i32
  }
  func.func @transform_1(%arg0: i32) -> (i32, i32) {
    %c0_i32 = arith.constant 0 : i32
    %c0_i32_0 = arith.constant 0 : i32
    return %arg0, %c0_i32 : i32, i32
  }
  func.func @transform_2(%arg0: i32) -> (i32, i32) {
    %c0_i32 = arith.constant 0 : i32
    %c0_i32_0 = arith.constant 0 : i32
    return %arg0, %c0_i32 : i32, i32
  }
  func.func @transform_3(%arg0: i32) -> i32 {
    %c0_i32 = arith.constant 0 : i32
    %c0_i32_0 = arith.constant 0 : i32
    return %c0_i32 : i32
  }
  func.func @transform_4(%arg0: i32) -> (i32, i32) {
    %c0_i32 = arith.constant 0 : i32
    %c0_i32_0 = arith.constant 0 : i32
    %c0_i32_1 = arith.constant 0 : i32
    return %c0_i32, %c0_i32_0 : i32, i32
  }
  func.func @transform_5(%arg0: i32) -> (i32, i32) {
    %c0_i32 = arith.constant 0 : i32
    %c0_i32_0 = arith.constant 0 : i32
    return %arg0, %c0_i32 : i32, i32
  }
}

module attributes {stable_mosaic.version = 14 : i64} {
  func.func @_tc_h2_body(%arg0: i32, %arg1: memref<2x5000x32xf32, #tpu.memory_space<vmem>>, %arg2: memref<5000x32xf32, #tpu.memory_space<vmem>>, %arg3: memref<5000x32xf32, #tpu.memory_space<vmem>>, %arg4: memref<32xf32, #tpu.memory_space<vmem>>, %arg5: memref<5000x32xf32, #tpu.memory_space<vmem>>) attributes {dimension_semantics = [#tpu.dimension_semantics<arbitrary>], iteration_bounds = array<i64: 10>, scalar_prefetch = 0 : i64, scratch_operands = 0 : i64, tpu.core_type = #tpu.core_type<tc>, window_params = [{transform_indices = @transform_0, window_bounds = array<i64: 2, 5000, 32>}, {transform_indices = @transform_1, window_bounds = array<i64: 5000, 32>}, {transform_indices = @transform_2, window_bounds = array<i64: 5000, 32>}, {pipeline_mode = #tpu.pipeline_mode<synchronous>, transform_indices = @transform_3, window_bounds = array<i64: 32>}, {transform_indices = @transform_4, window_bounds = array<i64: 5000, 32>}]} {
    %get3A = arith.constant 0 : index
    %get3A_0 = arith.constant 0 : index
    %get3A_1 = arith.constant 0 : index
    %get3A_2 = vector.load %arg1[%get3A, %get3A_0, %get3A_1] : memref<2x5000x32xf32, #tpu.memory_space<vmem>>, vector<1x5000x32xf32>
    %get3A_3 = vector.shape_cast %get3A_2 : vector<1x5000x32xf32> to vector<5000x32xf32>
    %get3A_4 = arith.constant 1 : index
    %get3A_5 = arith.constant 0 : index
    %get3A_6 = arith.constant 0 : index
    %get3A_7 = vector.load %arg1[%get3A_4, %get3A_5, %get3A_6] : memref<2x5000x32xf32, #tpu.memory_space<vmem>>, vector<1x5000x32xf32>
    %get3A_8 = vector.shape_cast %get3A_7 : vector<1x5000x32xf32> to vector<5000x32xf32>
    %add3A = arith.addf %get3A_3, %get3A_8 : vector<5000x32xf32>
    %get3A_9 = arith.constant 0 : index
    %get3A_10 = arith.constant 0 : index
    %get3A_11 = vector.load %arg2[%get3A_9, %get3A_10] : memref<5000x32xf32, #tpu.memory_space<vmem>>, vector<5000x32xf32>
    %add3A_12 = arith.addf %add3A, %get3A_11 : vector<5000x32xf32>
    %get3A_13 = arith.constant 0 : index
    %get3A_14 = arith.constant 0 : index
    %get3A_15 = vector.load %arg3[%get3A_13, %get3A_14] : memref<5000x32xf32, #tpu.memory_space<vmem>>, vector<5000x32xf32>
    %mul3A = arith.mulf %get3A_15, %add3A_12 : vector<5000x32xf32>
    %get3A_16 = arith.constant 0 : index
    %get3A_17 = vector.load %arg4[%get3A_16] : memref<32xf32, #tpu.memory_space<vmem>>, vector<32xf32>
    %broadcast_in_dim3A = vector.shape_cast %get3A_17 : vector<32xf32> to vector<1x32xf32>
    %add3A_18 = vector.broadcast %broadcast_in_dim3A : vector<1x32xf32> to vector<5000x32xf32>
    %add3A_19 = arith.addf %mul3A, %add3A_18 : vector<5000x32xf32>
    %max3A = arith.constant 0.000000e+00 : f32
    %max3A_20 = vector.broadcast %max3A : f32 to vector<5000x32xf32>
    %max3A_21 = arith.maximumf %add3A_19, %max3A_20 : vector<5000x32xf32>
    %swap3A = arith.constant 0 : index
    %swap3A_22 = arith.constant 0 : index
    %swap3A_23 = vector.load %arg5[%swap3A, %swap3A_22] : memref<5000x32xf32, #tpu.memory_space<vmem>>, vector<5000x32xf32>
    tpu.vector_store %arg5[%swap3A, %swap3A_22], %max3A_21 {strides = array<i32>} : memref<5000x32xf32, #tpu.memory_space<vmem>>, vector<5000x32xf32>,
    return
  }
  func.func @transform_0(%arg0: i32) -> (i32, i32, i32) {
    %c0_i32 = arith.constant 0 : i32
    %c0_i32_0 = arith.constant 0 : i32
    %c0_i32_1 = arith.constant 0 : i32
    return %c0_i32, %arg0, %c0_i32_0 : i32, i32, i32
  }
  func.func @transform_1(%arg0: i32) -> (i32, i32) {
    %c0_i32 = arith.constant 0 : i32
    %c0_i32_0 = arith.constant 0 : i32
    return %arg0, %c0_i32 : i32, i32
  }
  func.func @transform_2(%arg0: i32) -> (i32, i32) {
    %c0_i32 = arith.constant 0 : i32
    %c0_i32_0 = arith.constant 0 : i32
    return %arg0, %c0_i32 : i32, i32
  }
  func.func @transform_3(%arg0: i32) -> i32 {
    %c0_i32 = arith.constant 0 : i32
    %c0_i32_0 = arith.constant 0 : i32
    return %c0_i32 : i32
  }
  func.func @transform_4(%arg0: i32) -> (i32, i32) {
    %c0_i32 = arith.constant 0 : i32
    %c0_i32_0 = arith.constant 0 : i32
    return %arg0, %c0_i32 : i32, i32
  }
}

module attributes {stable_mosaic.version = 14 : i64} {
  func.func @_tc_head_body(%arg0: memref<2x256x32xf32, #tpu.memory_space<vmem>>, %arg1: memref<2x512xf32, #tpu.memory_space<vmem>>, %arg2: memref<32x16xf32, #tpu.memory_space<vmem>>, %arg3: memref<16xf32, #tpu.memory_space<vmem>>, %arg4: memref<16x1xf32, #tpu.memory_space<vmem>>, %arg5: memref<1xf32, #tpu.memory_space<vmem>>, %arg6: memref<256x1xf32, #tpu.memory_space<vmem>>) attributes {dimension_semantics = [], scalar_prefetch = 0 : i64, scratch_operands = 0 : i64, tpu.core_type = #tpu.core_type<tc>} {
    %get3A = arith.constant 0 : index
    %get3A_0 = arith.constant 0 : index
    %get3A_1 = vector.load %arg1[%get3A, %get3A_0] : memref<2x512xf32, #tpu.memory_space<vmem>>, vector<1x512xf32>
    %get3A_2 = vector.shape_cast %get3A_1 : vector<1x512xf32> to vector<512xf32>
    %get3A_3 = arith.constant 1 : index
    %get3A_4 = arith.constant 0 : index
    %get3A_5 = vector.load %arg1[%get3A_3, %get3A_4] : memref<2x512xf32, #tpu.memory_space<vmem>>, vector<1x512xf32>
    %get3A_6 = vector.shape_cast %get3A_5 : vector<1x512xf32> to vector<512xf32>
    %add3A = arith.addf %get3A_2, %get3A_6 : vector<512xf32>
    %slice3A = vector.extract_strided_slice %add3A {offsets = [0], sizes = [256], strides = [1]} : vector<512xf32> to vector<256xf32>
    %max3A = arith.constant 1.000000e+00 : f32
    %max3A_7 = vector.broadcast %max3A : f32 to vector<256xf32>
    %max3A_8 = arith.maximumf %slice3A, %max3A_7 : vector<256xf32>
    %broadcast_in_dim3A = vector.shape_cast %max3A_8 : vector<256xf32> to vector<256x1xf32>
    %get3A_9 = arith.constant 0 : index
    %get3A_10 = arith.constant 0 : index
    %get3A_11 = arith.constant 0 : index
    %get3A_12 = vector.load %arg0[%get3A_9, %get3A_10, %get3A_11] : memref<2x256x32xf32, #tpu.memory_space<vmem>>, vector<1x256x32xf32>
    %get3A_13 = vector.shape_cast %get3A_12 : vector<1x256x32xf32> to vector<256x32xf32>
    %get3A_14 = arith.constant 1 : index
    %get3A_15 = arith.constant 0 : index
    %get3A_16 = arith.constant 0 : index
    %get3A_17 = vector.load %arg0[%get3A_14, %get3A_15, %get3A_16] : memref<2x256x32xf32, #tpu.memory_space<vmem>>, vector<1x256x32xf32>
    %get3A_18 = vector.shape_cast %get3A_17 : vector<1x256x32xf32> to vector<256x32xf32>
    %add3A_19 = arith.addf %get3A_13, %get3A_18 : vector<256x32xf32>
    %div3A = vector.broadcast %broadcast_in_dim3A : vector<256x1xf32> to vector<256x32xf32>
    %div3A_20 = arith.divf %add3A_19, %div3A : vector<256x32xf32>
    %get3A_21 = arith.constant 0 : index
    %get3A_22 = arith.constant 0 : index
    %get3A_23 = vector.load %arg2[%get3A_21, %get3A_22] : memref<32x16xf32, #tpu.memory_space<vmem>>, vector<32x16xf32>
    %dot_general3A = arith.constant dense<0.000000e+00> : vector<256x16xf32>
    %dot_general3A_24 = tpu.matmul %div3A_20, %get3A_23, %dot_general3A {dimension_numbers = #tpu.dot_dimension_numbers<[1], [0], [0], [1], [0, 0, 1, 1], [], []>, transpose_lhs_hint = false} : vector<256x32xf32>, vector<32x16xf32>, vector<256x16xf32> -> vector<256x16xf32>
    %get3A_25 = arith.constant 0 : index
    %get3A_26 = vector.load %arg3[%get3A_25] : memref<16xf32, #tpu.memory_space<vmem>>, vector<16xf32>
    %broadcast_in_dim3A_27 = vector.shape_cast %get3A_26 : vector<16xf32> to vector<1x16xf32>
    %add3A_28 = vector.broadcast %broadcast_in_dim3A_27 : vector<1x16xf32> to vector<256x16xf32>
    %add3A_29 = arith.addf %dot_general3A_24, %add3A_28 : vector<256x16xf32>
    %max3A_30 = arith.constant 0.000000e+00 : f32
    %max3A_31 = vector.broadcast %max3A_30 : f32 to vector<256x16xf32>
    %max3A_32 = arith.maximumf %add3A_29, %max3A_31 : vector<256x16xf32>
    %get3A_33 = arith.constant 0 : index
    %get3A_34 = arith.constant 0 : index
    %get3A_35 = vector.load %arg4[%get3A_33, %get3A_34] : memref<16x1xf32, #tpu.memory_space<vmem>>, vector<16x1xf32>
    %squeeze3A = vector.shape_cast %get3A_35 : vector<16x1xf32> to vector<16xf32>
    %broadcast_in_dim3A_36 = vector.shape_cast %squeeze3A : vector<16xf32> to vector<1x16xf32>
    %mul3A = vector.broadcast %broadcast_in_dim3A_36 : vector<1x16xf32> to vector<256x16xf32>
    %mul3A_37 = arith.mulf %max3A_32, %mul3A : vector<256x16xf32>
    %reduce_sum3A = arith.constant dense<0.000000e+00> : vector<256xf32>
    %reduce_sum3A_38 = vector.multi_reduction <add>, %mul3A_37, %reduce_sum3A [1] : vector<256x16xf32> to vector<256xf32>
    %broadcast_in_dim3A_39 = vector.shape_cast %reduce_sum3A_38 : vector<256xf32> to vector<256x1xf32>
    %get3A_40 = arith.constant 0 : index
    %get3A_41 = vector.load %arg5[%get3A_40] : memref<1xf32, #tpu.memory_space<vmem>>, vector<1xf32>
    %broadcast_in_dim3A_42 = vector.shape_cast %get3A_41 : vector<1xf32> to vector<1x1xf32>
    %add3A_43 = vector.broadcast %broadcast_in_dim3A_42 : vector<1x1xf32> to vector<256x1xf32>
    %add3A_44 = arith.addf %broadcast_in_dim3A_39, %add3A_43 : vector<256x1xf32>
    %logistic3A = arith.negf %add3A_44 : vector<256x1xf32>
    %logistic3A_45 = math.exp %logistic3A : vector<256x1xf32>
    %logistic3A_46 = arith.constant 1.000000e+00 : f32
    %logistic3A_47 = vector.broadcast %logistic3A_46 : f32 to vector<256x1xf32>
    %logistic3A_48 = arith.addf %logistic3A_47, %logistic3A_45 : vector<256x1xf32>
    %logistic3A_49 = arith.divf %logistic3A_47, %logistic3A_48 : vector<256x1xf32>
    %swap3A = arith.constant 0 : index
    %swap3A_50 = arith.constant 0 : index
    %swap3A_51 = vector.load %arg6[%swap3A, %swap3A_50] : memref<256x1xf32, #tpu.memory_space<vmem>>, vector<256x1xf32>
    tpu.vector_store %arg6[%swap3A, %swap3A_50], %logistic3A_49 {strides = array<i32>} : memref<256x1xf32, #tpu.memory_space<vmem>>, vector<256x1xf32>,
    return
  }
}

</mosaic_0001>

<sc_bundles>
// kernel: kernel.11.cloned.1.call-start
scs
__scs_entry_jumppad:
0x0: {  	(pc) =	sbr.rel $0x88, $3  }
0x1: {  	(tag) =	ssettag $0x0;
	lr =	simm.s32 $0x1  }
0x2: {  	[smem:$0x3F95] =	sst lr;
	_ =	strace $0xD0000000  }
0x3: {  	_ = 	snop  }
0x4: {  	_ = 	snop  }
0x5: {  	_ = 	snop  }
0x6: {  	_ = 	snop  }
0x7: {  	_ = 	snop  }
__scs_overlays_trampoline_lowered:
0x8: {  	[smem:$0x3FA4] =	sst s0  }
0x9: {  	[smem:$0x3FA5] =	sst s1  }
0xa: {  	[smem:$0x3FA6] =	sst s2  }
0xb: {  	[smem:$0x3FA7] =	sst s3  }
0xc: {  	[smem:$0x3FA8] =	sst s4  }
0xd: {  	[smem:$0x3FA9] =	sst s5  }
0xe: {  	[smem:$0x3FAA] =	sst s6  }
0xf: {  	[smem:$0x3FAB] =	sst s7  }
0x10: {  	[smem:$0x3FAC] =	sst s8  }
0x11: {  	[smem:$0x3FAD] =	sst s9;
	s0 =	simm.s32 @!p0 $0x0  }
0x12: {  	s1 =	sld [smem:$0x3F93];
	s0 =	simm.s32 @p0 $0x1  }
0x13: {  	[smem:$0x3FAE] =	sst s0;
	s0 =	simm.s32 @!p1 $0x0  }
0x14: {  	s2 =	sld [smem:$0x3F92];
	s0 =	simm.s32 @p1 $0x1  }
0x15: {  	[smem:$0x3FAF] =	sst s0;
	s0 =	simm.s32 @!p2 $0x0  }
0x16: {  	s3 =	sld [smem:$0x3FDB];
	s0 =	simm.s32 @p2 $0x1  }
0x17: {  	s4 =	simm.s32 $0x1BF5;
	[smem:$0x3FB1] =	sst s0  }
0x18: {  	s0 =	sld [smem:$0x3F94];
	_ =	swait.ge [sflag:s4], $0x0  }
0x19: {  	s7 =	sld [smem:$0x3F95]  }
0x1a: {  	s8 =	sadd.s32 $0xFFFFE003, lr  }
0x1b: {  	s9 =	sadd.s32 $0xFFFFFEF7, lr;
	s5 =	simm.s32 $0xFFFFFFFF;
	p2 =	slt.u32 s8, $0xFFFFF086  }
0x1c: {  	p1 =	slt.u32 s9, $0xF7A;
	s5 =	simm.s32 @!p2 $0x0  }
0x1d: {  	s5 =	simm.s32 @p1 $0x1;
	p0 =	seq.s32 s7, s2  }
0x1e: {  	s7 =	smul.u32 @!p0 $0xF7A, s2;
	p2 =	seq.s32 @!p0 s5, $0x0  }
0x1f: {  	s9 =	smul.u32 $0xF7A, s1;
	s8 =	simm.s32 @!p0 $0x1BF5;
	p2 =	por !p2, p0  }
0x20: {  	[sflag:s8] =	ssyncset.s32 @!p0 $0xFFFFF086;
	s6 =	sadd.s32 @!p0 s3, s7;
	s7 =	simm.s32 @!p0 $0x108  }
0x21: {  	s3 =	sadd.s32 s3, s9;
	s6 =	sadd.s32 @!p0 $0x88, s6;
	s7 =	simm.s32 @p2 $0x1082  }
0x22: {  	[simem:s7], [sflag:s8] =	dma.local @!p0 [hbm:s6], $0xF7A  }
0x23: {  	s9 =	sor.u32 $0xD0000000, s2;
	s6 =	simm.s32 $0x108;
	_ =	swait.ge @!p0 [sflag:s8], $0x0  }
0x24: {  	s3 =	sadd.s32 $0x88, s3;
	s6 =	simm.s32 @!p1 $0x1082;
	[sflag:s4] =	ssyncset.s32 $0xFFFFF086  }
0x25: {  	[simem:s6], [sflag:s4] =	dma.local [hbm:s3], $0xF7A  }
0x26: {  	[smem:$0x3F95] =	sst s1;
	(tag) =	ssettag s2;
	_ =	strace s9  }
0x27: {  	s1 =	sld [smem:$0x3FA5]  }
0x28: {  	s2 =	sld [smem:$0x3FA6]  }
0x29: {  	s4 =	sld [smem:$0x3FA8]  }
0x2a: {  	p0 =	seq.s32 s5, $0x0;
	s5 =	sld [smem:$0x3FA9]  }
0x2b: {  	s6 =	sld [smem:$0x3FAA]  }
0x2c: {  	s7 =	sld [smem:$0x3FAB]  }
0x2d: {  	s3 =	simm.s32 $0x108;
	s8 =	sld [smem:$0x3FAC]  }
0x2e: {  	s3 =	simm.s32 @!p0 $0x1082;
	s9 =	sld [smem:$0x3FAD]  }
0x2f: {  	lr =	sadd.s32 s0, s3;
	s0 =	sld [smem:$0x3FA4]  }
0x30: {  	s3 =	sld [smem:$0x3FA7]  }
0x31: {  	[smem:$0x3FB0] =	sst s10  }
0x32: {  	s10 =	sld [smem:$0x3FAE];
	_ =	sdelay $0x3  }
0x33: {  	p0 =	seq.s32 s10, $0x1;
	s10 =	sld [smem:$0x3FB0];
	_ =	sdelay $0x3  }
0x34: {  	[smem:$0x3FB0] =	sst s10  }
0x35: {  	s10 =	sld [smem:$0x3FAF];
	_ =	sdelay $0x3  }
0x36: {  	p1 =	seq.s32 s10, $0x1;
	s10 =	sld [smem:$0x3FB0];
	_ =	sdelay $0x3  }
0x37: {  	[smem:$0x3FB0] =	sst s10  }
0x38: {  	s10 =	sld [smem:$0x3FB1]  }
0x39: {  	_ = 	snop;
	(pc) =	sbr.ind lr, $3  }
0x3a: {  	_ = 	snop  }
0x3b: {  	_ = 	snop  }
0x3c: {  	p2 =	seq.s32 s10, $0x1;
	s10 =	sld [smem:$0x3FB0]  }
0x3d: {  	_ =	shalt  }
0x3e: {  	_ =	shalt  }
0x3f: {  	_ =	shalt  }
0x40: {  	_ =	shalt  }
0x41: {  	_ =	shalt  }
0x42: {  	_ =	shalt  }
0x43: {  	_ =	shalt  }
0x44: {  	_ =	shalt  }
0x45: {  	_ =	shalt  }
0x46: {  	_ =	shalt  }
0x47: {  	_ =	shalt  }
0x48: {  	_ =	shalt  }
0x49: {  	_ =	shalt  }
0x4a: {  	_ =	shalt  }
0x4b: {  	_ =	shalt  }
0x4c: {  	_ =	shalt  }
0x4d: {  	_ =	shalt  }
0x4e: {  	_ =	shalt  }
0x4f: {  	_ =	shalt  }
0x50: {  	_ =	shalt  }
0x51: {  	_ =	shalt  }
0x52: {  	_ =	shalt  }
0x53: {  	_ =	shalt  }
0x54: {  	_ =	shalt  }
0x55: {  	_ =	shalt  }
0x56: {  	_ =	shalt  }
0x57: {  	_ =	shalt  }
0x58: {  	_ =	shalt  }
0x59: {  	_ =	shalt  }
0x5a: {  	_ =	shalt  }
0x5b: {  	_ =	shalt  }
0x5c: {  	_ =	shalt  }
0x5d: {  	_ =	shalt  }
0x5e: {  	_ =	shalt  }
0x5f: {  	_ =	shalt  }
0x60: {  	_ =	shalt  }
0x61: {  	_ =	shalt  }
0x62: {  	_ =	shalt  }
0x63: {  	_ =	shalt  }
0x64: {  	_ =	shalt  }
0x65: {  	_ =	shalt  }
0x66: {  	_ =	shalt  }
0x67: {  	_ =	shalt  }
0x68: {  	_ =	shalt  }
0x69: {  	_ =	shalt  }
0x6a: {  	_ =	shalt  }
0x6b: {  	_ =	shalt  }
0x6c: {  	_ =	shalt  }
0x6d: {  	_ =	shalt  }
0x6e: {  	_ =	shalt  }
0x6f: {  	_ =	shalt  }
0x70: {  	_ =	shalt  }
0x71: {  	_ =	shalt  }
0x72: {  	_ =	shalt  }
0x73: {  	_ =	shalt  }
0x74: {  	_ =	shalt  }
0x75: {  	_ =	shalt  }
0x76: {  	_ =	shalt  }
0x77: {  	_ =	shalt  }
0x78: {  	_ =	shalt  }
0x79: {  	_ =	shalt  }
0x7a: {  	_ =	shalt  }
0x7b: {  	_ =	shalt  }
0x7c: {  	_ =	shalt  }
0x7d: {  	_ =	shalt  }
0x7e: {  	_ =	shalt  }
0x7f: {  	_ =	shalt  }
0x80: {  	_ =	shalt  }
0x81: {  	_ =	shalt  }
0x82: {  	_ =	shalt  }
0x83: {  	_ =	shalt  }
0x84: {  	_ =	shalt  }
0x85: {  	_ =	shalt  }
0x86: {  	_ =	shalt  }
0x87: {  	_ =	shalt  }
.Lfunc_end0:
.L_simem_size_0:
called_computation_lowered:
.L_overlay_start_0:
0x88: {  	s2 =	sld [smem:$0x3FD9]  }
0x89: {  	s3 =	sld [smem:$0x3FFE];
	_ =	sdelay $0x1  }
0x8a: {  	s1 =	srdreg.scid  }
0x8b: {  	s0 =	sand.u32 $0x1, s1  }
0x8c: {  	s16 =	sshll.u32 s0, $0xA;
	s2 =	sadd.s32 s3, s2  }
0x8d: {  	s2 =	sadd.s32 s2, s16  }
0x8e: {  	[smem:$0x3FBC] =	sst s2  }
0x8f: {  	_ = 	snop  }
0x90: {  	(tm) =	ssettm $0x1  }
0x91: {  	s17 =	sld [smem:$0x3FFB];
	_ =	sdelay $0x3  }
0x92: {  	_ =	strace s17  }
0x93: {  	s2 =	sld [smem:$0x3FFC];
	_ =	sdelay $0x3  }
0x94: {  	_ =	strace s2  }
0x95: {  	s2 =	sld [smem:$0x3FFD];
	_ =	sdelay $0x3  }
0x96: {  	_ =	strace s2  }
0x97: {  	_ =	strace $0x8FFFFFFF  }
0x98: {  	s18 =	sld [smem:$0x3FDB];
	_ =	sdelay $0x1  }
0x99: {  	s19 =	simm.s32 $_scs_section_size  }
0x9a: {  	s4 =	simm.s32 $_size__tile_overlayer_lowered;
	s5 =	simm.s32 $_tile_overlayer_lowered  }
0x9b: {  	s22 =	simm.s32 $0x1BFF;
	s21 =	sshll.u32 s5, $0x1;
	s2 =	sadd.s32 s19, s18  }
0x9c: {  	s6 =	simm.s32 $0x0;
	s20 =	sshll.u32 s4, $0x1;
	s4 =	sadd.s32 s21, s2  }
0x9d: {  	[timem:s6], [sflag:s22] =	dma.local [hbm:s4], s20  }
0x9e: {  	_ =	swait.ge [sflag:s22], s20  }
0x9f: {  	s3 =	ssub.s32 $0x0, s20;
	[sflag:s22] =	ssyncset.done $0x0  }
0xa0: {  	[sflag:s22] =	ssyncadd.s32 s3;
	_ =	sdelay $0x1  }
0xa1: {  	s23 =	simm.s32 $0x1B8B  }
0xa2: {  	_ =	swait.ge [sflag:s23], $0x1  }
0xa3: {  	[sflag:s23] =	ssyncset.done $0x0  }
0xa4: {  	s25 =	simm.s32 $0x1B8E;
	s24 =	sld [smem:$0x3FFE];
	[sflag:s23] =	ssyncadd.s32 $0xFFFFFFFF  }
0xa5: {  	s26 =	simm.s32 $execute0_lowered;
	[smem:$0x3FD2] =	sst s25  }
0xa6: {  	s4 =	sshll.u32 s26, $0x1;
	_ =	strace $0x80000046;
	[dreg:$0x1] =	wrdreg $0xFFFFFFFF  }
0xa7: {  	s28 =	simm.s32 $_size_execute0_lowered;
	s2 =	sadd.s32 s2, s4;
	[dreg:$0x0] =	wrdreg $0x0  }
0xa8: {  	s4 =	sshll.u32 s28, $0x1;
	[dreg:$0x2] =	wrdreg s2  }
0xa9: {  	[dreg:$0x3] =	wrdreg s4  }
0xaa: {  	[dreg:$0x4] =	wrdreg $0xC0  }
0xab: {  	_ =	task [dreg:s6], $0x5FFFF  }
0xac: {  	[dreg:$0x1] =	wrdreg $0xFFFFFFFF  }
0xad: {  	[dreg:$0x0] =	wrdreg $0x60  }
0xae: {  	[dreg:$0x2] =	wrdreg s24  }
0xaf: {  	[dreg:$0x3] =	wrdreg $0x4000  }
0xb0: {  	[dreg:$0x4] =	wrdreg $0x10800  }
0xb1: {  	[dreg:$0x5] =	wrdreg $0x0  }
0xb2: {  	[dreg:$0x6] =	wrdreg $0x9  }
0xb3: {  	_ =	task.clear_ibuf [dreg:s6], $0x7FFFF;
	_ =	strace $0x90000046  }
0xb4: {  	s29 =	simm.s32 $0x9;
	_ =	strace $0x80000048  }
0xb5: {  	_ =	swait.ge [sflag:s29], $0x1  }
0xb6: {  	[sflag:s29] =	ssyncadd.s32 $0xFFFFFFFF  }
0xb7: {  	_ =	strace $0x90000048  }
0xb8: {  	_ =	sfence  }
0xb9: {  	s30 =	sld [smem:$0x0];
	_ =	sdelay $0x2  }
0xba: {  	s31 =	sshll.u32 s1, $0xD;
	s1 =	sshrl.u32 s1, $0x2  }
0xbb: {  	s3 =	sand.u32 $0x4000, s31;
	s1 =	sadd.s32 s1, s30  }
0xbc: {  	s0 =	sor.u32 s3, s0;
	s1 =	sshll.u32 s1, $0x11  }
0xbd: {  	s0 =	sor.u32 s1, s0  }
0xbe: {  	s0 =	sadd.s32 $0x8F2B, s0  }
0xbf: {  	[sflag:s0] =	ssyncadd.remote.s32 $0x1  }
0xc0: {  	_ =	sfence.sel $0xFFFF  }
0xc1: {  	[dreg:$0x0] =	wrdreg $0xFFFFFFFF;
	(pc) =	sbr.abs _section_cstart, $3  }
0xc2: {  	[dreg:$0x1] =	wrdreg $0xFFFFFFFF  }
0xc3: {  	_ =	task.clear_ibuf [dreg:s6], $0x2FFFF;
	_ =	strace $0x9FFFFFFF  }
0xc4: {  	(tm) =	ssettm $0x7FFFFFFF  }
0xc5: {  	_ =	shalt  }
tec
execute0_lowered:
.L_overlay_start_1:
0x0: {  	(tag) =	ssettag $0x1  }
0x1: {  	s2 =	rddreg [dreg:$0x0]  }
0x2: {  	s0 =	srdreg.scid;
	s1 =	rddreg [dreg:$0x1]  }
0x3: {  	s16 =	stileid.u32;
	s4 =	rddreg [dreg:$0x3]  }
0x4: {  	s5 =	simm.s32 $0x0;
	s30 =	simm.s32 $0x5;
	s29 =	simm.s32 $0x7BA0  }
0x5: {  	s31 =	simm.s32 $0x7D;
	s0 =	sand.u32 $0x1, s0;
	s9 =	smul.u32 $0xC80, s16  }
0x6: {  	[smem:$0x7FF] =	sst s5;
	s24 =	sadd.s32 $0x1B600, s2;
	s26 =	sadd.s32 $0x1F600, s2  }
0x7: {  	p0 =	sne.s32 s16, $0x0;
	s3 =	sshll.u32 s0, $0x4;
	s10 =	smul.u32 $0xC800, s0  }
0x8: {  	s12 =	ssub.s32 $0x2, s0;
	s0 =	sshll.u32 s0, $0x6;
	s6 =	sor.u32 s16, s3  }
0x9: {  	s3 =	rddreg [dreg:$0x2];
	_ =	strace $0x80000047;
	s7 =	smul.u32 $0xE0, s6  }
0xa: {  	[dreg:$0x5] =	wrdreg s24;
	s13 =	sshrl.u32 s12, $0x1;
	s8 =	smul.u32 $0xC80, s6  }
0xb: {  	s0 =	sadd.s32 s0, s2;
	s25 =	sadd.s32 s9, s10;
	s14 =	smul.u32 $0xE000, s6  }
0xc: {  	s13 =	ssub.s32 s12, s13;
	s6 =	smul.u32 $0x1C00, s6;
	s0 =	sadd.s32 $0x5A800, s0  }
0xd: {  	s10 =	simm.s32 $0x4;
	s12 =	simm.s32 $0x82A0;
	[dreg:$0xc] =	wrdreg s0  }
0xe: {  	s22 =	smax.u32 s13, $0x1;
	s0 =	simm.s32 $0xAF20;
	s13 =	simm.s32 $0x92A0  }
0xf: {  	s11 =	sadd.s32 s7, s2;
	s8 =	sadd.s32 s8, s2;
	s7 =	sshrl.u32 s25, $0x3  }
0x10: {  	s17 =	sshrl.u32 s14, $0x3;
	[dreg:$0xd] =	wrdreg s22;
	s14 =	simm.s32 $0x0  }
0x11: {  	s15 =	sadd.s32 s7, s2;
	s7 =	sadd.s32 s9, s1;
	s8 =	sadd.s32 $0x2600, s8  }
0x12: {  	s18 =	sadd.s32 $0x1BE00, s11;
	s19 =	sadd.s32 $0x1DA00, s11;
	[dreg:$0x6] =	wrdreg s8  }
0x13: {  	s2 =	simm.s32 $0x74A0;
	s9 =	simm.s32 $0x3;
	[dreg:$0x7] =	wrdreg s18  }
0x14: {  	s8 =	sadd.s32 s26, s17;
	[dreg:$0x8] =	wrdreg s19;
	s21 =	sadd.s32 $0x57600, s15  }
0x15: {  	s11 =	simm.s32 $0x80;
	s20 =	sadd.s32 $0x1800, s8;
	[dreg:$0xb] =	wrdreg s21  }
0x16: {  	s15 =	sadd.s32 s26, s6;
	s8 =	sadd.s32 $0x1A00, s8;
	[dreg:$0x9] =	wrdreg s20  }
0x17: {  	s6 =	simm.s32 $0x1;
	s23 =	sadd.s32 $0x200, s15;
	[dreg:$0xa] =	wrdreg s8  }
0x18: {  	s24 =	sadd.s32 $0x400, s15;
	s25 =	sadd.s32 $0x600, s15;
	[dreg:$0xe] =	wrdreg s23  }
0x19: {  	s26 =	sadd.s32 $0x800, s15;
	s21 =	sadd.s32 $0xA00, s15;
	[dreg:$0xf] =	wrdreg s24  }
0x1a: {  	s22 =	sadd.s32 $0xC00, s15;
	s28 =	sadd.s32 $0x1600, s15;
	[dreg:$0x10] =	wrdreg s25  }
0x1b: {  	[dreg:$0x11] =	wrdreg s26;
	s23 =	sadd.s32 $0xE00, s15;
	s24 =	sadd.s32 $0x1000, s15  }
0x1c: {  	v0 =	vimm.f32 $0.0e+00;
	v1 =	vimm.f32 $1.000000000e+00;
	s25 =	sadd.s32 $0x1200, s15;
	s26 =	sadd.s32 $0x1400, s15;
	s8 =	simm.s32 $0x2  }
.LBB2_1:
0x1d: {  	s16 =	simm.s32 $0x40;
	s17 =	simm.s32 $0x0  }
.LBB2_2:
0x1e: {  	p1 =	sne.s32 s16, $0x31C0;
	[tilespmem:s17+$0xA2A0] =	vst v0;
	s17 =	smov.u32 s16;
	s16 =	sadd.s32 $0x40, s16  }
.Ltmp0:
0x1f: {  	(pc) =	sbr.rel @p1 .LBB2_2-.Ltmp0, $2  }
0x20: {  	_ =	sdelay $0x2  }
0x21: {  	s17 =	sshra.s32 s17, $0x2  }
0x22: {  	[tilespmem:s17+$0xA2A0] =	vst v0  }
0x23: {  	[tilespmem:$0xAF20] =	vst v1  }
0x24: {  	[tilespmem:$0xAF30] =	vst v1  }
0x25: {  	[tilespmem:$0xAF40] =	vst v1  }
0x26: {  	[tilespmem:$0xAF50] =	vst v1  }
0x27: {  	[tilespmem:$0xAF60] =	vst v1  }
0x28: {  	[tilespmem:$0xAF70] =	vst v1  }
0x29: {  	[tilespmem:$0xAF80] =	vst v1  }
0x2a: {  	s16 =	simm.s32 $0xA2A0;
	[tilespmem:$0xAF90] =	vst v1  }
0x2b: {  	[spmem:s7] =	stream.linear.scatter [tilespmem:s16], [sflag:$0x5], $0xC80, $0x38;
	[tilespmem:$0xAFA0] =	vst v63  }
0x2c: {  	_ =	swait.ge [sflag:s30], $0xC80  }
0x2d: {  	[sflag:s30] =	ssyncset.done $0x0  }
0x2e: {  	s16 =	simm.s32 @!p0 $0xA2A0;
	[sflag:s30] =	ssyncadd.s32 $0xFFFFF380  }
0x2f: {  	[spmem:s3] =	stream.linear.scatter @!p0 [tilespmem:s16], [sflag:$0x5], $0x200, $0x38;
	[tilespmem:$0xAFA0] =	vst v63  }
0x30: {  	s16 =	simm.s32 @!p0 $0x5  }
0x31: {  	_ =	swait.ge @!p0 [sflag:s16], $0x200  }
0x32: {  	s17 =	sshrl.u32 @!p0 s4, $0x3;
	[sflag:s16] =	ssyncset.done @!p0 $0x0  }
0x33: {  	s18 =	simm.s32 @!p0 $0x1C05;
	s19 =	rddreg [dreg:$0x5];
	[sflag:s16] =	ssyncadd.s32 @!p0 $0xFFFFFE00  }
0x34: {  	[spmem:s17], [sflag:s18] =	dma.local @!p0 [hbm:s19], $0x800  }
0x35: {  	_ =	swait.ge @!p0 [sflag:s16], $0x800  }
0x36: {  	s20 =	simm.s32 $0x10A0;
	[sflag:s16] =	ssyncset.done @!p0 $0x0  }
0x37: {  	s19 =	rddreg [dreg:$0x6];
	[sflag:s16] =	ssyncadd.s32 @!p0 $0xFFFFF800;
	s16 =	simm.s32 $0x0  }
0x38: {  	[tilespmem:s20], [sflag:$0x5] =	stream.linear.gather [hbm4b:s19+s16], $0x6400, $0x38;
	[tilespmem:$0xAFA0] =	vst v63  }
0x39: {  	_ =	swait.ge [sflag:s30], $0x6400  }
0x3a: {  	[sflag:s30] =	ssyncset.done $0x0  }
0x3b: {  	s19 =	rddreg [dreg:$0x7];
	[sflag:s30] =	ssyncadd.s32 $0xFFFF9C00  }
0x3c: {  	[tilespmem:s2], [sflag:$0x5] =	stream.linear.gather [hbm4b:s19+s16], $0x700, $0x38;
	[tilespmem:$0xAFA0] =	vst v63  }
0x3d: {  	_ =	swait.ge [sflag:s30], $0x700  }
0x3e: {  	[sflag:s30] =	ssyncset.done $0x0  }
0x3f: {  	s20 =	rddreg [dreg:$0x8];
	[sflag:s30] =	ssyncadd.s32 $0xFFFFF900  }
0x40: {  	[tilespmem:s29], [sflag:$0x5] =	stream.linear.gather [hbm4b:s20+s16], $0x700, $0x38;
	[tilespmem:$0xAFA0] =	vst v63  }
0x41: {  	_ =	swait.ge [sflag:s30], $0x700  }
0x42: {  	[sflag:s30] =	ssyncset.done $0x0  }
0x43: {  	[sflag:s30] =	ssyncadd.s32 $0xFFFFF900  }
0x44: {  	s17 =	simm.s32 $0x10A0;
	[bflag:$0x0] =	sbarrier.arrive $0xFFFF  }
0x45: {  	[spmem:s1] =	stream.indirect.scatter.add.f32 [tilespmem:s0], [sflag:$0x1], $0x1, s17, s31, $0xb8;
	[tilespmem:$0xAFA0] =	vst v63  }
0x46: {  	s18 =	simm.s32 $0x1120  }
0x47: {  	[spmem:s1] =	stream.indirect.scatter.add.f32 [tilespmem:s0], [sflag:$0x2], $0x1, s18, s31, $0xb8;
	[tilespmem:$0xAFA0] =	vst v63  }
0x48: {  	s19 =	simm.s32 $0x11A0  }
0x49: {  	[spmem:s1] =	stream.indirect.scatter.add.f32 [tilespmem:s0], [sflag:$0x3], $0x1, s19, s31, $0xb8;
	[tilespmem:$0xAFA0] =	vst v63  }
0x4a: {  	s20 =	simm.s32 $0x1220  }
0x4b: {  	[spmem:s1] =	stream.indirect.scatter.add.f32 [tilespmem:s0], [sflag:$0x4], $0x1, s20, s31, $0xb8;
	[tilespmem:$0xAFA0] =	vst v63  }
0x4c: {  	_ =	swait.ge [sflag:s6], $0x7D  }
0x4d: {  	[sflag:s6] =	ssyncset.done $0x0  }
0x4e: {  	s17 =	simm.s32 $0x12A0;
	[sflag:s6] =	ssyncadd.s32 $0xFFFFFF83  }
0x4f: {  	[spmem:s1] =	stream.indirect.scatter.add.f32 [tilespmem:s0], [sflag:$0x1], $0x1, s17, s31, $0xb8;
	[tilespmem:$0xAFA0] =	vst v63  }
0x50: {  	_ =	swait.ge [sflag:s8], $0x7D  }
0x51: {  	[sflag:s8] =	ssyncset.done $0x0  }
0x52: {  	s18 =	simm.s32 $0x1320;
	[sflag:s8] =	ssyncadd.s32 $0xFFFFFF83  }
0x53: {  	[spmem:s1] =	stream.indirect.scatter.add.f32 [tilespmem:s0], [sflag:$0x2], $0x1, s18, s31, $0xb8;
	[tilespmem:$0xAFA0] =	vst v63  }
0x54: {  	_ =	swait.ge [sflag:s9], $0x7D  }
0x55: {  	[sflag:s9] =	ssyncset.done $0x0  }
0x56: {  	s19 =	simm.s32 $0x13A0;
	[sflag:s9] =	ssyncadd.s32 $0xFFFFFF83  }
0x57: {  	[spmem:s1] =	stream.indirect.scatter.add.f32 [tilespmem:s0], [sflag:$0x3], $0x1, s19, s31, $0xb8;
	[tilespmem:$0xAFA0] =	vst v63  }
0x58: {  	_ =	swait.ge [sflag:s10], $0x7D  }
0x59: {  	[sflag:s10] =	ssyncset.done $0x0  }
0x5a: {  	s20 =	simm.s32 $0x1420;
	[sflag:s10] =	ssyncadd.s32 $0xFFFFFF83  }
0x5b: {  	[spmem:s1] =	stream.indirect.scatter.add.f32 [tilespmem:s0], [sflag:$0x4], $0x1, s20, s31, $0xb8;
	[tilespmem:$0xAFA0] =	vst v63  }
0x5c: {  	_ =	swait.ge [sflag:s6], $0x7D  }
0x5d: {  	[sflag:s6] =	ssyncset.done $0x0  }
0x5e: {  	s17 =	simm.s32 $0x14A0;
	[sflag:s6] =	ssyncadd.s32 $0xFFFFFF83  }
0x5f: {  	[spmem:s1] =	stream.indirect.scatter.add.f32 [tilespmem:s0], [sflag:$0x1], $0x1, s17, s31, $0xb8;
	[tilespmem:$0xAFA0] =	vst v63  }
0x60: {  	_ =	swait.ge [sflag:s8], $0x7D  }
0x61: {  	[sflag:s8] =	ssyncset.done $0x0  }
0x62: {  	s18 =	simm.s32 $0x1520;
	[sflag:s8] =	ssyncadd.s32 $0xFFFFFF83  }
0x63: {  	[spmem:s1] =	stream.indirect.scatter.add.f32 [tilespmem:s0], [sflag:$0x2], $0x1, s18, s31, $0xb8;
	[tilespmem:$0xAFA0] =	vst v63  }
0x64: {  	_ =	swait.ge [sflag:s9], $0x7D  }
0x65: {  	[sflag:s9] =	ssyncset.done $0x0  }
0x66: {  	s19 =	simm.s32 $0x15A0;
	[sflag:s9] =	ssyncadd.s32 $0xFFFFFF83  }
0x67: {  	[spmem:s1] =	stream.indirect.scatter.add.f32 [tilespmem:s0], [sflag:$0x3], $0x1, s19, s31, $0xb8;
	[tilespmem:$0xAFA0] =	vst v63  }
0x68: {  	_ =	swait.ge [sflag:s10], $0x7D  }
0x69: {  	[sflag:s10] =	ssyncset.done $0x0  }
0x6a: {  	s20 =	simm.s32 $0x1620;
	[sflag:s10] =	ssyncadd.s32 $0xFFFFFF83  }
0x6b: {  	[spmem:s1] =	stream.indirect.scatter.add.f32 [tilespmem:s0], [sflag:$0x4], $0x1, s20, s31, $0xb8;
	[tilespmem:$0xAFA0] =	vst v63  }
0x6c: {  	_ =	swait.ge [sflag:s6], $0x7D  }
0x6d: {  	[sflag:s6] =	ssyncset.done $0x0  }
0x6e: {  	s17 =	simm.s32 $0x16A0;
	[sflag:s6] =	ssyncadd.s32 $0xFFFFFF83  }
0x6f: {  	[spmem:s1] =	stream.indirect.scatter.add.f32 [tilespmem:s0], [sflag:$0x1], $0x1, s17, s31, $0xb8;
	[tilespmem:$0xAFA0] =	vst v63  }
0x70: {  	_ =	swait.ge [sflag:s8], $0x7D  }
0x71: {  	[sflag:s8] =	ssyncset.done $0x0  }
0x72: {  	s18 =	simm.s32 $0x1720;
	[sflag:s8] =	ssyncadd.s32 $0xFFFFFF83  }
0x73: {  	[spmem:s1] =	stream.indirect.scatter.add.f32 [tilespmem:s0], [sflag:$0x2], $0x1, s18, s31, $0xb8;
	[tilespmem:$0xAFA0] =	vst v63  }
0x74: {  	_ =	swait.ge [sflag:s9], $0x7D  }
0x75: {  	[sflag:s9] =	ssyncset.done $0x0  }
0x76: {  	s19 =	simm.s32 $0x17A0;
	[sflag:s9] =	ssyncadd.s32 $0xFFFFFF83  }
0x77: {  	[spmem:s1] =	stream.indirect.scatter.add.f32 [tilespmem:s0], [sflag:$0x3], $0x1, s19, s31, $0xb8;
	[tilespmem:$0xAFA0] =	vst v63  }
0x78: {  	_ =	swait.ge [sflag:s10], $0x7D  }
0x79: {  	[sflag:s10] =	ssyncset.done $0x0  }
0x7a: {  	s20 =	simm.s32 $0x1820;
	[sflag:s10] =	ssyncadd.s32 $0xFFFFFF83  }
0x7b: {  	[spmem:s1] =	stream.indirect.scatter.add.f32 [tilespmem:s0], [sflag:$0x4], $0x1, s20, s31, $0xb8;
	[tilespmem:$0xAFA0] =	vst v63  }
0x7c: {  	_ =	swait.ge [sflag:s6], $0x7D  }
0x7d: {  	[sflag:s6] =	ssyncset.done $0x0  }
0x7e: {  	s17 =	simm.s32 $0x18A0;
	[sflag:s6] =	ssyncadd.s32 $0xFFFFFF83  }
0x7f: {  	[spmem:s1] =	stream.indirect.scatter.add.f32 [tilespmem:s0], [sflag:$0x1], $0x1, s17, s31, $0xb8;
	[tilespmem:$0xAFA0] =	vst v63  }
0x80: {  	_ =	swait.ge [sflag:s8], $0x7D  }
0x81: {  	[sflag:s8] =	ssyncset.done $0x0  }
0x82: {  	s18 =	simm.s32 $0x1920;
	[sflag:s8] =	ssyncadd.s32 $0xFFFFFF83  }
0x83: {  	[spmem:s1] =	stream.indirect.scatter.add.f32 [tilespmem:s0], [sflag:$0x2], $0x1, s18, s31, $0xb8;
	[tilespmem:$0xAFA0] =	vst v63  }
0x84: {  	_ =	swait.ge [sflag:s9], $0x7D  }
0x85: {  	[sflag:s9] =	ssyncset.done $0x0  }
0x86: {  	s19 =	simm.s32 $0x19A0;
	[sflag:s9] =	ssyncadd.s32 $0xFFFFFF83  }
0x87: {  	[spmem:s1] =	stream.indirect.scatter.add.f32 [tilespmem:s0], [sflag:$0x3], $0x1, s19, s31, $0xb8;
	[tilespmem:$0xAFA0] =	vst v63  }
0x88: {  	_ =	swait.ge [sflag:s10], $0x7D  }
0x89: {  	[sflag:s10] =	ssyncset.done $0x0  }
0x8a: {  	s20 =	simm.s32 $0x1A20;
	[sflag:s10] =	ssyncadd.s32 $0xFFFFFF83  }
0x8b: {  	[spmem:s1] =	stream.indirect.scatter.add.f32 [tilespmem:s0], [sflag:$0x4], $0x1, s20, s31, $0xb8;
	[tilespmem:$0xAFA0] =	vst v63  }
0x8c: {  	_ =	swait.ge [sflag:s6], $0x7D  }
0x8d: {  	[sflag:s6] =	ssyncset.done $0x0  }
0x8e: {  	[sflag:s6] =	ssyncadd.s32 $0xFFFFFF83  }
0x8f: {  	_ =	swait.ge [sflag:s8], $0x7D  }
0x90: {  	[sflag:s8] =	ssyncset.done $0x0  }
0x91: {  	[sflag:s8] =	ssyncadd.s32 $0xFFFFFF83  }
0x92: {  	_ =	swait.ge [sflag:s9], $0x7D  }
0x93: {  	[sflag:s9] =	ssyncset.done $0x0  }
0x94: {  	[sflag:s9] =	ssyncadd.s32 $0xFFFFFF83  }
0x95: {  	_ =	swait.ge [sflag:s10], $0x7D  }
0x96: {  	s16 =	simm.s32 $0xA00;
	s17 =	simm.s32 $0x5000;
	[sflag:s10] =	ssyncset.done $0x0  }
.LBB2_4:
0x97: {  	s20 =	sadd.s32 $0x10A0, s16  }
0x98: {  	[sflag:s10] =	ssyncadd.s32 $0xFFFFFF83;
	s18 =	smov.u32 s17;
	s19 =	sadd.s32 $0x2800, s17  }
0x99: {  	[spmem:s1] =	stream.indirect.scatter.add.f32 [tilespmem:s0], [sflag:$0x1], $0x1, s20, s31, $0xb8;
	[tilespmem:$0xAFA0] =	vst v63  }
0x9a: {  	p1 =	sne.s32 s17, $0x16800;
	s17 =	sadd.s32 $0x1120, s16  }
0x9b: {  	[spmem:s1] =	stream.indirect.scatter.add.f32 [tilespmem:s0], [sflag:$0x2], $0x1, s17, s31, $0xb8;
	[tilespmem:$0xAFA0] =	vst v63  }
0x9c: {  	s17 =	sadd.s32 $0x11A0, s16  }
0x9d: {  	[spmem:s1] =	stream.indirect.scatter.add.f32 [tilespmem:s0], [sflag:$0x3], $0x1, s17, s31, $0xb8;
	[tilespmem:$0xAFA0] =	vst v63  }
0x9e: {  	s17 =	sadd.s32 $0x1220, s16  }
0x9f: {  	[spmem:s1] =	stream.indirect.scatter.add.f32 [tilespmem:s0], [sflag:$0x4], $0x1, s17, s31, $0xb8;
	[tilespmem:$0xAFA0] =	vst v63  }
0xa0: {  	_ =	swait.ge [sflag:s6], $0x7D  }
0xa1: {  	[sflag:s6] =	ssyncset.done $0x0  }
0xa2: {  	s17 =	sadd.s32 $0x12A0, s16;
	[sflag:s6] =	ssyncadd.s32 $0xFFFFFF83  }
0xa3: {  	[spmem:s1] =	stream.indirect.scatter.add.f32 [tilespmem:s0], [sflag:$0x1], $0x1, s17, s31, $0xb8;
	[tilespmem:$0xAFA0] =	vst v63  }
0xa4: {  	_ =	swait.ge [sflag:s8], $0x7D  }
0xa5: {  	[sflag:s8] =	ssyncset.done $0x0  }
0xa6: {  	s17 =	sadd.s32 $0x1320, s16;
	[sflag:s8] =	ssyncadd.s32 $0xFFFFFF83  }
0xa7: {  	[spmem:s1] =	stream.indirect.scatter.add.f32 [tilespmem:s0], [sflag:$0x2], $0x1, s17, s31, $0xb8;
	[tilespmem:$0xAFA0] =	vst v63  }
0xa8: {  	_ =	swait.ge [sflag:s9], $0x7D  }
0xa9: {  	[sflag:s9] =	ssyncset.done $0x0  }
0xaa: {  	s17 =	sadd.s32 $0x13A0, s16;
	[sflag:s9] =	ssyncadd.s32 $0xFFFFFF83  }
0xab: {  	[spmem:s1] =	stream.indirect.scatter.add.f32 [tilespmem:s0], [sflag:$0x3], $0x1, s17, s31, $0xb8;
	[tilespmem:$0xAFA0] =	vst v63  }
0xac: {  	_ =	swait.ge [sflag:s10], $0x7D  }
0xad: {  	[sflag:s10] =	ssyncset.done $0x0  }
0xae: {  	s17 =	sadd.s32 $0x1420, s16;
	[sflag:s10] =	ssyncadd.s32 $0xFFFFFF83  }
0xaf: {  	[spmem:s1] =	stream.indirect.scatter.add.f32 [tilespmem:s0], [sflag:$0x4], $0x1, s17, s31, $0xb8;
	[tilespmem:$0xAFA0] =	vst v63  }
0xb0: {  	_ =	swait.ge [sflag:s6], $0x7D  }
0xb1: {  	[sflag:s6] =	ssyncset.done $0x0  }
0xb2: {  	s17 =	sadd.s32 $0x14A0, s16;
	[sflag:s6] =	ssyncadd.s32 $0xFFFFFF83  }
0xb3: {  	[spmem:s1] =	stream.indirect.scatter.add.f32 [tilespmem:s0], [sflag:$0x1], $0x1, s17, s31, $0xb8;
	[tilespmem:$0xAFA0] =	vst v63  }
0xb4: {  	_ =	swait.ge [sflag:s8], $0x7D  }
0xb5: {  	[sflag:s8] =	ssyncset.done $0x0  }
0xb6: {  	s17 =	sadd.s32 $0x1520, s16;
	[sflag:s8] =	ssyncadd.s32 $0xFFFFFF83  }
0xb7: {  	[spmem:s1] =	stream.indirect.scatter.add.f32 [tilespmem:s0], [sflag:$0x2], $0x1, s17, s31, $0xb8;
	[tilespmem:$0xAFA0] =	vst v63  }
0xb8: {  	_ =	swait.ge [sflag:s9], $0x7D  }
0xb9: {  	[sflag:s9] =	ssyncset.done $0x0  }
0xba: {  	s17 =	sadd.s32 $0x15A0, s16;
	[sflag:s9] =	ssyncadd.s32 $0xFFFFFF83  }
0xbb: {  	[spmem:s1] =	stream.indirect.scatter.add.f32 [tilespmem:s0], [sflag:$0x3], $0x1, s17, s31, $0xb8;
	[tilespmem:$0xAFA0] =	vst v63  }
0xbc: {  	_ =	swait.ge [sflag:s10], $0x7D  }
0xbd: {  	[sflag:s10] =	ssyncset.done $0x0  }
0xbe: {  	s17 =	sadd.s32 $0x1620, s16;
	[sflag:s10] =	ssyncadd.s32 $0xFFFFFF83  }
0xbf: {  	[spmem:s1] =	stream.indirect.scatter.add.f32 [tilespmem:s0], [sflag:$0x4], $0x1, s17, s31, $0xb8;
	[tilespmem:$0xAFA0] =	vst v63  }
0xc0: {  	_ =	swait.ge [sflag:s6], $0x7D  }
0xc1: {  	[sflag:s6] =	ssyncset.done $0x0  }
0xc2: {  	s17 =	sadd.s32 $0x16A0, s16;
	[sflag:s6] =	ssyncadd.s32 $0xFFFFFF83  }
0xc3: {  	[spmem:s1] =	stream.indirect.scatter.add.f32 [tilespmem:s0], [sflag:$0x1], $0x1, s17, s31, $0xb8;
	[tilespmem:$0xAFA0] =	vst v63  }
0xc4: {  	_ =	swait.ge [sflag:s8], $0x7D  }
0xc5: {  	[sflag:s8] =	ssyncset.done $0x0  }
0xc6: {  	s17 =	sadd.s32 $0x1720, s16;
	[sflag:s8] =	ssyncadd.s32 $0xFFFFFF83  }
0xc7: {  	[spmem:s1] =	stream.indirect.scatter.add.f32 [tilespmem:s0], [sflag:$0x2], $0x1, s17, s31, $0xb8;
	[tilespmem:$0xAFA0] =	vst v63  }
0xc8: {  	_ =	swait.ge [sflag:s9], $0x7D  }
0xc9: {  	[sflag:s9] =	ssyncset.done $0x0  }
0xca: {  	s17 =	sadd.s32 $0x17A0, s16;
	[sflag:s9] =	ssyncadd.s32 $0xFFFFFF83  }
0xcb: {  	[spmem:s1] =	stream.indirect.scatter.add.f32 [tilespmem:s0], [sflag:$0x3], $0x1, s17, s31, $0xb8;
	[tilespmem:$0xAFA0] =	vst v63  }
0xcc: {  	_ =	swait.ge [sflag:s10], $0x7D  }
0xcd: {  	[sflag:s10] =	ssyncset.done $0x0  }
0xce: {  	s17 =	sadd.s32 $0x1820, s16;
	[sflag:s10] =	ssyncadd.s32 $0xFFFFFF83  }
0xcf: {  	[spmem:s1] =	stream.indirect.scatter.add.f32 [tilespmem:s0], [sflag:$0x4], $0x1, s17, s31, $0xb8;
	[tilespmem:$0xAFA0] =	vst v63  }
0xd0: {  	_ =	swait.ge [sflag:s6], $0x7D  }
0xd1: {  	[sflag:s6] =	ssyncset.done $0x0  }
0xd2: {  	s17 =	sadd.s32 $0x18A0, s16;
	[sflag:s6] =	ssyncadd.s32 $0xFFFFFF83  }
0xd3: {  	[spmem:s1] =	stream.indirect.scatter.add.f32 [tilespmem:s0], [sflag:$0x1], $0x1, s17, s31, $0xb8;
	[tilespmem:$0xAFA0] =	vst v63  }
0xd4: {  	_ =	swait.ge [sflag:s8], $0x7D  }
0xd5: {  	[sflag:s8] =	ssyncset.done $0x0  }
0xd6: {  	s17 =	sadd.s32 $0x1920, s16;
	[sflag:s8] =	ssyncadd.s32 $0xFFFFFF83  }
0xd7: {  	[spmem:s1] =	stream.indirect.scatter.add.f32 [tilespmem:s0], [sflag:$0x2], $0x1, s17, s31, $0xb8;
	[tilespmem:$0xAFA0] =	vst v63  }
0xd8: {  	_ =	swait.ge [sflag:s9], $0x7D  }
0xd9: {  	[sflag:s9] =	ssyncset.done $0x0  }
0xda: {  	s17 =	sadd.s32 $0x19A0, s16;
	[sflag:s9] =	ssyncadd.s32 $0xFFFFFF83  }
0xdb: {  	[spmem:s1] =	stream.indirect.scatter.add.f32 [tilespmem:s0], [sflag:$0x3], $0x1, s17, s31, $0xb8;
	[tilespmem:$0xAFA0] =	vst v63  }
0xdc: {  	_ =	swait.ge [sflag:s10], $0x7D  }
0xdd: {  	[sflag:s10] =	ssyncset.done $0x0  }
0xde: {  	s16 =	sadd.s32 $0x1A20, s16;
	[sflag:s10] =	ssyncadd.s32 $0xFFFFFF83  }
0xdf: {  	[spmem:s1] =	stream.indirect.scatter.add.f32 [tilespmem:s0], [sflag:$0x4], $0x1, s16, s31, $0xb8;
	[tilespmem:$0xAFA0] =	vst v63  }
0xe0: {  	_ =	swait.ge [sflag:s6], $0x7D  }
0xe1: {  	[sflag:s6] =	ssyncset.done $0x0  }
0xe2: {  	[sflag:s6] =	ssyncadd.s32 $0xFFFFFF83  }
0xe3: {  	_ =	swait.ge [sflag:s8], $0x7D  }
0xe4: {  	[sflag:s8] =	ssyncset.done $0x0  }
0xe5: {  	[sflag:s8] =	ssyncadd.s32 $0xFFFFFF83  }
.Ltmp1:
0xe6: {  	_ =	swait.ge [sflag:s9], $0x7D;
	(pc) =	sbr.rel @p1 .LBB2_4-.Ltmp1, $4  }
0xe7: {  	[sflag:s9] =	ssyncset.done $0x0  }
0xe8: {  	[sflag:s9] =	ssyncadd.s32 $0xFFFFFF83  }
0xe9: {  	_ =	swait.ge [sflag:s10], $0x7D  }
0xea: {  	s17 =	smov.u32 s19;
	s16 =	sshra.s32 s18, $0x2;
	[sflag:s10] =	ssyncset.done $0x0  }
0xeb: {  	s17 =	sadd.s32 $0x10A0, s16;
	[sflag:s10] =	ssyncadd.s32 $0xFFFFFF83  }
0xec: {  	[spmem:s1] =	stream.indirect.scatter.add.f32 [tilespmem:s0], [sflag:$0x1], $0x1, s17, s31, $0xb8;
	[tilespmem:$0xAFA0] =	vst v63  }
0xed: {  	s18 =	sadd.s32 $0x1120, s16  }
0xee: {  	[spmem:s1] =	stream.indirect.scatter.add.f32 [tilespmem:s0], [sflag:$0x2], $0x1, s18, s31, $0xb8;
	[tilespmem:$0xAFA0] =	vst v63  }
0xef: {  	s19 =	sadd.s32 $0x11A0, s16  }
0xf0: {  	[spmem:s1] =	stream.indirect.scatter.add.f32 [tilespmem:s0], [sflag:$0x3], $0x1, s19, s31, $0xb8;
	[tilespmem:$0xAFA0] =	vst v63  }
0xf1: {  	s20 =	sadd.s32 $0x1220, s16  }
0xf2: {  	[spmem:s1] =	stream.indirect.scatter.add.f32 [tilespmem:s0], [sflag:$0x4], $0x1, s20, s31, $0xb8;
	[tilespmem:$0xAFA0] =	vst v63  }
0xf3: {  	_ =	swait.ge [sflag:s6], $0x7D  }
0xf4: {  	[sflag:s6] =	ssyncset.done $0x0  }
0xf5: {  	s18 =	sadd.s32 $0x12A0, s16;
	[sflag:s6] =	ssyncadd.s32 $0xFFFFFF83  }
0xf6: {  	[spmem:s1] =	stream.indirect.scatter.add.f32 [tilespmem:s0], [sflag:$0x1], $0x1, s18, s31, $0xb8;
	[tilespmem:$0xAFA0] =	vst v63  }
0xf7: {  	_ =	swait.ge [sflag:s8], $0x7D  }
0xf8: {  	[sflag:s8] =	ssyncset.done $0x0  }
0xf9: {  	s19 =	sadd.s32 $0x1320, s16;
	[sflag:s8] =	ssyncadd.s32 $0xFFFFFF83  }
0xfa: {  	[spmem:s1] =	stream.indirect.scatter.add.f32 [tilespmem:s0], [sflag:$0x2], $0x1, s19, s31, $0xb8;
	[tilespmem:$0xAFA0] =	vst v63  }
0xfb: {  	_ =	swait.ge [sflag:s9], $0x7D  }
0xfc: {  	[sflag:s9] =	ssyncset.done $0x0  }
0xfd: {  	s20 =	sadd.s32 $0x13A0, s16;
	[sflag:s9] =	ssyncadd.s32 $0xFFFFFF83  }
0xfe: {  	[spmem:s1] =	stream.indirect.scatter.add.f32 [tilespmem:s0], [sflag:$0x3], $0x1, s20, s31, $0xb8;
	[tilespmem:$0xAFA0] =	vst v63  }
0xff: {  	_ =	swait.ge [sflag:s10], $0x7D  }
0x100: {  	[sflag:s10] =	ssyncset.done $0x0  }
0x101: {  	s18 =	sadd.s32 $0x1420, s16;
	[sflag:s10] =	ssyncadd.s32 $0xFFFFFF83  }
0x102: {  	[spmem:s1] =	stream.indirect.scatter.add.f32 [tilespmem:s0], [sflag:$0x4], $0x1, s18, s31, $0xb8;
	[tilespmem:$0xAFA0] =	vst v63  }
0x103: {  	_ =	swait.ge [sflag:s6], $0x7D  }
0x104: {  	[sflag:s6] =	ssyncset.done $0x0  }
0x105: {  	s19 =	sadd.s32 $0x14A0, s16;
	[sflag:s6] =	ssyncadd.s32 $0xFFFFFF83  }
0x106: {  	[spmem:s1] =	stream.indirect.scatter.add.f32 [tilespmem:s0], [sflag:$0x1], $0x1, s19, s31, $0xb8;
	[tilespmem:$0xAFA0] =	vst v63  }
0x107: {  	_ =	swait.ge [sflag:s8], $0x7D  }
0x108: {  	[sflag:s8] =	ssyncset.done $0x0  }
0x109: {  	s20 =	sadd.s32 $0x1520, s16;
	[sflag:s8] =	ssyncadd.s32 $0xFFFFFF83  }
0x10a: {  	[spmem:s1] =	stream.indirect.scatter.add.f32 [tilespmem:s0], [sflag:$0x2], $0x1, s20, s31, $0xb8;
	[tilespmem:$0xAFA0] =	vst v63  }
0x10b: {  	_ =	swait.ge [sflag:s9], $0x7D  }
0x10c: {  	[sflag:s9] =	ssyncset.done $0x0  }
0x10d: {  	s18 =	sadd.s32 $0x15A0, s16;
	[sflag:s9] =	ssyncadd.s32 $0xFFFFFF83  }
0x10e: {  	[spmem:s1] =	stream.indirect.scatter.add.f32 [tilespmem:s0], [sflag:$0x3], $0x1, s18, s31, $0xb8;
	[tilespmem:$0xAFA0] =	vst v63  }
0x10f: {  	_ =	swait.ge [sflag:s10], $0x7D  }
0x110: {  	[sflag:s10] =	ssyncset.done $0x0  }
0x111: {  	s19 =	sadd.s32 $0x1620, s16;
	[sflag:s10] =	ssyncadd.s32 $0xFFFFFF83  }
0x112: {  	[spmem:s1] =	stream.indirect.scatter.add.f32 [tilespmem:s0], [sflag:$0x4], $0x1, s19, s31, $0xb8;
	[tilespmem:$0xAFA0] =	vst v63  }
0x113: {  	_ =	swait.ge [sflag:s6], $0x7D  }
0x114: {  	[sflag:s6] =	ssyncset.done $0x0  }
0x115: {  	s20 =	sadd.s32 $0x16A0, s16;
	[sflag:s6] =	ssyncadd.s32 $0xFFFFFF83  }
0x116: {  	[spmem:s1] =	stream.indirect.scatter.add.f32 [tilespmem:s0], [sflag:$0x1], $0x1, s20, s31, $0xb8;
	[tilespmem:$0xAFA0] =	vst v63  }
0x117: {  	_ =	swait.ge [sflag:s8], $0x7D  }
0x118: {  	[sflag:s8] =	ssyncset.done $0x0  }
0x119: {  	s18 =	sadd.s32 $0x1720, s16;
	[sflag:s8] =	ssyncadd.s32 $0xFFFFFF83  }
0x11a: {  	[spmem:s1] =	stream.indirect.scatter.add.f32 [tilespmem:s0], [sflag:$0x2], $0x1, s18, s31, $0xb8;
	[tilespmem:$0xAFA0] =	vst v63  }
0x11b: {  	_ =	swait.ge [sflag:s9], $0x7D  }
0x11c: {  	[sflag:s9] =	ssyncset.done $0x0  }
0x11d: {  	s19 =	sadd.s32 $0x17A0, s16;
	[sflag:s9] =	ssyncadd.s32 $0xFFFFFF83  }
0x11e: {  	[spmem:s1] =	stream.indirect.scatter.add.f32 [tilespmem:s0], [sflag:$0x3], $0x1, s19, s31, $0xb8;
	[tilespmem:$0xAFA0] =	vst v63  }
0x11f: {  	_ =	swait.ge [sflag:s10], $0x7D  }
0x120: {  	[sflag:s10] =	ssyncset.done $0x0  }
0x121: {  	s20 =	sadd.s32 $0x1820, s16;
	[sflag:s10] =	ssyncadd.s32 $0xFFFFFF83  }
0x122: {  	[spmem:s1] =	stream.indirect.scatter.add.f32 [tilespmem:s0], [sflag:$0x4], $0x1, s20, s31, $0xb8;
	[tilespmem:$0xAFA0] =	vst v63  }
0x123: {  	_ =	swait.ge [sflag:s6], $0x7D  }
0x124: {  	[sflag:s6] =	ssyncset.done $0x0  }
0x125: {  	s18 =	sadd.s32 $0x18A0, s16;
	[sflag:s6] =	ssyncadd.s32 $0xFFFFFF83  }
0x126: {  	[spmem:s1] =	stream.indirect.scatter.add.f32 [tilespmem:s0], [sflag:$0x1], $0x1, s18, s31, $0xb8;
	[tilespmem:$0xAFA0] =	vst v63  }
0x127: {  	_ =	swait.ge [sflag:s8], $0x7D  }
0x128: {  	[sflag:s8] =	ssyncset.done $0x0  }
0x129: {  	s19 =	sadd.s32 $0x1920, s16;
	[sflag:s8] =	ssyncadd.s32 $0xFFFFFF83  }
0x12a: {  	[spmem:s1] =	stream.indirect.scatter.add.f32 [tilespmem:s0], [sflag:$0x2], $0x1, s19, s31, $0xb8;
	[tilespmem:$0xAFA0] =	vst v63  }
0x12b: {  	_ =	swait.ge [sflag:s9], $0x7D  }
0x12c: {  	[sflag:s9] =	ssyncset.done $0x0  }
0x12d: {  	s20 =	sadd.s32 $0x19A0, s16;
	[sflag:s9] =	ssyncadd.s32 $0xFFFFFF83  }
0x12e: {  	[spmem:s1] =	stream.indirect.scatter.add.f32 [tilespmem:s0], [sflag:$0x3], $0x1, s20, s31, $0xb8;
	[tilespmem:$0xAFA0] =	vst v63  }
0x12f: {  	_ =	swait.ge [sflag:s10], $0x7D  }
0x130: {  	[sflag:s10] =	ssyncset.done $0x0  }
0x131: {  	s17 =	sadd.s32 $0x1A20, s16;
	[sflag:s10] =	ssyncadd.s32 $0xFFFFFF83  }
0x132: {  	[spmem:s1] =	stream.indirect.scatter.add.f32 [tilespmem:s0], [sflag:$0x4], $0x1, s17, s31, $0xb8;
	[tilespmem:$0xAFA0] =	vst v63  }
0x133: {  	_ =	swait.ge [sflag:s6], $0x7D  }
0x134: {  	[sflag:s6] =	ssyncset.done $0x0  }
0x135: {  	[sflag:s6] =	ssyncadd.s32 $0xFFFFFF83  }
0x136: {  	_ =	swait.ge [sflag:s8], $0x7D  }
0x137: {  	[sflag:s8] =	ssyncset.done $0x0  }
0x138: {  	[sflag:s8] =	ssyncadd.s32 $0xFFFFFF83  }
0x139: {  	_ =	swait.ge [sflag:s9], $0x7D  }
0x13a: {  	[sflag:s9] =	ssyncset.done $0x0  }
0x13b: {  	[sflag:s9] =	ssyncadd.s32 $0xFFFFFF83  }
0x13c: {  	_ =	swait.ge [sflag:s10], $0x7D  }
0x13d: {  	[sflag:s10] =	ssyncset.done $0x0  }
0x13e: {  	[sflag:s10] =	ssyncadd.s32 $0xFFFFFF83  }
0x13f: {  	[tilespmem:s12], [sflag:$0x1] =	stream.indirect.gather [spmem:s4], $0x20, s2, s11, $0xb8;
	[tilespmem:$0xAFA0] =	vst v63  }
0x140: {  	s18 =	simm.s32 $0x7520  }
0x141: {  	[tilespmem:s13], [sflag:$0x2] =	stream.indirect.gather [spmem:s4], $0x20, s18, s11, $0xb8;
	[tilespmem:$0xAFA0] =	vst v63  }
0x142: {  	_ =	swait.ge [sflag:s6], $0x1000  }
0x143: {  	[sflag:s6] =	ssyncset.done $0x0  }
0x144: {  	[sflag:s6] =	ssyncadd.s32 $0xFFFFF000  }
0x145: {  	[hbm4b:s15+s5] =	stream.linear.scatter [tilespmem:s12], [sflag:$0x5], $0x1000, $0x38;
	[tilespmem:$0xAFA0] =	vst v63  }
0x146: {  	_ =	swait.ge [sflag:s30], $0x1000  }
0x147: {  	[sflag:s30] =	ssyncset.done $0x0  }
0x148: {  	s19 =	simm.s32 $0x75A0;
	[sflag:s30] =	ssyncadd.s32 $0xFFFFF000  }
0x149: {  	[tilespmem:s12], [sflag:$0x1] =	stream.indirect.gather [spmem:s4], $0x20, s19, s11, $0xb8;
	[tilespmem:$0xAFA0] =	vst v63  }
0x14a: {  	_ =	swait.ge [sflag:s8], $0x1000  }
0x14b: {  	[sflag:s8] =	ssyncset.done $0x0  }
0x14c: {  	s20 =	rddreg [dreg:$0xe];
	[sflag:s8] =	ssyncadd.s32 $0xFFFFF000  }
0x14d: {  	[hbm4b:s20+s5] =	stream.linear.scatter [tilespmem:s13], [sflag:$0x5], $0x1000, $0x38;
	[tilespmem:$0xAFA0] =	vst v63  }
0x14e: {  	_ =	swait.ge [sflag:s30], $0x1000  }
0x14f: {  	[sflag:s30] =	ssyncset.done $0x0  }
0x150: {  	s17 =	simm.s32 $0x7620;
	[sflag:s30] =	ssyncadd.s32 $0xFFFFF000  }
0x151: {  	[tilespmem:s13], [sflag:$0x2] =	stream.indirect.gather [spmem:s4], $0x20, s17, s11, $0xb8;
	[tilespmem:$0xAFA0] =	vst v63  }
0x152: {  	_ =	swait.ge [sflag:s6], $0x1000  }
0x153: {  	[sflag:s6] =	ssyncset.done $0x0  }
0x154: {  	s18 =	rddreg [dreg:$0xf];
	[sflag:s6] =	ssyncadd.s32 $0xFFFFF000  }
0x155: {  	[hbm4b:s18+s5] =	stream.linear.scatter [tilespmem:s12], [sflag:$0x5], $0x1000, $0x38;
	[tilespmem:$0xAFA0] =	vst v63  }
0x156: {  	_ =	swait.ge [sflag:s30], $0x1000  }
0x157: {  	[sflag:s30] =	ssyncset.done $0x0  }
0x158: {  	s19 =	simm.s32 $0x76A0;
	[sflag:s30] =	ssyncadd.s32 $0xFFFFF000  }
0x159: {  	[tilespmem:s12], [sflag:$0x1] =	stream.indirect.gather [spmem:s4], $0x20, s19, s11, $0xb8;
	[tilespmem:$0xAFA0] =	vst v63  }
0x15a: {  	_ =	swait.ge [sflag:s8], $0x1000  }
0x15b: {  	[sflag:s8] =	ssyncset.done $0x0  }
0x15c: {  	s20 =	rddreg [dreg:$0x10];
	[sflag:s8] =	ssyncadd.s32 $0xFFFFF000  }
0x15d: {  	[hbm4b:s20+s5] =	stream.linear.scatter [tilespmem:s13], [sflag:$0x5], $0x1000, $0x38;
	[tilespmem:$0xAFA0] =	vst v63  }
0x15e: {  	_ =	swait.ge [sflag:s30], $0x1000  }
0x15f: {  	[sflag:s30] =	ssyncset.done $0x0  }
0x160: {  	s17 =	simm.s32 $0x7720;
	[sflag:s30] =	ssyncadd.s32 $0xFFFFF000  }
0x161: {  	[tilespmem:s13], [sflag:$0x2] =	stream.indirect.gather [spmem:s4], $0x20, s17, s11, $0xb8;
	[tilespmem:$0xAFA0] =	vst v63  }
0x162: {  	_ =	swait.ge [sflag:s6], $0x1000  }
0x163: {  	[sflag:s6] =	ssyncset.done $0x0  }
0x164: {  	s18 =	rddreg [dreg:$0x11];
	[sflag:s6] =	ssyncadd.s32 $0xFFFFF000  }
0x165: {  	[hbm4b:s18+s5] =	stream.linear.scatter [tilespmem:s12], [sflag:$0x5], $0x1000, $0x38;
	[tilespmem:$0xAFA0] =	vst v63  }
0x166: {  	_ =	swait.ge [sflag:s30], $0x1000  }
0x167: {  	[sflag:s30] =	ssyncset.done $0x0  }
0x168: {  	s19 =	simm.s32 $0x77A0;
	[sflag:s30] =	ssyncadd.s32 $0xFFFFF000  }
0x169: {  	[tilespmem:s12], [sflag:$0x1] =	stream.indirect.gather [spmem:s4], $0x20, s19, s11, $0xb8;
	[tilespmem:$0xAFA0] =	vst v63  }
0x16a: {  	_ =	swait.ge [sflag:s8], $0x1000  }
0x16b: {  	[sflag:s8] =	ssyncset.done $0x0  }
0x16c: {  	[sflag:s8] =	ssyncadd.s32 $0xFFFFF000  }
0x16d: {  	[hbm4b:s21+s5] =	stream.linear.scatter [tilespmem:s13], [sflag:$0x5], $0x1000, $0x38;
	[tilespmem:$0xAFA0] =	vst v63  }
0x16e: {  	_ =	swait.ge [sflag:s30], $0x1000  }
0x16f: {  	[sflag:s30] =	ssyncset.done $0x0  }
0x170: {  	s20 =	simm.s32 $0x7820;
	[sflag:s30] =	ssyncadd.s32 $0xFFFFF000  }
0x171: {  	[tilespmem:s13], [sflag:$0x2] =	stream.indirect.gather [spmem:s4], $0x20, s20, s11, $0xb8;
	[tilespmem:$0xAFA0] =	vst v63  }
0x172: {  	_ =	swait.ge [sflag:s6], $0x1000  }
0x173: {  	[sflag:s6] =	ssyncset.done $0x0  }
0x174: {  	[sflag:s6] =	ssyncadd.s32 $0xFFFFF000  }
0x175: {  	[hbm4b:s22+s5] =	stream.linear.scatter [tilespmem:s12], [sflag:$0x5], $0x1000, $0x38;
	[tilespmem:$0xAFA0] =	vst v63  }
0x176: {  	_ =	swait.ge [sflag:s30], $0x1000  }
0x177: {  	[sflag:s30] =	ssyncset.done $0x0  }
0x178: {  	s17 =	simm.s32 $0x78A0;
	[sflag:s30] =	ssyncadd.s32 $0xFFFFF000  }
0x179: {  	[tilespmem:s12], [sflag:$0x1] =	stream.indirect.gather [spmem:s4], $0x20, s17, s11, $0xb8;
	[tilespmem:$0xAFA0] =	vst v63  }
0x17a: {  	_ =	swait.ge [sflag:s8], $0x1000  }
0x17b: {  	[sflag:s8] =	ssyncset.done $0x0  }
0x17c: {  	[sflag:s8] =	ssyncadd.s32 $0xFFFFF000  }
0x17d: {  	[hbm4b:s23+s5] =	stream.linear.scatter [tilespmem:s13], [sflag:$0x5], $0x1000, $0x38;
	[tilespmem:$0xAFA0] =	vst v63  }
0x17e: {  	_ =	swait.ge [sflag:s30], $0x1000  }
0x17f: {  	[sflag:s30] =	ssyncset.done $0x0  }
0x180: {  	s18 =	simm.s32 $0x7920;
	[sflag:s30] =	ssyncadd.s32 $0xFFFFF000  }
0x181: {  	[tilespmem:s13], [sflag:$0x2] =	stream.indirect.gather [spmem:s4], $0x20, s18, s11, $0xb8;
	[tilespmem:$0xAFA0] =	vst v63  }
0x182: {  	_ =	swait.ge [sflag:s6], $0x1000  }
0x183: {  	[sflag:s6] =	ssyncset.done $0x0  }
0x184: {  	[sflag:s6] =	ssyncadd.s32 $0xFFFFF000  }
0x185: {  	[hbm4b:s24+s5] =	stream.linear.scatter [tilespmem:s12], [sflag:$0x5], $0x1000, $0x38;
	[tilespmem:$0xAFA0] =	vst v63  }
0x186: {  	_ =	swait.ge [sflag:s30], $0x1000  }
0x187: {  	[sflag:s30] =	ssyncset.done $0x0  }
0x188: {  	s19 =	simm.s32 $0x79A0;
	[sflag:s30] =	ssyncadd.s32 $0xFFFFF000  }
0x189: {  	[tilespmem:s12], [sflag:$0x1] =	stream.indirect.gather [spmem:s4], $0x20, s19, s11, $0xb8;
	[tilespmem:$0xAFA0] =	vst v63  }
0x18a: {  	_ =	swait.ge [sflag:s8], $0x1000  }
0x18b: {  	[sflag:s8] =	ssyncset.done $0x0  }
0x18c: {  	[sflag:s8] =	ssyncadd.s32 $0xFFFFF000  }
0x18d: {  	[hbm4b:s25+s5] =	stream.linear.scatter [tilespmem:s13], [sflag:$0x5], $0x1000, $0x38;
	[tilespmem:$0xAFA0] =	vst v63  }
0x18e: {  	_ =	swait.ge [sflag:s30], $0x1000  }
0x18f: {  	[sflag:s30] =	ssyncset.done $0x0  }
0x190: {  	s20 =	simm.s32 $0x7A20;
	[sflag:s30] =	ssyncadd.s32 $0xFFFFF000  }
0x191: {  	[tilespmem:s13], [sflag:$0x2] =	stream.indirect.gather [spmem:s4], $0x20, s20, s11, $0xb8;
	[tilespmem:$0xAFA0] =	vst v63  }
0x192: {  	_ =	swait.ge [sflag:s6], $0x1000  }
0x193: {  	[sflag:s6] =	ssyncset.done $0x0  }
0x194: {  	[sflag:s6] =	ssyncadd.s32 $0xFFFFF000  }
0x195: {  	[hbm4b:s26+s5] =	stream.linear.scatter [tilespmem:s12], [sflag:$0x5], $0x1000, $0x38;
	[tilespmem:$0xAFA0] =	vst v63  }
0x196: {  	_ =	swait.ge [sflag:s30], $0x1000  }
0x197: {  	[sflag:s30] =	ssyncset.done $0x0  }
0x198: {  	s17 =	simm.s32 $0x7AA0;
	[sflag:s30] =	ssyncadd.s32 $0xFFFFF000  }
0x199: {  	[tilespmem:s12], [sflag:$0x1] =	stream.indirect.gather [spmem:s4], $0x20, s17, s11, $0xb8;
	[tilespmem:$0xAFA0] =	vst v63  }
0x19a: {  	_ =	swait.ge [sflag:s8], $0x1000  }
0x19b: {  	[sflag:s8] =	ssyncset.done $0x0  }
0x19c: {  	[sflag:s8] =	ssyncadd.s32 $0xFFFFF000  }
0x19d: {  	[hbm4b:s28+s5] =	stream.linear.scatter [tilespmem:s13], [sflag:$0x5], $0x1000, $0x38;
	[tilespmem:$0xAFA0] =	vst v63  }
0x19e: {  	_ =	swait.ge [sflag:s30], $0x1000  }
0x19f: {  	[sflag:s30] =	ssyncset.done $0x0  }
0x1a0: {  	s18 =	simm.s32 $0x7B20;
	[sflag:s30] =	ssyncadd.s32 $0xFFFFF000  }
0x1a1: {  	[tilespmem:s13], [sflag:$0x2] =	stream.indirect.gather [spmem:s4], $0x20, s18, s11, $0xb8;
	[tilespmem:$0xAFA0] =	vst v63  }
0x1a2: {  	_ =	swait.ge [sflag:s6], $0x1000  }
0x1a3: {  	[sflag:s6] =	ssyncset.done $0x0  }
0x1a4: {  	s19 =	rddreg [dreg:$0x9];
	[sflag:s6] =	ssyncadd.s32 $0xFFFFF000  }
0x1a5: {  	[hbm4b:s19+s5] =	stream.linear.scatter [tilespmem:s12], [sflag:$0x5], $0x1000, $0x38;
	[tilespmem:$0xAFA0] =	vst v63  }
0x1a6: {  	_ =	swait.ge [sflag:s30], $0x1000  }
0x1a7: {  	[sflag:s30] =	ssyncset.done $0x0  }
0x1a8: {  	[sflag:s30] =	ssyncadd.s32 $0xFFFFF000  }
0x1a9: {  	_ =	swait.ge [sflag:s8], $0x1000  }
0x1aa: {  	[sflag:s8] =	ssyncset.done $0x0  }
0x1ab: {  	s20 =	rddreg [dreg:$0xa];
	[sflag:s8] =	ssyncadd.s32 $0xFFFFF000  }
0x1ac: {  	[hbm4b:s20+s5] =	stream.linear.scatter [tilespmem:s13], [sflag:$0x5], $0x1000, $0x38;
	[tilespmem:$0xAFA0] =	vst v63  }
0x1ad: {  	_ =	swait.ge [sflag:s30], $0x1000  }
0x1ae: {  	[sflag:s30] =	ssyncset.done $0x0  }
0x1af: {  	[sflag:s30] =	ssyncadd.s32 $0xFFFFF000  }
0x1b0: {  	[spmem:s3] =	stream.indirect.scatter.add.f32 [tilespmem:s0], [sflag:$0x5], $0x1, s29, s11, $0xb8;
	[tilespmem:$0xAFA0] =	vst v63  }
0x1b1: {  	_ =	swait.ge [sflag:s30], $0x80  }
0x1b2: {  	[sflag:s30] =	ssyncset.done $0x0  }
0x1b3: {  	s17 =	simm.s32 $0x7C20;
	[sflag:s30] =	ssyncadd.s32 $0xFFFFFF80  }
0x1b4: {  	[spmem:s3] =	stream.indirect.scatter.add.f32 [tilespmem:s0], [sflag:$0x5], $0x1, s17, s11, $0xb8;
	[tilespmem:$0xAFA0] =	vst v63  }
0x1b5: {  	_ =	swait.ge [sflag:s30], $0x80  }
0x1b6: {  	[sflag:s30] =	ssyncset.done $0x0  }
0x1b7: {  	s18 =	simm.s32 $0x7CA0;
	[sflag:s30] =	ssyncadd.s32 $0xFFFFFF80  }
0x1b8: {  	[spmem:s3] =	stream.indirect.scatter.add.f32 [tilespmem:s0], [sflag:$0x5], $0x1, s18, s11, $0xb8;
	[tilespmem:$0xAFA0] =	vst v63  }
0x1b9: {  	_ =	swait.ge [sflag:s30], $0x80  }
0x1ba: {  	[sflag:s30] =	ssyncset.done $0x0  }
0x1bb: {  	s19 =	simm.s32 $0x7D20;
	[sflag:s30] =	ssyncadd.s32 $0xFFFFFF80  }
0x1bc: {  	[spmem:s3] =	stream.indirect.scatter.add.f32 [tilespmem:s0], [sflag:$0x5], $0x1, s19, s11, $0xb8;
	[tilespmem:$0xAFA0] =	vst v63  }
0x1bd: {  	_ =	swait.ge [sflag:s30], $0x80  }
0x1be: {  	[sflag:s30] =	ssyncset.done $0x0  }
0x1bf: {  	s20 =	simm.s32 $0x7DA0;
	[sflag:s30] =	ssyncadd.s32 $0xFFFFFF80  }
0x1c0: {  	[spmem:s3] =	stream.indirect.scatter.add.f32 [tilespmem:s0], [sflag:$0x5], $0x1, s20, s11, $0xb8;
	[tilespmem:$0xAFA0] =	vst v63  }
0x1c1: {  	_ =	swait.ge [sflag:s30], $0x80  }
0x1c2: {  	[sflag:s30] =	ssyncset.done $0x0  }
0x1c3: {  	s17 =	simm.s32 $0x7E20;
	[sflag:s30] =	ssyncadd.s32 $0xFFFFFF80  }
0x1c4: {  	[spmem:s3] =	stream.indirect.scatter.add.f32 [tilespmem:s0], [sflag:$0x5], $0x1, s17, s11, $0xb8;
	[tilespmem:$0xAFA0] =	vst v63  }
0x1c5: {  	_ =	swait.ge [sflag:s30], $0x80  }
0x1c6: {  	[sflag:s30] =	ssyncset.done $0x0  }
0x1c7: {  	s18 =	simm.s32 $0x7EA0;
	[sflag:s30] =	ssyncadd.s32 $0xFFFFFF80  }
0x1c8: {  	[spmem:s3] =	stream.indirect.scatter.add.f32 [tilespmem:s0], [sflag:$0x5], $0x1, s18, s11, $0xb8;
	[tilespmem:$0xAFA0] =	vst v63  }
0x1c9: {  	_ =	swait.ge [sflag:s30], $0x80  }
0x1ca: {  	[sflag:s30] =	ssyncset.done $0x0  }
0x1cb: {  	s19 =	simm.s32 $0x7F20;
	[sflag:s30] =	ssyncadd.s32 $0xFFFFFF80  }
0x1cc: {  	[spmem:s3] =	stream.indirect.scatter.add.f32 [tilespmem:s0], [sflag:$0x5], $0x1, s19, s11, $0xb8;
	[tilespmem:$0xAFA0] =	vst v63  }
0x1cd: {  	_ =	swait.ge [sflag:s30], $0x80  }
0x1ce: {  	[sflag:s30] =	ssyncset.done $0x0  }
0x1cf: {  	s20 =	simm.s32 $0x7FA0;
	[sflag:s30] =	ssyncadd.s32 $0xFFFFFF80  }
0x1d0: {  	[spmem:s3] =	stream.indirect.scatter.add.f32 [tilespmem:s0], [sflag:$0x5], $0x1, s20, s11, $0xb8;
	[tilespmem:$0xAFA0] =	vst v63  }
0x1d1: {  	_ =	swait.ge [sflag:s30], $0x80  }
0x1d2: {  	[sflag:s30] =	ssyncset.done $0x0  }
0x1d3: {  	s17 =	simm.s32 $0x8020;
	[sflag:s30] =	ssyncadd.s32 $0xFFFFFF80  }
0x1d4: {  	[spmem:s3] =	stream.indirect.scatter.add.f32 [tilespmem:s0], [sflag:$0x5], $0x1, s17, s11, $0xb8;
	[tilespmem:$0xAFA0] =	vst v63  }
0x1d5: {  	_ =	swait.ge [sflag:s30], $0x80  }
0x1d6: {  	[sflag:s30] =	ssyncset.done $0x0  }
0x1d7: {  	s18 =	simm.s32 $0x80A0;
	[sflag:s30] =	ssyncadd.s32 $0xFFFFFF80  }
0x1d8: {  	[spmem:s3] =	stream.indirect.scatter.add.f32 [tilespmem:s0], [sflag:$0x5], $0x1, s18, s11, $0xb8;
	[tilespmem:$0xAFA0] =	vst v63  }
0x1d9: {  	_ =	swait.ge [sflag:s30], $0x80  }
0x1da: {  	[sflag:s30] =	ssyncset.done $0x0  }
0x1db: {  	s19 =	simm.s32 $0x8120;
	[sflag:s30] =	ssyncadd.s32 $0xFFFFFF80  }
0x1dc: {  	[spmem:s3] =	stream.indirect.scatter.add.f32 [tilespmem:s0], [sflag:$0x5], $0x1, s19, s11, $0xb8;
	[tilespmem:$0xAFA0] =	vst v63  }
0x1dd: {  	_ =	swait.ge [sflag:s30], $0x80  }
0x1de: {  	[sflag:s30] =	ssyncset.done $0x0  }
0x1df: {  	s20 =	simm.s32 $0x81A0;
	[sflag:s30] =	ssyncadd.s32 $0xFFFFFF80  }
0x1e0: {  	[spmem:s3] =	stream.indirect.scatter.add.f32 [tilespmem:s0], [sflag:$0x5], $0x1, s20, s11, $0xb8;
	[tilespmem:$0xAFA0] =	vst v63  }
0x1e1: {  	_ =	swait.ge [sflag:s30], $0x80  }
0x1e2: {  	[sflag:s30] =	ssyncset.done $0x0  }
0x1e3: {  	s17 =	simm.s32 $0x8220;
	[sflag:s30] =	ssyncadd.s32 $0xFFFFFF80  }
0x1e4: {  	[spmem:s3] =	stream.indirect.scatter.add.f32 [tilespmem:s0], [sflag:$0x5], $0x1, s17, s11, $0xb8;
	[tilespmem:$0xAFA0] =	vst v63  }
0x1e5: {  	_ =	swait.ge [sflag:s30], $0x80  }
0x1e6: {  	[sflag:s30] =	ssyncset.done $0x0  }
0x1e7: {  	s18 =	stileid.u32;
	[sflag:s30] =	ssyncadd.s32 $0xFFFFFF80  }
0x1e8: {  	s16 =	sshll.u32 s18, $0x6;
	[bflag:$0x0] =	sbarrier.arrive $0xFFFF  }
0x1e9: {  	s16 =	sor.u32 $0x1C05, s16;
	s19 =	sshrl.u32 s7, $0x3;
	s18 =	rddreg [dreg:$0xb]  }
0x1ea: {  	[hbm:s18], [sflag:s16] =	dma.local [spmem:s19], $0x190  }
0x1eb: {  	_ =	swait.ge [sflag:s30], $0x190  }
0x1ec: {  	[sflag:s30] =	ssyncset.done $0x0  }
0x1ed: {  	s17 =	sshrl.u32 @!p0 s3, $0x3;
	s18 =	rddreg [dreg:$0xc];
	[sflag:s30] =	ssyncadd.s32 $0xFFFFFE70  }
0x1ee: {  	[hbm:s18], [sflag:s16] =	dma.local @!p0 [spmem:s17], $0x40  }
0x1ef: {  	s16 =	simm.s32 @!p0 $0x5  }
0x1f0: {  	_ =	swait.ge @!p0 [sflag:s16], $0x40  }
0x1f1: {  	s14 =	sadd.s32 $0x1, s14;
	s20 =	rddreg [dreg:$0xd]  }
0x1f2: {  	p1 =	sne.s32 s14, s20  }
.Ltmp2:
0x1f3: {  	_ = 	snop;
	(pc) =	sbr.rel @p1 .LBB2_1-.Ltmp2, $3  }
0x1f4: {  	_ =	sdelay $0x1  }
0x1f5: {  	[sflag:s16] =	ssyncset.done @!p0 $0x0  }
0x1f6: {  	[sflag:s16] =	ssyncadd.s32 @!p0 $0xFFFFFFC0  }
0x1f7: {  	_ =	sfence.sel $0x180000  }
0x1f8: {  	[bflag:$0x0] =	sbarrier.arrive $0xFFFF  }
0x1f9: {  	_ =	strace $0x90000047  }
0x1fa: {  	[bflag:$0x2] =	sbarrier.arrive $0xFFFF  }
0x1fb: {  	s0 =	rddreg [dreg:$0x4]  }
0x1fc: {  	s0 =	sadd.s32 @!p0 $0x100000, s0  }
0x1fd: {  	[sflag:s0] =	ssyncadd.tile.s32 @!p0 $0x1;
	_ =	shalt  }
.Lfunc_end2:
_tile_overlayer_lowered:
.L_overlay_start_2:
0x1fe: {  	(tag) =	ssettag $0x2  }
0x1ff: {  	s0 =	rddreg [dreg:$0x0];
	s2 =	stileid.u32  }
0x200: {  	s1 =	rddreg [dreg:$0x1];
	p0 =	sne.s32 s2, $0x0  }
0x201: {  	s3 =	rddreg [dreg:$0x2];
	[bflag:$0x3] =	sbarrier.arrive $0xFFFF;
	s2 =	simm.s32 @!p0 $0x1C05  }
0x202: {  	[timem:s3], [sflag:s2] =	dma.local @!p0 [hbm:s0], s1  }
0x203: {  	s0 =	simm.s32 @!p0 $0x5  }
0x204: {  	_ =	swait.ge @!p0 [sflag:s0], s1  }
0x205: {  	s1 =	ssub.s32 @!p0 $0x0, s1;
	[sflag:s0] =	ssyncset.done @!p0 $0x0  }
0x206: {  	[sflag:s0] =	ssyncadd.s32 @!p0 s1  }
0x207: {  	[bflag:$0x3] =	sbarrier.arrive $0xFFFF  }
0x208: {  	_ =	shalt  }

// kernel: kernel.14.cloned.1.call-start
scs
__scs_entry_jumppad:
0x0: {  	(pc) =	sbr.rel $0x88, $3  }
0x1: {  	(tag) =	ssettag $0x0;
	lr =	simm.s32 $0x1  }
0x2: {  	[smem:$0x3F95] =	sst lr;
	_ =	strace $0xD0000000  }
0x3: {  	_ = 	snop  }
0x4: {  	_ = 	snop  }
0x5: {  	_ = 	snop  }
0x6: {  	_ = 	snop  }
0x7: {  	_ = 	snop  }
__scs_overlays_trampoline_lowered:
0x8: {  	[smem:$0x3FA4] =	sst s0  }
0x9: {  	[smem:$0x3FA5] =	sst s1  }
0xa: {  	[smem:$0x3FA6] =	sst s2  }
0xb: {  	[smem:$0x3FA7] =	sst s3  }
0xc: {  	[smem:$0x3FA8] =	sst s4  }
0xd: {  	[smem:$0x3FA9] =	sst s5  }
0xe: {  	[smem:$0x3FAA] =	sst s6  }
0xf: {  	[smem:$0x3FAB] =	sst s7  }
0x10: {  	[smem:$0x3FAC] =	sst s8  }
0x11: {  	[smem:$0x3FAD] =	sst s9;
	s0 =	simm.s32 @!p0 $0x0  }
0x12: {  	s1 =	sld [smem:$0x3F93];
	s0 =	simm.s32 @p0 $0x1  }
0x13: {  	[smem:$0x3FAE] =	sst s0;
	s0 =	simm.s32 @!p1 $0x0  }
0x14: {  	s2 =	sld [smem:$0x3F92];
	s0 =	simm.s32 @p1 $0x1  }
0x15: {  	[smem:$0x3FAF] =	sst s0;
	s0 =	simm.s32 @!p2 $0x0  }
0x16: {  	s3 =	sld [smem:$0x3FDB];
	s0 =	simm.s32 @p2 $0x1  }
0x17: {  	s4 =	simm.s32 $0x1BF5;
	[smem:$0x3FB1] =	sst s0  }
0x18: {  	s0 =	sld [smem:$0x3F94];
	_ =	swait.ge [sflag:s4], $0x0  }
0x19: {  	s7 =	sld [smem:$0x3F95]  }
0x1a: {  	s8 =	sadd.s32 $0xFFFFE003, lr  }
0x1b: {  	s9 =	sadd.s32 $0xFFFFFEF7, lr;
	s5 =	simm.s32 $0xFFFFFFFF;
	p2 =	slt.u32 s8, $0xFFFFF086  }
0x1c: {  	p1 =	slt.u32 s9, $0xF7A;
	s5 =	simm.s32 @!p2 $0x0  }
0x1d: {  	s5 =	simm.s32 @p1 $0x1;
	p0 =	seq.s32 s7, s2  }
0x1e: {  	s7 =	smul.u32 @!p0 $0xF7A, s2;
	p2 =	seq.s32 @!p0 s5, $0x0  }
0x1f: {  	s9 =	smul.u32 $0xF7A, s1;
	s8 =	simm.s32 @!p0 $0x1BF5;
	p2 =	por !p2, p0  }
0x20: {  	[sflag:s8] =	ssyncset.s32 @!p0 $0xFFFFF086;
	s6 =	sadd.s32 @!p0 s3, s7;
	s7 =	simm.s32 @!p0 $0x108  }
0x21: {  	s3 =	sadd.s32 s3, s9;
	s6 =	sadd.s32 @!p0 $0x88, s6;
	s7 =	simm.s32 @p2 $0x1082  }
0x22: {  	[simem:s7], [sflag:s8] =	dma.local @!p0 [hbm:s6], $0xF7A  }
0x23: {  	s9 =	sor.u32 $0xD0000000, s2;
	s6 =	simm.s32 $0x108;
	_ =	swait.ge @!p0 [sflag:s8], $0x0  }
0x24: {  	s3 =	sadd.s32 $0x88, s3;
	s6 =	simm.s32 @!p1 $0x1082;
	[sflag:s4] =	ssyncset.s32 $0xFFFFF086  }
0x25: {  	[simem:s6], [sflag:s4] =	dma.local [hbm:s3], $0xF7A  }
0x26: {  	[smem:$0x3F95] =	sst s1;
	(tag) =	ssettag s2;
	_ =	strace s9  }
0x27: {  	s1 =	sld [smem:$0x3FA5]  }
0x28: {  	s2 =	sld [smem:$0x3FA6]  }
0x29: {  	s4 =	sld [smem:$0x3FA8]  }
0x2a: {  	p0 =	seq.s32 s5, $0x0;
	s5 =	sld [smem:$0x3FA9]  }
0x2b: {  	s6 =	sld [smem:$0x3FAA]  }
0x2c: {  	s7 =	sld [smem:$0x3FAB]  }
0x2d: {  	s3 =	simm.s32 $0x108;
	s8 =	sld [smem:$0x3FAC]  }
0x2e: {  	s3 =	simm.s32 @!p0 $0x1082;
	s9 =	sld [smem:$0x3FAD]  }
0x2f: {  	lr =	sadd.s32 s0, s3;
	s0 =	sld [smem:$0x3FA4]  }
0x30: {  	s3 =	sld [smem:$0x3FA7]  }
0x31: {  	[smem:$0x3FB0] =	sst s10  }
0x32: {  	s10 =	sld [smem:$0x3FAE];
	_ =	sdelay $0x3  }
0x33: {  	p0 =	seq.s32 s10, $0x1;
	s10 =	sld [smem:$0x3FB0];
	_ =	sdelay $0x3  }
0x34: {  	[smem:$0x3FB0] =	sst s10  }
0x35: {  	s10 =	sld [smem:$0x3FAF];
	_ =	sdelay $0x3  }
0x36: {  	p1 =	seq.s32 s10, $0x1;
	s10 =	sld [smem:$0x3FB0];
	_ =	sdelay $0x3  }
0x37: {  	[smem:$0x3FB0] =	sst s10  }
0x38: {  	s10 =	sld [smem:$0x3FB1]  }
0x39: {  	_ = 	snop;
	(pc) =	sbr.ind lr, $3  }
0x3a: {  	_ = 	snop  }
0x3b: {  	_ = 	snop  }
0x3c: {  	p2 =	seq.s32 s10, $0x1;
	s10 =	sld [smem:$0x3FB0]  }
0x3d: {  	_ =	shalt  }
0x3e: {  	_ =	shalt  }
0x3f: {  	_ =	shalt  }
0x40: {  	_ =	shalt  }
0x41: {  	_ =	shalt  }
0x42: {  	_ =	shalt  }
0x43: {  	_ =	shalt  }
0x44: {  	_ =	shalt  }
0x45: {  	_ =	shalt  }
0x46: {  	_ =	shalt  }
0x47: {  	_ =	shalt  }
0x48: {  	_ =	shalt  }
0x49: {  	_ =	shalt  }
0x4a: {  	_ =	shalt  }
0x4b: {  	_ =	shalt  }
0x4c: {  	_ =	shalt  }
0x4d: {  	_ =	shalt  }
0x4e: {  	_ =	shalt  }
0x4f: {  	_ =	shalt  }
0x50: {  	_ =	shalt  }
0x51: {  	_ =	shalt  }
0x52: {  	_ =	shalt  }
0x53: {  	_ =	shalt  }
0x54: {  	_ =	shalt  }
0x55: {  	_ =	shalt  }
0x56: {  	_ =	shalt  }
0x57: {  	_ =	shalt  }
0x58: {  	_ =	shalt  }
0x59: {  	_ =	shalt  }
0x5a: {  	_ =	shalt  }
0x5b: {  	_ =	shalt  }
0x5c: {  	_ =	shalt  }
0x5d: {  	_ =	shalt  }
0x5e: {  	_ =	shalt  }
0x5f: {  	_ =	shalt  }
0x60: {  	_ =	shalt  }
0x61: {  	_ =	shalt  }
0x62: {  	_ =	shalt  }
0x63: {  	_ =	shalt  }
0x64: {  	_ =	shalt  }
0x65: {  	_ =	shalt  }
0x66: {  	_ =	shalt  }
0x67: {  	_ =	shalt  }
0x68: {  	_ =	shalt  }
0x69: {  	_ =	shalt  }
0x6a: {  	_ =	shalt  }
0x6b: {  	_ =	shalt  }
0x6c: {  	_ =	shalt  }
0x6d: {  	_ =	shalt  }
0x6e: {  	_ =	shalt  }
0x6f: {  	_ =	shalt  }
0x70: {  	_ =	shalt  }
0x71: {  	_ =	shalt  }
0x72: {  	_ =	shalt  }
0x73: {  	_ =	shalt  }
0x74: {  	_ =	shalt  }
0x75: {  	_ =	shalt  }
0x76: {  	_ =	shalt  }
0x77: {  	_ =	shalt  }
0x78: {  	_ =	shalt  }
0x79: {  	_ =	shalt  }
0x7a: {  	_ =	shalt  }
0x7b: {  	_ =	shalt  }
0x7c: {  	_ =	shalt  }
0x7d: {  	_ =	shalt  }
0x7e: {  	_ =	shalt  }
0x7f: {  	_ =	shalt  }
0x80: {  	_ =	shalt  }
0x81: {  	_ =	shalt  }
0x82: {  	_ =	shalt  }
0x83: {  	_ =	shalt  }
0x84: {  	_ =	shalt  }
0x85: {  	_ =	shalt  }
0x86: {  	_ =	shalt  }
0x87: {  	_ =	shalt  }
.Lfunc_end0:
.L_simem_size_0:
called_computation.1_lowered:
.L_overlay_start_0:
0x88: {  	s2 =	sld [smem:$0x3FD9]  }
0x89: {  	s3 =	sld [smem:$0x3FFE];
	_ =	sdelay $0x1  }
0x8a: {  	s1 =	srdreg.scid  }
0x8b: {  	s0 =	sand.u32 $0x1, s1  }
0x8c: {  	s16 =	sshll.u32 s0, $0xA;
	s2 =	sadd.s32 s3, s2  }
0x8d: {  	s2 =	sadd.s32 s2, s16  }
0x8e: {  	[smem:$0x3FBC] =	sst s2  }
0x8f: {  	_ = 	snop  }
0x90: {  	(tm) =	ssettm $0x1  }
0x91: {  	s17 =	sld [smem:$0x3FFB];
	_ =	sdelay $0x3  }
0x92: {  	_ =	strace s17  }
0x93: {  	s2 =	sld [smem:$0x3FFC];
	_ =	sdelay $0x3  }
0x94: {  	_ =	strace s2  }
0x95: {  	s2 =	sld [smem:$0x3FFD];
	_ =	sdelay $0x3  }
0x96: {  	_ =	strace s2  }
0x97: {  	_ =	strace $0x8FFFFFFF  }
0x98: {  	s18 =	sld [smem:$0x3FDB];
	_ =	sdelay $0x1  }
0x99: {  	s19 =	simm.s32 $_scs_section_size  }
0x9a: {  	s4 =	simm.s32 $_size__tile_overlayer_lowered;
	s5 =	simm.s32 $_tile_overlayer_lowered  }
0x9b: {  	s22 =	simm.s32 $0x1BFF;
	s21 =	sshll.u32 s5, $0x1;
	s2 =	sadd.s32 s19, s18  }
0x9c: {  	s6 =	simm.s32 $0x0;
	s20 =	sshll.u32 s4, $0x1;
	s4 =	sadd.s32 s21, s2  }
0x9d: {  	[timem:s6], [sflag:s22] =	dma.local [hbm:s4], s20  }
0x9e: {  	_ =	swait.ge [sflag:s22], s20  }
0x9f: {  	s3 =	ssub.s32 $0x0, s20;
	[sflag:s22] =	ssyncset.done $0x0  }
0xa0: {  	[sflag:s22] =	ssyncadd.s32 s3;
	_ =	sdelay $0x1  }
0xa1: {  	s23 =	simm.s32 $0x1B8B  }
0xa2: {  	_ =	swait.ge [sflag:s23], $0x1  }
0xa3: {  	[sflag:s23] =	ssyncset.done $0x0  }
0xa4: {  	s25 =	simm.s32 $0x1B8E;
	s24 =	sld [smem:$0x3FFE];
	[sflag:s23] =	ssyncadd.s32 $0xFFFFFFFF  }
0xa5: {  	s26 =	simm.s32 $execute0_lowered;
	[smem:$0x3FD2] =	sst s25  }
0xa6: {  	s4 =	sshll.u32 s26, $0x1;
	_ =	strace $0x80000049;
	[dreg:$0x1] =	wrdreg $0xFFFFFFFF  }
0xa7: {  	s28 =	simm.s32 $_size_execute0_lowered;
	s2 =	sadd.s32 s2, s4;
	[dreg:$0x0] =	wrdreg $0x0  }
0xa8: {  	s4 =	sshll.u32 s28, $0x1;
	[dreg:$0x2] =	wrdreg s2  }
0xa9: {  	[dreg:$0x3] =	wrdreg s4  }
0xaa: {  	[dreg:$0x4] =	wrdreg $0xC0  }
0xab: {  	_ =	task [dreg:s6], $0x5FFFF  }
0xac: {  	[dreg:$0x1] =	wrdreg $0xFFFFFFFF  }
0xad: {  	[dreg:$0x0] =	wrdreg $0x60  }
0xae: {  	[dreg:$0x2] =	wrdreg s24  }
0xaf: {  	[dreg:$0x3] =	wrdreg $0x0  }
0xb0: {  	[dreg:$0x4] =	wrdreg $0x9  }
0xb1: {  	_ =	task.clear_ibuf [dreg:s6], $0x5FFFF;
	_ =	strace $0x90000049  }
0xb2: {  	s29 =	simm.s32 $0x9;
	_ =	strace $0x8000004B  }
0xb3: {  	_ =	swait.ge [sflag:s29], $0x1  }
0xb4: {  	[sflag:s29] =	ssyncadd.s32 $0xFFFFFFFF  }
0xb5: {  	_ =	strace $0x9000004B  }
0xb6: {  	_ =	sfence  }
0xb7: {  	s30 =	sld [smem:$0x0];
	_ =	sdelay $0x2  }
0xb8: {  	s31 =	sshll.u32 s1, $0xD;
	s1 =	sshrl.u32 s1, $0x2  }
0xb9: {  	s3 =	sand.u32 $0x4000, s31;
	s1 =	sadd.s32 s1, s30  }
0xba: {  	s0 =	sor.u32 s3, s0;
	s1 =	sshll.u32 s1, $0x11  }
0xbb: {  	s0 =	sor.u32 s1, s0  }
0xbc: {  	s0 =	sadd.s32 $0x8F2B, s0  }
0xbd: {  	[sflag:s0] =	ssyncadd.remote.s32 $0x1  }
0xbe: {  	_ =	sfence.sel $0xFFFF  }
0xbf: {  	[dreg:$0x0] =	wrdreg $0xFFFFFFFF;
	(pc) =	sbr.abs _section_cstart, $3  }
0xc0: {  	[dreg:$0x1] =	wrdreg $0xFFFFFFFF  }
0xc1: {  	_ =	task.clear_ibuf [dreg:s6], $0x2FFFF;
	_ =	strace $0x9FFFFFFF  }
0xc2: {  	(tm) =	ssettm $0x7FFFFFFF  }
0xc3: {  	_ =	shalt  }
tec
execute0_lowered:
.L_overlay_start_1:
0x0: {  	(tag) =	ssettag $0x1  }
0x1: {  	s0 =	srdreg.scid;
	s1 =	rddreg [dreg:$0x0]  }
0x2: {  	s11 =	stileid.u32;
	s2 =	rddreg [dreg:$0x1]  }
0x3: {  	s3 =	simm.s32 $0x0;
	s12 =	simm.s32 $0x187A0;
	s13 =	simm.s32 $0x19120  }
0x4: {  	s14 =	simm.s32 $0x18820;
	s15 =	simm.s32 $0x191A0;
	[smem:$0x7FF] =	sst s3  }
0x5: {  	s16 =	simm.s32 $0x188A0;
	_ =	strace $0x8000004A;
	[dreg:$0x6] =	wrdreg s12  }
0x6: {  	s17 =	simm.s32 $0x19220;
	s18 =	simm.s32 $0x18920;
	[dreg:$0x7] =	wrdreg s13  }
0x7: {  	s19 =	simm.s32 $0x192A0;
	s28 =	simm.s32 $0x9;
	[dreg:$0x8] =	wrdreg s14  }
0x8: {  	s29 =	simm.s32 $0x186A0;
	s5 =	smul.u32 $0x6400, s11;
	[dreg:$0x9] =	wrdreg s15  }
0x9: {  	s30 =	simm.s32 $0x190A0;
	s7 =	smul.u32 $0x19000, s11;
	[dreg:$0xa] =	wrdreg s16  }
0xa: {  	s0 =	sand.u32 $0x1, s0;
	s10 =	smul.u32 $0x64000, s11;
	[dreg:$0xb] =	wrdreg s17  }
0xb: {  	p0 =	seq.s32 s11, $0xF;
	s4 =	smul.u32 $0x64000, s0;
	[dreg:$0xc] =	wrdreg s18  }
0xc: {  	s11 =	simm.s32 $0x18C20;
	s20 =	smul.u32 $0x186A00, s0;
	[dreg:$0xd] =	wrdreg s19  }
0xd: {  	s0 =	ssub.s32 $0x2, s0;
	[dreg:$0x18] =	wrdreg s11;
	s18 =	simm.s32 $0x19620  }
0xe: {  	s19 =	simm.s32 $0x18D20;
	s8 =	sshrl.u32 s0, $0x1;
	[dreg:$0x1b] =	wrdreg s18  }
0xf: {  	s22 =	sshrl.u32 s10, $0x2;
	s10 =	simm.s32 $0x18720;
	[dreg:$0x1c] =	wrdreg s19  }
0x10: {  	s4 =	sadd.s32 s5, s4;
	s9 =	sadd.s32 s7, s20;
	s5 =	sshrl.u32 s20, $0x3  }
0x11: {  	s8 =	ssub.s32 s0, s8;
	[dreg:$0x5] =	wrdreg s10;
	s20 =	simm.s32 $0x189A0  }
0x12: {  	s0 =	sadd.s32 s7, s2;
	s7 =	sadd.s32 $0x177000, s2;
	[dreg:$0xe] =	wrdreg s20  }
0x13: {  	s31 =	simm.s32 $0x7D;
	s23 =	smax.u32 s8, $0x1;
	[smem:$0x7FB] =	sst s7  }
0x14: {  	s8 =	sadd.s32 s22, s2;
	s22 =	simm.s32 $0x18A20;
	[smem:$0x7E8] =	sst s23  }
0x15: {  	s11 =	simm.s32 $0x3;
	s20 =	simm.s32 $0x196A0;
	[dreg:$0x10] =	wrdreg s22  }
0x16: {  	s18 =	simm.s32 $0x198A0;
	s19 =	simm.s32 $0x18FA0;
	[dreg:$0x1d] =	wrdreg s20  }
0x17: {  	s6 =	sshrl.u32 s4, $0x3;
	s0 =	sshrl.u32 @!p0 s0, $0x3;
	[smem:$0x7F9] =	sst s8  }
0x18: {  	s4 =	sadd.s32 $0x1F600, s1;
	s24 =	sadd.s32 $0x3200, s8;
	[smem:$0x7FD] =	sst s0  }
0x19: {  	s9 =	sshrl.u32 s9, $0x3;
	s26 =	sadd.s32 $0x4B00, s8;
	[smem:$0x7EA] =	sst s24  }
0x1a: {  	s6 =	sadd.s32 s6, s1;
	s23 =	simm.s32 $0x193A0;
	[smem:$0x7EB] =	sst s26  }
0x1b: {  	s1 =	sadd.s32 $0x73A00, s1;
	s22 =	simm.s32 $0x19720;
	[dreg:$0x11] =	wrdreg s23  }
0x1c: {  	s10 =	sadd.s32 $0xE100, s8;
	s21 =	sadd.s32 s1, s9;
	[dreg:$0x1f] =	wrdreg s22  }
0x1d: {  	s12 =	sadd.s32 $0xFA00, s8;
	s25 =	sadd.s32 $0x2600, s6;
	[smem:$0x7E6] =	sst s21  }
0x1e: {  	s13 =	sadd.s32 $0x11300, s8;
	s9 =	sadd.s32 $0x6400, s8;
	[dreg:$0x3] =	wrdreg s25  }
0x1f: {  	s14 =	sadd.s32 $0x12C00, s8;
	s6 =	sadd.s32 $0x5AA00, s6;
	[smem:$0x7EC] =	sst s9  }
0x20: {  	s15 =	sadd.s32 $0x14500, s8;
	s24 =	simm.s32 $0x18AA0;
	[dreg:$0x4] =	wrdreg s6  }
0x21: {  	s16 =	sadd.s32 $0x15E00, s8;
	s26 =	simm.s32 $0x18B20;
	[dreg:$0x12] =	wrdreg s24  }
0x22: {  	s1 =	sadd.s32 s1, s5;
	s23 =	simm.s32 $0x18E20;
	[dreg:$0x14] =	wrdreg s26  }
0x23: {  	s17 =	sadd.s32 $0x17700, s8;
	s1 =	sadd.s32 $0x2EE00, s1;
	[smem:$0x7F6] =	sst s23  }
0x24: {  	s0 =	simm.s32 $0x1AA40;
	s21 =	simm.s32 $0x19320;
	[smem:$0x7E7] =	sst s1  }
0x25: {  	s20 =	simm.s32 $0x19920;
	s25 =	simm.s32 $0x19420;
	[dreg:$0xf] =	wrdreg s21  }
0x26: {  	s5 =	sadd.s32 $0x178900, s2;
	s24 =	simm.s32 $0x197A0;
	[dreg:$0x13] =	wrdreg s25  }
0x27: {  	s22 =	simm.s32 $0x199A0;
	s26 =	sadd.s32 $0x7D00, s8;
	[smem:$0x7F7] =	sst s24  }
0x28: {  	s6 =	sadd.s32 $0xAF00, s8;
	s1 =	sadd.s32 $0x1900, s8;
	[smem:$0x7FA] =	sst s26  }
0x29: {  	s9 =	sadd.s32 $0xC800, s8;
	s6 =	smov.u32 @p0 s5;
	[smem:$0x7E9] =	sst s1  }
0x2a: {  	s5 =	sadd.s32 $0x17A200, s2;
	s21 =	simm.s32 $0x18DA0;
	[smem:$0x7ED] =	sst s6  }
0x2b: {  	s25 =	simm.s32 $0x18EA0;
	s24 =	simm.s32 $0x19A20;
	[dreg:$0x1e] =	wrdreg s21  }
0x2c: {  	s9 =	smov.u32 @p0 s5;
	s5 =	sadd.s32 $0x17BB00, s2;
	[smem:$0x7F8] =	sst s25  }
0x2d: {  	s6 =	simm.s32 $0x194A0;
	s1 =	simm.s32 $0x19AA0;
	[smem:$0x7EE] =	sst s9  }
0x2e: {  	s21 =	simm.s32 $0x19020;
	s10 =	smov.u32 @p0 s5;
	[dreg:$0x15] =	wrdreg s6  }
0x2f: {  	s5 =	sadd.s32 $0x17D400, s2;
	s9 =	simm.s32 $0x18BA0;
	[smem:$0x7EF] =	sst s10  }
0x30: {  	s25 =	simm.s32 $0x0;
	s12 =	smov.u32 @p0 s5;
	[dreg:$0x16] =	wrdreg s9  }
0x31: {  	s10 =	simm.s32 $0x19520;
	s5 =	sadd.s32 $0x17ED00, s2;
	[smem:$0x7F0] =	sst s12  }
0x32: {  	s6 =	simm.s32 $0x1B9E0;
	[dreg:$0x17] =	wrdreg s10;
	s13 =	smov.u32 @p0 s5  }
0x33: {  	s12 =	simm.s32 $0x195A0;
	s5 =	sadd.s32 $0x180600, s2;
	[smem:$0x7F1] =	sst s13  }
0x34: {  	s10 =	simm.s32 $0x1C980;
	[dreg:$0x19] =	wrdreg s12;
	s14 =	smov.u32 @p0 s5  }
0x35: {  	s13 =	simm.s32 $0x18CA0;
	s5 =	sadd.s32 $0x181F00, s2;
	[smem:$0x7F2] =	sst s14  }
0x36: {  	s12 =	simm.s32 $0x5;
	[dreg:$0x1a] =	wrdreg s13;
	s15 =	smov.u32 @p0 s5  }
0x37: {  	s5 =	sadd.s32 $0x183800, s2;
	s13 =	simm.s32 $0x4;
	s14 =	simm.s32 $0x7  }
0x38: {  	[smem:$0x7F3] =	sst s15;
	s16 =	smov.u32 @p0 s5;
	s5 =	sadd.s32 $0x185100, s2  }
0x39: {  	s15 =	simm.s32 $0x8;
	[smem:$0x7F4] =	sst s16;
	s17 =	smov.u32 @p0 s5  }
0x3a: {  	s5 =	sadd.s32 $0x9600, s8;
	s8 =	simm.s32 $0x2;
	s16 =	simm.s32 $0x19820  }
0x3b: {  	[smem:$0x7F5] =	sst s17;
	s5 =	smov.u32 @p0 s7;
	s7 =	simm.s32 $0x6  }
0x3c: {  	v0 =	vimm.f32 $0.0e+00;
	s17 =	simm.s32 $0x18F20;
	[smem:$0x7FC] =	sst s5;
	s5 =	simm.s32 $0x1  }
.LBB2_1:
0x3d: {  	[smem:$0x7E5] =	sst s25;
	s9 =	simm.s32 $0x80;
	s23 =	simm.s32 $0x0  }
.LBB2_2:
0x3e: {  	p1 =	sne.s32 s9, $0x6380;
	[tilespmem:s23+$0x1D920] =	vst v0;
	s26 =	smov.u32 s9;
	s9 =	sadd.s32 $0x80, s9  }
.Ltmp0:
0x3f: {  	[tilespmem:s23+$0x1D930] =	vst v0;
	(pc) =	sbr.rel @p1 .LBB2_2-.Ltmp0, $2  }
0x40: {  	_ =	sdelay $0x2  }
0x41: {  	s23 =	sshra.s32 s26, $0x2  }
0x42: {  	[tilespmem:s23+$0x1D920] =	vst v0  }
0x43: {  	[tilespmem:s23+$0x1D930] =	vst v0;
	s23 =	sld [smem:$0x7F9];
	_ =	sdelay $0x1  }
0x44: {  	s9 =	simm.s32 @!p0 $0x1D920  }
0x45: {  	[spmem:s23] =	stream.linear.scatter @!p0 [tilespmem:s9], [sflag:$0x9], $0x1900, $0x38;
	[tilespmem:$0x1F220] =	vst v63  }
0x46: {  	s23 =	simm.s32 @!p0 $0x9  }
0x47: {  	_ =	swait.ge @!p0 [sflag:s23], $0x1900  }
0x48: {  	s25 =	sld [smem:$0x7E9]  }
0x49: {  	[sflag:s23] =	ssyncset.done @!p0 $0x0  }
0x4a: {  	[sflag:s23] =	ssyncadd.s32 @!p0 $0xFFFFE700  }
0x4b: {  	[spmem:s25] =	stream.linear.scatter @!p0 [tilespmem:s9], [sflag:$0x9], $0x1900, $0x38;
	[tilespmem:$0x1F220] =	vst v63  }
0x4c: {  	_ =	swait.ge @!p0 [sflag:s23], $0x1900  }
0x4d: {  	s25 =	sld [smem:$0x7EA]  }
0x4e: {  	[sflag:s23] =	ssyncset.done @!p0 $0x0  }
0x4f: {  	[sflag:s23] =	ssyncadd.s32 @!p0 $0xFFFFE700  }
0x50: {  	[spmem:s25] =	stream.linear.scatter @!p0 [tilespmem:s9], [sflag:$0x9], $0x1900, $0x38;
	[tilespmem:$0x1F220] =	vst v63  }
0x51: {  	_ =	swait.ge @!p0 [sflag:s23], $0x1900  }
0x52: {  	s25 =	sld [smem:$0x7EB]  }
0x53: {  	[sflag:s23] =	ssyncset.done @!p0 $0x0  }
0x54: {  	[sflag:s23] =	ssyncadd.s32 @!p0 $0xFFFFE700  }
0x55: {  	[spmem:s25] =	stream.linear.scatter @!p0 [tilespmem:s9], [sflag:$0x9], $0x1900, $0x38;
	[tilespmem:$0x1F220] =	vst v63  }
0x56: {  	_ =	swait.ge @!p0 [sflag:s23], $0x1900  }
0x57: {  	s25 =	sld [smem:$0x7EC]  }
0x58: {  	[sflag:s23] =	ssyncset.done @!p0 $0x0  }
0x59: {  	[sflag:s23] =	ssyncadd.s32 @!p0 $0xFFFFE700  }
0x5a: {  	[spmem:s25] =	stream.linear.scatter @!p0 [tilespmem:s9], [sflag:$0x9], $0x1900, $0x38;
	[tilespmem:$0x1F220] =	vst v63  }
0x5b: {  	_ =	swait.ge @!p0 [sflag:s23], $0x1900  }
0x5c: {  	s25 =	sld [smem:$0x7FA]  }
0x5d: {  	[sflag:s23] =	ssyncset.done @!p0 $0x0  }
0x5e: {  	[sflag:s23] =	ssyncadd.s32 @!p0 $0xFFFFE700  }
0x5f: {  	[spmem:s25] =	stream.linear.scatter @!p0 [tilespmem:s9], [sflag:$0x9], $0x1900, $0x38;
	[tilespmem:$0x1F220] =	vst v63  }
0x60: {  	_ =	swait.ge @!p0 [sflag:s23], $0x1900  }
0x61: {  	s25 =	sld [smem:$0x7FC]  }
0x62: {  	[sflag:s23] =	ssyncset.done @!p0 $0x0  }
0x63: {  	[sflag:s23] =	ssyncadd.s32 @!p0 $0xFFFFE700;
	s23 =	simm.s32 $0x1D920  }
0x64: {  	[spmem:s25] =	stream.linear.scatter [tilespmem:s23], [sflag:$0x9], $0x1900, $0x38;
	[tilespmem:$0x1F220] =	vst v63  }
0x65: {  	_ =	swait.ge [sflag:s28], $0x1900  }
0x66: {  	s26 =	sld [smem:$0x7ED]  }
0x67: {  	[sflag:s28] =	ssyncset.done $0x0  }
0x68: {  	[sflag:s28] =	ssyncadd.s32 $0xFFFFE700  }
0x69: {  	[spmem:s26] =	stream.linear.scatter [tilespmem:s23], [sflag:$0x9], $0x1900, $0x38;
	[tilespmem:$0x1F220] =	vst v63  }
0x6a: {  	_ =	swait.ge [sflag:s28], $0x1900  }
0x6b: {  	s25 =	sld [smem:$0x7EE]  }
0x6c: {  	[sflag:s28] =	ssyncset.done $0x0  }
0x6d: {  	[sflag:s28] =	ssyncadd.s32 $0xFFFFE700  }
0x6e: {  	[spmem:s25] =	stream.linear.scatter [tilespmem:s23], [sflag:$0x9], $0x1900, $0x38;
	[tilespmem:$0x1F220] =	vst v63  }
0x6f: {  	_ =	swait.ge [sflag:s28], $0x1900  }
0x70: {  	s26 =	sld [smem:$0x7EF]  }
0x71: {  	[sflag:s28] =	ssyncset.done $0x0  }
0x72: {  	[sflag:s28] =	ssyncadd.s32 $0xFFFFE700  }
0x73: {  	[spmem:s26] =	stream.linear.scatter [tilespmem:s23], [sflag:$0x9], $0x1900, $0x38;
	[tilespmem:$0x1F220] =	vst v63  }
0x74: {  	_ =	swait.ge [sflag:s28], $0x1900  }
0x75: {  	s25 =	sld [smem:$0x7F0]  }
0x76: {  	[sflag:s28] =	ssyncset.done $0x0  }
0x77: {  	[sflag:s28] =	ssyncadd.s32 $0xFFFFE700  }
0x78: {  	[spmem:s25] =	stream.linear.scatter [tilespmem:s23], [sflag:$0x9], $0x1900, $0x38;
	[tilespmem:$0x1F220] =	vst v63  }
0x79: {  	_ =	swait.ge [sflag:s28], $0x1900  }
0x7a: {  	s26 =	sld [smem:$0x7F1]  }
0x7b: {  	[sflag:s28] =	ssyncset.done $0x0  }
0x7c: {  	[sflag:s28] =	ssyncadd.s32 $0xFFFFE700  }
0x7d: {  	[spmem:s26] =	stream.linear.scatter [tilespmem:s23], [sflag:$0x9], $0x1900, $0x38;
	[tilespmem:$0x1F220] =	vst v63  }
0x7e: {  	_ =	swait.ge [sflag:s28], $0x1900  }
0x7f: {  	s25 =	sld [smem:$0x7F2]  }
0x80: {  	[sflag:s28] =	ssyncset.done $0x0  }
0x81: {  	[sflag:s28] =	ssyncadd.s32 $0xFFFFE700  }
0x82: {  	[spmem:s25] =	stream.linear.scatter [tilespmem:s23], [sflag:$0x9], $0x1900, $0x38;
	[tilespmem:$0x1F220] =	vst v63  }
0x83: {  	_ =	swait.ge [sflag:s28], $0x1900  }
0x84: {  	s26 =	sld [smem:$0x7F3]  }
0x85: {  	[sflag:s28] =	ssyncset.done $0x0  }
0x86: {  	[sflag:s28] =	ssyncadd.s32 $0xFFFFE700  }
0x87: {  	[spmem:s26] =	stream.linear.scatter [tilespmem:s23], [sflag:$0x9], $0x1900, $0x38;
	[tilespmem:$0x1F220] =	vst v63  }
0x88: {  	_ =	swait.ge [sflag:s28], $0x1900  }
0x89: {  	s25 =	sld [smem:$0x7F4]  }
0x8a: {  	[sflag:s28] =	ssyncset.done $0x0  }
0x8b: {  	[sflag:s28] =	ssyncadd.s32 $0xFFFFE700  }
0x8c: {  	[spmem:s25] =	stream.linear.scatter [tilespmem:s23], [sflag:$0x9], $0x1900, $0x38;
	[tilespmem:$0x1F220] =	vst v63  }
0x8d: {  	_ =	swait.ge [sflag:s28], $0x1900  }
0x8e: {  	s26 =	sld [smem:$0x7F5]  }
0x8f: {  	[sflag:s28] =	ssyncset.done $0x0  }
0x90: {  	[sflag:s28] =	ssyncadd.s32 $0xFFFFE700  }
0x91: {  	[spmem:s26] =	stream.linear.scatter [tilespmem:s23], [sflag:$0x9], $0x1900, $0x38;
	[tilespmem:$0x1F220] =	vst v63  }
0x92: {  	_ =	swait.ge [sflag:s28], $0x1900  }
0x93: {  	[sflag:s28] =	ssyncset.done $0x0  }
0x94: {  	[sflag:s28] =	ssyncadd.s32 $0xFFFFE700  }
0x95: {  	[bflag:$0x0] =	sbarrier.arrive $0xFFFF  }
0x96: {  	s23 =	rddreg [dreg:$0x4]  }
0x97: {  	s9 =	sadd.s32 $0x0, s23  }
0x98: {  	[tilespmem:s29], [sflag:$0x9] =	stream.linear.gather [hbm4b:s9+s3], $0xA00, $0x38;
	[tilespmem:$0x1F220] =	vst v63  }
0x99: {  	_ =	swait.ge [sflag:s28], $0xA00  }
0x9a: {  	s25 =	rddreg [dreg:$0x3];
	[sflag:s28] =	ssyncset.done $0x0  }
0x9b: {  	[sflag:s28] =	ssyncadd.s32 $0xFFFFF600;
	s9 =	sadd.s32 $0x0, s25  }
0x9c: {  	[tilespmem:s30], [sflag:$0x9] =	stream.linear.gather [hbm4b:s9+s3], $0xA00, $0x38;
	[tilespmem:$0x1F220] =	vst v63  }
0x9d: {  	_ =	swait.ge [sflag:s28], $0xA00  }
0x9e: {  	[sflag:s28] =	ssyncset.done $0x0  }
0x9f: {  	[sflag:s28] =	ssyncadd.s32 $0xFFFFF600  }
0xa0: {  	[tilespmem:s1], [sflag:$0x1] =	stream.indirect.gather [hbm4b:s4+s31], $0x20, s29, s31, $0xb8;
	[tilespmem:$0x1F220] =	vst v63  }
0xa1: {  	s26 =	rddreg [dreg:$0x5]  }
0xa2: {  	[tilespmem:s0], [sflag:$0x2] =	stream.indirect.gather [hbm4b:s4+s31], $0x20, s26, s31, $0xb8;
	[tilespmem:$0x1F220] =	vst v63  }
0xa3: {  	_ =	swait.ge [sflag:s5], $0xFA0  }
0xa4: {  	[sflag:s5] =	ssyncset.done $0x0  }
0xa5: {  	[sflag:s5] =	ssyncadd.s32 $0xFFFFF060  }
0xa6: {  	[spmem:s2] =	stream.indirect.scatter.add.f32 [tilespmem:s1], [sflag:$0x5], $0x20, s30, s31, $0xb8;
	[tilespmem:$0x1F220] =	vst v63  }
0xa7: {  	s23 =	rddreg [dreg:$0x6]  }
0xa8: {  	[tilespmem:s6], [sflag:$0x3] =	stream.indirect.gather [hbm4b:s4+s31], $0x20, s23, s31, $0xb8;
	[tilespmem:$0x1F220] =	vst v63  }
0xa9: {  	_ =	swait.ge [sflag:s8], $0xFA0  }
0xaa: {  	[sflag:s8] =	ssyncset.done $0x0  }
0xab: {  	s25 =	rddreg [dreg:$0x7];
	[sflag:s8] =	ssyncadd.s32 $0xFFFFF060  }
0xac: {  	[spmem:s2] =	stream.indirect.scatter.add.f32 [tilespmem:s0], [sflag:$0x6], $0x20, s25, s31, $0xb8;
	[tilespmem:$0x1F220] =	vst v63  }
0xad: {  	s26 =	rddreg [dreg:$0x8]  }
0xae: {  	[tilespmem:s10], [sflag:$0x4] =	stream.indirect.gather [hbm4b:s4+s31], $0x20, s26, s31, $0xb8;
	[tilespmem:$0x1F220] =	vst v63  }
0xaf: {  	_ =	swait.ge [sflag:s11], $0xFA0  }
0xb0: {  	[sflag:s11] =	ssyncset.done $0x0  }
0xb1: {  	s25 =	rddreg [dreg:$0x9];
	[sflag:s11] =	ssyncadd.s32 $0xFFFFF060  }
0xb2: {  	[spmem:s2] =	stream.indirect.scatter.add.f32 [tilespmem:s6], [sflag:$0x7], $0x20, s25, s31, $0xb8;
	[tilespmem:$0x1F220] =	vst v63  }
0xb3: {  	_ =	swait.ge [sflag:s12], $0xFA0  }
0xb4: {  	[sflag:s12] =	ssyncset.done $0x0  }
0xb5: {  	s26 =	rddreg [dreg:$0xa];
	[sflag:s12] =	ssyncadd.s32 $0xFFFFF060  }
0xb6: {  	[tilespmem:s1], [sflag:$0x1] =	stream.indirect.gather [hbm4b:s4+s31], $0x20, s26, s31, $0xb8;
	[tilespmem:$0x1F220] =	vst v63  }
0xb7: {  	_ =	swait.ge [sflag:s13], $0xFA0  }
0xb8: {  	[sflag:s13] =	ssyncset.done $0x0  }
0xb9: {  	s23 =	rddreg [dreg:$0xb];
	[sflag:s13] =	ssyncadd.s32 $0xFFFFF060  }
0xba: {  	[spmem:s2] =	stream.indirect.scatter.add.f32 [tilespmem:s10], [sflag:$0x8], $0x20, s23, s31, $0xb8;
	[tilespmem:$0x1F220] =	vst v63  }
0xbb: {  	_ =	swait.ge [sflag:s7], $0xFA0  }
0xbc: {  	[sflag:s7] =	ssyncset.done $0x0  }
0xbd: {  	s25 =	rddreg [dreg:$0xc];
	[sflag:s7] =	ssyncadd.s32 $0xFFFFF060  }
0xbe: {  	[tilespmem:s0], [sflag:$0x2] =	stream.indirect.gather [hbm4b:s4+s31], $0x20, s25, s31, $0xb8;
	[tilespmem:$0x1F220] =	vst v63  }
0xbf: {  	_ =	swait.ge [sflag:s5], $0xFA0  }
0xc0: {  	[sflag:s5] =	ssyncset.done $0x0  }
0xc1: {  	s26 =	rddreg [dreg:$0xd];
	[sflag:s5] =	ssyncadd.s32 $0xFFFFF060  }
0xc2: {  	[spmem:s2] =	stream.indirect.scatter.add.f32 [tilespmem:s1], [sflag:$0x5], $0x20, s26, s31, $0xb8;
	[tilespmem:$0x1F220] =	vst v63  }
0xc3: {  	_ =	swait.ge [sflag:s14], $0xFA0  }
0xc4: {  	[sflag:s14] =	ssyncset.done $0x0  }
0xc5: {  	s23 =	rddreg [dreg:$0xe];
	[sflag:s14] =	ssyncadd.s32 $0xFFFFF060  }
0xc6: {  	[tilespmem:s6], [sflag:$0x3] =	stream.indirect.gather [hbm4b:s4+s31], $0x20, s23, s31, $0xb8;
	[tilespmem:$0x1F220] =	vst v63  }
0xc7: {  	_ =	swait.ge [sflag:s8], $0xFA0  }
0xc8: {  	[sflag:s8] =	ssyncset.done $0x0  }
0xc9: {  	s25 =	rddreg [dreg:$0xf];
	[sflag:s8] =	ssyncadd.s32 $0xFFFFF060  }
0xca: {  	[spmem:s2] =	stream.indirect.scatter.add.f32 [tilespmem:s0], [sflag:$0x6], $0x20, s25, s31, $0xb8;
	[tilespmem:$0x1F220] =	vst v63  }
0xcb: {  	_ =	swait.ge [sflag:s15], $0xFA0  }
0xcc: {  	[sflag:s15] =	ssyncset.done $0x0  }
0xcd: {  	s26 =	rddreg [dreg:$0x10];
	[sflag:s15] =	ssyncadd.s32 $0xFFFFF060  }
0xce: {  	[tilespmem:s10], [sflag:$0x4] =	stream.indirect.gather [hbm4b:s4+s31], $0x20, s26, s31, $0xb8;
	[tilespmem:$0x1F220] =	vst v63  }
0xcf: {  	_ =	swait.ge [sflag:s11], $0xFA0  }
0xd0: {  	[sflag:s11] =	ssyncset.done $0x0  }
0xd1: {  	s23 =	rddreg [dreg:$0x11];
	[sflag:s11] =	ssyncadd.s32 $0xFFFFF060  }
0xd2: {  	[spmem:s2] =	stream.indirect.scatter.add.f32 [tilespmem:s6], [sflag:$0x7], $0x20, s23, s31, $0xb8;
	[tilespmem:$0x1F220] =	vst v63  }
0xd3: {  	_ =	swait.ge [sflag:s12], $0xFA0  }
0xd4: {  	[sflag:s12] =	ssyncset.done $0x0  }
0xd5: {  	s25 =	rddreg [dreg:$0x12];
	[sflag:s12] =	ssyncadd.s32 $0xFFFFF060  }
0xd6: {  	[tilespmem:s1], [sflag:$0x1] =	stream.indirect.gather [hbm4b:s4+s31], $0x20, s25, s31, $0xb8;
	[tilespmem:$0x1F220] =	vst v63  }
0xd7: {  	_ =	swait.ge [sflag:s13], $0xFA0  }
0xd8: {  	[sflag:s13] =	ssyncset.done $0x0  }
0xd9: {  	s26 =	rddreg [dreg:$0x13];
	[sflag:s13] =	ssyncadd.s32 $0xFFFFF060  }
0xda: {  	[spmem:s2] =	stream.indirect.scatter.add.f32 [tilespmem:s10], [sflag:$0x8], $0x20, s26, s31, $0xb8;
	[tilespmem:$0x1F220] =	vst v63  }
0xdb: {  	_ =	swait.ge [sflag:s7], $0xFA0  }
0xdc: {  	[sflag:s7] =	ssyncset.done $0x0  }
0xdd: {  	s23 =	rddreg [dreg:$0x14];
	[sflag:s7] =	ssyncadd.s32 $0xFFFFF060  }
0xde: {  	[tilespmem:s0], [sflag:$0x2] =	stream.indirect.gather [hbm4b:s4+s31], $0x20, s23, s31, $0xb8;
	[tilespmem:$0x1F220] =	vst v63  }
0xdf: {  	_ =	swait.ge [sflag:s5], $0xFA0  }
0xe0: {  	[sflag:s5] =	ssyncset.done $0x0  }
0xe1: {  	s25 =	rddreg [dreg:$0x15];
	[sflag:s5] =	ssyncadd.s32 $0xFFFFF060  }
0xe2: {  	[spmem:s2] =	stream.indirect.scatter.add.f32 [tilespmem:s1], [sflag:$0x5], $0x20, s25, s31, $0xb8;
	[tilespmem:$0x1F220] =	vst v63  }
0xe3: {  	_ =	swait.ge [sflag:s14], $0xFA0  }
0xe4: {  	[sflag:s14] =	ssyncset.done $0x0  }
0xe5: {  	s26 =	rddreg [dreg:$0x16];
	[sflag:s14] =	ssyncadd.s32 $0xFFFFF060  }
0xe6: {  	[tilespmem:s6], [sflag:$0x3] =	stream.indirect.gather [hbm4b:s4+s31], $0x20, s26, s31, $0xb8;
	[tilespmem:$0x1F220] =	vst v63  }
0xe7: {  	_ =	swait.ge [sflag:s8], $0xFA0  }
0xe8: {  	[sflag:s8] =	ssyncset.done $0x0  }
0xe9: {  	s23 =	rddreg [dreg:$0x17];
	[sflag:s8] =	ssyncadd.s32 $0xFFFFF060  }
0xea: {  	[spmem:s2] =	stream.indirect.scatter.add.f32 [tilespmem:s0], [sflag:$0x6], $0x20, s23, s31, $0xb8;
	[tilespmem:$0x1F220] =	vst v63  }
0xeb: {  	_ =	swait.ge [sflag:s15], $0xFA0  }
0xec: {  	[sflag:s15] =	ssyncset.done $0x0  }
0xed: {  	s25 =	rddreg [dreg:$0x18];
	[sflag:s15] =	ssyncadd.s32 $0xFFFFF060  }
0xee: {  	[tilespmem:s10], [sflag:$0x4] =	stream.indirect.gather [hbm4b:s4+s31], $0x20, s25, s31, $0xb8;
	[tilespmem:$0x1F220] =	vst v63  }
0xef: {  	_ =	swait.ge [sflag:s11], $0xFA0  }
0xf0: {  	[sflag:s11] =	ssyncset.done $0x0  }
0xf1: {  	s26 =	rddreg [dreg:$0x19];
	[sflag:s11] =	ssyncadd.s32 $0xFFFFF060  }
0xf2: {  	[spmem:s2] =	stream.indirect.scatter.add.f32 [tilespmem:s6], [sflag:$0x7], $0x20, s26, s31, $0xb8;
	[tilespmem:$0x1F220] =	vst v63  }
0xf3: {  	_ =	swait.ge [sflag:s12], $0xFA0  }
0xf4: {  	[sflag:s12] =	ssyncset.done $0x0  }
0xf5: {  	s23 =	rddreg [dreg:$0x1a];
	[sflag:s12] =	ssyncadd.s32 $0xFFFFF060  }
0xf6: {  	[tilespmem:s1], [sflag:$0x1] =	stream.indirect.gather [hbm4b:s4+s31], $0x20, s23, s31, $0xb8;
	[tilespmem:$0x1F220] =	vst v63  }
0xf7: {  	_ =	swait.ge [sflag:s13], $0xFA0  }
0xf8: {  	[sflag:s13] =	ssyncset.done $0x0  }
0xf9: {  	s25 =	rddreg [dreg:$0x1b];
	[sflag:s13] =	ssyncadd.s32 $0xFFFFF060  }
0xfa: {  	[spmem:s2] =	stream.indirect.scatter.add.f32 [tilespmem:s10], [sflag:$0x8], $0x20, s25, s31, $0xb8;
	[tilespmem:$0x1F220] =	vst v63  }
0xfb: {  	_ =	swait.ge [sflag:s7], $0xFA0  }
0xfc: {  	[sflag:s7] =	ssyncset.done $0x0  }
0xfd: {  	s26 =	rddreg [dreg:$0x1c];
	[sflag:s7] =	ssyncadd.s32 $0xFFFFF060  }
0xfe: {  	[tilespmem:s0], [sflag:$0x2] =	stream.indirect.gather [hbm4b:s4+s31], $0x20, s26, s31, $0xb8;
	[tilespmem:$0x1F220] =	vst v63  }
0xff: {  	_ =	swait.ge [sflag:s5], $0xFA0  }
0x100: {  	[sflag:s5] =	ssyncset.done $0x0  }
0x101: {  	s23 =	rddreg [dreg:$0x1d];
	[sflag:s5] =	ssyncadd.s32 $0xFFFFF060  }
0x102: {  	[spmem:s2] =	stream.indirect.scatter.add.f32 [tilespmem:s1], [sflag:$0x5], $0x20, s23, s31, $0xb8;
	[tilespmem:$0x1F220] =	vst v63  }
0x103: {  	_ =	swait.ge [sflag:s14], $0xFA0  }
0x104: {  	[sflag:s14] =	ssyncset.done $0x0  }
0x105: {  	s25 =	rddreg [dreg:$0x1e];
	[sflag:s14] =	ssyncadd.s32 $0xFFFFF060  }
0x106: {  	[tilespmem:s6], [sflag:$0x3] =	stream.indirect.gather [hbm4b:s4+s31], $0x20, s25, s31, $0xb8;
	[tilespmem:$0x1F220] =	vst v63  }
0x107: {  	_ =	swait.ge [sflag:s8], $0xFA0  }
0x108: {  	[sflag:s8] =	ssyncset.done $0x0  }
0x109: {  	s26 =	rddreg [dreg:$0x1f];
	[sflag:s8] =	ssyncadd.s32 $0xFFFFF060  }
0x10a: {  	[spmem:s2] =	stream.indirect.scatter.add.f32 [tilespmem:s0], [sflag:$0x6], $0x20, s26, s31, $0xb8;
	[tilespmem:$0x1F220] =	vst v63  }
0x10b: {  	_ =	swait.ge [sflag:s15], $0xFA0  }
0x10c: {  	s23 =	sld [smem:$0x7F6]  }
0x10d: {  	[sflag:s15] =	ssyncset.done $0x0  }
0x10e: {  	[sflag:s15] =	ssyncadd.s32 $0xFFFFF060  }
0x10f: {  	[tilespmem:s10], [sflag:$0x4] =	stream.indirect.gather [hbm4b:s4+s31], $0x20, s23, s31, $0xb8;
	[tilespmem:$0x1F220] =	vst v63  }
0x110: {  	_ =	swait.ge [sflag:s11], $0xFA0  }
0x111: {  	s25 =	sld [smem:$0x7F7]  }
0x112: {  	[sflag:s11] =	ssyncset.done $0x0  }
0x113: {  	[sflag:s11] =	ssyncadd.s32 $0xFFFFF060  }
0x114: {  	[spmem:s2] =	stream.indirect.scatter.add.f32 [tilespmem:s6], [sflag:$0x7], $0x20, s25, s31, $0xb8;
	[tilespmem:$0x1F220] =	vst v63  }
0x115: {  	_ =	swait.ge [sflag:s12], $0xFA0  }
0x116: {  	s26 =	sld [smem:$0x7F8]  }
0x117: {  	[sflag:s12] =	ssyncset.done $0x0  }
0x118: {  	[sflag:s12] =	ssyncadd.s32 $0xFFFFF060  }
0x119: {  	[tilespmem:s1], [sflag:$0x1] =	stream.indirect.gather [hbm4b:s4+s31], $0x20, s26, s31, $0xb8;
	[tilespmem:$0x1F220] =	vst v63  }
0x11a: {  	_ =	swait.ge [sflag:s13], $0xFA0  }
0x11b: {  	[sflag:s13] =	ssyncset.done $0x0  }
0x11c: {  	[sflag:s13] =	ssyncadd.s32 $0xFFFFF060  }
0x11d: {  	[spmem:s2] =	stream.indirect.scatter.add.f32 [tilespmem:s10], [sflag:$0x8], $0x20, s16, s31, $0xb8;
	[tilespmem:$0x1F220] =	vst v63  }
0x11e: {  	_ =	swait.ge [sflag:s7], $0xFA0  }
0x11f: {  	[sflag:s7] =	ssyncset.done $0x0  }
0x120: {  	[sflag:s7] =	ssyncadd.s32 $0xFFFFF060  }
0x121: {  	[tilespmem:s0], [sflag:$0x2] =	stream.indirect.gather [hbm4b:s4+s31], $0x20, s17, s31, $0xb8;
	[tilespmem:$0x1F220] =	vst v63  }
0x122: {  	_ =	swait.ge [sflag:s5], $0xFA0  }
0x123: {  	[sflag:s5] =	ssyncset.done $0x0  }
0x124: {  	[sflag:s5] =	ssyncadd.s32 $0xFFFFF060  }
0x125: {  	[spmem:s2] =	stream.indirect.scatter.add.f32 [tilespmem:s1], [sflag:$0x5], $0x20, s18, s31, $0xb8;
	[tilespmem:$0x1F220] =	vst v63  }
0x126: {  	_ =	swait.ge [sflag:s14], $0xFA0  }
0x127: {  	[sflag:s14] =	ssyncset.done $0x0  }
0x128: {  	[sflag:s14] =	ssyncadd.s32 $0xFFFFF060  }
0x129: {  	[tilespmem:s6], [sflag:$0x3] =	stream.indirect.gather [hbm4b:s4+s31], $0x20, s19, s31, $0xb8;
	[tilespmem:$0x1F220] =	vst v63  }
0x12a: {  	_ =	swait.ge [sflag:s8], $0xFA0  }
0x12b: {  	[sflag:s8] =	ssyncset.done $0x0  }
0x12c: {  	[sflag:s8] =	ssyncadd.s32 $0xFFFFF060  }
0x12d: {  	[spmem:s2] =	stream.indirect.scatter.add.f32 [tilespmem:s0], [sflag:$0x6], $0x20, s20, s31, $0xb8;
	[tilespmem:$0x1F220] =	vst v63  }
0x12e: {  	_ =	swait.ge [sflag:s15], $0xFA0  }
0x12f: {  	[sflag:s15] =	ssyncset.done $0x0  }
0x130: {  	[sflag:s15] =	ssyncadd.s32 $0xFFFFF060  }
0x131: {  	[tilespmem:s10], [sflag:$0x4] =	stream.indirect.gather [hbm4b:s4+s31], $0x20, s21, s31, $0xb8;
	[tilespmem:$0x1F220] =	vst v63  }
0x132: {  	_ =	swait.ge [sflag:s11], $0xFA0  }
0x133: {  	[sflag:s11] =	ssyncset.done $0x0  }
0x134: {  	[sflag:s11] =	ssyncadd.s32 $0xFFFFF060  }
0x135: {  	[spmem:s2] =	stream.indirect.scatter.add.f32 [tilespmem:s6], [sflag:$0x7], $0x20, s22, s31, $0xb8;
	[tilespmem:$0x1F220] =	vst v63  }
0x136: {  	_ =	swait.ge [sflag:s13], $0xFA0  }
0x137: {  	[sflag:s13] =	ssyncset.done $0x0  }
0x138: {  	[sflag:s13] =	ssyncadd.s32 $0xFFFFF060  }
0x139: {  	[spmem:s2] =	stream.indirect.scatter.add.f32 [tilespmem:s10], [sflag:$0x8], $0x20, s24, s31, $0xb8;
	[tilespmem:$0x1F220] =	vst v63  }
0x13a: {  	_ =	swait.ge [sflag:s12], $0xFA0  }
0x13b: {  	[sflag:s12] =	ssyncset.done $0x0  }
0x13c: {  	[sflag:s12] =	ssyncadd.s32 $0xFFFFF060  }
0x13d: {  	_ =	swait.ge [sflag:s7], $0xFA0  }
0x13e: {  	[sflag:s7] =	ssyncset.done $0x0  }
0x13f: {  	[sflag:s7] =	ssyncadd.s32 $0xFFFFF060  }
0x140: {  	_ =	swait.ge [sflag:s14], $0xFA0  }
0x141: {  	[sflag:s14] =	ssyncset.done $0x0  }
0x142: {  	[sflag:s14] =	ssyncadd.s32 $0xFFFFF060  }
0x143: {  	s9 =	simm.s32 $0x280;
	_ =	swait.ge [sflag:s15], $0xFA0  }
0x144: {  	s23 =	simm.s32 $0x140;
	s26 =	rddreg [dreg:$0x4];
	[sflag:s15] =	ssyncset.done $0x0  }
.LBB2_4:
0x145: {  	[sflag:s15] =	ssyncadd.s32 $0xFFFFF060;
	s26 =	sadd.s32 s23, s26  }
0x146: {  	[tilespmem:s29], [sflag:$0x9] =	stream.linear.gather [hbm4b:s26+s3], $0xA00, $0x38;
	[tilespmem:$0x1F220] =	vst v63  }
0x147: {  	_ =	swait.ge [sflag:s28], $0xA00  }
0x148: {  	s26 =	rddreg [dreg:$0x3];
	[sflag:s28] =	ssyncset.done $0x0  }
0x149: {  	[sflag:s28] =	ssyncadd.s32 $0xFFFFF600;
	s26 =	sadd.s32 s23, s26  }
0x14a: {  	[tilespmem:s30], [sflag:$0x9] =	stream.linear.gather [hbm4b:s26+s3], $0xA00, $0x38;
	[tilespmem:$0x1F220] =	vst v63  }
0x14b: {  	_ =	swait.ge [sflag:s28], $0xA00  }
0x14c: {  	[sflag:s28] =	ssyncset.done $0x0  }
0x14d: {  	[sflag:s28] =	ssyncadd.s32 $0xFFFFF600  }
0x14e: {  	[tilespmem:s1], [sflag:$0x1] =	stream.indirect.gather [hbm4b:s4+s31], $0x20, s29, s31, $0xb8;
	[tilespmem:$0x1F220] =	vst v63  }
0x14f: {  	s26 =	rddreg [dreg:$0x5]  }
0x150: {  	[tilespmem:s0], [sflag:$0x2] =	stream.indirect.gather [hbm4b:s4+s31], $0x20, s26, s31, $0xb8;
	[tilespmem:$0x1F220] =	vst v63  }
0x151: {  	_ =	swait.ge [sflag:s5], $0xFA0  }
0x152: {  	[sflag:s5] =	ssyncset.done $0x0  }
0x153: {  	[sflag:s5] =	ssyncadd.s32 $0xFFFFF060  }
0x154: {  	[spmem:s2] =	stream.indirect.scatter.add.f32 [tilespmem:s1], [sflag:$0x5], $0x20, s30, s31, $0xb8;
	[tilespmem:$0x1F220] =	vst v63  }
0x155: {  	s26 =	rddreg [dreg:$0x6]  }
0x156: {  	[tilespmem:s6], [sflag:$0x3] =	stream.indirect.gather [hbm4b:s4+s31], $0x20, s26, s31, $0xb8;
	[tilespmem:$0x1F220] =	vst v63  }
0x157: {  	_ =	swait.ge [sflag:s8], $0xFA0  }
0x158: {  	s25 =	smov.u32 s9;
	[sflag:s8] =	ssyncset.done $0x0  }
0x159: {  	s23 =	smov.u32 s25;
	s25 =	rddreg [dreg:$0x7];
	[sflag:s8] =	ssyncadd.s32 $0xFFFFF060  }
0x15a: {  	[spmem:s2] =	stream.indirect.scatter.add.f32 [tilespmem:s0], [sflag:$0x6], $0x20, s25, s31, $0xb8;
	[tilespmem:$0x1F220] =	vst v63  }
0x15b: {  	s26 =	rddreg [dreg:$0x8]  }
0x15c: {  	[tilespmem:s10], [sflag:$0x4] =	stream.indirect.gather [hbm4b:s4+s31], $0x20, s26, s31, $0xb8;
	[tilespmem:$0x1F220] =	vst v63  }
0x15d: {  	_ =	swait.ge [sflag:s11], $0xFA0  }
0x15e: {  	[sflag:s11] =	ssyncset.done $0x0  }
0x15f: {  	s26 =	rddreg [dreg:$0x9];
	[sflag:s11] =	ssyncadd.s32 $0xFFFFF060  }
0x160: {  	[spmem:s2] =	stream.indirect.scatter.add.f32 [tilespmem:s6], [sflag:$0x7], $0x20, s26, s31, $0xb8;
	[tilespmem:$0x1F220] =	vst v63  }
0x161: {  	_ =	swait.ge [sflag:s12], $0xFA0  }
0x162: {  	[sflag:s12] =	ssyncset.done $0x0  }
0x163: {  	s26 =	rddreg [dreg:$0xa];
	[sflag:s12] =	ssyncadd.s32 $0xFFFFF060  }
0x164: {  	[tilespmem:s1], [sflag:$0x1] =	stream.indirect.gather [hbm4b:s4+s31], $0x20, s26, s31, $0xb8;
	[tilespmem:$0x1F220] =	vst v63  }
0x165: {  	_ =	swait.ge [sflag:s13], $0xFA0  }
0x166: {  	[sflag:s13] =	ssyncset.done $0x0  }
0x167: {  	s26 =	rddreg [dreg:$0xb];
	[sflag:s13] =	ssyncadd.s32 $0xFFFFF060  }
0x168: {  	[spmem:s2] =	stream.indirect.scatter.add.f32 [tilespmem:s10], [sflag:$0x8], $0x20, s26, s31, $0xb8;
	[tilespmem:$0x1F220] =	vst v63  }
0x169: {  	_ =	swait.ge [sflag:s7], $0xFA0  }
0x16a: {  	[sflag:s7] =	ssyncset.done $0x0  }
0x16b: {  	s26 =	rddreg [dreg:$0xc];
	[sflag:s7] =	ssyncadd.s32 $0xFFFFF060  }
0x16c: {  	[tilespmem:s0], [sflag:$0x2] =	stream.indirect.gather [hbm4b:s4+s31], $0x20, s26, s31, $0xb8;
	[tilespmem:$0x1F220] =	vst v63  }
0x16d: {  	_ =	swait.ge [sflag:s5], $0xFA0  }
0x16e: {  	[sflag:s5] =	ssyncset.done $0x0  }
0x16f: {  	s26 =	rddreg [dreg:$0xd];
	[sflag:s5] =	ssyncadd.s32 $0xFFFFF060  }
0x170: {  	[spmem:s2] =	stream.indirect.scatter.add.f32 [tilespmem:s1], [sflag:$0x5], $0x20, s26, s31, $0xb8;
	[tilespmem:$0x1F220] =	vst v63  }
0x171: {  	_ =	swait.ge [sflag:s14], $0xFA0  }
0x172: {  	[sflag:s14] =	ssyncset.done $0x0  }
0x173: {  	s26 =	rddreg [dreg:$0xe];
	[sflag:s14] =	ssyncadd.s32 $0xFFFFF060  }
0x174: {  	[tilespmem:s6], [sflag:$0x3] =	stream.indirect.gather [hbm4b:s4+s31], $0x20, s26, s31, $0xb8;
	[tilespmem:$0x1F220] =	vst v63  }
0x175: {  	_ =	swait.ge [sflag:s8], $0xFA0  }
0x176: {  	[sflag:s8] =	ssyncset.done $0x0  }
0x177: {  	s26 =	rddreg [dreg:$0xf];
	[sflag:s8] =	ssyncadd.s32 $0xFFFFF060  }
0x178: {  	[spmem:s2] =	stream.indirect.scatter.add.f32 [tilespmem:s0], [sflag:$0x6], $0x20, s26, s31, $0xb8;
	[tilespmem:$0x1F220] =	vst v63  }
0x179: {  	_ =	swait.ge [sflag:s15], $0xFA0  }
0x17a: {  	[sflag:s15] =	ssyncset.done $0x0  }
0x17b: {  	s26 =	rddreg [dreg:$0x10];
	[sflag:s15] =	ssyncadd.s32 $0xFFFFF060  }
0x17c: {  	[tilespmem:s10], [sflag:$0x4] =	stream.indirect.gather [hbm4b:s4+s31], $0x20, s26, s31, $0xb8;
	[tilespmem:$0x1F220] =	vst v63  }
0x17d: {  	_ =	swait.ge [sflag:s11], $0xFA0  }
0x17e: {  	[sflag:s11] =	ssyncset.done $0x0  }
0x17f: {  	s26 =	rddreg [dreg:$0x11];
	[sflag:s11] =	ssyncadd.s32 $0xFFFFF060  }
0x180: {  	[spmem:s2] =	stream.indirect.scatter.add.f32 [tilespmem:s6], [sflag:$0x7], $0x20, s26, s31, $0xb8;
	[tilespmem:$0x1F220] =	vst v63  }
0x181: {  	_ =	swait.ge [sflag:s12], $0xFA0  }
0x182: {  	[sflag:s12] =	ssyncset.done $0x0  }
0x183: {  	s26 =	rddreg [dreg:$0x12];
	[sflag:s12] =	ssyncadd.s32 $0xFFFFF060  }
0x184: {  	[tilespmem:s1], [sflag:$0x1] =	stream.indirect.gather [hbm4b:s4+s31], $0x20, s26, s31, $0xb8;
	[tilespmem:$0x1F220] =	vst v63  }
0x185: {  	_ =	swait.ge [sflag:s13], $0xFA0  }
0x186: {  	[sflag:s13] =	ssyncset.done $0x0  }
0x187: {  	s26 =	rddreg [dreg:$0x13];
	[sflag:s13] =	ssyncadd.s32 $0xFFFFF060  }
0x188: {  	[spmem:s2] =	stream.indirect.scatter.add.f32 [tilespmem:s10], [sflag:$0x8], $0x20, s26, s31, $0xb8;
	[tilespmem:$0x1F220] =	vst v63  }
0x189: {  	_ =	swait.ge [sflag:s7], $0xFA0  }
0x18a: {  	[sflag:s7] =	ssyncset.done $0x0  }
0x18b: {  	s26 =	rddreg [dreg:$0x14];
	[sflag:s7] =	ssyncadd.s32 $0xFFFFF060  }
0x18c: {  	[tilespmem:s0], [sflag:$0x2] =	stream.indirect.gather [hbm4b:s4+s31], $0x20, s26, s31, $0xb8;
	[tilespmem:$0x1F220] =	vst v63  }
0x18d: {  	_ =	swait.ge [sflag:s5], $0xFA0  }
0x18e: {  	[sflag:s5] =	ssyncset.done $0x0  }
0x18f: {  	s26 =	rddreg [dreg:$0x15];
	[sflag:s5] =	ssyncadd.s32 $0xFFFFF060  }
0x190: {  	[spmem:s2] =	stream.indirect.scatter.add.f32 [tilespmem:s1], [sflag:$0x5], $0x20, s26, s31, $0xb8;
	[tilespmem:$0x1F220] =	vst v63  }
0x191: {  	_ =	swait.ge [sflag:s14], $0xFA0  }
0x192: {  	[sflag:s14] =	ssyncset.done $0x0  }
0x193: {  	s26 =	rddreg [dreg:$0x16];
	[sflag:s14] =	ssyncadd.s32 $0xFFFFF060  }
0x194: {  	[tilespmem:s6], [sflag:$0x3] =	stream.indirect.gather [hbm4b:s4+s31], $0x20, s26, s31, $0xb8;
	[tilespmem:$0x1F220] =	vst v63  }
0x195: {  	_ =	swait.ge [sflag:s8], $0xFA0  }
0x196: {  	[sflag:s8] =	ssyncset.done $0x0  }
0x197: {  	s26 =	rddreg [dreg:$0x17];
	[sflag:s8] =	ssyncadd.s32 $0xFFFFF060  }
0x198: {  	[spmem:s2] =	stream.indirect.scatter.add.f32 [tilespmem:s0], [sflag:$0x6], $0x20, s26, s31, $0xb8;
	[tilespmem:$0x1F220] =	vst v63  }
0x199: {  	_ =	swait.ge [sflag:s15], $0xFA0  }
0x19a: {  	[sflag:s15] =	ssyncset.done $0x0  }
0x19b: {  	s26 =	rddreg [dreg:$0x18];
	[sflag:s15] =	ssyncadd.s32 $0xFFFFF060  }
0x19c: {  	[tilespmem:s10], [sflag:$0x4] =	stream.indirect.gather [hbm4b:s4+s31], $0x20, s26, s31, $0xb8;
	[tilespmem:$0x1F220] =	vst v63  }
0x19d: {  	_ =	swait.ge [sflag:s11], $0xFA0  }
0x19e: {  	[sflag:s11] =	ssyncset.done $0x0  }
0x19f: {  	s26 =	rddreg [dreg:$0x19];
	[sflag:s11] =	ssyncadd.s32 $0xFFFFF060  }
0x1a0: {  	[spmem:s2] =	stream.indirect.scatter.add.f32 [tilespmem:s6], [sflag:$0x7], $0x20, s26, s31, $0xb8;
	[tilespmem:$0x1F220] =	vst v63  }
0x1a1: {  	_ =	swait.ge [sflag:s12], $0xFA0  }
0x1a2: {  	[sflag:s12] =	ssyncset.done $0x0  }
0x1a3: {  	s26 =	rddreg [dreg:$0x1a];
	[sflag:s12] =	ssyncadd.s32 $0xFFFFF060  }
0x1a4: {  	[tilespmem:s1], [sflag:$0x1] =	stream.indirect.gather [hbm4b:s4+s31], $0x20, s26, s31, $0xb8;
	[tilespmem:$0x1F220] =	vst v63  }
0x1a5: {  	_ =	swait.ge [sflag:s13], $0xFA0  }
0x1a6: {  	[sflag:s13] =	ssyncset.done $0x0  }
0x1a7: {  	s26 =	rddreg [dreg:$0x1b];
	[sflag:s13] =	ssyncadd.s32 $0xFFFFF060  }
0x1a8: {  	[spmem:s2] =	stream.indirect.scatter.add.f32 [tilespmem:s10], [sflag:$0x8], $0x20, s26, s31, $0xb8;
	[tilespmem:$0x1F220] =	vst v63  }
0x1a9: {  	_ =	swait.ge [sflag:s7], $0xFA0  }
0x1aa: {  	[sflag:s7] =	ssyncset.done $0x0  }
0x1ab: {  	s26 =	rddreg [dreg:$0x1c];
	[sflag:s7] =	ssyncadd.s32 $0xFFFFF060  }
0x1ac: {  	[tilespmem:s0], [sflag:$0x2] =	stream.indirect.gather [hbm4b:s4+s31], $0x20, s26, s31, $0xb8;
	[tilespmem:$0x1F220] =	vst v63  }
0x1ad: {  	_ =	swait.ge [sflag:s5], $0xFA0  }
0x1ae: {  	[sflag:s5] =	ssyncset.done $0x0  }
0x1af: {  	s26 =	rddreg [dreg:$0x1d];
	[sflag:s5] =	ssyncadd.s32 $0xFFFFF060  }
0x1b0: {  	[spmem:s2] =	stream.indirect.scatter.add.f32 [tilespmem:s1], [sflag:$0x5], $0x20, s26, s31, $0xb8;
	[tilespmem:$0x1F220] =	vst v63  }
0x1b1: {  	_ =	swait.ge [sflag:s14], $0xFA0  }
0x1b2: {  	[sflag:s14] =	ssyncset.done $0x0  }
0x1b3: {  	s26 =	rddreg [dreg:$0x1e];
	[sflag:s14] =	ssyncadd.s32 $0xFFFFF060  }
0x1b4: {  	[tilespmem:s6], [sflag:$0x3] =	stream.indirect.gather [hbm4b:s4+s31], $0x20, s26, s31, $0xb8;
	[tilespmem:$0x1F220] =	vst v63  }
0x1b5: {  	_ =	swait.ge [sflag:s8], $0xFA0  }
0x1b6: {  	[sflag:s8] =	ssyncset.done $0x0  }
0x1b7: {  	s26 =	rddreg [dreg:$0x1f];
	[sflag:s8] =	ssyncadd.s32 $0xFFFFF060  }
0x1b8: {  	[spmem:s2] =	stream.indirect.scatter.add.f32 [tilespmem:s0], [sflag:$0x6], $0x20, s26, s31, $0xb8;
	[tilespmem:$0x1F220] =	vst v63  }
0x1b9: {  	_ =	swait.ge [sflag:s15], $0xFA0  }
0x1ba: {  	s26 =	sld [smem:$0x7F6]  }
0x1bb: {  	[sflag:s15] =	ssyncset.done $0x0  }
0x1bc: {  	[sflag:s15] =	ssyncadd.s32 $0xFFFFF060  }
0x1bd: {  	[tilespmem:s10], [sflag:$0x4] =	stream.indirect.gather [hbm4b:s4+s31], $0x20, s26, s31, $0xb8;
	[tilespmem:$0x1F220] =	vst v63  }
0x1be: {  	_ =	swait.ge [sflag:s11], $0xFA0  }
0x1bf: {  	s26 =	sld [smem:$0x7F7]  }
0x1c0: {  	[sflag:s11] =	ssyncset.done $0x0  }
0x1c1: {  	[sflag:s11] =	ssyncadd.s32 $0xFFFFF060  }
0x1c2: {  	[spmem:s2] =	stream.indirect.scatter.add.f32 [tilespmem:s6], [sflag:$0x7], $0x20, s26, s31, $0xb8;
	[tilespmem:$0x1F220] =	vst v63  }
0x1c3: {  	_ =	swait.ge [sflag:s12], $0xFA0  }
0x1c4: {  	s26 =	sld [smem:$0x7F8]  }
0x1c5: {  	[sflag:s12] =	ssyncset.done $0x0  }
0x1c6: {  	[sflag:s12] =	ssyncadd.s32 $0xFFFFF060  }
0x1c7: {  	[tilespmem:s1], [sflag:$0x1] =	stream.indirect.gather [hbm4b:s4+s31], $0x20, s26, s31, $0xb8;
	[tilespmem:$0x1F220] =	vst v63  }
0x1c8: {  	_ =	swait.ge [sflag:s13], $0xFA0  }
0x1c9: {  	[sflag:s13] =	ssyncset.done $0x0  }
0x1ca: {  	[sflag:s13] =	ssyncadd.s32 $0xFFFFF060  }
0x1cb: {  	[spmem:s2] =	stream.indirect.scatter.add.f32 [tilespmem:s10], [sflag:$0x8], $0x20, s16, s31, $0xb8;
	[tilespmem:$0x1F220] =	vst v63  }
0x1cc: {  	_ =	swait.ge [sflag:s7], $0xFA0  }
0x1cd: {  	[sflag:s7] =	ssyncset.done $0x0  }
0x1ce: {  	[sflag:s7] =	ssyncadd.s32 $0xFFFFF060  }
0x1cf: {  	[tilespmem:s0], [sflag:$0x2] =	stream.indirect.gather [hbm4b:s4+s31], $0x20, s17, s31, $0xb8;
	[tilespmem:$0x1F220] =	vst v63  }
0x1d0: {  	_ =	swait.ge [sflag:s5], $0xFA0  }
0x1d1: {  	[sflag:s5] =	ssyncset.done $0x0  }
0x1d2: {  	[sflag:s5] =	ssyncadd.s32 $0xFFFFF060  }
0x1d3: {  	[spmem:s2] =	stream.indirect.scatter.add.f32 [tilespmem:s1], [sflag:$0x5], $0x20, s18, s31, $0xb8;
	[tilespmem:$0x1F220] =	vst v63  }
0x1d4: {  	_ =	swait.ge [sflag:s14], $0xFA0  }
0x1d5: {  	[sflag:s14] =	ssyncset.done $0x0  }
0x1d6: {  	[sflag:s14] =	ssyncadd.s32 $0xFFFFF060  }
0x1d7: {  	[tilespmem:s6], [sflag:$0x3] =	stream.indirect.gather [hbm4b:s4+s31], $0x20, s19, s31, $0xb8;
	[tilespmem:$0x1F220] =	vst v63  }
0x1d8: {  	_ =	swait.ge [sflag:s8], $0xFA0  }
0x1d9: {  	[sflag:s8] =	ssyncset.done $0x0  }
0x1da: {  	[sflag:s8] =	ssyncadd.s32 $0xFFFFF060  }
0x1db: {  	[spmem:s2] =	stream.indirect.scatter.add.f32 [tilespmem:s0], [sflag:$0x6], $0x20, s20, s31, $0xb8;
	[tilespmem:$0x1F220] =	vst v63  }
0x1dc: {  	_ =	swait.ge [sflag:s15], $0xFA0  }
0x1dd: {  	[sflag:s15] =	ssyncset.done $0x0  }
0x1de: {  	[sflag:s15] =	ssyncadd.s32 $0xFFFFF060  }
0x1df: {  	[tilespmem:s10], [sflag:$0x4] =	stream.indirect.gather [hbm4b:s4+s31], $0x20, s21, s31, $0xb8;
	[tilespmem:$0x1F220] =	vst v63  }
0x1e0: {  	_ =	swait.ge [sflag:s11], $0xFA0  }
0x1e1: {  	[sflag:s11] =	ssyncset.done $0x0  }
0x1e2: {  	[sflag:s11] =	ssyncadd.s32 $0xFFFFF060  }
0x1e3: {  	[spmem:s2] =	stream.indirect.scatter.add.f32 [tilespmem:s6], [sflag:$0x7], $0x20, s22, s31, $0xb8;
	[tilespmem:$0x1F220] =	vst v63  }
0x1e4: {  	_ =	swait.ge [sflag:s13], $0xFA0  }
0x1e5: {  	[sflag:s13] =	ssyncset.done $0x0  }
0x1e6: {  	[sflag:s13] =	ssyncadd.s32 $0xFFFFF060  }
0x1e7: {  	[spmem:s2] =	stream.indirect.scatter.add.f32 [tilespmem:s10], [sflag:$0x8], $0x20, s24, s31, $0xb8;
	[tilespmem:$0x1F220] =	vst v63  }
0x1e8: {  	_ =	swait.ge [sflag:s12], $0xFA0  }
0x1e9: {  	[sflag:s12] =	ssyncset.done $0x0  }
0x1ea: {  	[sflag:s12] =	ssyncadd.s32 $0xFFFFF060  }
0x1eb: {  	_ =	swait.ge [sflag:s7], $0xFA0  }
0x1ec: {  	[sflag:s7] =	ssyncset.done $0x0  }
0x1ed: {  	p1 =	sne.s32 s9, $0xB40;
	[sflag:s7] =	ssyncadd.s32 $0xFFFFF060  }
.Ltmp1:
0x1ee: {  	_ =	swait.ge [sflag:s14], $0xFA0;
	(pc) =	sbr.rel @p1 .LBB2_4-.Ltmp1, $4  }
0x1ef: {  	[sflag:s14] =	ssyncset.done $0x0  }
0x1f0: {  	[sflag:s14] =	ssyncadd.s32 $0xFFFFF060  }
0x1f1: {  	_ =	swait.ge [sflag:s15], $0xFA0  }
0x1f2: {  	s9 =	sadd.s32 $0x140, s9;
	s26 =	rddreg [dreg:$0x4];
	[sflag:s15] =	ssyncset.done $0x0  }
0x1f3: {  	[sflag:s15] =	ssyncadd.s32 $0xFFFFF060;
	s9 =	sadd.s32 s23, s26  }
0x1f4: {  	[tilespmem:s29], [sflag:$0x9] =	stream.linear.gather [hbm4b:s9+s3], $0xA00, $0x38;
	[tilespmem:$0x1F220] =	vst v63  }
0x1f5: {  	_ =	swait.ge [sflag:s28], $0xA00  }
0x1f6: {  	s25 =	rddreg [dreg:$0x3];
	[sflag:s28] =	ssyncset.done $0x0  }
0x1f7: {  	[sflag:s28] =	ssyncadd.s32 $0xFFFFF600;
	s9 =	sadd.s32 s23, s25  }
0x1f8: {  	[tilespmem:s30], [sflag:$0x9] =	stream.linear.gather [hbm4b:s9+s3], $0xA00, $0x38;
	[tilespmem:$0x1F220] =	vst v63  }
0x1f9: {  	_ =	swait.ge [sflag:s28], $0xA00  }
0x1fa: {  	[sflag:s28] =	ssyncset.done $0x0  }
0x1fb: {  	[sflag:s28] =	ssyncadd.s32 $0xFFFFF600  }
0x1fc: {  	[tilespmem:s1], [sflag:$0x1] =	stream.indirect.gather [hbm4b:s4+s31], $0x20, s29, s31, $0xb8;
	[tilespmem:$0x1F220] =	vst v63  }
0x1fd: {  	s26 =	rddreg [dreg:$0x5]  }
0x1fe: {  	[tilespmem:s0], [sflag:$0x2] =	stream.indirect.gather [hbm4b:s4+s31], $0x20, s26, s31, $0xb8;
	[tilespmem:$0x1F220] =	vst v63  }
0x1ff: {  	_ =	swait.ge [sflag:s5], $0xFA0  }
0x200: {  	[sflag:s5] =	ssyncset.done $0x0  }
0x201: {  	[sflag:s5] =	ssyncadd.s32 $0xFFFFF060  }
0x202: {  	[spmem:s2] =	stream.indirect.scatter.add.f32 [tilespmem:s1], [sflag:$0x5], $0x20, s30, s31, $0xb8;
	[tilespmem:$0x1F220] =	vst v63  }
0x203: {  	s23 =	rddreg [dreg:$0x6]  }
0x204: {  	[tilespmem:s6], [sflag:$0x3] =	stream.indirect.gather [hbm4b:s4+s31], $0x20, s23, s31, $0xb8;
	[tilespmem:$0x1F220] =	vst v63  }
0x205: {  	_ =	swait.ge [sflag:s8], $0xFA0  }
0x206: {  	[sflag:s8] =	ssyncset.done $0x0  }
0x207: {  	s25 =	rddreg [dreg:$0x7];
	[sflag:s8] =	ssyncadd.s32 $0xFFFFF060  }
0x208: {  	[spmem:s2] =	stream.indirect.scatter.add.f32 [tilespmem:s0], [sflag:$0x6], $0x20, s25, s31, $0xb8;
	[tilespmem:$0x1F220] =	vst v63  }
0x209: {  	s26 =	rddreg [dreg:$0x8]  }
0x20a: {  	[tilespmem:s10], [sflag:$0x4] =	stream.indirect.gather [hbm4b:s4+s31], $0x20, s26, s31, $0xb8;
	[tilespmem:$0x1F220] =	vst v63  }
0x20b: {  	_ =	swait.ge [sflag:s11], $0xFA0  }
0x20c: {  	[sflag:s11] =	ssyncset.done $0x0  }
0x20d: {  	s25 =	rddreg [dreg:$0x9];
	[sflag:s11] =	ssyncadd.s32 $0xFFFFF060  }
0x20e: {  	[spmem:s2] =	stream.indirect.scatter.add.f32 [tilespmem:s6], [sflag:$0x7], $0x20, s25, s31, $0xb8;
	[tilespmem:$0x1F220] =	vst v63  }
0x20f: {  	_ =	swait.ge [sflag:s12], $0xFA0  }
0x210: {  	[sflag:s12] =	ssyncset.done $0x0  }
0x211: {  	s26 =	rddreg [dreg:$0xa];
	[sflag:s12] =	ssyncadd.s32 $0xFFFFF060  }
0x212: {  	[tilespmem:s1], [sflag:$0x1] =	stream.indirect.gather [hbm4b:s4+s31], $0x20, s26, s31, $0xb8;
	[tilespmem:$0x1F220] =	vst v63  }
0x213: {  	_ =	swait.ge [sflag:s13], $0xFA0  }
0x214: {  	[sflag:s13] =	ssyncset.done $0x0  }
0x215: {  	s23 =	rddreg [dreg:$0xb];
	[sflag:s13] =	ssyncadd.s32 $0xFFFFF060  }
0x216: {  	[spmem:s2] =	stream.indirect.scatter.add.f32 [tilespmem:s10], [sflag:$0x8], $0x20, s23, s31, $0xb8;
	[tilespmem:$0x1F220] =	vst v63  }
0x217: {  	_ =	swait.ge [sflag:s7], $0xFA0  }
0x218: {  	[sflag:s7] =	ssyncset.done $0x0  }
0x219: {  	s25 =	rddreg [dreg:$0xc];
	[sflag:s7] =	ssyncadd.s32 $0xFFFFF060  }
0x21a: {  	[tilespmem:s0], [sflag:$0x2] =	stream.indirect.gather [hbm4b:s4+s31], $0x20, s25, s31, $0xb8;
	[tilespmem:$0x1F220] =	vst v63  }
0x21b: {  	_ =	swait.ge [sflag:s5], $0xFA0  }
0x21c: {  	[sflag:s5] =	ssyncset.done $0x0  }
0x21d: {  	s26 =	rddreg [dreg:$0xd];
	[sflag:s5] =	ssyncadd.s32 $0xFFFFF060  }
0x21e: {  	[spmem:s2] =	stream.indirect.scatter.add.f32 [tilespmem:s1], [sflag:$0x5], $0x20, s26, s31, $0xb8;
	[tilespmem:$0x1F220] =	vst v63  }
0x21f: {  	_ =	swait.ge [sflag:s14], $0xFA0  }
0x220: {  	[sflag:s14] =	ssyncset.done $0x0  }
0x221: {  	s23 =	rddreg [dreg:$0xe];
	[sflag:s14] =	ssyncadd.s32 $0xFFFFF060  }
0x222: {  	[tilespmem:s6], [sflag:$0x3] =	stream.indirect.gather [hbm4b:s4+s31], $0x20, s23, s31, $0xb8;
	[tilespmem:$0x1F220] =	vst v63  }
0x223: {  	_ =	swait.ge [sflag:s8], $0xFA0  }
0x224: {  	[sflag:s8] =	ssyncset.done $0x0  }
0x225: {  	s25 =	rddreg [dreg:$0xf];
	[sflag:s8] =	ssyncadd.s32 $0xFFFFF060  }
0x226: {  	[spmem:s2] =	stream.indirect.scatter.add.f32 [tilespmem:s0], [sflag:$0x6], $0x20, s25, s31, $0xb8;
	[tilespmem:$0x1F220] =	vst v63  }
0x227: {  	_ =	swait.ge [sflag:s15], $0xFA0  }
0x228: {  	[sflag:s15] =	ssyncset.done $0x0  }
0x229: {  	s26 =	rddreg [dreg:$0x10];
	[sflag:s15] =	ssyncadd.s32 $0xFFFFF060  }
0x22a: {  	[tilespmem:s10], [sflag:$0x4] =	stream.indirect.gather [hbm4b:s4+s31], $0x20, s26, s31, $0xb8;
	[tilespmem:$0x1F220] =	vst v63  }
0x22b: {  	_ =	swait.ge [sflag:s11], $0xFA0  }
0x22c: {  	[sflag:s11] =	ssyncset.done $0x0  }
0x22d: {  	s23 =	rddreg [dreg:$0x11];
	[sflag:s11] =	ssyncadd.s32 $0xFFFFF060  }
0x22e: {  	[spmem:s2] =	stream.indirect.scatter.add.f32 [tilespmem:s6], [sflag:$0x7], $0x20, s23, s31, $0xb8;
	[tilespmem:$0x1F220] =	vst v63  }
0x22f: {  	_ =	swait.ge [sflag:s12], $0xFA0  }
0x230: {  	[sflag:s12] =	ssyncset.done $0x0  }
0x231: {  	s25 =	rddreg [dreg:$0x12];
	[sflag:s12] =	ssyncadd.s32 $0xFFFFF060  }
0x232: {  	[tilespmem:s1], [sflag:$0x1] =	stream.indirect.gather [hbm4b:s4+s31], $0x20, s25, s31, $0xb8;
	[tilespmem:$0x1F220] =	vst v63  }
0x233: {  	_ =	swait.ge [sflag:s13], $0xFA0  }
0x234: {  	[sflag:s13] =	ssyncset.done $0x0  }
0x235: {  	s26 =	rddreg [dreg:$0x13];
	[sflag:s13] =	ssyncadd.s32 $0xFFFFF060  }
0x236: {  	[spmem:s2] =	stream.indirect.scatter.add.f32 [tilespmem:s10], [sflag:$0x8], $0x20, s26, s31, $0xb8;
	[tilespmem:$0x1F220] =	vst v63  }
0x237: {  	_ =	swait.ge [sflag:s7], $0xFA0  }
0x238: {  	[sflag:s7] =	ssyncset.done $0x0  }
0x239: {  	s23 =	rddreg [dreg:$0x14];
	[sflag:s7] =	ssyncadd.s32 $0xFFFFF060  }
0x23a: {  	[tilespmem:s0], [sflag:$0x2] =	stream.indirect.gather [hbm4b:s4+s31], $0x20, s23, s31, $0xb8;
	[tilespmem:$0x1F220] =	vst v63  }
0x23b: {  	_ =	swait.ge [sflag:s5], $0xFA0  }
0x23c: {  	[sflag:s5] =	ssyncset.done $0x0  }
0x23d: {  	s25 =	rddreg [dreg:$0x15];
	[sflag:s5] =	ssyncadd.s32 $0xFFFFF060  }
0x23e: {  	[spmem:s2] =	stream.indirect.scatter.add.f32 [tilespmem:s1], [sflag:$0x5], $0x20, s25, s31, $0xb8;
	[tilespmem:$0x1F220] =	vst v63  }
0x23f: {  	_ =	swait.ge [sflag:s14], $0xFA0  }
0x240: {  	[sflag:s14] =	ssyncset.done $0x0  }
0x241: {  	s26 =	rddreg [dreg:$0x16];
	[sflag:s14] =	ssyncadd.s32 $0xFFFFF060  }
0x242: {  	[tilespmem:s6], [sflag:$0x3] =	stream.indirect.gather [hbm4b:s4+s31], $0x20, s26, s31, $0xb8;
	[tilespmem:$0x1F220] =	vst v63  }
0x243: {  	_ =	swait.ge [sflag:s8], $0xFA0  }
0x244: {  	[sflag:s8] =	ssyncset.done $0x0  }
0x245: {  	s23 =	rddreg [dreg:$0x17];
	[sflag:s8] =	ssyncadd.s32 $0xFFFFF060  }
0x246: {  	[spmem:s2] =	stream.indirect.scatter.add.f32 [tilespmem:s0], [sflag:$0x6], $0x20, s23, s31, $0xb8;
	[tilespmem:$0x1F220] =	vst v63  }
0x247: {  	_ =	swait.ge [sflag:s15], $0xFA0  }
0x248: {  	[sflag:s15] =	ssyncset.done $0x0  }
0x249: {  	s25 =	rddreg [dreg:$0x18];
	[sflag:s15] =	ssyncadd.s32 $0xFFFFF060  }
0x24a: {  	[tilespmem:s10], [sflag:$0x4] =	stream.indirect.gather [hbm4b:s4+s31], $0x20, s25, s31, $0xb8;
	[tilespmem:$0x1F220] =	vst v63  }
0x24b: {  	_ =	swait.ge [sflag:s11], $0xFA0  }
0x24c: {  	[sflag:s11] =	ssyncset.done $0x0  }
0x24d: {  	s26 =	rddreg [dreg:$0x19];
	[sflag:s11] =	ssyncadd.s32 $0xFFFFF060  }
0x24e: {  	[spmem:s2] =	stream.indirect.scatter.add.f32 [tilespmem:s6], [sflag:$0x7], $0x20, s26, s31, $0xb8;
	[tilespmem:$0x1F220] =	vst v63  }
0x24f: {  	_ =	swait.ge [sflag:s12], $0xFA0  }
0x250: {  	[sflag:s12] =	ssyncset.done $0x0  }
0x251: {  	s23 =	rddreg [dreg:$0x1a];
	[sflag:s12] =	ssyncadd.s32 $0xFFFFF060  }
0x252: {  	[tilespmem:s1], [sflag:$0x1] =	stream.indirect.gather [hbm4b:s4+s31], $0x20, s23, s31, $0xb8;
	[tilespmem:$0x1F220] =	vst v63  }
0x253: {  	_ =	swait.ge [sflag:s13], $0xFA0  }
0x254: {  	[sflag:s13] =	ssyncset.done $0x0  }
0x255: {  	s25 =	rddreg [dreg:$0x1b];
	[sflag:s13] =	ssyncadd.s32 $0xFFFFF060  }
0x256: {  	[spmem:s2] =	stream.indirect.scatter.add.f32 [tilespmem:s10], [sflag:$0x8], $0x20, s25, s31, $0xb8;
	[tilespmem:$0x1F220] =	vst v63  }
0x257: {  	_ =	swait.ge [sflag:s7], $0xFA0  }
0x258: {  	[sflag:s7] =	ssyncset.done $0x0  }
0x259: {  	s26 =	rddreg [dreg:$0x1c];
	[sflag:s7] =	ssyncadd.s32 $0xFFFFF060  }
0x25a: {  	[tilespmem:s0], [sflag:$0x2] =	stream.indirect.gather [hbm4b:s4+s31], $0x20, s26, s31, $0xb8;
	[tilespmem:$0x1F220] =	vst v63  }
0x25b: {  	_ =	swait.ge [sflag:s5], $0xFA0  }
0x25c: {  	[sflag:s5] =	ssyncset.done $0x0  }
0x25d: {  	s23 =	rddreg [dreg:$0x1d];
	[sflag:s5] =	ssyncadd.s32 $0xFFFFF060  }
0x25e: {  	[spmem:s2] =	stream.indirect.scatter.add.f32 [tilespmem:s1], [sflag:$0x5], $0x20, s23, s31, $0xb8;
	[tilespmem:$0x1F220] =	vst v63  }
0x25f: {  	_ =	swait.ge [sflag:s14], $0xFA0  }
0x260: {  	[sflag:s14] =	ssyncset.done $0x0  }
0x261: {  	s25 =	rddreg [dreg:$0x1e];
	[sflag:s14] =	ssyncadd.s32 $0xFFFFF060  }
0x262: {  	[tilespmem:s6], [sflag:$0x3] =	stream.indirect.gather [hbm4b:s4+s31], $0x20, s25, s31, $0xb8;
	[tilespmem:$0x1F220] =	vst v63  }
0x263: {  	_ =	swait.ge [sflag:s8], $0xFA0  }
0x264: {  	[sflag:s8] =	ssyncset.done $0x0  }
0x265: {  	s26 =	rddreg [dreg:$0x1f];
	[sflag:s8] =	ssyncadd.s32 $0xFFFFF060  }
0x266: {  	[spmem:s2] =	stream.indirect.scatter.add.f32 [tilespmem:s0], [sflag:$0x6], $0x20, s26, s31, $0xb8;
	[tilespmem:$0x1F220] =	vst v63  }
0x267: {  	_ =	swait.ge [sflag:s15], $0xFA0  }
0x268: {  	s23 =	sld [smem:$0x7F6]  }
0x269: {  	[sflag:s15] =	ssyncset.done $0x0  }
0x26a: {  	[sflag:s15] =	ssyncadd.s32 $0xFFFFF060  }
0x26b: {  	[tilespmem:s10], [sflag:$0x4] =	stream.indirect.gather [hbm4b:s4+s31], $0x20, s23, s31, $0xb8;
	[tilespmem:$0x1F220] =	vst v63  }
0x26c: {  	_ =	swait.ge [sflag:s11], $0xFA0  }
0x26d: {  	s25 =	sld [smem:$0x7F7]  }
0x26e: {  	[sflag:s11] =	ssyncset.done $0x0  }
0x26f: {  	[sflag:s11] =	ssyncadd.s32 $0xFFFFF060  }
0x270: {  	[spmem:s2] =	stream.indirect.scatter.add.f32 [tilespmem:s6], [sflag:$0x7], $0x20, s25, s31, $0xb8;
	[tilespmem:$0x1F220] =	vst v63  }
0x271: {  	_ =	swait.ge [sflag:s12], $0xFA0  }
0x272: {  	s26 =	sld [smem:$0x7F8]  }
0x273: {  	[sflag:s12] =	ssyncset.done $0x0  }
0x274: {  	[sflag:s12] =	ssyncadd.s32 $0xFFFFF060  }
0x275: {  	[tilespmem:s1], [sflag:$0x1] =	stream.indirect.gather [hbm4b:s4+s31], $0x20, s26, s31, $0xb8;
	[tilespmem:$0x1F220] =	vst v63  }
0x276: {  	_ =	swait.ge [sflag:s13], $0xFA0  }
0x277: {  	[sflag:s13] =	ssyncset.done $0x0  }
0x278: {  	[sflag:s13] =	ssyncadd.s32 $0xFFFFF060  }
0x279: {  	[spmem:s2] =	stream.indirect.scatter.add.f32 [tilespmem:s10], [sflag:$0x8], $0x20, s16, s31, $0xb8;
	[tilespmem:$0x1F220] =	vst v63  }
0x27a: {  	_ =	swait.ge [sflag:s7], $0xFA0  }
0x27b: {  	[sflag:s7] =	ssyncset.done $0x0  }
0x27c: {  	[sflag:s7] =	ssyncadd.s32 $0xFFFFF060  }
0x27d: {  	[tilespmem:s0], [sflag:$0x2] =	stream.indirect.gather [hbm4b:s4+s31], $0x20, s17, s31, $0xb8;
	[tilespmem:$0x1F220] =	vst v63  }
0x27e: {  	_ =	swait.ge [sflag:s5], $0xFA0  }
0x27f: {  	[sflag:s5] =	ssyncset.done $0x0  }
0x280: {  	[sflag:s5] =	ssyncadd.s32 $0xFFFFF060  }
0x281: {  	[spmem:s2] =	stream.indirect.scatter.add.f32 [tilespmem:s1], [sflag:$0x5], $0x20, s18, s31, $0xb8;
	[tilespmem:$0x1F220] =	vst v63  }
0x282: {  	_ =	swait.ge [sflag:s14], $0xFA0  }
0x283: {  	[sflag:s14] =	ssyncset.done $0x0  }
0x284: {  	[sflag:s14] =	ssyncadd.s32 $0xFFFFF060  }
0x285: {  	[tilespmem:s6], [sflag:$0x3] =	stream.indirect.gather [hbm4b:s4+s31], $0x20, s19, s31, $0xb8;
	[tilespmem:$0x1F220] =	vst v63  }
0x286: {  	_ =	swait.ge [sflag:s8], $0xFA0  }
0x287: {  	[sflag:s8] =	ssyncset.done $0x0  }
0x288: {  	[sflag:s8] =	ssyncadd.s32 $0xFFFFF060  }
0x289: {  	[spmem:s2] =	stream.indirect.scatter.add.f32 [tilespmem:s0], [sflag:$0x6], $0x20, s20, s31, $0xb8;
	[tilespmem:$0x1F220] =	vst v63  }
0x28a: {  	_ =	swait.ge [sflag:s15], $0xFA0  }
0x28b: {  	[sflag:s15] =	ssyncset.done $0x0  }
0x28c: {  	[sflag:s15] =	ssyncadd.s32 $0xFFFFF060  }
0x28d: {  	[tilespmem:s10], [sflag:$0x4] =	stream.indirect.gather [hbm4b:s4+s31], $0x20, s21, s31, $0xb8;
	[tilespmem:$0x1F220] =	vst v63  }
0x28e: {  	_ =	swait.ge [sflag:s11], $0xFA0  }
0x28f: {  	[sflag:s11] =	ssyncset.done $0x0  }
0x290: {  	[sflag:s11] =	ssyncadd.s32 $0xFFFFF060  }
0x291: {  	[spmem:s2] =	stream.indirect.scatter.add.f32 [tilespmem:s6], [sflag:$0x7], $0x20, s22, s31, $0xb8;
	[tilespmem:$0x1F220] =	vst v63  }
0x292: {  	_ =	swait.ge [sflag:s13], $0xFA0  }
0x293: {  	[sflag:s13] =	ssyncset.done $0x0  }
0x294: {  	[sflag:s13] =	ssyncadd.s32 $0xFFFFF060  }
0x295: {  	[spmem:s2] =	stream.indirect.scatter.add.f32 [tilespmem:s10], [sflag:$0x8], $0x20, s24, s31, $0xb8;
	[tilespmem:$0x1F220] =	vst v63  }
0x296: {  	_ =	swait.ge [sflag:s12], $0xFA0  }
0x297: {  	[sflag:s12] =	ssyncset.done $0x0  }
0x298: {  	[sflag:s12] =	ssyncadd.s32 $0xFFFFF060  }
0x299: {  	_ =	swait.ge [sflag:s7], $0xFA0  }
0x29a: {  	[sflag:s7] =	ssyncset.done $0x0  }
0x29b: {  	[sflag:s7] =	ssyncadd.s32 $0xFFFFF060  }
0x29c: {  	_ =	swait.ge [sflag:s14], $0xFA0  }
0x29d: {  	[sflag:s14] =	ssyncset.done $0x0  }
0x29e: {  	[sflag:s14] =	ssyncadd.s32 $0xFFFFF060  }
0x29f: {  	_ =	swait.ge [sflag:s15], $0xFA0  }
0x2a0: {  	[sflag:s15] =	ssyncset.done $0x0  }
0x2a1: {  	[sflag:s15] =	ssyncadd.s32 $0xFFFFF060  }
0x2a2: {  	[bflag:$0x0] =	sbarrier.arrive $0xFFFF  }
0x2a3: {  	s9 =	sld [smem:$0x7FB]  }
0x2a4: {  	s25 =	sld [smem:$0x7E7];
	_ =	sdelay $0x1  }
0x2a5: {  	s23 =	simm.s32 @p0 $0x1FC9;
	s9 =	sshrl.u32 @p0 s9, $0x3  }
0x2a6: {  	[hbm:s25], [sflag:s23] =	dma.local @p0 [spmem:s9], $0x1F40  }
0x2a7: {  	s9 =	simm.s32 @p0 $0x9  }
0x2a8: {  	s23 =	stileid.u32;
	_ =	swait.ge @p0 [sflag:s9], $0x1F40  }
0x2a9: {  	s23 =	sshll.u32 @!p0 s23, $0x6;
	[sflag:s9] =	ssyncset.done @p0 $0x0;
	s25 =	sld [smem:$0x7FD]  }
0x2aa: {  	[sflag:s9] =	ssyncadd.s32 @p0 $0xFFFFE0C0;
	s9 =	sor.u32 @!p0 $0x1C09, s23;
	s23 =	sld [smem:$0x7E6]  }
0x2ab: {  	_ =	sdelay $0x1  }
0x2ac: {  	[hbm:s23], [sflag:s9] =	dma.local @!p0 [spmem:s25], $0x3200  }
0x2ad: {  	s9 =	simm.s32 @!p0 $0x9  }
0x2ae: {  	_ =	swait.ge @!p0 [sflag:s9], $0x3200  }
0x2af: {  	s23 =	sld [smem:$0x7E5]  }
0x2b0: {  	s26 =	sld [smem:$0x7E8];
	_ =	sdelay $0x1  }
0x2b1: {  	s25 =	sadd.s32 $0x1, s23  }
0x2b2: {  	p1 =	sne.s32 s25, s26  }
.Ltmp2:
0x2b3: {  	_ = 	snop;
	(pc) =	sbr.rel @p1 .LBB2_1-.Ltmp2, $3  }
0x2b4: {  	_ =	sdelay $0x1  }
0x2b5: {  	[sflag:s9] =	ssyncset.done @!p0 $0x0  }
0x2b6: {  	[sflag:s9] =	ssyncadd.s32 @!p0 $0xFFFFCE00  }
0x2b7: {  	_ =	sfence.sel $0x180000  }
0x2b8: {  	[bflag:$0x0] =	sbarrier.arrive $0xFFFF  }
0x2b9: {  	_ =	strace $0x9000004A  }
0x2ba: {  	s0 =	stileid.u32;
	[bflag:$0x2] =	sbarrier.arrive $0xFFFF  }
0x2bb: {  	p0 =	sne.s32 s0, $0x0;
	s0 =	rddreg [dreg:$0x2]  }
0x2bc: {  	s0 =	sadd.s32 @!p0 $0x100000, s0  }
0x2bd: {  	[sflag:s0] =	ssyncadd.tile.s32 @!p0 $0x1;
	_ =	shalt  }
.Lfunc_end2:
_tile_overlayer_lowered:
.L_overlay_start_2:
0x2be: {  	(tag) =	ssettag $0x2  }
0x2bf: {  	s0 =	rddreg [dreg:$0x0];
	s2 =	stileid.u32  }
0x2c0: {  	s1 =	rddreg [dreg:$0x1];
	p0 =	sne.s32 s2, $0x0  }
0x2c1: {  	s3 =	rddreg [dreg:$0x2];
	[bflag:$0x3] =	sbarrier.arrive $0xFFFF;
	s2 =	simm.s32 @!p0 $0x1C09  }
0x2c2: {  	[timem:s3], [sflag:s2] =	dma.local @!p0 [hbm:s0], s1  }
0x2c3: {  	s0 =	simm.s32 @!p0 $0x9  }
0x2c4: {  	_ =	swait.ge @!p0 [sflag:s0], s1  }
0x2c5: {  	s1 =	ssub.s32 @!p0 $0x0, s1;
	[sflag:s0] =	ssyncset.done @!p0 $0x0  }
0x2c6: {  	[sflag:s0] =	ssyncadd.s32 @!p0 s1  }
0x2c7: {  	[bflag:$0x3] =	sbarrier.arrive $0xFFFF  }
0x2c8: {  	_ =	shalt  }

// kernel: kernel.17.cloned.1.call-start
scs
__scs_entry_jumppad:
0x0: {  	(pc) =	sbr.rel $0x88, $3  }
0x1: {  	(tag) =	ssettag $0x0;
	lr =	simm.s32 $0x1  }
0x2: {  	[smem:$0x3F95] =	sst lr;
	_ =	strace $0xD0000000  }
0x3: {  	_ = 	snop  }
0x4: {  	_ = 	snop  }
0x5: {  	_ = 	snop  }
0x6: {  	_ = 	snop  }
0x7: {  	_ = 	snop  }
__scs_overlays_trampoline_lowered:
0x8: {  	[smem:$0x3FA4] =	sst s0  }
0x9: {  	[smem:$0x3FA5] =	sst s1  }
0xa: {  	[smem:$0x3FA6] =	sst s2  }
0xb: {  	[smem:$0x3FA7] =	sst s3  }
0xc: {  	[smem:$0x3FA8] =	sst s4  }
0xd: {  	[smem:$0x3FA9] =	sst s5  }
0xe: {  	[smem:$0x3FAA] =	sst s6  }
0xf: {  	[smem:$0x3FAB] =	sst s7  }
0x10: {  	[smem:$0x3FAC] =	sst s8  }
0x11: {  	[smem:$0x3FAD] =	sst s9;
	s0 =	simm.s32 @!p0 $0x0  }
0x12: {  	s1 =	sld [smem:$0x3F93];
	s0 =	simm.s32 @p0 $0x1  }
0x13: {  	[smem:$0x3FAE] =	sst s0;
	s0 =	simm.s32 @!p1 $0x0  }
0x14: {  	s2 =	sld [smem:$0x3F92];
	s0 =	simm.s32 @p1 $0x1  }
0x15: {  	[smem:$0x3FAF] =	sst s0;
	s0 =	simm.s32 @!p2 $0x0  }
0x16: {  	s3 =	sld [smem:$0x3FDB];
	s0 =	simm.s32 @p2 $0x1  }
0x17: {  	s4 =	simm.s32 $0x1BF5;
	[smem:$0x3FB1] =	sst s0  }
0x18: {  	s0 =	sld [smem:$0x3F94];
	_ =	swait.ge [sflag:s4], $0x0  }
0x19: {  	s7 =	sld [smem:$0x3F95]  }
0x1a: {  	s8 =	sadd.s32 $0xFFFFE003, lr  }
0x1b: {  	s9 =	sadd.s32 $0xFFFFFEF7, lr;
	s5 =	simm.s32 $0xFFFFFFFF;
	p2 =	slt.u32 s8, $0xFFFFF086  }
0x1c: {  	p1 =	slt.u32 s9, $0xF7A;
	s5 =	simm.s32 @!p2 $0x0  }
0x1d: {  	s5 =	simm.s32 @p1 $0x1;
	p0 =	seq.s32 s7, s2  }
0x1e: {  	s7 =	smul.u32 @!p0 $0xF7A, s2;
	p2 =	seq.s32 @!p0 s5, $0x0  }
0x1f: {  	s9 =	smul.u32 $0xF7A, s1;
	s8 =	simm.s32 @!p0 $0x1BF5;
	p2 =	por !p2, p0  }
0x20: {  	[sflag:s8] =	ssyncset.s32 @!p0 $0xFFFFF086;
	s6 =	sadd.s32 @!p0 s3, s7;
	s7 =	simm.s32 @!p0 $0x108  }
0x21: {  	s3 =	sadd.s32 s3, s9;
	s6 =	sadd.s32 @!p0 $0x88, s6;
	s7 =	simm.s32 @p2 $0x1082  }
0x22: {  	[simem:s7], [sflag:s8] =	dma.local @!p0 [hbm:s6], $0xF7A  }
0x23: {  	s9 =	sor.u32 $0xD0000000, s2;
	s6 =	simm.s32 $0x108;
	_ =	swait.ge @!p0 [sflag:s8], $0x0  }
0x24: {  	s3 =	sadd.s32 $0x88, s3;
	s6 =	simm.s32 @!p1 $0x1082;
	[sflag:s4] =	ssyncset.s32 $0xFFFFF086  }
0x25: {  	[simem:s6], [sflag:s4] =	dma.local [hbm:s3], $0xF7A  }
0x26: {  	[smem:$0x3F95] =	sst s1;
	(tag) =	ssettag s2;
	_ =	strace s9  }
0x27: {  	s1 =	sld [smem:$0x3FA5]  }
0x28: {  	s2 =	sld [smem:$0x3FA6]  }
0x29: {  	s4 =	sld [smem:$0x3FA8]  }
0x2a: {  	p0 =	seq.s32 s5, $0x0;
	s5 =	sld [smem:$0x3FA9]  }
0x2b: {  	s6 =	sld [smem:$0x3FAA]  }
0x2c: {  	s7 =	sld [smem:$0x3FAB]  }
0x2d: {  	s3 =	simm.s32 $0x108;
	s8 =	sld [smem:$0x3FAC]  }
0x2e: {  	s3 =	simm.s32 @!p0 $0x1082;
	s9 =	sld [smem:$0x3FAD]  }
0x2f: {  	lr =	sadd.s32 s0, s3;
	s0 =	sld [smem:$0x3FA4]  }
0x30: {  	s3 =	sld [smem:$0x3FA7]  }
0x31: {  	[smem:$0x3FB0] =	sst s10  }
0x32: {  	s10 =	sld [smem:$0x3FAE];
	_ =	sdelay $0x3  }
0x33: {  	p0 =	seq.s32 s10, $0x1;
	s10 =	sld [smem:$0x3FB0];
	_ =	sdelay $0x3  }
0x34: {  	[smem:$0x3FB0] =	sst s10  }
0x35: {  	s10 =	sld [smem:$0x3FAF];
	_ =	sdelay $0x3  }
0x36: {  	p1 =	seq.s32 s10, $0x1;
	s10 =	sld [smem:$0x3FB0];
	_ =	sdelay $0x3  }
0x37: {  	[smem:$0x3FB0] =	sst s10  }
0x38: {  	s10 =	sld [smem:$0x3FB1]  }
0x39: {  	_ = 	snop;
	(pc) =	sbr.ind lr, $3  }
0x3a: {  	_ = 	snop  }
0x3b: {  	_ = 	snop  }
0x3c: {  	p2 =	seq.s32 s10, $0x1;
	s10 =	sld [smem:$0x3FB0]  }
0x3d: {  	_ =	shalt  }
0x3e: {  	_ =	shalt  }
0x3f: {  	_ =	shalt  }
0x40: {  	_ =	shalt  }
0x41: {  	_ =	shalt  }
0x42: {  	_ =	shalt  }
0x43: {  	_ =	shalt  }
0x44: {  	_ =	shalt  }
0x45: {  	_ =	shalt  }
0x46: {  	_ =	shalt  }
0x47: {  	_ =	shalt  }
0x48: {  	_ =	shalt  }
0x49: {  	_ =	shalt  }
0x4a: {  	_ =	shalt  }
0x4b: {  	_ =	shalt  }
0x4c: {  	_ =	shalt  }
0x4d: {  	_ =	shalt  }
0x4e: {  	_ =	shalt  }
0x4f: {  	_ =	shalt  }
0x50: {  	_ =	shalt  }
0x51: {  	_ =	shalt  }
0x52: {  	_ =	shalt  }
0x53: {  	_ =	shalt  }
0x54: {  	_ =	shalt  }
0x55: {  	_ =	shalt  }
0x56: {  	_ =	shalt  }
0x57: {  	_ =	shalt  }
0x58: {  	_ =	shalt  }
0x59: {  	_ =	shalt  }
0x5a: {  	_ =	shalt  }
0x5b: {  	_ =	shalt  }
0x5c: {  	_ =	shalt  }
0x5d: {  	_ =	shalt  }
0x5e: {  	_ =	shalt  }
0x5f: {  	_ =	shalt  }
0x60: {  	_ =	shalt  }
0x61: {  	_ =	shalt  }
0x62: {  	_ =	shalt  }
0x63: {  	_ =	shalt  }
0x64: {  	_ =	shalt  }
0x65: {  	_ =	shalt  }
0x66: {  	_ =	shalt  }
0x67: {  	_ =	shalt  }
0x68: {  	_ =	shalt  }
0x69: {  	_ =	shalt  }
0x6a: {  	_ =	shalt  }
0x6b: {  	_ =	shalt  }
0x6c: {  	_ =	shalt  }
0x6d: {  	_ =	shalt  }
0x6e: {  	_ =	shalt  }
0x6f: {  	_ =	shalt  }
0x70: {  	_ =	shalt  }
0x71: {  	_ =	shalt  }
0x72: {  	_ =	shalt  }
0x73: {  	_ =	shalt  }
0x74: {  	_ =	shalt  }
0x75: {  	_ =	shalt  }
0x76: {  	_ =	shalt  }
0x77: {  	_ =	shalt  }
0x78: {  	_ =	shalt  }
0x79: {  	_ =	shalt  }
0x7a: {  	_ =	shalt  }
0x7b: {  	_ =	shalt  }
0x7c: {  	_ =	shalt  }
0x7d: {  	_ =	shalt  }
0x7e: {  	_ =	shalt  }
0x7f: {  	_ =	shalt  }
0x80: {  	_ =	shalt  }
0x81: {  	_ =	shalt  }
0x82: {  	_ =	shalt  }
0x83: {  	_ =	shalt  }
0x84: {  	_ =	shalt  }
0x85: {  	_ =	shalt  }
0x86: {  	_ =	shalt  }
0x87: {  	_ =	shalt  }
.Lfunc_end0:
.L_simem_size_0:
called_computation.2_lowered:
.L_overlay_start_0:
0x88: {  	s2 =	sld [smem:$0x3FD9]  }
0x89: {  	s3 =	sld [smem:$0x3FFE];
	_ =	sdelay $0x1  }
0x8a: {  	s1 =	srdreg.scid  }
0x8b: {  	s0 =	sand.u32 $0x1, s1  }
0x8c: {  	s16 =	sshll.u32 s0, $0xA;
	s2 =	sadd.s32 s3, s2  }
0x8d: {  	s2 =	sadd.s32 s2, s16  }
0x8e: {  	[smem:$0x3FBC] =	sst s2  }
0x8f: {  	_ = 	snop  }
0x90: {  	(tm) =	ssettm $0x1  }
0x91: {  	s17 =	sld [smem:$0x3FFB];
	_ =	sdelay $0x3  }
0x92: {  	_ =	strace s17  }
0x93: {  	s2 =	sld [smem:$0x3FFC];
	_ =	sdelay $0x3  }
0x94: {  	_ =	strace s2  }
0x95: {  	s2 =	sld [smem:$0x3FFD];
	_ =	sdelay $0x3  }
0x96: {  	_ =	strace s2  }
0x97: {  	_ =	strace $0x8FFFFFFF  }
0x98: {  	s18 =	sld [smem:$0x3FDB];
	_ =	sdelay $0x1  }
0x99: {  	s19 =	simm.s32 $_scs_section_size  }
0x9a: {  	s4 =	simm.s32 $_size__tile_overlayer_lowered;
	s5 =	simm.s32 $_tile_overlayer_lowered  }
0x9b: {  	s22 =	simm.s32 $0x1BFF;
	s21 =	sshll.u32 s5, $0x1;
	s2 =	sadd.s32 s19, s18  }
0x9c: {  	s6 =	simm.s32 $0x0;
	s20 =	sshll.u32 s4, $0x1;
	s4 =	sadd.s32 s21, s2  }
0x9d: {  	[timem:s6], [sflag:s22] =	dma.local [hbm:s4], s20  }
0x9e: {  	_ =	swait.ge [sflag:s22], s20  }
0x9f: {  	s3 =	ssub.s32 $0x0, s20;
	[sflag:s22] =	ssyncset.done $0x0  }
0xa0: {  	[sflag:s22] =	ssyncadd.s32 s3;
	_ =	sdelay $0x1  }
0xa1: {  	s23 =	simm.s32 $0x1B8B  }
0xa2: {  	_ =	swait.ge [sflag:s23], $0x1  }
0xa3: {  	[sflag:s23] =	ssyncset.done $0x0  }
0xa4: {  	s25 =	simm.s32 $0x1B8E;
	s24 =	sld [smem:$0x3FFE];
	[sflag:s23] =	ssyncadd.s32 $0xFFFFFFFF  }
0xa5: {  	s26 =	simm.s32 $execute0_lowered;
	[smem:$0x3FD2] =	sst s25  }
0xa6: {  	s4 =	sshll.u32 s26, $0x1;
	_ =	strace $0x8000004C;
	[dreg:$0x1] =	wrdreg $0xFFFFFFFF  }
0xa7: {  	s28 =	simm.s32 $_size_execute0_lowered;
	s2 =	sadd.s32 s2, s4;
	[dreg:$0x0] =	wrdreg $0x0  }
0xa8: {  	s4 =	sshll.u32 s28, $0x1;
	[dreg:$0x2] =	wrdreg s2  }
0xa9: {  	[dreg:$0x3] =	wrdreg s4  }
0xaa: {  	[dreg:$0x4] =	wrdreg $0xC0  }
0xab: {  	_ =	task [dreg:s6], $0x5FFFF  }
0xac: {  	[dreg:$0x1] =	wrdreg $0xFFFFFFFF  }
0xad: {  	[dreg:$0x0] =	wrdreg $0x60  }
0xae: {  	[dreg:$0x2] =	wrdreg s24  }
0xaf: {  	[dreg:$0x3] =	wrdreg $0x0  }
0xb0: {  	[dreg:$0x4] =	wrdreg $0x9  }
0xb1: {  	_ =	task.clear_ibuf [dreg:s6], $0x5FFFF;
	_ =	strace $0x9000004C  }
0xb2: {  	s29 =	simm.s32 $0x9;
	_ =	strace $0x8000004E  }
0xb3: {  	_ =	swait.ge [sflag:s29], $0x1  }
0xb4: {  	[sflag:s29] =	ssyncadd.s32 $0xFFFFFFFF  }
0xb5: {  	_ =	strace $0x9000004E  }
0xb6: {  	_ =	sfence  }
0xb7: {  	s30 =	sld [smem:$0x0];
	_ =	sdelay $0x2  }
0xb8: {  	s31 =	sshll.u32 s1, $0xD;
	s1 =	sshrl.u32 s1, $0x2  }
0xb9: {  	s3 =	sand.u32 $0x4000, s31;
	s1 =	sadd.s32 s1, s30  }
0xba: {  	s0 =	sor.u32 s3, s0;
	s1 =	sshll.u32 s1, $0x11  }
0xbb: {  	s0 =	sor.u32 s1, s0  }
0xbc: {  	s0 =	sadd.s32 $0x8F2B, s0  }
0xbd: {  	[sflag:s0] =	ssyncadd.remote.s32 $0x1  }
0xbe: {  	_ =	sfence.sel $0xFFFF  }
0xbf: {  	[dreg:$0x0] =	wrdreg $0xFFFFFFFF;
	(pc) =	sbr.abs _section_cstart, $3  }
0xc0: {  	[dreg:$0x1] =	wrdreg $0xFFFFFFFF  }
0xc1: {  	_ =	task.clear_ibuf [dreg:s6], $0x2FFFF;
	_ =	strace $0x9FFFFFFF  }
0xc2: {  	(tm) =	ssettm $0x7FFFFFFF  }
0xc3: {  	_ =	shalt  }
tec
execute0_lowered:
.L_overlay_start_1:
0x0: {  	(tag) =	ssettag $0x1  }
0x1: {  	s0 =	srdreg.scid;
	s1 =	rddreg [dreg:$0x0]  }
0x2: {  	s11 =	stileid.u32;
	s2 =	rddreg [dreg:$0x1]  }
0x3: {  	s3 =	simm.s32 $0x0;
	s12 =	simm.s32 $0x187A0;
	s13 =	simm.s32 $0x19120  }
0x4: {  	s14 =	simm.s32 $0x18820;
	s15 =	simm.s32 $0x191A0;
	[smem:$0x7FF] =	sst s3  }
0x5: {  	s16 =	simm.s32 $0x188A0;
	_ =	strace $0x8000004D;
	[dreg:$0x6] =	wrdreg s12  }
0x6: {  	s17 =	simm.s32 $0x19220;
	s18 =	simm.s32 $0x18920;
	[dreg:$0x7] =	wrdreg s13  }
0x7: {  	s19 =	simm.s32 $0x192A0;
	s28 =	simm.s32 $0x9;
	[dreg:$0x8] =	wrdreg s14  }
0x8: {  	s29 =	simm.s32 $0x186A0;
	s5 =	smul.u32 $0x6400, s11;
	[dreg:$0x9] =	wrdreg s15  }
0x9: {  	s30 =	simm.s32 $0x190A0;
	s7 =	smul.u32 $0x19000, s11;
	[dreg:$0xa] =	wrdreg s16  }
0xa: {  	s0 =	sand.u32 $0x1, s0;
	s10 =	smul.u32 $0x64000, s11;
	[dreg:$0xb] =	wrdreg s17  }
0xb: {  	p0 =	seq.s32 s11, $0xF;
	s4 =	smul.u32 $0x64000, s0;
	[dreg:$0xc] =	wrdreg s18  }
0xc: {  	s11 =	simm.s32 $0x18C20;
	s20 =	smul.u32 $0x186A00, s0;
	[dreg:$0xd] =	wrdreg s19  }
0xd: {  	s0 =	ssub.s32 $0x2, s0;
	[dreg:$0x18] =	wrdreg s11;
	s18 =	simm.s32 $0x19620  }
0xe: {  	s19 =	simm.s32 $0x18D20;
	s8 =	sshrl.u32 s0, $0x1;
	[dreg:$0x1b] =	wrdreg s18  }
0xf: {  	s22 =	sshrl.u32 s10, $0x2;
	s10 =	simm.s32 $0x18720;
	[dreg:$0x1c] =	wrdreg s19  }
0x10: {  	s4 =	sadd.s32 s5, s4;
	s9 =	sadd.s32 s7, s20;
	s5 =	sshrl.u32 s20, $0x3  }
0x11: {  	s8 =	ssub.s32 s0, s8;
	[dreg:$0x5] =	wrdreg s10;
	s20 =	simm.s32 $0x189A0  }
0x12: {  	s0 =	sadd.s32 s7, s2;
	s7 =	sadd.s32 $0x177000, s2;
	[dreg:$0xe] =	wrdreg s20  }
0x13: {  	s31 =	simm.s32 $0x7D;
	s23 =	smax.u32 s8, $0x1;
	[smem:$0x7FB] =	sst s7  }
0x14: {  	s8 =	sadd.s32 s22, s2;
	s22 =	simm.s32 $0x18A20;
	[smem:$0x7E8] =	sst s23  }
0x15: {  	s11 =	simm.s32 $0x3;
	s20 =	simm.s32 $0x196A0;
	[dreg:$0x10] =	wrdreg s22  }
0x16: {  	s18 =	simm.s32 $0x198A0;
	s19 =	simm.s32 $0x18FA0;
	[dreg:$0x1d] =	wrdreg s20  }
0x17: {  	s6 =	sshrl.u32 s4, $0x3;
	s0 =	sshrl.u32 @!p0 s0, $0x3;
	[smem:$0x7F9] =	sst s8  }
0x18: {  	s4 =	sadd.s32 $0x1F600, s1;
	s24 =	sadd.s32 $0x3200, s8;
	[smem:$0x7FD] =	sst s0  }
0x19: {  	s9 =	sshrl.u32 s9, $0x3;
	s26 =	sadd.s32 $0x4B00, s8;
	[smem:$0x7EA] =	sst s24  }
0x1a: {  	s6 =	sadd.s32 s6, s1;
	s23 =	simm.s32 $0x193A0;
	[smem:$0x7EB] =	sst s26  }
0x1b: {  	s1 =	sadd.s32 $0x137000, s1;
	s22 =	simm.s32 $0x19720;
	[dreg:$0x11] =	wrdreg s23  }
0x1c: {  	s10 =	sadd.s32 $0xE100, s8;
	s21 =	sadd.s32 s1, s9;
	[dreg:$0x1f] =	wrdreg s22  }
0x1d: {  	s12 =	sadd.s32 $0xFA00, s8;
	s25 =	sadd.s32 $0x2600, s6;
	[smem:$0x7E6] =	sst s21  }
0x1e: {  	s13 =	sadd.s32 $0x11300, s8;
	s9 =	sadd.s32 $0x6400, s8;
	[dreg:$0x3] =	wrdreg s25  }
0x1f: {  	s14 =	sadd.s32 $0x12C00, s8;
	s6 =	sadd.s32 $0x5AA00, s6;
	[smem:$0x7EC] =	sst s9  }
0x20: {  	s15 =	sadd.s32 $0x14500, s8;
	s24 =	simm.s32 $0x18AA0;
	[dreg:$0x4] =	wrdreg s6  }
0x21: {  	s16 =	sadd.s32 $0x15E00, s8;
	s26 =	simm.s32 $0x18B20;
	[dreg:$0x12] =	wrdreg s24  }
0x22: {  	s1 =	sadd.s32 s1, s5;
	s23 =	simm.s32 $0x18E20;
	[dreg:$0x14] =	wrdreg s26  }
0x23: {  	s17 =	sadd.s32 $0x17700, s8;
	s1 =	sadd.s32 $0x2EE00, s1;
	[smem:$0x7F6] =	sst s23  }
0x24: {  	s0 =	simm.s32 $0x1AA40;
	s21 =	simm.s32 $0x19320;
	[smem:$0x7E7] =	sst s1  }
0x25: {  	s20 =	simm.s32 $0x19920;
	s25 =	simm.s32 $0x19420;
	[dreg:$0xf] =	wrdreg s21  }
0x26: {  	s5 =	sadd.s32 $0x178900, s2;
	s24 =	simm.s32 $0x197A0;
	[dreg:$0x13] =	wrdreg s25  }
0x27: {  	s22 =	simm.s32 $0x199A0;
	s26 =	sadd.s32 $0x7D00, s8;
	[smem:$0x7F7] =	sst s24  }
0x28: {  	s6 =	sadd.s32 $0xAF00, s8;
	s1 =	sadd.s32 $0x1900, s8;
	[smem:$0x7FA] =	sst s26  }
0x29: {  	s9 =	sadd.s32 $0xC800, s8;
	s6 =	smov.u32 @p0 s5;
	[smem:$0x7E9] =	sst s1  }
0x2a: {  	s5 =	sadd.s32 $0x17A200, s2;
	s21 =	simm.s32 $0x18DA0;
	[smem:$0x7ED] =	sst s6  }
0x2b: {  	s25 =	simm.s32 $0x18EA0;
	s24 =	simm.s32 $0x19A20;
	[dreg:$0x1e] =	wrdreg s21  }
0x2c: {  	s9 =	smov.u32 @p0 s5;
	s5 =	sadd.s32 $0x17BB00, s2;
	[smem:$0x7F8] =	sst s25  }
0x2d: {  	s6 =	simm.s32 $0x194A0;
	s1 =	simm.s32 $0x19AA0;
	[smem:$0x7EE] =	sst s9  }
0x2e: {  	s21 =	simm.s32 $0x19020;
	s10 =	smov.u32 @p0 s5;
	[dreg:$0x15] =	wrdreg s6  }
0x2f: {  	s5 =	sadd.s32 $0x17D400, s2;
	s9 =	simm.s32 $0x18BA0;
	[smem:$0x7EF] =	sst s10  }
0x30: {  	s25 =	simm.s32 $0x0;
	s12 =	smov.u32 @p0 s5;
	[dreg:$0x16] =	wrdreg s9  }
0x31: {  	s10 =	simm.s32 $0x19520;
	s5 =	sadd.s32 $0x17ED00, s2;
	[smem:$0x7F0] =	sst s12  }
0x32: {  	s6 =	simm.s32 $0x1B9E0;
	[dreg:$0x17] =	wrdreg s10;
	s13 =	smov.u32 @p0 s5  }
0x33: {  	s12 =	simm.s32 $0x195A0;
	s5 =	sadd.s32 $0x180600, s2;
	[smem:$0x7F1] =	sst s13  }
0x34: {  	s10 =	simm.s32 $0x1C980;
	[dreg:$0x19] =	wrdreg s12;
	s14 =	smov.u32 @p0 s5  }
0x35: {  	s13 =	simm.s32 $0x18CA0;
	s5 =	sadd.s32 $0x181F00, s2;
	[smem:$0x7F2] =	sst s14  }
0x36: {  	s12 =	simm.s32 $0x5;
	[dreg:$0x1a] =	wrdreg s13;
	s15 =	smov.u32 @p0 s5  }
0x37: {  	s5 =	sadd.s32 $0x183800, s2;
	s13 =	simm.s32 $0x4;
	s14 =	simm.s32 $0x7  }
0x38: {  	[smem:$0x7F3] =	sst s15;
	s16 =	smov.u32 @p0 s5;
	s5 =	sadd.s32 $0x185100, s2  }
0x39: {  	s15 =	simm.s32 $0x8;
	[smem:$0x7F4] =	sst s16;
	s17 =	smov.u32 @p0 s5  }
0x3a: {  	s5 =	sadd.s32 $0x9600, s8;
	s8 =	simm.s32 $0x2;
	s16 =	simm.s32 $0x19820  }
0x3b: {  	[smem:$0x7F5] =	sst s17;
	s5 =	smov.u32 @p0 s7;
	s7 =	simm.s32 $0x6  }
0x3c: {  	v0 =	vimm.f32 $0.0e+00;
	s17 =	simm.s32 $0x18F20;
	[smem:$0x7FC] =	sst s5;
	s5 =	simm.s32 $0x1  }
.LBB2_1:
0x3d: {  	[smem:$0x7E5] =	sst s25;
	s9 =	simm.s32 $0x80;
	s23 =	simm.s32 $0x0  }
.LBB2_2:
0x3e: {  	p1 =	sne.s32 s9, $0x6380;
	[tilespmem:s23+$0x1D920] =	vst v0;
	s26 =	smov.u32 s9;
	s9 =	sadd.s32 $0x80, s9  }
.Ltmp0:
0x3f: {  	[tilespmem:s23+$0x1D930] =	vst v0;
	(pc) =	sbr.rel @p1 .LBB2_2-.Ltmp0, $2  }
0x40: {  	_ =	sdelay $0x2  }
0x41: {  	s23 =	sshra.s32 s26, $0x2  }
0x42: {  	[tilespmem:s23+$0x1D920] =	vst v0  }
0x43: {  	[tilespmem:s23+$0x1D930] =	vst v0;
	s23 =	sld [smem:$0x7F9];
	_ =	sdelay $0x1  }
0x44: {  	s9 =	simm.s32 @!p0 $0x1D920  }
0x45: {  	[spmem:s23] =	stream.linear.scatter @!p0 [tilespmem:s9], [sflag:$0x9], $0x1900, $0x38;
	[tilespmem:$0x1F220] =	vst v63  }
0x46: {  	s23 =	simm.s32 @!p0 $0x9  }
0x47: {  	_ =	swait.ge @!p0 [sflag:s23], $0x1900  }
0x48: {  	s25 =	sld [smem:$0x7E9]  }
0x49: {  	[sflag:s23] =	ssyncset.done @!p0 $0x0  }
0x4a: {  	[sflag:s23] =	ssyncadd.s32 @!p0 $0xFFFFE700  }
0x4b: {  	[spmem:s25] =	stream.linear.scatter @!p0 [tilespmem:s9], [sflag:$0x9], $0x1900, $0x38;
	[tilespmem:$0x1F220] =	vst v63  }
0x4c: {  	_ =	swait.ge @!p0 [sflag:s23], $0x1900  }
0x4d: {  	s25 =	sld [smem:$0x7EA]  }
0x4e: {  	[sflag:s23] =	ssyncset.done @!p0 $0x0  }
0x4f: {  	[sflag:s23] =	ssyncadd.s32 @!p0 $0xFFFFE700  }
0x50: {  	[spmem:s25] =	stream.linear.scatter @!p0 [tilespmem:s9], [sflag:$0x9], $0x1900, $0x38;
	[tilespmem:$0x1F220] =	vst v63  }
0x51: {  	_ =	swait.ge @!p0 [sflag:s23], $0x1900  }
0x52: {  	s25 =	sld [smem:$0x7EB]  }
0x53: {  	[sflag:s23] =	ssyncset.done @!p0 $0x0  }
0x54: {  	[sflag:s23] =	ssyncadd.s32 @!p0 $0xFFFFE700  }
0x55: {  	[spmem:s25] =	stream.linear.scatter @!p0 [tilespmem:s9], [sflag:$0x9], $0x1900, $0x38;
	[tilespmem:$0x1F220] =	vst v63  }
0x56: {  	_ =	swait.ge @!p0 [sflag:s23], $0x1900  }
0x57: {  	s25 =	sld [smem:$0x7EC]  }
0x58: {  	[sflag:s23] =	ssyncset.done @!p0 $0x0  }
0x59: {  	[sflag:s23] =	ssyncadd.s32 @!p0 $0xFFFFE700  }
0x5a: {  	[spmem:s25] =	stream.linear.scatter @!p0 [tilespmem:s9], [sflag:$0x9], $0x1900, $0x38;
	[tilespmem:$0x1F220] =	vst v63  }
0x5b: {  	_ =	swait.ge @!p0 [sflag:s23], $0x1900  }
0x5c: {  	s25 =	sld [smem:$0x7FA]  }
0x5d: {  	[sflag:s23] =	ssyncset.done @!p0 $0x0  }
0x5e: {  	[sflag:s23] =	ssyncadd.s32 @!p0 $0xFFFFE700  }
0x5f: {  	[spmem:s25] =	stream.linear.scatter @!p0 [tilespmem:s9], [sflag:$0x9], $0x1900, $0x38;
	[tilespmem:$0x1F220] =	vst v63  }
0x60: {  	_ =	swait.ge @!p0 [sflag:s23], $0x1900  }
0x61: {  	s25 =	sld [smem:$0x7FC]  }
0x62: {  	[sflag:s23] =	ssyncset.done @!p0 $0x0  }
0x63: {  	[sflag:s23] =	ssyncadd.s32 @!p0 $0xFFFFE700;
	s23 =	simm.s32 $0x1D920  }
0x64: {  	[spmem:s25] =	stream.linear.scatter [tilespmem:s23], [sflag:$0x9], $0x1900, $0x38;
	[tilespmem:$0x1F220] =	vst v63  }
0x65: {  	_ =	swait.ge [sflag:s28], $0x1900  }
0x66: {  	s26 =	sld [smem:$0x7ED]  }
0x67: {  	[sflag:s28] =	ssyncset.done $0x0  }
0x68: {  	[sflag:s28] =	ssyncadd.s32 $0xFFFFE700  }
0x69: {  	[spmem:s26] =	stream.linear.scatter [tilespmem:s23], [sflag:$0x9], $0x1900, $0x38;
	[tilespmem:$0x1F220] =	vst v63  }
0x6a: {  	_ =	swait.ge [sflag:s28], $0x1900  }
0x6b: {  	s25 =	sld [smem:$0x7EE]  }
0x6c: {  	[sflag:s28] =	ssyncset.done $0x0  }
0x6d: {  	[sflag:s28] =	ssyncadd.s32 $0xFFFFE700  }
0x6e: {  	[spmem:s25] =	stream.linear.scatter [tilespmem:s23], [sflag:$0x9], $0x1900, $0x38;
	[tilespmem:$0x1F220] =	vst v63  }
0x6f: {  	_ =	swait.ge [sflag:s28], $0x1900  }
0x70: {  	s26 =	sld [smem:$0x7EF]  }
0x71: {  	[sflag:s28] =	ssyncset.done $0x0  }
0x72: {  	[sflag:s28] =	ssyncadd.s32 $0xFFFFE700  }
0x73: {  	[spmem:s26] =	stream.linear.scatter [tilespmem:s23], [sflag:$0x9], $0x1900, $0x38;
	[tilespmem:$0x1F220] =	vst v63  }
0x74: {  	_ =	swait.ge [sflag:s28], $0x1900  }
0x75: {  	s25 =	sld [smem:$0x7F0]  }
0x76: {  	[sflag:s28] =	ssyncset.done $0x0  }
0x77: {  	[sflag:s28] =	ssyncadd.s32 $0xFFFFE700  }
0x78: {  	[spmem:s25] =	stream.linear.scatter [tilespmem:s23], [sflag:$0x9], $0x1900, $0x38;
	[tilespmem:$0x1F220] =	vst v63  }
0x79: {  	_ =	swait.ge [sflag:s28], $0x1900  }
0x7a: {  	s26 =	sld [smem:$0x7F1]  }
0x7b: {  	[sflag:s28] =	ssyncset.done $0x0  }
0x7c: {  	[sflag:s28] =	ssyncadd.s32 $0xFFFFE700  }
0x7d: {  	[spmem:s26] =	stream.linear.scatter [tilespmem:s23], [sflag:$0x9], $0x1900, $0x38;
	[tilespmem:$0x1F220] =	vst v63  }
0x7e: {  	_ =	swait.ge [sflag:s28], $0x1900  }
0x7f: {  	s25 =	sld [smem:$0x7F2]  }
0x80: {  	[sflag:s28] =	ssyncset.done $0x0  }
0x81: {  	[sflag:s28] =	ssyncadd.s32 $0xFFFFE700  }
0x82: {  	[spmem:s25] =	stream.linear.scatter [tilespmem:s23], [sflag:$0x9], $0x1900, $0x38;
	[tilespmem:$0x1F220] =	vst v63  }
0x83: {  	_ =	swait.ge [sflag:s28], $0x1900  }
0x84: {  	s26 =	sld [smem:$0x7F3]  }
0x85: {  	[sflag:s28] =	ssyncset.done $0x0  }
0x86: {  	[sflag:s28] =	ssyncadd.s32 $0xFFFFE700  }
0x87: {  	[spmem:s26] =	stream.linear.scatter [tilespmem:s23], [sflag:$0x9], $0x1900, $0x38;
	[tilespmem:$0x1F220] =	vst v63  }
0x88: {  	_ =	swait.ge [sflag:s28], $0x1900  }
0x89: {  	s25 =	sld [smem:$0x7F4]  }
0x8a: {  	[sflag:s28] =	ssyncset.done $0x0  }
0x8b: {  	[sflag:s28] =	ssyncadd.s32 $0xFFFFE700  }
0x8c: {  	[spmem:s25] =	stream.linear.scatter [tilespmem:s23], [sflag:$0x9], $0x1900, $0x38;
	[tilespmem:$0x1F220] =	vst v63  }
0x8d: {  	_ =	swait.ge [sflag:s28], $0x1900  }
0x8e: {  	s26 =	sld [smem:$0x7F5]  }
0x8f: {  	[sflag:s28] =	ssyncset.done $0x0  }
0x90: {  	[sflag:s28] =	ssyncadd.s32 $0xFFFFE700  }
0x91: {  	[spmem:s26] =	stream.linear.scatter [tilespmem:s23], [sflag:$0x9], $0x1900, $0x38;
	[tilespmem:$0x1F220] =	vst v63  }
0x92: {  	_ =	swait.ge [sflag:s28], $0x1900  }
0x93: {  	[sflag:s28] =	ssyncset.done $0x0  }
0x94: {  	[sflag:s28] =	ssyncadd.s32 $0xFFFFE700  }
0x95: {  	[bflag:$0x0] =	sbarrier.arrive $0xFFFF  }
0x96: {  	s23 =	rddreg [dreg:$0x4]  }
0x97: {  	s9 =	sadd.s32 $0x0, s23  }
0x98: {  	[tilespmem:s29], [sflag:$0x9] =	stream.linear.gather [hbm4b:s9+s3], $0xA00, $0x38;
	[tilespmem:$0x1F220] =	vst v63  }
0x99: {  	_ =	swait.ge [sflag:s28], $0xA00  }
0x9a: {  	s25 =	rddreg [dreg:$0x3];
	[sflag:s28] =	ssyncset.done $0x0  }
0x9b: {  	[sflag:s28] =	ssyncadd.s32 $0xFFFFF600;
	s9 =	sadd.s32 $0x0, s25  }
0x9c: {  	[tilespmem:s30], [sflag:$0x9] =	stream.linear.gather [hbm4b:s9+s3], $0xA00, $0x38;
	[tilespmem:$0x1F220] =	vst v63  }
0x9d: {  	_ =	swait.ge [sflag:s28], $0xA00  }
0x9e: {  	[sflag:s28] =	ssyncset.done $0x0  }
0x9f: {  	[sflag:s28] =	ssyncadd.s32 $0xFFFFF600  }
0xa0: {  	[tilespmem:s1], [sflag:$0x1] =	stream.indirect.gather [hbm4b:s4+s31], $0x20, s29, s31, $0xb8;
	[tilespmem:$0x1F220] =	vst v63  }
0xa1: {  	s26 =	rddreg [dreg:$0x5]  }
0xa2: {  	[tilespmem:s0], [sflag:$0x2] =	stream.indirect.gather [hbm4b:s4+s31], $0x20, s26, s31, $0xb8;
	[tilespmem:$0x1F220] =	vst v63  }
0xa3: {  	_ =	swait.ge [sflag:s5], $0xFA0  }
0xa4: {  	[sflag:s5] =	ssyncset.done $0x0  }
0xa5: {  	[sflag:s5] =	ssyncadd.s32 $0xFFFFF060  }
0xa6: {  	[spmem:s2] =	stream.indirect.scatter.add.f32 [tilespmem:s1], [sflag:$0x5], $0x20, s30, s31, $0xb8;
	[tilespmem:$0x1F220] =	vst v63  }
0xa7: {  	s23 =	rddreg [dreg:$0x6]  }
0xa8: {  	[tilespmem:s6], [sflag:$0x3] =	stream.indirect.gather [hbm4b:s4+s31], $0x20, s23, s31, $0xb8;
	[tilespmem:$0x1F220] =	vst v63  }
0xa9: {  	_ =	swait.ge [sflag:s8], $0xFA0  }
0xaa: {  	[sflag:s8] =	ssyncset.done $0x0  }
0xab: {  	s25 =	rddreg [dreg:$0x7];
	[sflag:s8] =	ssyncadd.s32 $0xFFFFF060  }
0xac: {  	[spmem:s2] =	stream.indirect.scatter.add.f32 [tilespmem:s0], [sflag:$0x6], $0x20, s25, s31, $0xb8;
	[tilespmem:$0x1F220] =	vst v63  }
0xad: {  	s26 =	rddreg [dreg:$0x8]  }
0xae: {  	[tilespmem:s10], [sflag:$0x4] =	stream.indirect.gather [hbm4b:s4+s31], $0x20, s26, s31, $0xb8;
	[tilespmem:$0x1F220] =	vst v63  }
0xaf: {  	_ =	swait.ge [sflag:s11], $0xFA0  }
0xb0: {  	[sflag:s11] =	ssyncset.done $0x0  }
0xb1: {  	s25 =	rddreg [dreg:$0x9];
	[sflag:s11] =	ssyncadd.s32 $0xFFFFF060  }
0xb2: {  	[spmem:s2] =	stream.indirect.scatter.add.f32 [tilespmem:s6], [sflag:$0x7], $0x20, s25, s31, $0xb8;
	[tilespmem:$0x1F220] =	vst v63  }
0xb3: {  	_ =	swait.ge [sflag:s12], $0xFA0  }
0xb4: {  	[sflag:s12] =	ssyncset.done $0x0  }
0xb5: {  	s26 =	rddreg [dreg:$0xa];
	[sflag:s12] =	ssyncadd.s32 $0xFFFFF060  }
0xb6: {  	[tilespmem:s1], [sflag:$0x1] =	stream.indirect.gather [hbm4b:s4+s31], $0x20, s26, s31, $0xb8;
	[tilespmem:$0x1F220] =	vst v63  }
0xb7: {  	_ =	swait.ge [sflag:s13], $0xFA0  }
0xb8: {  	[sflag:s13] =	ssyncset.done $0x0  }
0xb9: {  	s23 =	rddreg [dreg:$0xb];
	[sflag:s13] =	ssyncadd.s32 $0xFFFFF060  }
0xba: {  	[spmem:s2] =	stream.indirect.scatter.add.f32 [tilespmem:s10], [sflag:$0x8], $0x20, s23, s31, $0xb8;
	[tilespmem:$0x1F220] =	vst v63  }
0xbb: {  	_ =	swait.ge [sflag:s7], $0xFA0  }
0xbc: {  	[sflag:s7] =	ssyncset.done $0x0  }
0xbd: {  	s25 =	rddreg [dreg:$0xc];
	[sflag:s7] =	ssyncadd.s32 $0xFFFFF060  }
0xbe: {  	[tilespmem:s0], [sflag:$0x2] =	stream.indirect.gather [hbm4b:s4+s31], $0x20, s25, s31, $0xb8;
	[tilespmem:$0x1F220] =	vst v63  }
0xbf: {  	_ =	swait.ge [sflag:s5], $0xFA0  }
0xc0: {  	[sflag:s5] =	ssyncset.done $0x0  }
0xc1: {  	s26 =	rddreg [dreg:$0xd];
	[sflag:s5] =	ssyncadd.s32 $0xFFFFF060  }
0xc2: {  	[spmem:s2] =	stream.indirect.scatter.add.f32 [tilespmem:s1], [sflag:$0x5], $0x20, s26, s31, $0xb8;
	[tilespmem:$0x1F220] =	vst v63  }
0xc3: {  	_ =	swait.ge [sflag:s14], $0xFA0  }
0xc4: {  	[sflag:s14] =	ssyncset.done $0x0  }
0xc5: {  	s23 =	rddreg [dreg:$0xe];
	[sflag:s14] =	ssyncadd.s32 $0xFFFFF060  }
0xc6: {  	[tilespmem:s6], [sflag:$0x3] =	stream.indirect.gather [hbm4b:s4+s31], $0x20, s23, s31, $0xb8;
	[tilespmem:$0x1F220] =	vst v63  }
0xc7: {  	_ =	swait.ge [sflag:s8], $0xFA0  }
0xc8: {  	[sflag:s8] =	ssyncset.done $0x0  }
0xc9: {  	s25 =	rddreg [dreg:$0xf];
	[sflag:s8] =	ssyncadd.s32 $0xFFFFF060  }
0xca: {  	[spmem:s2] =	stream.indirect.scatter.add.f32 [tilespmem:s0], [sflag:$0x6], $0x20, s25, s31, $0xb8;
	[tilespmem:$0x1F220] =	vst v63  }
0xcb: {  	_ =	swait.ge [sflag:s15], $0xFA0  }
0xcc: {  	[sflag:s15] =	ssyncset.done $0x0  }
0xcd: {  	s26 =	rddreg [dreg:$0x10];
	[sflag:s15] =	ssyncadd.s32 $0xFFFFF060  }
0xce: {  	[tilespmem:s10], [sflag:$0x4] =	stream.indirect.gather [hbm4b:s4+s31], $0x20, s26, s31, $0xb8;
	[tilespmem:$0x1F220] =	vst v63  }
0xcf: {  	_ =	swait.ge [sflag:s11], $0xFA0  }
0xd0: {  	[sflag:s11] =	ssyncset.done $0x0  }
0xd1: {  	s23 =	rddreg [dreg:$0x11];
	[sflag:s11] =	ssyncadd.s32 $0xFFFFF060  }
0xd2: {  	[spmem:s2] =	stream.indirect.scatter.add.f32 [tilespmem:s6], [sflag:$0x7], $0x20, s23, s31, $0xb8;
	[tilespmem:$0x1F220] =	vst v63  }
0xd3: {  	_ =	swait.ge [sflag:s12], $0xFA0  }
0xd4: {  	[sflag:s12] =	ssyncset.done $0x0  }
0xd5: {  	s25 =	rddreg [dreg:$0x12];
	[sflag:s12] =	ssyncadd.s32 $0xFFFFF060  }
0xd6: {  	[tilespmem:s1], [sflag:$0x1] =	stream.indirect.gather [hbm4b:s4+s31], $0x20, s25, s31, $0xb8;
	[tilespmem:$0x1F220] =	vst v63  }
0xd7: {  	_ =	swait.ge [sflag:s13], $0xFA0  }
0xd8: {  	[sflag:s13] =	ssyncset.done $0x0  }
0xd9: {  	s26 =	rddreg [dreg:$0x13];
	[sflag:s13] =	ssyncadd.s32 $0xFFFFF060  }
0xda: {  	[spmem:s2] =	stream.indirect.scatter.add.f32 [tilespmem:s10], [sflag:$0x8], $0x20, s26, s31, $0xb8;
	[tilespmem:$0x1F220] =	vst v63  }
0xdb: {  	_ =	swait.ge [sflag:s7], $0xFA0  }
0xdc: {  	[sflag:s7] =	ssyncset.done $0x0  }
0xdd: {  	s23 =	rddreg [dreg:$0x14];
	[sflag:s7] =	ssyncadd.s32 $0xFFFFF060  }
0xde: {  	[tilespmem:s0], [sflag:$0x2] =	stream.indirect.gather [hbm4b:s4+s31], $0x20, s23, s31, $0xb8;
	[tilespmem:$0x1F220] =	vst v63  }
0xdf: {  	_ =	swait.ge [sflag:s5], $0xFA0  }
0xe0: {  	[sflag:s5] =	ssyncset.done $0x0  }
0xe1: {  	s25 =	rddreg [dreg:$0x15];
	[sflag:s5] =	ssyncadd.s32 $0xFFFFF060  }
0xe2: {  	[spmem:s2] =	stream.indirect.scatter.add.f32 [tilespmem:s1], [sflag:$0x5], $0x20, s25, s31, $0xb8;
	[tilespmem:$0x1F220] =	vst v63  }
0xe3: {  	_ =	swait.ge [sflag:s14], $0xFA0  }
0xe4: {  	[sflag:s14] =	ssyncset.done $0x0  }
0xe5: {  	s26 =	rddreg [dreg:$0x16];
	[sflag:s14] =	ssyncadd.s32 $0xFFFFF060  }
0xe6: {  	[tilespmem:s6], [sflag:$0x3] =	stream.indirect.gather [hbm4b:s4+s31], $0x20, s26, s31, $0xb8;
	[tilespmem:$0x1F220] =	vst v63  }
0xe7: {  	_ =	swait.ge [sflag:s8], $0xFA0  }
0xe8: {  	[sflag:s8] =	ssyncset.done $0x0  }
0xe9: {  	s23 =	rddreg [dreg:$0x17];
	[sflag:s8] =	ssyncadd.s32 $0xFFFFF060  }
0xea: {  	[spmem:s2] =	stream.indirect.scatter.add.f32 [tilespmem:s0], [sflag:$0x6], $0x20, s23, s31, $0xb8;
	[tilespmem:$0x1F220] =	vst v63  }
0xeb: {  	_ =	swait.ge [sflag:s15], $0xFA0  }
0xec: {  	[sflag:s15] =	ssyncset.done $0x0  }
0xed: {  	s25 =	rddreg [dreg:$0x18];
	[sflag:s15] =	ssyncadd.s32 $0xFFFFF060  }
0xee: {  	[tilespmem:s10], [sflag:$0x4] =	stream.indirect.gather [hbm4b:s4+s31], $0x20, s25, s31, $0xb8;
	[tilespmem:$0x1F220] =	vst v63  }
0xef: {  	_ =	swait.ge [sflag:s11], $0xFA0  }
0xf0: {  	[sflag:s11] =	ssyncset.done $0x0  }
0xf1: {  	s26 =	rddreg [dreg:$0x19];
	[sflag:s11] =	ssyncadd.s32 $0xFFFFF060  }
0xf2: {  	[spmem:s2] =	stream.indirect.scatter.add.f32 [tilespmem:s6], [sflag:$0x7], $0x20, s26, s31, $0xb8;
	[tilespmem:$0x1F220] =	vst v63  }
0xf3: {  	_ =	swait.ge [sflag:s12], $0xFA0  }
0xf4: {  	[sflag:s12] =	ssyncset.done $0x0  }
0xf5: {  	s23 =	rddreg [dreg:$0x1a];
	[sflag:s12] =	ssyncadd.s32 $0xFFFFF060  }
0xf6: {  	[tilespmem:s1], [sflag:$0x1] =	stream.indirect.gather [hbm4b:s4+s31], $0x20, s23, s31, $0xb8;
	[tilespmem:$0x1F220] =	vst v63  }
0xf7: {  	_ =	swait.ge [sflag:s13], $0xFA0  }
0xf8: {  	[sflag:s13] =	ssyncset.done $0x0  }
0xf9: {  	s25 =	rddreg [dreg:$0x1b];
	[sflag:s13] =	ssyncadd.s32 $0xFFFFF060  }
0xfa: {  	[spmem:s2] =	stream.indirect.scatter.add.f32 [tilespmem:s10], [sflag:$0x8], $0x20, s25, s31, $0xb8;
	[tilespmem:$0x1F220] =	vst v63  }
0xfb: {  	_ =	swait.ge [sflag:s7], $0xFA0  }
0xfc: {  	[sflag:s7] =	ssyncset.done $0x0  }
0xfd: {  	s26 =	rddreg [dreg:$0x1c];
	[sflag:s7] =	ssyncadd.s32 $0xFFFFF060  }
0xfe: {  	[tilespmem:s0], [sflag:$0x2] =	stream.indirect.gather [hbm4b:s4+s31], $0x20, s26, s31, $0xb8;
	[tilespmem:$0x1F220] =	vst v63  }
0xff: {  	_ =	swait.ge [sflag:s5], $0xFA0  }
0x100: {  	[sflag:s5] =	ssyncset.done $0x0  }
0x101: {  	s23 =	rddreg [dreg:$0x1d];
	[sflag:s5] =	ssyncadd.s32 $0xFFFFF060  }
0x102: {  	[spmem:s2] =	stream.indirect.scatter.add.f32 [tilespmem:s1], [sflag:$0x5], $0x20, s23, s31, $0xb8;
	[tilespmem:$0x1F220] =	vst v63  }
0x103: {  	_ =	swait.ge [sflag:s14], $0xFA0  }
0x104: {  	[sflag:s14] =	ssyncset.done $0x0  }
0x105: {  	s25 =	rddreg [dreg:$0x1e];
	[sflag:s14] =	ssyncadd.s32 $0xFFFFF060  }
0x106: {  	[tilespmem:s6], [sflag:$0x3] =	stream.indirect.gather [hbm4b:s4+s31], $0x20, s25, s31, $0xb8;
	[tilespmem:$0x1F220] =	vst v63  }
0x107: {  	_ =	swait.ge [sflag:s8], $0xFA0  }
0x108: {  	[sflag:s8] =	ssyncset.done $0x0  }
0x109: {  	s26 =	rddreg [dreg:$0x1f];
	[sflag:s8] =	ssyncadd.s32 $0xFFFFF060  }
0x10a: {  	[spmem:s2] =	stream.indirect.scatter.add.f32 [tilespmem:s0], [sflag:$0x6], $0x20, s26, s31, $0xb8;
	[tilespmem:$0x1F220] =	vst v63  }
0x10b: {  	_ =	swait.ge [sflag:s15], $0xFA0  }
0x10c: {  	s23 =	sld [smem:$0x7F6]  }
0x10d: {  	[sflag:s15] =	ssyncset.done $0x0  }
0x10e: {  	[sflag:s15] =	ssyncadd.s32 $0xFFFFF060  }
0x10f: {  	[tilespmem:s10], [sflag:$0x4] =	stream.indirect.gather [hbm4b:s4+s31], $0x20, s23, s31, $0xb8;
	[tilespmem:$0x1F220] =	vst v63  }
0x110: {  	_ =	swait.ge [sflag:s11], $0xFA0  }
0x111: {  	s25 =	sld [smem:$0x7F7]  }
0x112: {  	[sflag:s11] =	ssyncset.done $0x0  }
0x113: {  	[sflag:s11] =	ssyncadd.s32 $0xFFFFF060  }
0x114: {  	[spmem:s2] =	stream.indirect.scatter.add.f32 [tilespmem:s6], [sflag:$0x7], $0x20, s25, s31, $0xb8;
	[tilespmem:$0x1F220] =	vst v63  }
0x115: {  	_ =	swait.ge [sflag:s12], $0xFA0  }
0x116: {  	s26 =	sld [smem:$0x7F8]  }
0x117: {  	[sflag:s12] =	ssyncset.done $0x0  }
0x118: {  	[sflag:s12] =	ssyncadd.s32 $0xFFFFF060  }
0x119: {  	[tilespmem:s1], [sflag:$0x1] =	stream.indirect.gather [hbm4b:s4+s31], $0x20, s26, s31, $0xb8;
	[tilespmem:$0x1F220] =	vst v63  }
0x11a: {  	_ =	swait.ge [sflag:s13], $0xFA0  }
0x11b: {  	[sflag:s13] =	ssyncset.done $0x0  }
0x11c: {  	[sflag:s13] =	ssyncadd.s32 $0xFFFFF060  }
0x11d: {  	[spmem:s2] =	stream.indirect.scatter.add.f32 [tilespmem:s10], [sflag:$0x8], $0x20, s16, s31, $0xb8;
	[tilespmem:$0x1F220] =	vst v63  }
0x11e: {  	_ =	swait.ge [sflag:s7], $0xFA0  }
0x11f: {  	[sflag:s7] =	ssyncset.done $0x0  }
0x120: {  	[sflag:s7] =	ssyncadd.s32 $0xFFFFF060  }
0x121: {  	[tilespmem:s0], [sflag:$0x2] =	stream.indirect.gather [hbm4b:s4+s31], $0x20, s17, s31, $0xb8;
	[tilespmem:$0x1F220] =	vst v63  }
0x122: {  	_ =	swait.ge [sflag:s5], $0xFA0  }
0x123: {  	[sflag:s5] =	ssyncset.done $0x0  }
0x124: {  	[sflag:s5] =	ssyncadd.s32 $0xFFFFF060  }
0x125: {  	[spmem:s2] =	stream.indirect.scatter.add.f32 [tilespmem:s1], [sflag:$0x5], $0x20, s18, s31, $0xb8;
	[tilespmem:$0x1F220] =	vst v63  }
0x126: {  	_ =	swait.ge [sflag:s14], $0xFA0  }
0x127: {  	[sflag:s14] =	ssyncset.done $0x0  }
0x128: {  	[sflag:s14] =	ssyncadd.s32 $0xFFFFF060  }
0x129: {  	[tilespmem:s6], [sflag:$0x3] =	stream.indirect.gather [hbm4b:s4+s31], $0x20, s19, s31, $0xb8;
	[tilespmem:$0x1F220] =	vst v63  }
0x12a: {  	_ =	swait.ge [sflag:s8], $0xFA0  }
0x12b: {  	[sflag:s8] =	ssyncset.done $0x0  }
0x12c: {  	[sflag:s8] =	ssyncadd.s32 $0xFFFFF060  }
0x12d: {  	[spmem:s2] =	stream.indirect.scatter.add.f32 [tilespmem:s0], [sflag:$0x6], $0x20, s20, s31, $0xb8;
	[tilespmem:$0x1F220] =	vst v63  }
0x12e: {  	_ =	swait.ge [sflag:s15], $0xFA0  }
0x12f: {  	[sflag:s15] =	ssyncset.done $0x0  }
0x130: {  	[sflag:s15] =	ssyncadd.s32 $0xFFFFF060  }
0x131: {  	[tilespmem:s10], [sflag:$0x4] =	stream.indirect.gather [hbm4b:s4+s31], $0x20, s21, s31, $0xb8;
	[tilespmem:$0x1F220] =	vst v63  }
0x132: {  	_ =	swait.ge [sflag:s11], $0xFA0  }
0x133: {  	[sflag:s11] =	ssyncset.done $0x0  }
0x134: {  	[sflag:s11] =	ssyncadd.s32 $0xFFFFF060  }
0x135: {  	[spmem:s2] =	stream.indirect.scatter.add.f32 [tilespmem:s6], [sflag:$0x7], $0x20, s22, s31, $0xb8;
	[tilespmem:$0x1F220] =	vst v63  }
0x136: {  	_ =	swait.ge [sflag:s13], $0xFA0  }
0x137: {  	[sflag:s13] =	ssyncset.done $0x0  }
0x138: {  	[sflag:s13] =	ssyncadd.s32 $0xFFFFF060  }
0x139: {  	[spmem:s2] =	stream.indirect.scatter.add.f32 [tilespmem:s10], [sflag:$0x8], $0x20, s24, s31, $0xb8;
	[tilespmem:$0x1F220] =	vst v63  }
0x13a: {  	_ =	swait.ge [sflag:s12], $0xFA0  }
0x13b: {  	[sflag:s12] =	ssyncset.done $0x0  }
0x13c: {  	[sflag:s12] =	ssyncadd.s32 $0xFFFFF060  }
0x13d: {  	_ =	swait.ge [sflag:s7], $0xFA0  }
0x13e: {  	[sflag:s7] =	ssyncset.done $0x0  }
0x13f: {  	[sflag:s7] =	ssyncadd.s32 $0xFFFFF060  }
0x140: {  	_ =	swait.ge [sflag:s14], $0xFA0  }
0x141: {  	[sflag:s14] =	ssyncset.done $0x0  }
0x142: {  	[sflag:s14] =	ssyncadd.s32 $0xFFFFF060  }
0x143: {  	s9 =	simm.s32 $0x280;
	_ =	swait.ge [sflag:s15], $0xFA0  }
0x144: {  	s23 =	simm.s32 $0x140;
	s26 =	rddreg [dreg:$0x4];
	[sflag:s15] =	ssyncset.done $0x0  }
.LBB2_4:
0x145: {  	[sflag:s15] =	ssyncadd.s32 $0xFFFFF060;
	s26 =	sadd.s32 s23, s26  }
0x146: {  	[tilespmem:s29], [sflag:$0x9] =	stream.linear.gather [hbm4b:s26+s3], $0xA00, $0x38;
	[tilespmem:$0x1F220] =	vst v63  }
0x147: {  	_ =	swait.ge [sflag:s28], $0xA00  }
0x148: {  	s26 =	rddreg [dreg:$0x3];
	[sflag:s28] =	ssyncset.done $0x0  }
0x149: {  	[sflag:s28] =	ssyncadd.s32 $0xFFFFF600;
	s26 =	sadd.s32 s23, s26  }
0x14a: {  	[tilespmem:s30], [sflag:$0x9] =	stream.linear.gather [hbm4b:s26+s3], $0xA00, $0x38;
	[tilespmem:$0x1F220] =	vst v63  }
0x14b: {  	_ =	swait.ge [sflag:s28], $0xA00  }
0x14c: {  	[sflag:s28] =	ssyncset.done $0x0  }
0x14d: {  	[sflag:s28] =	ssyncadd.s32 $0xFFFFF600  }
0x14e: {  	[tilespmem:s1], [sflag:$0x1] =	stream.indirect.gather [hbm4b:s4+s31], $0x20, s29, s31, $0xb8;
	[tilespmem:$0x1F220] =	vst v63  }
0x14f: {  	s26 =	rddreg [dreg:$0x5]  }
0x150: {  	[tilespmem:s0], [sflag:$0x2] =	stream.indirect.gather [hbm4b:s4+s31], $0x20, s26, s31, $0xb8;
	[tilespmem:$0x1F220] =	vst v63  }
0x151: {  	_ =	swait.ge [sflag:s5], $0xFA0  }
0x152: {  	[sflag:s5] =	ssyncset.done $0x0  }
0x153: {  	[sflag:s5] =	ssyncadd.s32 $0xFFFFF060  }
0x154: {  	[spmem:s2] =	stream.indirect.scatter.add.f32 [tilespmem:s1], [sflag:$0x5], $0x20, s30, s31, $0xb8;
	[tilespmem:$0x1F220] =	vst v63  }
0x155: {  	s26 =	rddreg [dreg:$0x6]  }
0x156: {  	[tilespmem:s6], [sflag:$0x3] =	stream.indirect.gather [hbm4b:s4+s31], $0x20, s26, s31, $0xb8;
	[tilespmem:$0x1F220] =	vst v63  }
0x157: {  	_ =	swait.ge [sflag:s8], $0xFA0  }
0x158: {  	s25 =	smov.u32 s9;
	[sflag:s8] =	ssyncset.done $0x0  }
0x159: {  	s23 =	smov.u32 s25;
	s25 =	rddreg [dreg:$0x7];
	[sflag:s8] =	ssyncadd.s32 $0xFFFFF060  }
0x15a: {  	[spmem:s2] =	stream.indirect.scatter.add.f32 [tilespmem:s0], [sflag:$0x6], $0x20, s25, s31, $0xb8;
	[tilespmem:$0x1F220] =	vst v63  }
0x15b: {  	s26 =	rddreg [dreg:$0x8]  }
0x15c: {  	[tilespmem:s10], [sflag:$0x4] =	stream.indirect.gather [hbm4b:s4+s31], $0x20, s26, s31, $0xb8;
	[tilespmem:$0x1F220] =	vst v63  }
0x15d: {  	_ =	swait.ge [sflag:s11], $0xFA0  }
0x15e: {  	[sflag:s11] =	ssyncset.done $0x0  }
0x15f: {  	s26 =	rddreg [dreg:$0x9];
	[sflag:s11] =	ssyncadd.s32 $0xFFFFF060  }
0x160: {  	[spmem:s2] =	stream.indirect.scatter.add.f32 [tilespmem:s6], [sflag:$0x7], $0x20, s26, s31, $0xb8;
	[tilespmem:$0x1F220] =	vst v63  }
0x161: {  	_ =	swait.ge [sflag:s12], $0xFA0  }
0x162: {  	[sflag:s12] =	ssyncset.done $0x0  }
0x163: {  	s26 =	rddreg [dreg:$0xa];
	[sflag:s12] =	ssyncadd.s32 $0xFFFFF060  }
0x164: {  	[tilespmem:s1], [sflag:$0x1] =	stream.indirect.gather [hbm4b:s4+s31], $0x20, s26, s31, $0xb8;
	[tilespmem:$0x1F220] =	vst v63  }
0x165: {  	_ =	swait.ge [sflag:s13], $0xFA0  }
0x166: {  	[sflag:s13] =	ssyncset.done $0x0  }
0x167: {  	s26 =	rddreg [dreg:$0xb];
	[sflag:s13] =	ssyncadd.s32 $0xFFFFF060  }
0x168: {  	[spmem:s2] =	stream.indirect.scatter.add.f32 [tilespmem:s10], [sflag:$0x8], $0x20, s26, s31, $0xb8;
	[tilespmem:$0x1F220] =	vst v63  }
0x169: {  	_ =	swait.ge [sflag:s7], $0xFA0  }
0x16a: {  	[sflag:s7] =	ssyncset.done $0x0  }
0x16b: {  	s26 =	rddreg [dreg:$0xc];
	[sflag:s7] =	ssyncadd.s32 $0xFFFFF060  }
0x16c: {  	[tilespmem:s0], [sflag:$0x2] =	stream.indirect.gather [hbm4b:s4+s31], $0x20, s26, s31, $0xb8;
	[tilespmem:$0x1F220] =	vst v63  }
0x16d: {  	_ =	swait.ge [sflag:s5], $0xFA0  }
0x16e: {  	[sflag:s5] =	ssyncset.done $0x0  }
0x16f: {  	s26 =	rddreg [dreg:$0xd];
	[sflag:s5] =	ssyncadd.s32 $0xFFFFF060  }
0x170: {  	[spmem:s2] =	stream.indirect.scatter.add.f32 [tilespmem:s1], [sflag:$0x5], $0x20, s26, s31, $0xb8;
	[tilespmem:$0x1F220] =	vst v63  }
0x171: {  	_ =	swait.ge [sflag:s14], $0xFA0  }
0x172: {  	[sflag:s14] =	ssyncset.done $0x0  }
0x173: {  	s26 =	rddreg [dreg:$0xe];
	[sflag:s14] =	ssyncadd.s32 $0xFFFFF060  }
0x174: {  	[tilespmem:s6], [sflag:$0x3] =	stream.indirect.gather [hbm4b:s4+s31], $0x20, s26, s31, $0xb8;
	[tilespmem:$0x1F220] =	vst v63  }
0x175: {  	_ =	swait.ge [sflag:s8], $0xFA0  }
0x176: {  	[sflag:s8] =	ssyncset.done $0x0  }
0x177: {  	s26 =	rddreg [dreg:$0xf];
	[sflag:s8] =	ssyncadd.s32 $0xFFFFF060  }
0x178: {  	[spmem:s2] =	stream.indirect.scatter.add.f32 [tilespmem:s0], [sflag:$0x6], $0x20, s26, s31, $0xb8;
	[tilespmem:$0x1F220] =	vst v63  }
0x179: {  	_ =	swait.ge [sflag:s15], $0xFA0  }
0x17a: {  	[sflag:s15] =	ssyncset.done $0x0  }
0x17b: {  	s26 =	rddreg [dreg:$0x10];
	[sflag:s15] =	ssyncadd.s32 $0xFFFFF060  }
0x17c: {  	[tilespmem:s10], [sflag:$0x4] =	stream.indirect.gather [hbm4b:s4+s31], $0x20, s26, s31, $0xb8;
	[tilespmem:$0x1F220] =	vst v63  }
0x17d: {  	_ =	swait.ge [sflag:s11], $0xFA0  }
0x17e: {  	[sflag:s11] =	ssyncset.done $0x0  }
0x17f: {  	s26 =	rddreg [dreg:$0x11];
	[sflag:s11] =	ssyncadd.s32 $0xFFFFF060  }
0x180: {  	[spmem:s2] =	stream.indirect.scatter.add.f32 [tilespmem:s6], [sflag:$0x7], $0x20, s26, s31, $0xb8;
	[tilespmem:$0x1F220] =	vst v63  }
0x181: {  	_ =	swait.ge [sflag:s12], $0xFA0  }
0x182: {  	[sflag:s12] =	ssyncset.done $0x0  }
0x183: {  	s26 =	rddreg [dreg:$0x12];
	[sflag:s12] =	ssyncadd.s32 $0xFFFFF060  }
0x184: {  	[tilespmem:s1], [sflag:$0x1] =	stream.indirect.gather [hbm4b:s4+s31], $0x20, s26, s31, $0xb8;
	[tilespmem:$0x1F220] =	vst v63  }
0x185: {  	_ =	swait.ge [sflag:s13], $0xFA0  }
0x186: {  	[sflag:s13] =	ssyncset.done $0x0  }
0x187: {  	s26 =	rddreg [dreg:$0x13];
	[sflag:s13] =	ssyncadd.s32 $0xFFFFF060  }
0x188: {  	[spmem:s2] =	stream.indirect.scatter.add.f32 [tilespmem:s10], [sflag:$0x8], $0x20, s26, s31, $0xb8;
	[tilespmem:$0x1F220] =	vst v63  }
0x189: {  	_ =	swait.ge [sflag:s7], $0xFA0  }
0x18a: {  	[sflag:s7] =	ssyncset.done $0x0  }
0x18b: {  	s26 =	rddreg [dreg:$0x14];
	[sflag:s7] =	ssyncadd.s32 $0xFFFFF060  }
0x18c: {  	[tilespmem:s0], [sflag:$0x2] =	stream.indirect.gather [hbm4b:s4+s31], $0x20, s26, s31, $0xb8;
	[tilespmem:$0x1F220] =	vst v63  }
0x18d: {  	_ =	swait.ge [sflag:s5], $0xFA0  }
0x18e: {  	[sflag:s5] =	ssyncset.done $0x0  }
0x18f: {  	s26 =	rddreg [dreg:$0x15];
	[sflag:s5] =	ssyncadd.s32 $0xFFFFF060  }
0x190: {  	[spmem:s2] =	stream.indirect.scatter.add.f32 [tilespmem:s1], [sflag:$0x5], $0x20, s26, s31, $0xb8;
	[tilespmem:$0x1F220] =	vst v63  }
0x191: {  	_ =	swait.ge [sflag:s14], $0xFA0  }
0x192: {  	[sflag:s14] =	ssyncset.done $0x0  }
0x193: {  	s26 =	rddreg [dreg:$0x16];
	[sflag:s14] =	ssyncadd.s32 $0xFFFFF060  }
0x194: {  	[tilespmem:s6], [sflag:$0x3] =	stream.indirect.gather [hbm4b:s4+s31], $0x20, s26, s31, $0xb8;
	[tilespmem:$0x1F220] =	vst v63  }
0x195: {  	_ =	swait.ge [sflag:s8], $0xFA0  }
0x196: {  	[sflag:s8] =	ssyncset.done $0x0  }
0x197: {  	s26 =	rddreg [dreg:$0x17];
	[sflag:s8] =	ssyncadd.s32 $0xFFFFF060  }
0x198: {  	[spmem:s2] =	stream.indirect.scatter.add.f32 [tilespmem:s0], [sflag:$0x6], $0x20, s26, s31, $0xb8;
	[tilespmem:$0x1F220] =	vst v63  }
0x199: {  	_ =	swait.ge [sflag:s15], $0xFA0  }
0x19a: {  	[sflag:s15] =	ssyncset.done $0x0  }
0x19b: {  	s26 =	rddreg [dreg:$0x18];
	[sflag:s15] =	ssyncadd.s32 $0xFFFFF060  }
0x19c: {  	[tilespmem:s10], [sflag:$0x4] =	stream.indirect.gather [hbm4b:s4+s31], $0x20, s26, s31, $0xb8;
	[tilespmem:$0x1F220] =	vst v63  }
0x19d: {  	_ =	swait.ge [sflag:s11], $0xFA0  }
0x19e: {  	[sflag:s11] =	ssyncset.done $0x0  }
0x19f: {  	s26 =	rddreg [dreg:$0x19];
	[sflag:s11] =	ssyncadd.s32 $0xFFFFF060  }
0x1a0: {  	[spmem:s2] =	stream.indirect.scatter.add.f32 [tilespmem:s6], [sflag:$0x7], $0x20, s26, s31, $0xb8;
	[tilespmem:$0x1F220] =	vst v63  }
0x1a1: {  	_ =	swait.ge [sflag:s12], $0xFA0  }
0x1a2: {  	[sflag:s12] =	ssyncset.done $0x0  }
0x1a3: {  	s26 =	rddreg [dreg:$0x1a];
	[sflag:s12] =	ssyncadd.s32 $0xFFFFF060  }
0x1a4: {  	[tilespmem:s1], [sflag:$0x1] =	stream.indirect.gather [hbm4b:s4+s31], $0x20, s26, s31, $0xb8;
	[tilespmem:$0x1F220] =	vst v63  }
0x1a5: {  	_ =	swait.ge [sflag:s13], $0xFA0  }
0x1a6: {  	[sflag:s13] =	ssyncset.done $0x0  }
0x1a7: {  	s26 =	rddreg [dreg:$0x1b];
	[sflag:s13] =	ssyncadd.s32 $0xFFFFF060  }
0x1a8: {  	[spmem:s2] =	stream.indirect.scatter.add.f32 [tilespmem:s10], [sflag:$0x8], $0x20, s26, s31, $0xb8;
	[tilespmem:$0x1F220] =	vst v63  }
0x1a9: {  	_ =	swait.ge [sflag:s7], $0xFA0  }
0x1aa: {  	[sflag:s7] =	ssyncset.done $0x0  }
0x1ab: {  	s26 =	rddreg [dreg:$0x1c];
	[sflag:s7] =	ssyncadd.s32 $0xFFFFF060  }
0x1ac: {  	[tilespmem:s0], [sflag:$0x2] =	stream.indirect.gather [hbm4b:s4+s31], $0x20, s26, s31, $0xb8;
	[tilespmem:$0x1F220] =	vst v63  }
0x1ad: {  	_ =	swait.ge [sflag:s5], $0xFA0  }
0x1ae: {  	[sflag:s5] =	ssyncset.done $0x0  }
0x1af: {  	s26 =	rddreg [dreg:$0x1d];
	[sflag:s5] =	ssyncadd.s32 $0xFFFFF060  }
0x1b0: {  	[spmem:s2] =	stream.indirect.scatter.add.f32 [tilespmem:s1], [sflag:$0x5], $0x20, s26, s31, $0xb8;
	[tilespmem:$0x1F220] =	vst v63  }
0x1b1: {  	_ =	swait.ge [sflag:s14], $0xFA0  }
0x1b2: {  	[sflag:s14] =	ssyncset.done $0x0  }
0x1b3: {  	s26 =	rddreg [dreg:$0x1e];
	[sflag:s14] =	ssyncadd.s32 $0xFFFFF060  }
0x1b4: {  	[tilespmem:s6], [sflag:$0x3] =	stream.indirect.gather [hbm4b:s4+s31], $0x20, s26, s31, $0xb8;
	[tilespmem:$0x1F220] =	vst v63  }
0x1b5: {  	_ =	swait.ge [sflag:s8], $0xFA0  }
0x1b6: {  	[sflag:s8] =	ssyncset.done $0x0  }
0x1b7: {  	s26 =	rddreg [dreg:$0x1f];
	[sflag:s8] =	ssyncadd.s32 $0xFFFFF060  }
0x1b8: {  	[spmem:s2] =	stream.indirect.scatter.add.f32 [tilespmem:s0], [sflag:$0x6], $0x20, s26, s31, $0xb8;
	[tilespmem:$0x1F220] =	vst v63  }
0x1b9: {  	_ =	swait.ge [sflag:s15], $0xFA0  }
0x1ba: {  	s26 =	sld [smem:$0x7F6]  }
0x1bb: {  	[sflag:s15] =	ssyncset.done $0x0  }
0x1bc: {  	[sflag:s15] =	ssyncadd.s32 $0xFFFFF060  }
0x1bd: {  	[tilespmem:s10], [sflag:$0x4] =	stream.indirect.gather [hbm4b:s4+s31], $0x20, s26, s31, $0xb8;
	[tilespmem:$0x1F220] =	vst v63  }
0x1be: {  	_ =	swait.ge [sflag:s11], $0xFA0  }
0x1bf: {  	s26 =	sld [smem:$0x7F7]  }
0x1c0: {  	[sflag:s11] =	ssyncset.done $0x0  }
0x1c1: {  	[sflag:s11] =	ssyncadd.s32 $0xFFFFF060  }
0x1c2: {  	[spmem:s2] =	stream.indirect.scatter.add.f32 [tilespmem:s6], [sflag:$0x7], $0x20, s26, s31, $0xb8;
	[tilespmem:$0x1F220] =	vst v63  }
0x1c3: {  	_ =	swait.ge [sflag:s12], $0xFA0  }
0x1c4: {  	s26 =	sld [smem:$0x7F8]  }
0x1c5: {  	[sflag:s12] =	ssyncset.done $0x0  }
0x1c6: {  	[sflag:s12] =	ssyncadd.s32 $0xFFFFF060  }
0x1c7: {  	[tilespmem:s1], [sflag:$0x1] =	stream.indirect.gather [hbm4b:s4+s31], $0x20, s26, s31, $0xb8;
	[tilespmem:$0x1F220] =	vst v63  }
0x1c8: {  	_ =	swait.ge [sflag:s13], $0xFA0  }
0x1c9: {  	[sflag:s13] =	ssyncset.done $0x0  }
0x1ca: {  	[sflag:s13] =	ssyncadd.s32 $0xFFFFF060  }
0x1cb: {  	[spmem:s2] =	stream.indirect.scatter.add.f32 [tilespmem:s10], [sflag:$0x8], $0x20, s16, s31, $0xb8;
	[tilespmem:$0x1F220] =	vst v63  }
0x1cc: {  	_ =	swait.ge [sflag:s7], $0xFA0  }
0x1cd: {  	[sflag:s7] =	ssyncset.done $0x0  }
0x1ce: {  	[sflag:s7] =	ssyncadd.s32 $0xFFFFF060  }
0x1cf: {  	[tilespmem:s0], [sflag:$0x2] =	stream.indirect.gather [hbm4b:s4+s31], $0x20, s17, s31, $0xb8;
	[tilespmem:$0x1F220] =	vst v63  }
0x1d0: {  	_ =	swait.ge [sflag:s5], $0xFA0  }
0x1d1: {  	[sflag:s5] =	ssyncset.done $0x0  }
0x1d2: {  	[sflag:s5] =	ssyncadd.s32 $0xFFFFF060  }
0x1d3: {  	[spmem:s2] =	stream.indirect.scatter.add.f32 [tilespmem:s1], [sflag:$0x5], $0x20, s18, s31, $0xb8;
	[tilespmem:$0x1F220] =	vst v63  }
0x1d4: {  	_ =	swait.ge [sflag:s14], $0xFA0  }
0x1d5: {  	[sflag:s14] =	ssyncset.done $0x0  }
0x1d6: {  	[sflag:s14] =	ssyncadd.s32 $0xFFFFF060  }
0x1d7: {  	[tilespmem:s6], [sflag:$0x3] =	stream.indirect.gather [hbm4b:s4+s31], $0x20, s19, s31, $0xb8;
	[tilespmem:$0x1F220] =	vst v63  }
0x1d8: {  	_ =	swait.ge [sflag:s8], $0xFA0  }
0x1d9: {  	[sflag:s8] =	ssyncset.done $0x0  }
0x1da: {  	[sflag:s8] =	ssyncadd.s32 $0xFFFFF060  }
0x1db: {  	[spmem:s2] =	stream.indirect.scatter.add.f32 [tilespmem:s0], [sflag:$0x6], $0x20, s20, s31, $0xb8;
	[tilespmem:$0x1F220] =	vst v63  }
0x1dc: {  	_ =	swait.ge [sflag:s15], $0xFA0  }
0x1dd: {  	[sflag:s15] =	ssyncset.done $0x0  }
0x1de: {  	[sflag:s15] =	ssyncadd.s32 $0xFFFFF060  }
0x1df: {  	[tilespmem:s10], [sflag:$0x4] =	stream.indirect.gather [hbm4b:s4+s31], $0x20, s21, s31, $0xb8;
	[tilespmem:$0x1F220] =	vst v63  }
0x1e0: {  	_ =	swait.ge [sflag:s11], $0xFA0  }
0x1e1: {  	[sflag:s11] =	ssyncset.done $0x0  }
0x1e2: {  	[sflag:s11] =	ssyncadd.s32 $0xFFFFF060  }
0x1e3: {  	[spmem:s2] =	stream.indirect.scatter.add.f32 [tilespmem:s6], [sflag:$0x7], $0x20, s22, s31, $0xb8;
	[tilespmem:$0x1F220] =	vst v63  }
0x1e4: {  	_ =	swait.ge [sflag:s13], $0xFA0  }
0x1e5: {  	[sflag:s13] =	ssyncset.done $0x0  }
0x1e6: {  	[sflag:s13] =	ssyncadd.s32 $0xFFFFF060  }
0x1e7: {  	[spmem:s2] =	stream.indirect.scatter.add.f32 [tilespmem:s10], [sflag:$0x8], $0x20, s24, s31, $0xb8;
	[tilespmem:$0x1F220] =	vst v63  }
0x1e8: {  	_ =	swait.ge [sflag:s12], $0xFA0  }
0x1e9: {  	[sflag:s12] =	ssyncset.done $0x0  }
0x1ea: {  	[sflag:s12] =	ssyncadd.s32 $0xFFFFF060  }
0x1eb: {  	_ =	swait.ge [sflag:s7], $0xFA0  }
0x1ec: {  	[sflag:s7] =	ssyncset.done $0x0  }
0x1ed: {  	p1 =	sne.s32 s9, $0xB40;
	[sflag:s7] =	ssyncadd.s32 $0xFFFFF060  }
.Ltmp1:
0x1ee: {  	_ =	swait.ge [sflag:s14], $0xFA0;
	(pc) =	sbr.rel @p1 .LBB2_4-.Ltmp1, $4  }
0x1ef: {  	[sflag:s14] =	ssyncset.done $0x0  }
0x1f0: {  	[sflag:s14] =	ssyncadd.s32 $0xFFFFF060  }
0x1f1: {  	_ =	swait.ge [sflag:s15], $0xFA0  }
0x1f2: {  	s9 =	sadd.s32 $0x140, s9;
	s26 =	rddreg [dreg:$0x4];
	[sflag:s15] =	ssyncset.done $0x0  }
0x1f3: {  	[sflag:s15] =	ssyncadd.s32 $0xFFFFF060;
	s9 =	sadd.s32 s23, s26  }
0x1f4: {  	[tilespmem:s29], [sflag:$0x9] =	stream.linear.gather [hbm4b:s9+s3], $0xA00, $0x38;
	[tilespmem:$0x1F220] =	vst v63  }
0x1f5: {  	_ =	swait.ge [sflag:s28], $0xA00  }
0x1f6: {  	s25 =	rddreg [dreg:$0x3];
	[sflag:s28] =	ssyncset.done $0x0  }
0x1f7: {  	[sflag:s28] =	ssyncadd.s32 $0xFFFFF600;
	s9 =	sadd.s32 s23, s25  }
0x1f8: {  	[tilespmem:s30], [sflag:$0x9] =	stream.linear.gather [hbm4b:s9+s3], $0xA00, $0x38;
	[tilespmem:$0x1F220] =	vst v63  }
0x1f9: {  	_ =	swait.ge [sflag:s28], $0xA00  }
0x1fa: {  	[sflag:s28] =	ssyncset.done $0x0  }
0x1fb: {  	[sflag:s28] =	ssyncadd.s32 $0xFFFFF600  }
0x1fc: {  	[tilespmem:s1], [sflag:$0x1] =	stream.indirect.gather [hbm4b:s4+s31], $0x20, s29, s31, $0xb8;
	[tilespmem:$0x1F220] =	vst v63  }
0x1fd: {  	s26 =	rddreg [dreg:$0x5]  }
0x1fe: {  	[tilespmem:s0], [sflag:$0x2] =	stream.indirect.gather [hbm4b:s4+s31], $0x20, s26, s31, $0xb8;
	[tilespmem:$0x1F220] =	vst v63  }
0x1ff: {  	_ =	swait.ge [sflag:s5], $0xFA0  }
0x200: {  	[sflag:s5] =	ssyncset.done $0x0  }
0x201: {  	[sflag:s5] =	ssyncadd.s32 $0xFFFFF060  }
0x202: {  	[spmem:s2] =	stream.indirect.scatter.add.f32 [tilespmem:s1], [sflag:$0x5], $0x20, s30, s31, $0xb8;
	[tilespmem:$0x1F220] =	vst v63  }
0x203: {  	s23 =	rddreg [dreg:$0x6]  }
0x204: {  	[tilespmem:s6], [sflag:$0x3] =	stream.indirect.gather [hbm4b:s4+s31], $0x20, s23, s31, $0xb8;
	[tilespmem:$0x1F220] =	vst v63  }
0x205: {  	_ =	swait.ge [sflag:s8], $0xFA0  }
0x206: {  	[sflag:s8] =	ssyncset.done $0x0  }
0x207: {  	s25 =	rddreg [dreg:$0x7];
	[sflag:s8] =	ssyncadd.s32 $0xFFFFF060  }
0x208: {  	[spmem:s2] =	stream.indirect.scatter.add.f32 [tilespmem:s0], [sflag:$0x6], $0x20, s25, s31, $0xb8;
	[tilespmem:$0x1F220] =	vst v63  }
0x209: {  	s26 =	rddreg [dreg:$0x8]  }
0x20a: {  	[tilespmem:s10], [sflag:$0x4] =	stream.indirect.gather [hbm4b:s4+s31], $0x20, s26, s31, $0xb8;
	[tilespmem:$0x1F220] =	vst v63  }
0x20b: {  	_ =	swait.ge [sflag:s11], $0xFA0  }
0x20c: {  	[sflag:s11] =	ssyncset.done $0x0  }
0x20d: {  	s25 =	rddreg [dreg:$0x9];
	[sflag:s11] =	ssyncadd.s32 $0xFFFFF060  }
0x20e: {  	[spmem:s2] =	stream.indirect.scatter.add.f32 [tilespmem:s6], [sflag:$0x7], $0x20, s25, s31, $0xb8;
	[tilespmem:$0x1F220] =	vst v63  }
0x20f: {  	_ =	swait.ge [sflag:s12], $0xFA0  }
0x210: {  	[sflag:s12] =	ssyncset.done $0x0  }
0x211: {  	s26 =	rddreg [dreg:$0xa];
	[sflag:s12] =	ssyncadd.s32 $0xFFFFF060  }
0x212: {  	[tilespmem:s1], [sflag:$0x1] =	stream.indirect.gather [hbm4b:s4+s31], $0x20, s26, s31, $0xb8;
	[tilespmem:$0x1F220] =	vst v63  }
0x213: {  	_ =	swait.ge [sflag:s13], $0xFA0  }
0x214: {  	[sflag:s13] =	ssyncset.done $0x0  }
0x215: {  	s23 =	rddreg [dreg:$0xb];
	[sflag:s13] =	ssyncadd.s32 $0xFFFFF060  }
0x216: {  	[spmem:s2] =	stream.indirect.scatter.add.f32 [tilespmem:s10], [sflag:$0x8], $0x20, s23, s31, $0xb8;
	[tilespmem:$0x1F220] =	vst v63  }
0x217: {  	_ =	swait.ge [sflag:s7], $0xFA0  }
0x218: {  	[sflag:s7] =	ssyncset.done $0x0  }
0x219: {  	s25 =	rddreg [dreg:$0xc];
	[sflag:s7] =	ssyncadd.s32 $0xFFFFF060  }
0x21a: {  	[tilespmem:s0], [sflag:$0x2] =	stream.indirect.gather [hbm4b:s4+s31], $0x20, s25, s31, $0xb8;
	[tilespmem:$0x1F220] =	vst v63  }
0x21b: {  	_ =	swait.ge [sflag:s5], $0xFA0  }
0x21c: {  	[sflag:s5] =	ssyncset.done $0x0  }
0x21d: {  	s26 =	rddreg [dreg:$0xd];
	[sflag:s5] =	ssyncadd.s32 $0xFFFFF060  }
0x21e: {  	[spmem:s2] =	stream.indirect.scatter.add.f32 [tilespmem:s1], [sflag:$0x5], $0x20, s26, s31, $0xb8;
	[tilespmem:$0x1F220] =	vst v63  }
0x21f: {  	_ =	swait.ge [sflag:s14], $0xFA0  }
0x220: {  	[sflag:s14] =	ssyncset.done $0x0  }
0x221: {  	s23 =	rddreg [dreg:$0xe];
	[sflag:s14] =	ssyncadd.s32 $0xFFFFF060  }
0x222: {  	[tilespmem:s6], [sflag:$0x3] =	stream.indirect.gather [hbm4b:s4+s31], $0x20, s23, s31, $0xb8;
	[tilespmem:$0x1F220] =	vst v63  }
0x223: {  	_ =	swait.ge [sflag:s8], $0xFA0  }
0x224: {  	[sflag:s8] =	ssyncset.done $0x0  }
0x225: {  	s25 =	rddreg [dreg:$0xf];
	[sflag:s8] =	ssyncadd.s32 $0xFFFFF060  }
0x226: {  	[spmem:s2] =	stream.indirect.scatter.add.f32 [tilespmem:s0], [sflag:$0x6], $0x20, s25, s31, $0xb8;
	[tilespmem:$0x1F220] =	vst v63  }
0x227: {  	_ =	swait.ge [sflag:s15], $0xFA0  }
0x228: {  	[sflag:s15] =	ssyncset.done $0x0  }
0x229: {  	s26 =	rddreg [dreg:$0x10];
	[sflag:s15] =	ssyncadd.s32 $0xFFFFF060  }
0x22a: {  	[tilespmem:s10], [sflag:$0x4] =	stream.indirect.gather [hbm4b:s4+s31], $0x20, s26, s31, $0xb8;
	[tilespmem:$0x1F220] =	vst v63  }
0x22b: {  	_ =	swait.ge [sflag:s11], $0xFA0  }
0x22c: {  	[sflag:s11] =	ssyncset.done $0x0  }
0x22d: {  	s23 =	rddreg [dreg:$0x11];
	[sflag:s11] =	ssyncadd.s32 $0xFFFFF060  }
0x22e: {  	[spmem:s2] =	stream.indirect.scatter.add.f32 [tilespmem:s6], [sflag:$0x7], $0x20, s23, s31, $0xb8;
	[tilespmem:$0x1F220] =	vst v63  }
0x22f: {  	_ =	swait.ge [sflag:s12], $0xFA0  }
0x230: {  	[sflag:s12] =	ssyncset.done $0x0  }
0x231: {  	s25 =	rddreg [dreg:$0x12];
	[sflag:s12] =	ssyncadd.s32 $0xFFFFF060  }
0x232: {  	[tilespmem:s1], [sflag:$0x1] =	stream.indirect.gather [hbm4b:s4+s31], $0x20, s25, s31, $0xb8;
	[tilespmem:$0x1F220] =	vst v63  }
0x233: {  	_ =	swait.ge [sflag:s13], $0xFA0  }
0x234: {  	[sflag:s13] =	ssyncset.done $0x0  }
0x235: {  	s26 =	rddreg [dreg:$0x13];
	[sflag:s13] =	ssyncadd.s32 $0xFFFFF060  }
0x236: {  	[spmem:s2] =	stream.indirect.scatter.add.f32 [tilespmem:s10], [sflag:$0x8], $0x20, s26, s31, $0xb8;
	[tilespmem:$0x1F220] =	vst v63  }
0x237: {  	_ =	swait.ge [sflag:s7], $0xFA0  }
0x238: {  	[sflag:s7] =	ssyncset.done $0x0  }
0x239: {  	s23 =	rddreg [dreg:$0x14];
	[sflag:s7] =	ssyncadd.s32 $0xFFFFF060  }
0x23a: {  	[tilespmem:s0], [sflag:$0x2] =	stream.indirect.gather [hbm4b:s4+s31], $0x20, s23, s31, $0xb8;
	[tilespmem:$0x1F220] =	vst v63  }
0x23b: {  	_ =	swait.ge [sflag:s5], $0xFA0  }
0x23c: {  	[sflag:s5] =	ssyncset.done $0x0  }
0x23d: {  	s25 =	rddreg [dreg:$0x15];
	[sflag:s5] =	ssyncadd.s32 $0xFFFFF060  }
0x23e: {  	[spmem:s2] =	stream.indirect.scatter.add.f32 [tilespmem:s1], [sflag:$0x5], $0x20, s25, s31, $0xb8;
	[tilespmem:$0x1F220] =	vst v63  }
0x23f: {  	_ =	swait.ge [sflag:s14], $0xFA0  }
0x240: {  	[sflag:s14] =	ssyncset.done $0x0  }
0x241: {  	s26 =	rddreg [dreg:$0x16];
	[sflag:s14] =	ssyncadd.s32 $0xFFFFF060  }
0x242: {  	[tilespmem:s6], [sflag:$0x3] =	stream.indirect.gather [hbm4b:s4+s31], $0x20, s26, s31, $0xb8;
	[tilespmem:$0x1F220] =	vst v63  }
0x243: {  	_ =	swait.ge [sflag:s8], $0xFA0  }
0x244: {  	[sflag:s8] =	ssyncset.done $0x0  }
0x245: {  	s23 =	rddreg [dreg:$0x17];
	[sflag:s8] =	ssyncadd.s32 $0xFFFFF060  }
0x246: {  	[spmem:s2] =	stream.indirect.scatter.add.f32 [tilespmem:s0], [sflag:$0x6], $0x20, s23, s31, $0xb8;
	[tilespmem:$0x1F220] =	vst v63  }
0x247: {  	_ =	swait.ge [sflag:s15], $0xFA0  }
0x248: {  	[sflag:s15] =	ssyncset.done $0x0  }
0x249: {  	s25 =	rddreg [dreg:$0x18];
	[sflag:s15] =	ssyncadd.s32 $0xFFFFF060  }
0x24a: {  	[tilespmem:s10], [sflag:$0x4] =	stream.indirect.gather [hbm4b:s4+s31], $0x20, s25, s31, $0xb8;
	[tilespmem:$0x1F220] =	vst v63  }
0x24b: {  	_ =	swait.ge [sflag:s11], $0xFA0  }
0x24c: {  	[sflag:s11] =	ssyncset.done $0x0  }
0x24d: {  	s26 =	rddreg [dreg:$0x19];
	[sflag:s11] =	ssyncadd.s32 $0xFFFFF060  }
0x24e: {  	[spmem:s2] =	stream.indirect.scatter.add.f32 [tilespmem:s6], [sflag:$0x7], $0x20, s26, s31, $0xb8;
	[tilespmem:$0x1F220] =	vst v63  }
0x24f: {  	_ =	swait.ge [sflag:s12], $0xFA0  }
0x250: {  	[sflag:s12] =	ssyncset.done $0x0  }
0x251: {  	s23 =	rddreg [dreg:$0x1a];
	[sflag:s12] =	ssyncadd.s32 $0xFFFFF060  }
0x252: {  	[tilespmem:s1], [sflag:$0x1] =	stream.indirect.gather [hbm4b:s4+s31], $0x20, s23, s31, $0xb8;
	[tilespmem:$0x1F220] =	vst v63  }
0x253: {  	_ =	swait.ge [sflag:s13], $0xFA0  }
0x254: {  	[sflag:s13] =	ssyncset.done $0x0  }
0x255: {  	s25 =	rddreg [dreg:$0x1b];
	[sflag:s13] =	ssyncadd.s32 $0xFFFFF060  }
0x256: {  	[spmem:s2] =	stream.indirect.scatter.add.f32 [tilespmem:s10], [sflag:$0x8], $0x20, s25, s31, $0xb8;
	[tilespmem:$0x1F220] =	vst v63  }
0x257: {  	_ =	swait.ge [sflag:s7], $0xFA0  }
0x258: {  	[sflag:s7] =	ssyncset.done $0x0  }
0x259: {  	s26 =	rddreg [dreg:$0x1c];
	[sflag:s7] =	ssyncadd.s32 $0xFFFFF060  }
0x25a: {  	[tilespmem:s0], [sflag:$0x2] =	stream.indirect.gather [hbm4b:s4+s31], $0x20, s26, s31, $0xb8;
	[tilespmem:$0x1F220] =	vst v63  }
0x25b: {  	_ =	swait.ge [sflag:s5], $0xFA0  }
0x25c: {  	[sflag:s5] =	ssyncset.done $0x0  }
0x25d: {  	s23 =	rddreg [dreg:$0x1d];
	[sflag:s5] =	ssyncadd.s32 $0xFFFFF060  }
0x25e: {  	[spmem:s2] =	stream.indirect.scatter.add.f32 [tilespmem:s1], [sflag:$0x5], $0x20, s23, s31, $0xb8;
	[tilespmem:$0x1F220] =	vst v63  }
0x25f: {  	_ =	swait.ge [sflag:s14], $0xFA0  }
0x260: {  	[sflag:s14] =	ssyncset.done $0x0  }
0x261: {  	s25 =	rddreg [dreg:$0x1e];
	[sflag:s14] =	ssyncadd.s32 $0xFFFFF060  }
0x262: {  	[tilespmem:s6], [sflag:$0x3] =	stream.indirect.gather [hbm4b:s4+s31], $0x20, s25, s31, $0xb8;
	[tilespmem:$0x1F220] =	vst v63  }
0x263: {  	_ =	swait.ge [sflag:s8], $0xFA0  }
0x264: {  	[sflag:s8] =	ssyncset.done $0x0  }
0x265: {  	s26 =	rddreg [dreg:$0x1f];
	[sflag:s8] =	ssyncadd.s32 $0xFFFFF060  }
0x266: {  	[spmem:s2] =	stream.indirect.scatter.add.f32 [tilespmem:s0], [sflag:$0x6], $0x20, s26, s31, $0xb8;
	[tilespmem:$0x1F220] =	vst v63  }
0x267: {  	_ =	swait.ge [sflag:s15], $0xFA0  }
0x268: {  	s23 =	sld [smem:$0x7F6]  }
0x269: {  	[sflag:s15] =	ssyncset.done $0x0  }
0x26a: {  	[sflag:s15] =	ssyncadd.s32 $0xFFFFF060  }
0x26b: {  	[tilespmem:s10], [sflag:$0x4] =	stream.indirect.gather [hbm4b:s4+s31], $0x20, s23, s31, $0xb8;
	[tilespmem:$0x1F220] =	vst v63  }
0x26c: {  	_ =	swait.ge [sflag:s11], $0xFA0  }
0x26d: {  	s25 =	sld [smem:$0x7F7]  }
0x26e: {  	[sflag:s11] =	ssyncset.done $0x0  }
0x26f: {  	[sflag:s11] =	ssyncadd.s32 $0xFFFFF060  }
0x270: {  	[spmem:s2] =	stream.indirect.scatter.add.f32 [tilespmem:s6], [sflag:$0x7], $0x20, s25, s31, $0xb8;
	[tilespmem:$0x1F220] =	vst v63  }
0x271: {  	_ =	swait.ge [sflag:s12], $0xFA0  }
0x272: {  	s26 =	sld [smem:$0x7F8]  }
0x273: {  	[sflag:s12] =	ssyncset.done $0x0  }
0x274: {  	[sflag:s12] =	ssyncadd.s32 $0xFFFFF060  }
0x275: {  	[tilespmem:s1], [sflag:$0x1] =	stream.indirect.gather [hbm4b:s4+s31], $0x20, s26, s31, $0xb8;
	[tilespmem:$0x1F220] =	vst v63  }
0x276: {  	_ =	swait.ge [sflag:s13], $0xFA0  }
0x277: {  	[sflag:s13] =	ssyncset.done $0x0  }
0x278: {  	[sflag:s13] =	ssyncadd.s32 $0xFFFFF060  }
0x279: {  	[spmem:s2] =	stream.indirect.scatter.add.f32 [tilespmem:s10], [sflag:$0x8], $0x20, s16, s31, $0xb8;
	[tilespmem:$0x1F220] =	vst v63  }
0x27a: {  	_ =	swait.ge [sflag:s7], $0xFA0  }
0x27b: {  	[sflag:s7] =	ssyncset.done $0x0  }
0x27c: {  	[sflag:s7] =	ssyncadd.s32 $0xFFFFF060  }
0x27d: {  	[tilespmem:s0], [sflag:$0x2] =	stream.indirect.gather [hbm4b:s4+s31], $0x20, s17, s31, $0xb8;
	[tilespmem:$0x1F220] =	vst v63  }
0x27e: {  	_ =	swait.ge [sflag:s5], $0xFA0  }
0x27f: {  	[sflag:s5] =	ssyncset.done $0x0  }
0x280: {  	[sflag:s5] =	ssyncadd.s32 $0xFFFFF060  }
0x281: {  	[spmem:s2] =	stream.indirect.scatter.add.f32 [tilespmem:s1], [sflag:$0x5], $0x20, s18, s31, $0xb8;
	[tilespmem:$0x1F220] =	vst v63  }
0x282: {  	_ =	swait.ge [sflag:s14], $0xFA0  }
0x283: {  	[sflag:s14] =	ssyncset.done $0x0  }
0x284: {  	[sflag:s14] =	ssyncadd.s32 $0xFFFFF060  }
0x285: {  	[tilespmem:s6], [sflag:$0x3] =	stream.indirect.gather [hbm4b:s4+s31], $0x20, s19, s31, $0xb8;
	[tilespmem:$0x1F220] =	vst v63  }
0x286: {  	_ =	swait.ge [sflag:s8], $0xFA0  }
0x287: {  	[sflag:s8] =	ssyncset.done $0x0  }
0x288: {  	[sflag:s8] =	ssyncadd.s32 $0xFFFFF060  }
0x289: {  	[spmem:s2] =	stream.indirect.scatter.add.f32 [tilespmem:s0], [sflag:$0x6], $0x20, s20, s31, $0xb8;
	[tilespmem:$0x1F220] =	vst v63  }
0x28a: {  	_ =	swait.ge [sflag:s15], $0xFA0  }
0x28b: {  	[sflag:s15] =	ssyncset.done $0x0  }
0x28c: {  	[sflag:s15] =	ssyncadd.s32 $0xFFFFF060  }
0x28d: {  	[tilespmem:s10], [sflag:$0x4] =	stream.indirect.gather [hbm4b:s4+s31], $0x20, s21, s31, $0xb8;
	[tilespmem:$0x1F220] =	vst v63  }
0x28e: {  	_ =	swait.ge [sflag:s11], $0xFA0  }
0x28f: {  	[sflag:s11] =	ssyncset.done $0x0  }
0x290: {  	[sflag:s11] =	ssyncadd.s32 $0xFFFFF060  }
0x291: {  	[spmem:s2] =	stream.indirect.scatter.add.f32 [tilespmem:s6], [sflag:$0x7], $0x20, s22, s31, $0xb8;
	[tilespmem:$0x1F220] =	vst v63  }
0x292: {  	_ =	swait.ge [sflag:s13], $0xFA0  }
0x293: {  	[sflag:s13] =	ssyncset.done $0x0  }
0x294: {  	[sflag:s13] =	ssyncadd.s32 $0xFFFFF060  }
0x295: {  	[spmem:s2] =	stream.indirect.scatter.add.f32 [tilespmem:s10], [sflag:$0x8], $0x20, s24, s31, $0xb8;
	[tilespmem:$0x1F220] =	vst v63  }
0x296: {  	_ =	swait.ge [sflag:s12], $0xFA0  }
0x297: {  	[sflag:s12] =	ssyncset.done $0x0  }
0x298: {  	[sflag:s12] =	ssyncadd.s32 $0xFFFFF060  }
0x299: {  	_ =	swait.ge [sflag:s7], $0xFA0  }
0x29a: {  	[sflag:s7] =	ssyncset.done $0x0  }
0x29b: {  	[sflag:s7] =	ssyncadd.s32 $0xFFFFF060  }
0x29c: {  	_ =	swait.ge [sflag:s14], $0xFA0  }
0x29d: {  	[sflag:s14] =	ssyncset.done $0x0  }
0x29e: {  	[sflag:s14] =	ssyncadd.s32 $0xFFFFF060  }
0x29f: {  	_ =	swait.ge [sflag:s15], $0xFA0  }
0x2a0: {  	[sflag:s15] =	ssyncset.done $0x0  }
0x2a1: {  	[sflag:s15] =	ssyncadd.s32 $0xFFFFF060  }
0x2a2: {  	[bflag:$0x0] =	sbarrier.arrive $0xFFFF  }
0x2a3: {  	s9 =	sld [smem:$0x7FB]  }
0x2a4: {  	s25 =	sld [smem:$0x7E7];
	_ =	sdelay $0x1  }
0x2a5: {  	s23 =	simm.s32 @p0 $0x1FC9;
	s9 =	sshrl.u32 @p0 s9, $0x3  }
0x2a6: {  	[hbm:s25], [sflag:s23] =	dma.local @p0 [spmem:s9], $0x1F40  }
0x2a7: {  	s9 =	simm.s32 @p0 $0x9  }
0x2a8: {  	s23 =	stileid.u32;
	_ =	swait.ge @p0 [sflag:s9], $0x1F40  }
0x2a9: {  	s23 =	sshll.u32 @!p0 s23, $0x6;
	[sflag:s9] =	ssyncset.done @p0 $0x0;
	s25 =	sld [smem:$0x7FD]  }
0x2aa: {  	[sflag:s9] =	ssyncadd.s32 @p0 $0xFFFFE0C0;
	s9 =	sor.u32 @!p0 $0x1C09, s23;
	s23 =	sld [smem:$0x7E6]  }
0x2ab: {  	_ =	sdelay $0x1  }
0x2ac: {  	[hbm:s23], [sflag:s9] =	dma.local @!p0 [spmem:s25], $0x3200  }
0x2ad: {  	s9 =	simm.s32 @!p0 $0x9  }
0x2ae: {  	_ =	swait.ge @!p0 [sflag:s9], $0x3200  }
0x2af: {  	s23 =	sld [smem:$0x7E5]  }
0x2b0: {  	s26 =	sld [smem:$0x7E8];
	_ =	sdelay $0x1  }
0x2b1: {  	s25 =	sadd.s32 $0x1, s23  }
0x2b2: {  	p1 =	sne.s32 s25, s26  }
.Ltmp2:
0x2b3: {  	_ = 	snop;
	(pc) =	sbr.rel @p1 .LBB2_1-.Ltmp2, $3  }
0x2b4: {  	_ =	sdelay $0x1  }
0x2b5: {  	[sflag:s9] =	ssyncset.done @!p0 $0x0  }
0x2b6: {  	[sflag:s9] =	ssyncadd.s32 @!p0 $0xFFFFCE00  }
0x2b7: {  	_ =	sfence.sel $0x180000  }
0x2b8: {  	[bflag:$0x0] =	sbarrier.arrive $0xFFFF  }
0x2b9: {  	_ =	strace $0x9000004D  }
0x2ba: {  	s0 =	stileid.u32;
	[bflag:$0x2] =	sbarrier.arrive $0xFFFF  }
0x2bb: {  	p0 =	sne.s32 s0, $0x0;
	s0 =	rddreg [dreg:$0x2]  }
0x2bc: {  	s0 =	sadd.s32 @!p0 $0x100000, s0  }
0x2bd: {  	[sflag:s0] =	ssyncadd.tile.s32 @!p0 $0x1;
	_ =	shalt  }
.Lfunc_end2:
_tile_overlayer_lowered:
.L_overlay_start_2:
0x2be: {  	(tag) =	ssettag $0x2  }
0x2bf: {  	s0 =	rddreg [dreg:$0x0];
	s2 =	stileid.u32  }
0x2c0: {  	s1 =	rddreg [dreg:$0x1];
	p0 =	sne.s32 s2, $0x0  }
0x2c1: {  	s3 =	rddreg [dreg:$0x2];
	[bflag:$0x3] =	sbarrier.arrive $0xFFFF;
	s2 =	simm.s32 @!p0 $0x1C09  }
0x2c2: {  	[timem:s3], [sflag:s2] =	dma.local @!p0 [hbm:s0], s1  }
0x2c3: {  	s0 =	simm.s32 @!p0 $0x9  }
0x2c4: {  	_ =	swait.ge @!p0 [sflag:s0], s1  }
0x2c5: {  	s1 =	ssub.s32 @!p0 $0x0, s1;
	[sflag:s0] =	ssyncset.done @!p0 $0x0  }
0x2c6: {  	[sflag:s0] =	ssyncadd.s32 @!p0 s1  }
0x2c7: {  	[bflag:$0x3] =	sbarrier.arrive $0xFFFF  }
0x2c8: {  	_ =	shalt  }

// kernel: kernel.20.cloned.1.call-start
scs
__scs_entry_jumppad:
0x0: {  	(pc) =	sbr.rel $0x88, $3  }
0x1: {  	(tag) =	ssettag $0x0;
	lr =	simm.s32 $0x1  }
0x2: {  	[smem:$0x3F95] =	sst lr;
	_ =	strace $0xD0000000  }
0x3: {  	_ = 	snop  }
0x4: {  	_ = 	snop  }
0x5: {  	_ = 	snop  }
0x6: {  	_ = 	snop  }
0x7: {  	_ = 	snop  }
__scs_overlays_trampoline_lowered:
0x8: {  	[smem:$0x3FA4] =	sst s0  }
0x9: {  	[smem:$0x3FA5] =	sst s1  }
0xa: {  	[smem:$0x3FA6] =	sst s2  }
0xb: {  	[smem:$0x3FA7] =	sst s3  }
0xc: {  	[smem:$0x3FA8] =	sst s4  }
0xd: {  	[smem:$0x3FA9] =	sst s5  }
0xe: {  	[smem:$0x3FAA] =	sst s6  }
0xf: {  	[smem:$0x3FAB] =	sst s7  }
0x10: {  	[smem:$0x3FAC] =	sst s8  }
0x11: {  	[smem:$0x3FAD] =	sst s9;
	s0 =	simm.s32 @!p0 $0x0  }
0x12: {  	s1 =	sld [smem:$0x3F93];
	s0 =	simm.s32 @p0 $0x1  }
0x13: {  	[smem:$0x3FAE] =	sst s0;
	s0 =	simm.s32 @!p1 $0x0  }
0x14: {  	s2 =	sld [smem:$0x3F92];
	s0 =	simm.s32 @p1 $0x1  }
0x15: {  	[smem:$0x3FAF] =	sst s0;
	s0 =	simm.s32 @!p2 $0x0  }
0x16: {  	s3 =	sld [smem:$0x3FDB];
	s0 =	simm.s32 @p2 $0x1  }
0x17: {  	s4 =	simm.s32 $0x1BF5;
	[smem:$0x3FB1] =	sst s0  }
0x18: {  	s0 =	sld [smem:$0x3F94];
	_ =	swait.ge [sflag:s4], $0x0  }
0x19: {  	s7 =	sld [smem:$0x3F95]  }
0x1a: {  	s8 =	sadd.s32 $0xFFFFE003, lr  }
0x1b: {  	s9 =	sadd.s32 $0xFFFFFEF7, lr;
	s5 =	simm.s32 $0xFFFFFFFF;
	p2 =	slt.u32 s8, $0xFFFFF086  }
0x1c: {  	p1 =	slt.u32 s9, $0xF7A;
	s5 =	simm.s32 @!p2 $0x0  }
0x1d: {  	s5 =	simm.s32 @p1 $0x1;
	p0 =	seq.s32 s7, s2  }
0x1e: {  	s7 =	smul.u32 @!p0 $0xF7A, s2;
	p2 =	seq.s32 @!p0 s5, $0x0  }
0x1f: {  	s9 =	smul.u32 $0xF7A, s1;
	s8 =	simm.s32 @!p0 $0x1BF5;
	p2 =	por !p2, p0  }
0x20: {  	[sflag:s8] =	ssyncset.s32 @!p0 $0xFFFFF086;
	s6 =	sadd.s32 @!p0 s3, s7;
	s7 =	simm.s32 @!p0 $0x108  }
0x21: {  	s3 =	sadd.s32 s3, s9;
	s6 =	sadd.s32 @!p0 $0x88, s6;
	s7 =	simm.s32 @p2 $0x1082  }
0x22: {  	[simem:s7], [sflag:s8] =	dma.local @!p0 [hbm:s6], $0xF7A  }
0x23: {  	s9 =	sor.u32 $0xD0000000, s2;
	s6 =	simm.s32 $0x108;
	_ =	swait.ge @!p0 [sflag:s8], $0x0  }
0x24: {  	s3 =	sadd.s32 $0x88, s3;
	s6 =	simm.s32 @!p1 $0x1082;
	[sflag:s4] =	ssyncset.s32 $0xFFFFF086  }
0x25: {  	[simem:s6], [sflag:s4] =	dma.local [hbm:s3], $0xF7A  }
0x26: {  	[smem:$0x3F95] =	sst s1;
	(tag) =	ssettag s2;
	_ =	strace s9  }
0x27: {  	s1 =	sld [smem:$0x3FA5]  }
0x28: {  	s2 =	sld [smem:$0x3FA6]  }
0x29: {  	s4 =	sld [smem:$0x3FA8]  }
0x2a: {  	p0 =	seq.s32 s5, $0x0;
	s5 =	sld [smem:$0x3FA9]  }
0x2b: {  	s6 =	sld [smem:$0x3FAA]  }
0x2c: {  	s7 =	sld [smem:$0x3FAB]  }
0x2d: {  	s3 =	simm.s32 $0x108;
	s8 =	sld [smem:$0x3FAC]  }
0x2e: {  	s3 =	simm.s32 @!p0 $0x1082;
	s9 =	sld [smem:$0x3FAD]  }
0x2f: {  	lr =	sadd.s32 s0, s3;
	s0 =	sld [smem:$0x3FA4]  }
0x30: {  	s3 =	sld [smem:$0x3FA7]  }
0x31: {  	[smem:$0x3FB0] =	sst s10  }
0x32: {  	s10 =	sld [smem:$0x3FAE];
	_ =	sdelay $0x3  }
0x33: {  	p0 =	seq.s32 s10, $0x1;
	s10 =	sld [smem:$0x3FB0];
	_ =	sdelay $0x3  }
0x34: {  	[smem:$0x3FB0] =	sst s10  }
0x35: {  	s10 =	sld [smem:$0x3FAF];
	_ =	sdelay $0x3  }
0x36: {  	p1 =	seq.s32 s10, $0x1;
	s10 =	sld [smem:$0x3FB0];
	_ =	sdelay $0x3  }
0x37: {  	[smem:$0x3FB0] =	sst s10  }
0x38: {  	s10 =	sld [smem:$0x3FB1]  }
0x39: {  	_ = 	snop;
	(pc) =	sbr.ind lr, $3  }
0x3a: {  	_ = 	snop  }
0x3b: {  	_ = 	snop  }
0x3c: {  	p2 =	seq.s32 s10, $0x1;
	s10 =	sld [smem:$0x3FB0]  }
0x3d: {  	_ =	shalt  }
0x3e: {  	_ =	shalt  }
0x3f: {  	_ =	shalt  }
0x40: {  	_ =	shalt  }
0x41: {  	_ =	shalt  }
0x42: {  	_ =	shalt  }
0x43: {  	_ =	shalt  }
0x44: {  	_ =	shalt  }
0x45: {  	_ =	shalt  }
0x46: {  	_ =	shalt  }
0x47: {  	_ =	shalt  }
0x48: {  	_ =	shalt  }
0x49: {  	_ =	shalt  }
0x4a: {  	_ =	shalt  }
0x4b: {  	_ =	shalt  }
0x4c: {  	_ =	shalt  }
0x4d: {  	_ =	shalt  }
0x4e: {  	_ =	shalt  }
0x4f: {  	_ =	shalt  }
0x50: {  	_ =	shalt  }
0x51: {  	_ =	shalt  }
0x52: {  	_ =	shalt  }
0x53: {  	_ =	shalt  }
0x54: {  	_ =	shalt  }
0x55: {  	_ =	shalt  }
0x56: {  	_ =	shalt  }
0x57: {  	_ =	shalt  }
0x58: {  	_ =	shalt  }
0x59: {  	_ =	shalt  }
0x5a: {  	_ =	shalt  }
0x5b: {  	_ =	shalt  }
0x5c: {  	_ =	shalt  }
0x5d: {  	_ =	shalt  }
0x5e: {  	_ =	shalt  }
0x5f: {  	_ =	shalt  }
0x60: {  	_ =	shalt  }
0x61: {  	_ =	shalt  }
0x62: {  	_ =	shalt  }
0x63: {  	_ =	shalt  }
0x64: {  	_ =	shalt  }
0x65: {  	_ =	shalt  }
0x66: {  	_ =	shalt  }
0x67: {  	_ =	shalt  }
0x68: {  	_ =	shalt  }
0x69: {  	_ =	shalt  }
0x6a: {  	_ =	shalt  }
0x6b: {  	_ =	shalt  }
0x6c: {  	_ =	shalt  }
0x6d: {  	_ =	shalt  }
0x6e: {  	_ =	shalt  }
0x6f: {  	_ =	shalt  }
0x70: {  	_ =	shalt  }
0x71: {  	_ =	shalt  }
0x72: {  	_ =	shalt  }
0x73: {  	_ =	shalt  }
0x74: {  	_ =	shalt  }
0x75: {  	_ =	shalt  }
0x76: {  	_ =	shalt  }
0x77: {  	_ =	shalt  }
0x78: {  	_ =	shalt  }
0x79: {  	_ =	shalt  }
0x7a: {  	_ =	shalt  }
0x7b: {  	_ =	shalt  }
0x7c: {  	_ =	shalt  }
0x7d: {  	_ =	shalt  }
0x7e: {  	_ =	shalt  }
0x7f: {  	_ =	shalt  }
0x80: {  	_ =	shalt  }
0x81: {  	_ =	shalt  }
0x82: {  	_ =	shalt  }
0x83: {  	_ =	shalt  }
0x84: {  	_ =	shalt  }
0x85: {  	_ =	shalt  }
0x86: {  	_ =	shalt  }
0x87: {  	_ =	shalt  }
.Lfunc_end0:
.L_simem_size_0:
called_computation.3_lowered:
.L_overlay_start_0:
0x88: {  	s2 =	sld [smem:$0x3FD9]  }
0x89: {  	s3 =	sld [smem:$0x3FFE];
	_ =	sdelay $0x1  }
0x8a: {  	s1 =	srdreg.scid  }
0x8b: {  	s0 =	sand.u32 $0x1, s1  }
0x8c: {  	s16 =	sshll.u32 s0, $0xA;
	s2 =	sadd.s32 s3, s2  }
0x8d: {  	s2 =	sadd.s32 s2, s16  }
0x8e: {  	[smem:$0x3FBC] =	sst s2  }
0x8f: {  	_ = 	snop  }
0x90: {  	(tm) =	ssettm $0x1  }
0x91: {  	s17 =	sld [smem:$0x3FFB];
	_ =	sdelay $0x3  }
0x92: {  	_ =	strace s17  }
0x93: {  	s2 =	sld [smem:$0x3FFC];
	_ =	sdelay $0x3  }
0x94: {  	_ =	strace s2  }
0x95: {  	s2 =	sld [smem:$0x3FFD];
	_ =	sdelay $0x3  }
0x96: {  	_ =	strace s2  }
0x97: {  	_ =	strace $0x8FFFFFFF  }
0x98: {  	s18 =	sld [smem:$0x3FDB];
	_ =	sdelay $0x1  }
0x99: {  	s19 =	simm.s32 $_scs_section_size  }
0x9a: {  	s4 =	simm.s32 $_size__tile_overlayer_lowered;
	s5 =	simm.s32 $_tile_overlayer_lowered  }
0x9b: {  	s22 =	simm.s32 $0x1BFF;
	s21 =	sshll.u32 s5, $0x1;
	s2 =	sadd.s32 s19, s18  }
0x9c: {  	s6 =	simm.s32 $0x0;
	s20 =	sshll.u32 s4, $0x1;
	s4 =	sadd.s32 s21, s2  }
0x9d: {  	[timem:s6], [sflag:s22] =	dma.local [hbm:s4], s20  }
0x9e: {  	_ =	swait.ge [sflag:s22], s20  }
0x9f: {  	s3 =	ssub.s32 $0x0, s20;
	[sflag:s22] =	ssyncset.done $0x0  }
0xa0: {  	[sflag:s22] =	ssyncadd.s32 s3;
	_ =	sdelay $0x1  }
0xa1: {  	s23 =	simm.s32 $0x1B8B  }
0xa2: {  	_ =	swait.ge [sflag:s23], $0x1  }
0xa3: {  	[sflag:s23] =	ssyncset.done $0x0  }
0xa4: {  	s25 =	simm.s32 $0x1B8E;
	s24 =	sld [smem:$0x3FFE];
	[sflag:s23] =	ssyncadd.s32 $0xFFFFFFFF  }
0xa5: {  	s26 =	simm.s32 $execute0_lowered;
	[smem:$0x3FD2] =	sst s25  }
0xa6: {  	s4 =	sshll.u32 s26, $0x1;
	_ =	strace $0x8000004F;
	[dreg:$0x1] =	wrdreg $0xFFFFFFFF  }
0xa7: {  	s28 =	simm.s32 $_size_execute0_lowered;
	s2 =	sadd.s32 s2, s4;
	[dreg:$0x0] =	wrdreg $0x0  }
0xa8: {  	s4 =	sshll.u32 s28, $0x1;
	[dreg:$0x2] =	wrdreg s2  }
0xa9: {  	[dreg:$0x3] =	wrdreg s4  }
0xaa: {  	[dreg:$0x4] =	wrdreg $0xC0  }
0xab: {  	_ =	task [dreg:s6], $0x5FFFF  }
0xac: {  	[dreg:$0x1] =	wrdreg $0xFFFFFFFF  }
0xad: {  	[dreg:$0x0] =	wrdreg $0x60  }
0xae: {  	[dreg:$0x2] =	wrdreg s24  }
0xaf: {  	[dreg:$0x3] =	wrdreg $0x0  }
0xb0: {  	[dreg:$0x4] =	wrdreg $0x9  }
0xb1: {  	_ =	task.clear_ibuf [dreg:s6], $0x5FFFF;
	_ =	strace $0x9000004F  }
0xb2: {  	s29 =	simm.s32 $0x9;
	_ =	strace $0x80000051  }
0xb3: {  	_ =	swait.ge [sflag:s29], $0x1  }
0xb4: {  	[sflag:s29] =	ssyncadd.s32 $0xFFFFFFFF  }
0xb5: {  	_ =	strace $0x90000051  }
0xb6: {  	_ =	sfence  }
0xb7: {  	s30 =	sld [smem:$0x0];
	_ =	sdelay $0x2  }
0xb8: {  	s31 =	sshll.u32 s1, $0xD;
	s1 =	sshrl.u32 s1, $0x2  }
0xb9: {  	s3 =	sand.u32 $0x4000, s31;
	s1 =	sadd.s32 s1, s30  }
0xba: {  	s0 =	sor.u32 s3, s0;
	s1 =	sshll.u32 s1, $0x11  }
0xbb: {  	s0 =	sor.u32 s1, s0  }
0xbc: {  	s0 =	sadd.s32 $0x8F2B, s0  }
0xbd: {  	[sflag:s0] =	ssyncadd.remote.s32 $0x1  }
0xbe: {  	_ =	sfence.sel $0xFFFF  }
0xbf: {  	[dreg:$0x0] =	wrdreg $0xFFFFFFFF;
	(pc) =	sbr.abs _section_cstart, $3  }
0xc0: {  	[dreg:$0x1] =	wrdreg $0xFFFFFFFF  }
0xc1: {  	_ =	task.clear_ibuf [dreg:s6], $0x2FFFF;
	_ =	strace $0x9FFFFFFF  }
0xc2: {  	(tm) =	ssettm $0x7FFFFFFF  }
0xc3: {  	_ =	shalt  }
tec
execute0_lowered:
.L_overlay_start_1:
0x0: {  	(tag) =	ssettag $0x1  }
0x1: {  	s7 =	rddreg [dreg:$0x0]  }
0x2: {  	s1 =	rddreg [dreg:$0x1]  }
0x3: {  	s2 =	srdreg.scid;
	s0 =	rddreg [dreg:$0x2]  }
0x4: {  	s3 =	simm.s32 $0x0;
	s16 =	simm.s32 $0x1B00;
	s17 =	simm.s32 $0x1  }
0x5: {  	s18 =	simm.s32 $0x80;
	s19 =	simm.s32 $0x2;
	s20 =	simm.s32 $0xA00  }
0x6: {  	s21 =	simm.s32 $0xA80;
	s23 =	simm.s32 $0x0;
	s4 =	sand.u32 $0x1, s2  }
0x7: {  	s2 =	stileid.u32;
	[smem:$0x7FF] =	sst s3;
	s10 =	sadd.s32 $0x1F600, s7  }
0x8: {  	s30 =	sadd.s32 $0x1F800, s7;
	s5 =	sshll.u32 s4, $0x4;
	s8 =	sshll.u32 s4, $0xD  }
0x9: {  	s9 =	sshll.u32 s2, $0x9;
	_ =	strace $0x80000050;
	s12 =	smul.u32 $0xE0, s4  }
0xa: {  	s28 =	ssub.s32 $0x2, s4;
	s13 =	sshll.u32 s2, $0xA;
	s14 =	smul.u32 $0xE, s2  }
0xb: {  	s5 =	sor.u32 s2, s5;
	s8 =	sor.u32 s9, s8;
	s29 =	sshrl.u32 s28, $0x1  }
0xc: {  	s4 =	sadd.s32 s13, s1;
	s22 =	sadd.s32 s9, s1;
	s6 =	smul.u32 $0xE0, s5  }
0xd: {  	s13 =	simm.s32 $0x3;
	s8 =	sshrl.u32 s8, $0x3;
	s11 =	smul.u32 $0x1C00, s5  }
0xe: {  	s15 =	ssub.s32 s28, s29;
	s12 =	sadd.s32 s14, s12;
	s14 =	simm.s32 $0x400  }
0xf: {  	s22 =	sshrl.u32 s22, $0x3;
	s8 =	sadd.s32 s8, s7;
	s31 =	sshll.u32 s12, $0x9  }
0x10: {  	s9 =	smax.u32 s15, $0x1;
	s15 =	simm.s32 $0xB00;
	s6 =	sadd.s32 s6, s7  }
0x11: {  	s7 =	sadd.s32 s11, s30;
	s8 =	sadd.s32 $0x57600, s8;
	s12 =	sadd.s32 s30, s31  }
0x12: {  	s5 =	sadd.s32 $0x1DA00, s6;
	s6 =	sadd.s32 s10, s11;
	s11 =	sadd.s32 s10, s31  }
0x13: {  	v0 =	vimm.f32 $0.0e+00;
	s10 =	sadd.s32 $0x400, s12;
	s12 =	simm.s32 $0x2B00;
	s11 =	sadd.s32 $0x400, s11  }
.LBB2_1:
0x14: {  	[tilespmem:$0x2B00] =	vst v0  }
0x15: {  	[tilespmem:$0x2B10] =	vst v0  }
0x16: {  	[tilespmem:$0x2B20] =	vst v0  }
0x17: {  	[tilespmem:$0x2B30] =	vst v0  }
0x18: {  	[tilespmem:$0x2B40] =	vst v0  }
0x19: {  	[tilespmem:$0x2B50] =	vst v0  }
0x1a: {  	[tilespmem:$0x2B60] =	vst v0  }
0x1b: {  	[tilespmem:$0x2B70] =	vst v0  }
0x1c: {  	[tilespmem:$0x2B80] =	vst v0  }
0x1d: {  	[tilespmem:$0x2B90] =	vst v0  }
0x1e: {  	[tilespmem:$0x2BA0] =	vst v0  }
0x1f: {  	[tilespmem:$0x2BB0] =	vst v0  }
0x20: {  	[tilespmem:$0x2BC0] =	vst v0  }
0x21: {  	[tilespmem:$0x2BD0] =	vst v0  }
0x22: {  	[tilespmem:$0x2BE0] =	vst v0  }
0x23: {  	[tilespmem:$0x2BF0] =	vst v0  }
0x24: {  	[tilespmem:$0x2C00] =	vst v0  }
0x25: {  	[tilespmem:$0x2C10] =	vst v0  }
0x26: {  	[tilespmem:$0x2C20] =	vst v0  }
0x27: {  	[tilespmem:$0x2C30] =	vst v0  }
0x28: {  	[tilespmem:$0x2C40] =	vst v0  }
0x29: {  	[tilespmem:$0x2C50] =	vst v0  }
0x2a: {  	[tilespmem:$0x2C60] =	vst v0  }
0x2b: {  	[tilespmem:$0x2C70] =	vst v0  }
0x2c: {  	[tilespmem:$0x2C80] =	vst v0  }
0x2d: {  	[tilespmem:$0x2C90] =	vst v0  }
0x2e: {  	[tilespmem:$0x2CA0] =	vst v0  }
0x2f: {  	[tilespmem:$0x2CB0] =	vst v0  }
0x30: {  	[tilespmem:$0x2CC0] =	vst v0  }
0x31: {  	[tilespmem:$0x2CD0] =	vst v0  }
0x32: {  	[tilespmem:$0x2CE0] =	vst v0  }
0x33: {  	[tilespmem:$0x2CF0] =	vst v0  }
0x34: {  	[tilespmem:$0x2D00] =	vst v0  }
0x35: {  	[tilespmem:$0x2D10] =	vst v0  }
0x36: {  	[tilespmem:$0x2D20] =	vst v0  }
0x37: {  	[tilespmem:$0x2D30] =	vst v0  }
0x38: {  	[tilespmem:$0x2D40] =	vst v0  }
0x39: {  	[tilespmem:$0x2D50] =	vst v0  }
0x3a: {  	[tilespmem:$0x2D60] =	vst v0  }
0x3b: {  	[tilespmem:$0x2D70] =	vst v0  }
0x3c: {  	[tilespmem:$0x2D80] =	vst v0  }
0x3d: {  	[tilespmem:$0x2D90] =	vst v0  }
0x3e: {  	[tilespmem:$0x2DA0] =	vst v0  }
0x3f: {  	[tilespmem:$0x2DB0] =	vst v0  }
0x40: {  	[tilespmem:$0x2DC0] =	vst v0  }
0x41: {  	[tilespmem:$0x2DD0] =	vst v0  }
0x42: {  	[tilespmem:$0x2DE0] =	vst v0  }
0x43: {  	[tilespmem:$0x2DF0] =	vst v0  }
0x44: {  	[tilespmem:$0x2E00] =	vst v0  }
0x45: {  	[tilespmem:$0x2E10] =	vst v0  }
0x46: {  	[tilespmem:$0x2E20] =	vst v0  }
0x47: {  	[tilespmem:$0x2E30] =	vst v0  }
0x48: {  	[tilespmem:$0x2E40] =	vst v0  }
0x49: {  	[tilespmem:$0x2E50] =	vst v0  }
0x4a: {  	[tilespmem:$0x2E60] =	vst v0  }
0x4b: {  	[tilespmem:$0x2E70] =	vst v0  }
0x4c: {  	[tilespmem:$0x2E80] =	vst v0  }
0x4d: {  	[tilespmem:$0x2E90] =	vst v0  }
0x4e: {  	[tilespmem:$0x2EA0] =	vst v0  }
0x4f: {  	[tilespmem:$0x2EB0] =	vst v0  }
0x50: {  	[tilespmem:$0x2EC0] =	vst v0  }
0x51: {  	[tilespmem:$0x2ED0] =	vst v0  }
0x52: {  	[tilespmem:$0x2EE0] =	vst v0  }
0x53: {  	[tilespmem:$0x2EF0] =	vst v0  }
0x54: {  	[spmem:s4] =	stream.linear.scatter [tilespmem:s12], [sflag:$0x3], $0x400, $0x38;
	[tilespmem:$0x2F00] =	vst v63  }
0x55: {  	_ =	swait.ge [sflag:s13], $0x400  }
0x56: {  	[sflag:s13] =	ssyncset.done $0x0  }
0x57: {  	[sflag:s13] =	ssyncadd.s32 $0xFFFFFC00  }
0x58: {  	[tilespmem:s14], [sflag:$0x3] =	stream.linear.gather [hbm4b:s5+s3], $0x700, $0x38;
	[tilespmem:$0x2F00] =	vst v63  }
0x59: {  	_ =	swait.ge [sflag:s13], $0x700  }
0x5a: {  	[sflag:s13] =	ssyncset.done $0x0  }
0x5b: {  	[sflag:s13] =	ssyncadd.s32 $0xFFFFF900  }
0x5c: {  	[bflag:$0x0] =	sbarrier.arrive $0xFFFF  }
0x5d: {  	[tilespmem:s15], [sflag:$0x1] =	stream.linear.gather [hbm4b:s6+s3], $0x1000, $0x38;
	[tilespmem:$0x2F00] =	vst v63  }
0x5e: {  	_ = 	snop  }
0x5f: {  	[tilespmem:s16], [sflag:$0x2] =	stream.linear.gather [hbm4b:s7+s3], $0x1000, $0x38;
	[tilespmem:$0x2F00] =	vst v63  }
0x60: {  	_ =	swait.ge [sflag:s17], $0x1000  }
0x61: {  	[sflag:s17] =	ssyncset.done $0x0  }
0x62: {  	s24 =	simm.s32 $0x400;
	[sflag:s17] =	ssyncadd.s32 $0xFFFFF000  }
0x63: {  	[spmem:s1] =	stream.indirect.scatter.add.f32 [tilespmem:s15], [sflag:$0x3], $0x20, s24, s18, $0xb8;
	[tilespmem:$0x2F00] =	vst v63  }
0x64: {  	_ =	swait.ge [sflag:s13], $0x1000  }
0x65: {  	[sflag:s13] =	ssyncset.done $0x0  }
0x66: {  	s30 =	sadd.s32 $0x0, s11;
	[sflag:s13] =	ssyncadd.s32 $0xFFFFF000  }
0x67: {  	[tilespmem:s15], [sflag:$0x1] =	stream.linear.gather [hbm4b:s30+s3], $0x1000, $0x38;
	[tilespmem:$0x2F00] =	vst v63  }
0x68: {  	_ =	swait.ge [sflag:s19], $0x1000  }
0x69: {  	[sflag:s19] =	ssyncset.done $0x0  }
0x6a: {  	s31 =	simm.s32 $0x480;
	[sflag:s19] =	ssyncadd.s32 $0xFFFFF000  }
0x6b: {  	[spmem:s1] =	stream.indirect.scatter.add.f32 [tilespmem:s16], [sflag:$0x3], $0x20, s31, s18, $0xb8;
	[tilespmem:$0x2F00] =	vst v63  }
0x6c: {  	_ =	swait.ge [sflag:s13], $0x1000  }
0x6d: {  	[sflag:s13] =	ssyncset.done $0x0  }
0x6e: {  	s25 =	sadd.s32 $0x0, s10;
	s24 =	simm.s32 $0x400;
	[sflag:s13] =	ssyncadd.s32 $0xFFFFF000  }
.LBB2_2:
0x6f: {  	[tilespmem:s16], [sflag:$0x2] =	stream.linear.gather [hbm4b:s25+s3], $0x1000, $0x38;
	[tilespmem:$0x2F00] =	vst v63  }
0x70: {  	s25 =	smov.u32 s24  }
0x71: {  	p0 =	sne.s32 s24, $0x1400;
	s24 =	sadd.s32 $0x400, s24;
	_ =	swait.ge [sflag:s17], $0x1000  }
0x72: {  	s26 =	sshra.s32 s25, $0x2;
	[sflag:s17] =	ssyncset.done $0x0  }
0x73: {  	s28 =	sadd.s32 $0x400, s26;
	[sflag:s17] =	ssyncadd.s32 $0xFFFFF000  }
0x74: {  	[spmem:s1] =	stream.indirect.scatter.add.f32 [tilespmem:s15], [sflag:$0x3], $0x20, s28, s18, $0xb8;
	[tilespmem:$0x2F00] =	vst v63  }
0x75: {  	_ =	swait.ge [sflag:s13], $0x1000  }
0x76: {  	[sflag:s13] =	ssyncset.done $0x0  }
0x77: {  	s28 =	sadd.s32 s25, s11;
	[sflag:s13] =	ssyncadd.s32 $0xFFFFF000  }
0x78: {  	[tilespmem:s15], [sflag:$0x1] =	stream.linear.gather [hbm4b:s28+s3], $0x1000, $0x38;
	[tilespmem:$0x2F00] =	vst v63  }
0x79: {  	_ =	swait.ge [sflag:s19], $0x1000  }
0x7a: {  	[sflag:s19] =	ssyncset.done $0x0  }
.Ltmp0:
0x7b: {  	s26 =	sadd.s32 $0x480, s26;
	[sflag:s19] =	ssyncadd.s32 $0xFFFFF000;
	(pc) =	sbr.rel @p0 .LBB2_2-.Ltmp0, $4  }
0x7c: {  	[spmem:s1] =	stream.indirect.scatter.add.f32 [tilespmem:s16], [sflag:$0x3], $0x20, s26, s18, $0xb8;
	[tilespmem:$0x2F00] =	vst v63  }
0x7d: {  	_ =	swait.ge [sflag:s13], $0x1000  }
0x7e: {  	[sflag:s13] =	ssyncset.done $0x0  }
0x7f: {  	s25 =	sadd.s32 s25, s10;
	[sflag:s13] =	ssyncadd.s32 $0xFFFFF000  }
0x80: {  	[tilespmem:s16], [sflag:$0x2] =	stream.linear.gather [hbm4b:s25+s3], $0x1000, $0x38;
	[tilespmem:$0x2F00] =	vst v63  }
0x81: {  	_ =	swait.ge [sflag:s17], $0x1000  }
0x82: {  	[sflag:s17] =	ssyncset.done $0x0  }
0x83: {  	[sflag:s17] =	ssyncadd.s32 $0xFFFFF000  }
0x84: {  	[spmem:s1] =	stream.indirect.scatter.add.f32 [tilespmem:s15], [sflag:$0x3], $0x20, s20, s18, $0xb8;
	[tilespmem:$0x2F00] =	vst v63  }
0x85: {  	_ =	swait.ge [sflag:s13], $0x1000  }
0x86: {  	[sflag:s13] =	ssyncset.done $0x0  }
0x87: {  	[sflag:s13] =	ssyncadd.s32 $0xFFFFF000  }
0x88: {  	_ =	swait.ge [sflag:s19], $0x1000  }
0x89: {  	[sflag:s19] =	ssyncset.done $0x0  }
0x8a: {  	[sflag:s19] =	ssyncadd.s32 $0xFFFFF000  }
0x8b: {  	[spmem:s1] =	stream.indirect.scatter.add.f32 [tilespmem:s16], [sflag:$0x3], $0x20, s21, s18, $0xb8;
	[tilespmem:$0x2F00] =	vst v63  }
0x8c: {  	_ =	swait.ge [sflag:s13], $0x1000  }
0x8d: {  	s23 =	sadd.s32 $0x1, s23;
	[sflag:s13] =	ssyncset.done $0x0  }
0x8e: {  	s24 =	sshll.u32 s2, $0x6;
	p0 =	sne.s32 s23, s9;
	[sflag:s13] =	ssyncadd.s32 $0xFFFFF000  }
.Ltmp1:
0x8f: {  	s24 =	sor.u32 $0x1C03, s24;
	[bflag:$0x0] =	sbarrier.arrive $0xFFFF;
	(pc) =	sbr.rel @p0 .LBB2_1-.Ltmp1, $4  }
0x90: {  	[hbm:s8], [sflag:s24] =	dma.local [spmem:s22], $0x40  }
0x91: {  	_ =	swait.ge [sflag:s13], $0x40  }
0x92: {  	[sflag:s13] =	ssyncset.done $0x0  }
0x93: {  	[sflag:s13] =	ssyncadd.s32 $0xFFFFFFC0  }
0x94: {  	_ =	sfence.sel $0x180000  }
0x95: {  	[bflag:$0x0] =	sbarrier.arrive $0xFFFF  }
0x96: {  	p0 =	sne.s32 s2, $0x0;
	_ =	strace $0x90000050  }
0x97: {  	s0 =	sadd.s32 @!p0 $0x100000, s0;
	[bflag:$0x2] =	sbarrier.arrive $0xFFFF  }
0x98: {  	[sflag:s0] =	ssyncadd.tile.s32 @!p0 $0x1;
	_ =	shalt  }
.Lfunc_end2:
_tile_overlayer_lowered:
.L_overlay_start_2:
0x99: {  	(tag) =	ssettag $0x2  }
0x9a: {  	s0 =	rddreg [dreg:$0x0];
	s2 =	stileid.u32  }
0x9b: {  	s1 =	rddreg [dreg:$0x1];
	p0 =	sne.s32 s2, $0x0  }
0x9c: {  	s3 =	rddreg [dreg:$0x2];
	[bflag:$0x3] =	sbarrier.arrive $0xFFFF;
	s2 =	simm.s32 @!p0 $0x1C03  }
0x9d: {  	[timem:s3], [sflag:s2] =	dma.local @!p0 [hbm:s0], s1  }
0x9e: {  	s0 =	simm.s32 @!p0 $0x3  }
0x9f: {  	_ =	swait.ge @!p0 [sflag:s0], s1  }
0xa0: {  	s1 =	ssub.s32 @!p0 $0x0, s1;
	[sflag:s0] =	ssyncset.done @!p0 $0x0  }
0xa1: {  	[sflag:s0] =	ssyncadd.s32 @!p0 s1  }
0xa2: {  	[bflag:$0x3] =	sbarrier.arrive $0xFFFF  }
0xa3: {  	_ =	shalt  }

</sc_bundles>
